<compile_context>
chip_gen: v7x
topology: tpu7x:2x2x1
jax: 0.10.2.dev20260603
libtpu: 0.0.44.dev20260713+nightly
codegen_flags: <defaults>
</compile_context>

<pallas_src>
import functools
import jax
import jax.numpy as jnp
from jax import lax
from jax.experimental import pallas as pl
from jax.experimental.pallas import tpu as pltpu
from jax.experimental.pallas import tpu_sc as plsc

_B = 4
_S = 4096
_D = 1024
_NW = 32
_SPW = _S // _NW
_R = 16
_NJ = _SPW // _R
_NG = _NJ * _B


def _sc_body(x_hbm, pos_hbm, out_hbm,
             xb0, xb1, xb2, ob0, ob1, pb0, pb1,
             sin0, sin1, sin2, sout0, sout1, sp0, sp1):
    xbufs = (xb0, xb1, xb2)
    obufs = (ob0, ob1)
    pbufs = (pb0, pb1)
    sins = (sin0, sin1, sin2)
    souts = (sout0, sout1)
    sps = (sp0, sp1)

    wid = lax.axis_index("s") * 2 + lax.axis_index("c")
    base_seq = wid * _SPW

    def rows(g):
        j, b = divmod(g, _B)
        return b, base_seq + j * _R

    in_d = [None] * _NG
    out_d = [None] * _NG
    p_d = [None] * _NJ

    def start_in(g):
        b, r = rows(g)
        in_d[g] = pltpu.async_copy(
            x_hbm.at[b, pl.ds(r, _R), :], xbufs[g % 3], sins[g % 3])

    def start_pos(j):
        p_d[j] = pltpu.async_copy(
            pos_hbm.at[pl.ds(base_seq + j * _R, _R), :],
            pbufs[j % 2], sps[j % 2])

    start_pos(0)
    start_in(0)
    start_in(1)

    for g in range(_NG):
        j, b = divmod(g, _B)
        in_d[g].wait()
        if b == 0:
            p_d[j].wait()
            if j + 1 < _NJ:
                start_pos(j + 1)
        if g + 2 < _NG:
            start_in(g + 2)
        if g - 2 >= 0:
            out_d[g - 2].wait()

        xb = xbufs[g % 3]
        ob = obufs[g % 2]
        pb = pbufs[j % 2]

        def row_body(row, _):
            @plsc.parallel_loop(0, _D, step=16, unroll=4)
            def _add(i):
                sl = pl.ds(i, 16)
                ob[row, sl] = xb[row, sl] + pb[row, sl]
            return 0

        lax.fori_loop(0, _R, row_body, 0)

        b2, r2 = rows(g)
        out_d[g] = pltpu.async_copy(
            ob, out_hbm.at[b2, pl.ds(r2, _R), :], souts[g % 2])

    out_d[_NG - 2].wait()
    out_d[_NG - 1].wait()


def kernel(x, pos_table):
    batch, seq_len, d_model = x.shape

    mesh = plsc.VectorSubcoreMesh(core_axis_name="c", subcore_axis_name="s")
    k = functools.partial(
        pl.kernel,
        mesh=mesh,
        out_type=jax.ShapeDtypeStruct((batch, seq_len, d_model), x.dtype),
        scratch_types=[
            pltpu.VMEM((_R, _D), jnp.float32),
            pltpu.VMEM((_R, _D), jnp.float32),
            pltpu.VMEM((_R, _D), jnp.float32),
            pltpu.VMEM((_R, _D), jnp.float32),
            pltpu.VMEM((_R, _D), jnp.float32),
            pltpu.VMEM((_R, _D), jnp.float32),
            pltpu.VMEM((_R, _D), jnp.float32),
            pltpu.SemaphoreType.DMA,
            pltpu.SemaphoreType.DMA,
            pltpu.SemaphoreType.DMA,
            pltpu.SemaphoreType.DMA,
            pltpu.SemaphoreType.DMA,
            pltpu.SemaphoreType.DMA,
            pltpu.SemaphoreType.DMA,
        ],
    )(_sc_body)
    return k(x, pos_table)

# --- scband reference (transcript-rebuilt; emitter-appended) ---
"""Pipeline reference for scband-positional-embedding-53197464928436 (READ-ONLY COPY).

The authoritative reference and input builder live on the scoring server;
editing this copy changes nothing except your own understanding.
"""

import jax, jax.numpy as jnp
import numpy as np

MAX_LEN = 8192
D_MODEL = 1024
BATCH = 4
SEQ_LEN = 4096

def setup_inputs(seed: int = 0) -> dict:
    key = jax.random.key(seed)
    k1, k2 = jax.random.split(key)
    x = jax.random.normal(k1, (BATCH, SEQ_LEN, D_MODEL), dtype=jnp.float32)
    pos_table = jax.random.normal(k2, (MAX_LEN, D_MODEL), dtype=jnp.float32) * 0.02
    return {"x": x, "pos_table": pos_table}

def reference(x, pos_table):
    batch_size, seq_len, _ = x.shape
    positions = jnp.arange(seq_len)  # [S]
    positions = jnp.broadcast_to(positions[None, :], (batch_size, seq_len))  # [B, S]
    pos_emb = jnp.take(pos_table, positions, axis=0)  # [B, S, D]
    # dropout p=0.0 / eval mode -> identity
    return x + pos_emb

if __name__ == "__main__":
    import jax
    _d = setup_inputs()
    print(jax.jit(kernel)(*tuple(_d.values())))

</pallas_src>

<mosaic_0001>
#map = affine_map<(d0, d1) -> (0, 0, 0)>
#map1 = affine_map<(d0, d1) -> (0, 0)>
module attributes {stable_mosaic.version = 14 : i64} {
  func.func @_sc_body(%arg0: i32, %arg1: i32, %arg2: memref<4x4096x1024xf32, #tpu.memory_space<hbm>>, %arg3: memref<8192x1024xf32, #tpu.memory_space<hbm>>, %arg4: memref<4x4096x1024xf32, #tpu.memory_space<hbm>>, %arg5: memref<16x1024xf32, #tpu.memory_space<vmem>>, %arg6: memref<16x1024xf32, #tpu.memory_space<vmem>>, %arg7: memref<16x1024xf32, #tpu.memory_space<vmem>>, %arg8: memref<16x1024xf32, #tpu.memory_space<vmem>>, %arg9: memref<16x1024xf32, #tpu.memory_space<vmem>>, %arg10: memref<16x1024xf32, #tpu.memory_space<vmem>>, %arg11: memref<16x1024xf32, #tpu.memory_space<vmem>>, %arg12: memref<!tpu.dma_semaphore, #tpu.memory_space<semaphore_mem>>, %arg13: memref<!tpu.dma_semaphore, #tpu.memory_space<semaphore_mem>>, %arg14: memref<!tpu.dma_semaphore, #tpu.memory_space<semaphore_mem>>, %arg15: memref<!tpu.dma_semaphore, #tpu.memory_space<semaphore_mem>>, %arg16: memref<!tpu.dma_semaphore, #tpu.memory_space<semaphore_mem>>, %arg17: memref<!tpu.dma_semaphore, #tpu.memory_space<semaphore_mem>>, %arg18: memref<!tpu.dma_semaphore, #tpu.memory_space<semaphore_mem>>) attributes {dimension_semantics = [#tpu.dimension_semantics<core_parallel>, #tpu.dimension_semantics<subcore_parallel>], iteration_bounds = array<i64: 2, 16>, scalar_prefetch = 0 : i64, scratch_operands = 14 : i64, tpu.core_type = #tpu.core_type<sc_vector_subcore>, window_params = [{transform_indices = #map}, {transform_indices = #map1}, {transform_indices = #map}]} {
    %mul3A = arith.constant 2 : i32
    %mul3A_0 = arith.muli %arg1, %mul3A : i32
    %add3A = arith.addi %mul3A_0, %arg0 : i32
    %mul3A_1 = arith.constant 128 : i32
    %mul3A_2 = arith.muli %add3A, %mul3A_1 : i32
    %add3A_3 = arith.constant 0 : i32
    %add3A_4 = arith.addi %mul3A_2, %add3A_3 : i32
    %dma_start3A = arith.constant 0 : i32
    %dma_start3A_5 = tpu.memref_slice %arg3[%add3A_4, %dma_start3A] : memref<8192x1024xf32, #tpu.memory_space<hbm>> -> memref<16x1024xf32, #tpu.memory_space<hbm>>
    %dma_start3A_6 = arith.constant 0 : i32
    %dma_start3A_7 = tpu.memref_slice %arg3[%add3A_4, %dma_start3A_6] : memref<8192x1024xf32, #tpu.memory_space<hbm>> -> memref<16x1024xf32, #tpu.memory_space<hbm>>
    tpu.enqueue_dma source(%dma_start3A_7 : memref<16x1024xf32, #tpu.memory_space<hbm>>) target(%arg10 : memref<16x1024xf32, #tpu.memory_space<vmem>>) target_semaphore(%arg17 : memref<!tpu.dma_semaphore, #tpu.memory_space<semaphore_mem>>)
    %add3A_8 = arith.constant 0 : i32
    %add3A_9 = arith.addi %mul3A_2, %add3A_8 : i32
    %dma_start3A_10 = arith.constant 0 : i32
    %dma_start3A_11 = arith.constant 0 : i32
    %dma_start3A_12 = tpu.memref_slice %arg2[%dma_start3A_10, %add3A_9, %dma_start3A_11] : memref<4x4096x1024xf32, #tpu.memory_space<hbm>> -> memref<1x16x1024xf32, #tpu.memory_space<hbm>>
    %dma_start3A_13 = tpu.memref_squeeze %dma_start3A_12 : memref<1x16x1024xf32, #tpu.memory_space<hbm>> -> memref<16x1024xf32, #tpu.memory_space<hbm>>
    %dma_start3A_14 = arith.constant 0 : i32
    %dma_start3A_15 = tpu.memref_slice %arg2[%dma_start3A_10, %add3A_9, %dma_start3A_14] : memref<4x4096x1024xf32, #tpu.memory_space<hbm>> -> memref<1x16x1024xf32, #tpu.memory_space<hbm>>
    %dma_start3A_16 = tpu.memref_squeeze %dma_start3A_15 : memref<1x16x1024xf32, #tpu.memory_space<hbm>> -> memref<16x1024xf32, #tpu.memory_space<hbm>>
    tpu.enqueue_dma source(%dma_start3A_16 : memref<16x1024xf32, #tpu.memory_space<hbm>>) target(%arg5 : memref<16x1024xf32, #tpu.memory_space<vmem>>) target_semaphore(%arg12 : memref<!tpu.dma_semaphore, #tpu.memory_space<semaphore_mem>>)
    %add3A_17 = arith.constant 0 : i32
    %add3A_18 = arith.addi %mul3A_2, %add3A_17 : i32
    %dma_start3A_19 = arith.constant 1 : i32
    %dma_start3A_20 = arith.constant 0 : i32
    %dma_start3A_21 = tpu.memref_slice %arg2[%dma_start3A_19, %add3A_18, %dma_start3A_20] : memref<4x4096x1024xf32, #tpu.memory_space<hbm>> -> memref<1x16x1024xf32, #tpu.memory_space<hbm>>
    %dma_start3A_22 = tpu.memref_squeeze %dma_start3A_21 : memref<1x16x1024xf32, #tpu.memory_space<hbm>> -> memref<16x1024xf32, #tpu.memory_space<hbm>>
    %dma_start3A_23 = arith.constant 0 : i32
    %dma_start3A_24 = tpu.memref_slice %arg2[%dma_start3A_19, %add3A_18, %dma_start3A_23] : memref<4x4096x1024xf32, #tpu.memory_space<hbm>> -> memref<1x16x1024xf32, #tpu.memory_space<hbm>>
    %dma_start3A_25 = tpu.memref_squeeze %dma_start3A_24 : memref<1x16x1024xf32, #tpu.memory_space<hbm>> -> memref<16x1024xf32, #tpu.memory_space<hbm>>
    tpu.enqueue_dma source(%dma_start3A_25 : memref<16x1024xf32, #tpu.memory_space<hbm>>) target(%arg6 : memref<16x1024xf32, #tpu.memory_space<vmem>>) target_semaphore(%arg13 : memref<!tpu.dma_semaphore, #tpu.memory_space<semaphore_mem>>)
    %dma_wait3A = arith.constant 0 : i32
    %dma_wait3A_26 = arith.constant 0 : i32
    %dma_wait3A_27 = tpu.memref_slice %arg2[%dma_wait3A, %add3A_9, %dma_wait3A_26] : memref<4x4096x1024xf32, #tpu.memory_space<hbm>> -> memref<1x16x1024xf32, #tpu.memory_space<hbm>>
    %dma_wait3A_28 = tpu.memref_squeeze %dma_wait3A_27 : memref<1x16x1024xf32, #tpu.memory_space<hbm>> -> memref<16x1024xf32, #tpu.memory_space<hbm>>
    %dma_wait3A_29 = arith.constant 0 : i32
    %dma_wait3A_30 = tpu.memref_slice %arg2[%dma_wait3A, %add3A_9, %dma_wait3A_29] : memref<4x4096x1024xf32, #tpu.memory_space<hbm>> -> memref<1x16x1024xf32, #tpu.memory_space<hbm>>
    %dma_wait3A_31 = tpu.memref_squeeze %dma_wait3A_30 : memref<1x16x1024xf32, #tpu.memory_space<hbm>> -> memref<16x1024xf32, #tpu.memory_space<hbm>>
    tpu.wait_dma2 semaphore(%arg12 : memref<!tpu.dma_semaphore, #tpu.memory_space<semaphore_mem>>) src(%dma_wait3A_31 : memref<16x1024xf32, #tpu.memory_space<hbm>>) dst(%arg5 : memref<16x1024xf32, #tpu.memory_space<vmem>>)
    %dma_wait3A_32 = arith.constant 0 : i32
    %dma_wait3A_33 = tpu.memref_slice %arg3[%add3A_4, %dma_wait3A_32] : memref<8192x1024xf32, #tpu.memory_space<hbm>> -> memref<16x1024xf32, #tpu.memory_space<hbm>>
    %dma_wait3A_34 = arith.constant 0 : i32
    %dma_wait3A_35 = tpu.memref_slice %arg3[%add3A_4, %dma_wait3A_34] : memref<8192x1024xf32, #tpu.memory_space<hbm>> -> memref<16x1024xf32, #tpu.memory_space<hbm>>
    tpu.wait_dma2 semaphore(%arg17 : memref<!tpu.dma_semaphore, #tpu.memory_space<semaphore_mem>>) src(%dma_wait3A_35 : memref<16x1024xf32, #tpu.memory_space<hbm>>) dst(%arg10 : memref<16x1024xf32, #tpu.memory_space<vmem>>)
    %add3A_36 = arith.constant 16 : i32
    %add3A_37 = arith.addi %mul3A_2, %add3A_36 : i32
    %dma_start3A_38 = arith.constant 0 : i32
    %dma_start3A_39 = tpu.memref_slice %arg3[%add3A_37, %dma_start3A_38] : memref<8192x1024xf32, #tpu.memory_space<hbm>> -> memref<16x1024xf32, #tpu.memory_space<hbm>>
    %dma_start3A_40 = arith.constant 0 : i32
    %dma_start3A_41 = tpu.memref_slice %arg3[%add3A_37, %dma_start3A_40] : memref<8192x1024xf32, #tpu.memory_space<hbm>> -> memref<16x1024xf32, #tpu.memory_space<hbm>>
    tpu.enqueue_dma source(%dma_start3A_41 : memref<16x1024xf32, #tpu.memory_space<hbm>>) target(%arg11 : memref<16x1024xf32, #tpu.memory_space<vmem>>) target_semaphore(%arg18 : memref<!tpu.dma_semaphore, #tpu.memory_space<semaphore_mem>>)
    %add3A_42 = arith.constant 0 : i32
    %add3A_43 = arith.addi %mul3A_2, %add3A_42 : i32
    %dma_start3A_44 = arith.constant 2 : i32
    %dma_start3A_45 = arith.constant 0 : i32
    %dma_start3A_46 = tpu.memref_slice %arg2[%dma_start3A_44, %add3A_43, %dma_start3A_45] : memref<4x4096x1024xf32, #tpu.memory_space<hbm>> -> memref<1x16x1024xf32, #tpu.memory_space<hbm>>
    %dma_start3A_47 = tpu.memref_squeeze %dma_start3A_46 : memref<1x16x1024xf32, #tpu.memory_space<hbm>> -> memref<16x1024xf32, #tpu.memory_space<hbm>>
    %dma_start3A_48 = arith.constant 0 : i32
    %dma_start3A_49 = tpu.memref_slice %arg2[%dma_start3A_44, %add3A_43, %dma_start3A_48] : memref<4x4096x1024xf32, #tpu.memory_space<hbm>> -> memref<1x16x1024xf32, #tpu.memory_space<hbm>>
    %dma_start3A_50 = tpu.memref_squeeze %dma_start3A_49 : memref<1x16x1024xf32, #tpu.memory_space<hbm>> -> memref<16x1024xf32, #tpu.memory_space<hbm>>
    tpu.enqueue_dma source(%dma_start3A_50 : memref<16x1024xf32, #tpu.memory_space<hbm>>) target(%arg7 : memref<16x1024xf32, #tpu.memory_space<vmem>>) target_semaphore(%arg14 : memref<!tpu.dma_semaphore, #tpu.memory_space<semaphore_mem>>)
    %scan3A = arith.constant 0 : i32
    %scan3A_51 = arith.constant 0 : i32
    %scan3A_52 = arith.constant 16 : i32
    %scan3A_53 = arith.addi %scan3A_51, %scan3A_52 : i32
    %scan3A_54 = arith.constant 1 : i32
    %scan3A_55 = scf.for %scan3A_1328 = %scan3A_51 to %scan3A_53 step %scan3A_54 iter_args(%scan3A_1329 = %scan3A) -> (i32)  : i32 {
      %parallel_loop3A = arith.constant 0 : i32
      %parallel_loop3A_1330 = arith.constant 1024 : i32
      %parallel_loop3A_1331 = arith.constant 16 : i32
      scf.for %parallel_loop3A_1333 = %parallel_loop3A to %parallel_loop3A_1330 step %parallel_loop3A_1331  : i32 {
        %parallel_loop3A_1334 = arith.index_cast %scan3A_1328 : i32 to index
        %parallel_loop3A_1335 = arith.index_cast %parallel_loop3A_1333 : i32 to index
        %parallel_loop3A_1336 = tpu.vector_load %arg5[%parallel_loop3A_1334, %parallel_loop3A_1335] {strides = array<i32>} : memref<16x1024xf32, #tpu.memory_space<vmem>>, vector<1x16xf32>,
        %parallel_loop3A_1337 = vector.shape_cast %parallel_loop3A_1336 : vector<1x16xf32> to vector<16xf32>
        %parallel_loop3A_1338 = arith.index_cast %scan3A_1328 : i32 to index
        %parallel_loop3A_1339 = arith.index_cast %parallel_loop3A_1333 : i32 to index
        %parallel_loop3A_1340 = tpu.vector_load %arg10[%parallel_loop3A_1338, %parallel_loop3A_1339] {strides = array<i32>} : memref<16x1024xf32, #tpu.memory_space<vmem>>, vector<1x16xf32>,
        %parallel_loop3A_1341 = vector.shape_cast %parallel_loop3A_1340 : vector<1x16xf32> to vector<16xf32>
        %parallel_loop3A_1342 = arith.addf %parallel_loop3A_1337, %parallel_loop3A_1341 : vector<16xf32>
        %parallel_loop3A_1343 = arith.index_cast %scan3A_1328 : i32 to index
        %parallel_loop3A_1344 = arith.index_cast %parallel_loop3A_1333 : i32 to index
        %parallel_loop3A_1345 = tpu.vector_load %arg8[%parallel_loop3A_1343, %parallel_loop3A_1344] {strides = array<i32>} : memref<16x1024xf32, #tpu.memory_space<vmem>>, vector<1x16xf32>,
        %parallel_loop3A_1346 = vector.shape_cast %parallel_loop3A_1345 : vector<1x16xf32> to vector<16xf32>
        %parallel_loop3A_1347 = vector.shape_cast %parallel_loop3A_1342 : vector<16xf32> to vector<1x16xf32>
        tpu.vector_store %arg8[%parallel_loop3A_1343, %parallel_loop3A_1344], %parallel_loop3A_1347 {strides = array<i32>} : memref<16x1024xf32, #tpu.memory_space<vmem>>, vector<1x16xf32>,
      } {sc.loop_unroll_factor = 4 : i64, sc.parallel_access}
      %scan3A_1332 = arith.constant 0 : i32
      scf.yield %scan3A_1332 : i32
    }
    %scan3A_56 = arith.constant 16 : i32
    %add3A_57 = arith.constant 0 : i32
    %add3A_58 = arith.addi %mul3A_2, %add3A_57 : i32
    %dma_start3A_59 = arith.constant 0 : i32
    %dma_start3A_60 = arith.constant 0 : i32
    %dma_start3A_61 = tpu.memref_slice %arg4[%dma_start3A_59, %add3A_58, %dma_start3A_60] : memref<4x4096x1024xf32, #tpu.memory_space<hbm>> -> memref<1x16x1024xf32, #tpu.memory_space<hbm>>
    %dma_start3A_62 = tpu.memref_squeeze %dma_start3A_61 : memref<1x16x1024xf32, #tpu.memory_space<hbm>> -> memref<16x1024xf32, #tpu.memory_space<hbm>>
    %dma_start3A_63 = arith.constant 0 : i32
    %dma_start3A_64 = tpu.memref_slice %arg4[%dma_start3A_59, %add3A_58, %dma_start3A_63] : memref<4x4096x1024xf32, #tpu.memory_space<hbm>> -> memref<1x16x1024xf32, #tpu.memory_space<hbm>>
    %dma_start3A_65 = tpu.memref_squeeze %dma_start3A_64 : memref<1x16x1024xf32, #tpu.memory_space<hbm>> -> memref<16x1024xf32, #tpu.memory_space<hbm>>
    tpu.enqueue_dma source(%arg8 : memref<16x1024xf32, #tpu.memory_space<vmem>>) target(%dma_start3A_65 : memref<16x1024xf32, #tpu.memory_space<hbm>>) target_semaphore(%arg15 : memref<!tpu.dma_semaphore, #tpu.memory_space<semaphore_mem>>)
    %dma_wait3A_66 = arith.constant 1 : i32
    %dma_wait3A_67 = arith.constant 0 : i32
    %dma_wait3A_68 = tpu.memref_slice %arg2[%dma_wait3A_66, %add3A_18, %dma_wait3A_67] : memref<4x4096x1024xf32, #tpu.memory_space<hbm>> -> memref<1x16x1024xf32, #tpu.memory_space<hbm>>
    %dma_wait3A_69 = tpu.memref_squeeze %dma_wait3A_68 : memref<1x16x1024xf32, #tpu.memory_space<hbm>> -> memref<16x1024xf32, #tpu.memory_space<hbm>>
    %dma_wait3A_70 = arith.constant 0 : i32
    %dma_wait3A_71 = tpu.memref_slice %arg2[%dma_wait3A_66, %add3A_18, %dma_wait3A_70] : memref<4x4096x1024xf32, #tpu.memory_space<hbm>> -> memref<1x16x1024xf32, #tpu.memory_space<hbm>>
    %dma_wait3A_72 = tpu.memref_squeeze %dma_wait3A_71 : memref<1x16x1024xf32, #tpu.memory_space<hbm>> -> memref<16x1024xf32, #tpu.memory_space<hbm>>
    tpu.wait_dma2 semaphore(%arg13 : memref<!tpu.dma_semaphore, #tpu.memory_space<semaphore_mem>>) src(%dma_wait3A_72 : memref<16x1024xf32, #tpu.memory_space<hbm>>) dst(%arg6 : memref<16x1024xf32, #tpu.memory_space<vmem>>)
    %add3A_73 = arith.constant 0 : i32
    %add3A_74 = arith.addi %mul3A_2, %add3A_73 : i32
    %dma_start3A_75 = arith.constant 3 : i32
    %dma_start3A_76 = arith.constant 0 : i32
    %dma_start3A_77 = tpu.memref_slice %arg2[%dma_start3A_75, %add3A_74, %dma_start3A_76] : memref<4x4096x1024xf32, #tpu.memory_space<hbm>> -> memref<1x16x1024xf32, #tpu.memory_space<hbm>>
    %dma_start3A_78 = tpu.memref_squeeze %dma_start3A_77 : memref<1x16x1024xf32, #tpu.memory_space<hbm>> -> memref<16x1024xf32, #tpu.memory_space<hbm>>
    %dma_start3A_79 = arith.constant 0 : i32
    %dma_start3A_80 = tpu.memref_slice %arg2[%dma_start3A_75, %add3A_74, %dma_start3A_79] : memref<4x4096x1024xf32, #tpu.memory_space<hbm>> -> memref<1x16x1024xf32, #tpu.memory_space<hbm>>
    %dma_start3A_81 = tpu.memref_squeeze %dma_start3A_80 : memref<1x16x1024xf32, #tpu.memory_space<hbm>> -> memref<16x1024xf32, #tpu.memory_space<hbm>>
    tpu.enqueue_dma source(%dma_start3A_81 : memref<16x1024xf32, #tpu.memory_space<hbm>>) target(%arg5 : memref<16x1024xf32, #tpu.memory_space<vmem>>) target_semaphore(%arg12 : memref<!tpu.dma_semaphore, #tpu.memory_space<semaphore_mem>>)
    %scan3A_82 = arith.constant 0 : i32
    %scan3A_83 = arith.constant 0 : i32
    %scan3A_84 = arith.constant 16 : i32
    %scan3A_85 = arith.addi %scan3A_83, %scan3A_84 : i32
    %scan3A_86 = arith.constant 1 : i32
    %scan3A_87 = scf.for %scan3A_1328 = %scan3A_83 to %scan3A_85 step %scan3A_86 iter_args(%scan3A_1329 = %scan3A_82) -> (i32)  : i32 {
      %parallel_loop3A = arith.constant 0 : i32
      %parallel_loop3A_1330 = arith.constant 1024 : i32
      %parallel_loop3A_1331 = arith.constant 16 : i32
      scf.for %parallel_loop3A_1333 = %parallel_loop3A to %parallel_loop3A_1330 step %parallel_loop3A_1331  : i32 {
        %parallel_loop3A_1334 = arith.index_cast %scan3A_1328 : i32 to index
        %parallel_loop3A_1335 = arith.index_cast %parallel_loop3A_1333 : i32 to index
        %parallel_loop3A_1336 = tpu.vector_load %arg6[%parallel_loop3A_1334, %parallel_loop3A_1335] {strides = array<i32>} : memref<16x1024xf32, #tpu.memory_space<vmem>>, vector<1x16xf32>,
        %parallel_loop3A_1337 = vector.shape_cast %parallel_loop3A_1336 : vector<1x16xf32> to vector<16xf32>
        %parallel_loop3A_1338 = arith.index_cast %scan3A_1328 : i32 to index
        %parallel_loop3A_1339 = arith.index_cast %parallel_loop3A_1333 : i32 to index
        %parallel_loop3A_1340 = tpu.vector_load %arg10[%parallel_loop3A_1338, %parallel_loop3A_1339] {strides = array<i32>} : memref<16x1024xf32, #tpu.memory_space<vmem>>, vector<1x16xf32>,
        %parallel_loop3A_1341 = vector.shape_cast %parallel_loop3A_1340 : vector<1x16xf32> to vector<16xf32>
        %parallel_loop3A_1342 = arith.addf %parallel_loop3A_1337, %parallel_loop3A_1341 : vector<16xf32>
        %parallel_loop3A_1343 = arith.index_cast %scan3A_1328 : i32 to index
        %parallel_loop3A_1344 = arith.index_cast %parallel_loop3A_1333 : i32 to index
        %parallel_loop3A_1345 = tpu.vector_load %arg9[%parallel_loop3A_1343, %parallel_loop3A_1344] {strides = array<i32>} : memref<16x1024xf32, #tpu.memory_space<vmem>>, vector<1x16xf32>,
        %parallel_loop3A_1346 = vector.shape_cast %parallel_loop3A_1345 : vector<1x16xf32> to vector<16xf32>
        %parallel_loop3A_1347 = vector.shape_cast %parallel_loop3A_1342 : vector<16xf32> to vector<1x16xf32>
        tpu.vector_store %arg9[%parallel_loop3A_1343, %parallel_loop3A_1344], %parallel_loop3A_1347 {strides = array<i32>} : memref<16x1024xf32, #tpu.memory_space<vmem>>, vector<1x16xf32>,
      } {sc.loop_unroll_factor = 4 : i64, sc.parallel_access}
      %scan3A_1332 = arith.constant 0 : i32
      scf.yield %scan3A_1332 : i32
    }
    %scan3A_88 = arith.constant 16 : i32
    %add3A_89 = arith.constant 0 : i32
    %add3A_90 = arith.addi %mul3A_2, %add3A_89 : i32
    %dma_start3A_91 = arith.constant 1 : i32
    %dma_start3A_92 = arith.constant 0 : i32
    %dma_start3A_93 = tpu.memref_slice %arg4[%dma_start3A_91, %add3A_90, %dma_start3A_92] : memref<4x4096x1024xf32, #tpu.memory_space<hbm>> -> memref<1x16x1024xf32, #tpu.memory_space<hbm>>
    %dma_start3A_94 = tpu.memref_squeeze %dma_start3A_93 : memref<1x16x1024xf32, #tpu.memory_space<hbm>> -> memref<16x1024xf32, #tpu.memory_space<hbm>>
    %dma_start3A_95 = arith.constant 0 : i32
    %dma_start3A_96 = tpu.memref_slice %arg4[%dma_start3A_91, %add3A_90, %dma_start3A_95] : memref<4x4096x1024xf32, #tpu.memory_space<hbm>> -> memref<1x16x1024xf32, #tpu.memory_space<hbm>>
    %dma_start3A_97 = tpu.memref_squeeze %dma_start3A_96 : memref<1x16x1024xf32, #tpu.memory_space<hbm>> -> memref<16x1024xf32, #tpu.memory_space<hbm>>
    tpu.enqueue_dma source(%arg9 : memref<16x1024xf32, #tpu.memory_space<vmem>>) target(%dma_start3A_97 : memref<16x1024xf32, #tpu.memory_space<hbm>>) target_semaphore(%arg16 : memref<!tpu.dma_semaphore, #tpu.memory_space<semaphore_mem>>)
    %dma_wait3A_98 = arith.constant 2 : i32
    %dma_wait3A_99 = arith.constant 0 : i32
    %dma_wait3A_100 = tpu.memref_slice %arg2[%dma_wait3A_98, %add3A_43, %dma_wait3A_99] : memref<4x4096x1024xf32, #tpu.memory_space<hbm>> -> memref<1x16x1024xf32, #tpu.memory_space<hbm>>
    %dma_wait3A_101 = tpu.memref_squeeze %dma_wait3A_100 : memref<1x16x1024xf32, #tpu.memory_space<hbm>> -> memref<16x1024xf32, #tpu.memory_space<hbm>>
    %dma_wait3A_102 = arith.constant 0 : i32
    %dma_wait3A_103 = tpu.memref_slice %arg2[%dma_wait3A_98, %add3A_43, %dma_wait3A_102] : memref<4x4096x1024xf32, #tpu.memory_space<hbm>> -> memref<1x16x1024xf32, #tpu.memory_space<hbm>>
    %dma_wait3A_104 = tpu.memref_squeeze %dma_wait3A_103 : memref<1x16x1024xf32, #tpu.memory_space<hbm>> -> memref<16x1024xf32, #tpu.memory_space<hbm>>
    tpu.wait_dma2 semaphore(%arg14 : memref<!tpu.dma_semaphore, #tpu.memory_space<semaphore_mem>>) src(%dma_wait3A_104 : memref<16x1024xf32, #tpu.memory_space<hbm>>) dst(%arg7 : memref<16x1024xf32, #tpu.memory_space<vmem>>)
    %add3A_105 = arith.constant 16 : i32
    %add3A_106 = arith.addi %mul3A_2, %add3A_105 : i32
    %dma_start3A_107 = arith.constant 0 : i32
    %dma_start3A_108 = arith.constant 0 : i32
    %dma_start3A_109 = tpu.memref_slice %arg2[%dma_start3A_107, %add3A_106, %dma_start3A_108] : memref<4x4096x1024xf32, #tpu.memory_space<hbm>> -> memref<1x16x1024xf32, #tpu.memory_space<hbm>>
    %dma_start3A_110 = tpu.memref_squeeze %dma_start3A_109 : memref<1x16x1024xf32, #tpu.memory_space<hbm>> -> memref<16x1024xf32, #tpu.memory_space<hbm>>
    %dma_start3A_111 = arith.constant 0 : i32
    %dma_start3A_112 = tpu.memref_slice %arg2[%dma_start3A_107, %add3A_106, %dma_start3A_111] : memref<4x4096x1024xf32, #tpu.memory_space<hbm>> -> memref<1x16x1024xf32, #tpu.memory_space<hbm>>
    %dma_start3A_113 = tpu.memref_squeeze %dma_start3A_112 : memref<1x16x1024xf32, #tpu.memory_space<hbm>> -> memref<16x1024xf32, #tpu.memory_space<hbm>>
    tpu.enqueue_dma source(%dma_start3A_113 : memref<16x1024xf32, #tpu.memory_space<hbm>>) target(%arg6 : memref<16x1024xf32, #tpu.memory_space<vmem>>) target_semaphore(%arg13 : memref<!tpu.dma_semaphore, #tpu.memory_space<semaphore_mem>>)
    %dma_wait3A_114 = arith.constant 0 : i32
    %dma_wait3A_115 = arith.constant 0 : i32
    %dma_wait3A_116 = tpu.memref_slice %arg4[%dma_wait3A_114, %add3A_58, %dma_wait3A_115] : memref<4x4096x1024xf32, #tpu.memory_space<hbm>> -> memref<1x16x1024xf32, #tpu.memory_space<hbm>>
    %dma_wait3A_117 = tpu.memref_squeeze %dma_wait3A_116 : memref<1x16x1024xf32, #tpu.memory_space<hbm>> -> memref<16x1024xf32, #tpu.memory_space<hbm>>
    %dma_wait3A_118 = arith.constant 0 : i32
    %dma_wait3A_119 = tpu.memref_slice %arg4[%dma_wait3A_114, %add3A_58, %dma_wait3A_118] : memref<4x4096x1024xf32, #tpu.memory_space<hbm>> -> memref<1x16x1024xf32, #tpu.memory_space<hbm>>
    %dma_wait3A_120 = tpu.memref_squeeze %dma_wait3A_119 : memref<1x16x1024xf32, #tpu.memory_space<hbm>> -> memref<16x1024xf32, #tpu.memory_space<hbm>>
    tpu.wait_dma2 semaphore(%arg15 : memref<!tpu.dma_semaphore, #tpu.memory_space<semaphore_mem>>) src(%arg8 : memref<16x1024xf32, #tpu.memory_space<vmem>>) dst(%dma_wait3A_120 : memref<16x1024xf32, #tpu.memory_space<hbm>>)
    %scan3A_121 = arith.constant 0 : i32
    %scan3A_122 = arith.constant 0 : i32
    %scan3A_123 = arith.constant 16 : i32
    %scan3A_124 = arith.addi %scan3A_122, %scan3A_123 : i32
    %scan3A_125 = arith.constant 1 : i32
    %scan3A_126 = scf.for %scan3A_1328 = %scan3A_122 to %scan3A_124 step %scan3A_125 iter_args(%scan3A_1329 = %scan3A_121) -> (i32)  : i32 {
      %parallel_loop3A = arith.constant 0 : i32
      %parallel_loop3A_1330 = arith.constant 1024 : i32
      %parallel_loop3A_1331 = arith.constant 16 : i32
      scf.for %parallel_loop3A_1333 = %parallel_loop3A to %parallel_loop3A_1330 step %parallel_loop3A_1331  : i32 {
        %parallel_loop3A_1334 = arith.index_cast %scan3A_1328 : i32 to index
        %parallel_loop3A_1335 = arith.index_cast %parallel_loop3A_1333 : i32 to index
        %parallel_loop3A_1336 = tpu.vector_load %arg7[%parallel_loop3A_1334, %parallel_loop3A_1335] {strides = array<i32>} : memref<16x1024xf32, #tpu.memory_space<vmem>>, vector<1x16xf32>,
        %parallel_loop3A_1337 = vector.shape_cast %parallel_loop3A_1336 : vector<1x16xf32> to vector<16xf32>
        %parallel_loop3A_1338 = arith.index_cast %scan3A_1328 : i32 to index
        %parallel_loop3A_1339 = arith.index_cast %parallel_loop3A_1333 : i32 to index
        %parallel_loop3A_1340 = tpu.vector_load %arg10[%parallel_loop3A_1338, %parallel_loop3A_1339] {strides = array<i32>} : memref<16x1024xf32, #tpu.memory_space<vmem>>, vector<1x16xf32>,
        %parallel_loop3A_1341 = vector.shape_cast %parallel_loop3A_1340 : vector<1x16xf32> to vector<16xf32>
        %parallel_loop3A_1342 = arith.addf %parallel_loop3A_1337, %parallel_loop3A_1341 : vector<16xf32>
        %parallel_loop3A_1343 = arith.index_cast %scan3A_1328 : i32 to index
        %parallel_loop3A_1344 = arith.index_cast %parallel_loop3A_1333 : i32 to index
        %parallel_loop3A_1345 = tpu.vector_load %arg8[%parallel_loop3A_1343, %parallel_loop3A_1344] {strides = array<i32>} : memref<16x1024xf32, #tpu.memory_space<vmem>>, vector<1x16xf32>,
        %parallel_loop3A_1346 = vector.shape_cast %parallel_loop3A_1345 : vector<1x16xf32> to vector<16xf32>
        %parallel_loop3A_1347 = vector.shape_cast %parallel_loop3A_1342 : vector<16xf32> to vector<1x16xf32>
        tpu.vector_store %arg8[%parallel_loop3A_1343, %parallel_loop3A_1344], %parallel_loop3A_1347 {strides = array<i32>} : memref<16x1024xf32, #tpu.memory_space<vmem>>, vector<1x16xf32>,
      } {sc.loop_unroll_factor = 4 : i64, sc.parallel_access}
      %scan3A_1332 = arith.constant 0 : i32
      scf.yield %scan3A_1332 : i32
    }
    %scan3A_127 = arith.constant 16 : i32
    %add3A_128 = arith.constant 0 : i32
    %add3A_129 = arith.addi %mul3A_2, %add3A_128 : i32
    %dma_start3A_130 = arith.constant 2 : i32
    %dma_start3A_131 = arith.constant 0 : i32
    %dma_start3A_132 = tpu.memref_slice %arg4[%dma_start3A_130, %add3A_129, %dma_start3A_131] : memref<4x4096x1024xf32, #tpu.memory_space<hbm>> -> memref<1x16x1024xf32, #tpu.memory_space<hbm>>
    %dma_start3A_133 = tpu.memref_squeeze %dma_start3A_132 : memref<1x16x1024xf32, #tpu.memory_space<hbm>> -> memref<16x1024xf32, #tpu.memory_space<hbm>>
    %dma_start3A_134 = arith.constant 0 : i32
    %dma_start3A_135 = tpu.memref_slice %arg4[%dma_start3A_130, %add3A_129, %dma_start3A_134] : memref<4x4096x1024xf32, #tpu.memory_space<hbm>> -> memref<1x16x1024xf32, #tpu.memory_space<hbm>>
    %dma_start3A_136 = tpu.memref_squeeze %dma_start3A_135 : memref<1x16x1024xf32, #tpu.memory_space<hbm>> -> memref<16x1024xf32, #tpu.memory_space<hbm>>
    tpu.enqueue_dma source(%arg8 : memref<16x1024xf32, #tpu.memory_space<vmem>>) target(%dma_start3A_136 : memref<16x1024xf32, #tpu.memory_space<hbm>>) target_semaphore(%arg15 : memref<!tpu.dma_semaphore, #tpu.memory_space<semaphore_mem>>)
    %dma_wait3A_137 = arith.constant 3 : i32
    %dma_wait3A_138 = arith.constant 0 : i32
    %dma_wait3A_139 = tpu.memref_slice %arg2[%dma_wait3A_137, %add3A_74, %dma_wait3A_138] : memref<4x4096x1024xf32, #tpu.memory_space<hbm>> -> memref<1x16x1024xf32, #tpu.memory_space<hbm>>
    %dma_wait3A_140 = tpu.memref_squeeze %dma_wait3A_139 : memref<1x16x1024xf32, #tpu.memory_space<hbm>> -> memref<16x1024xf32, #tpu.memory_space<hbm>>
    %dma_wait3A_141 = arith.constant 0 : i32
    %dma_wait3A_142 = tpu.memref_slice %arg2[%dma_wait3A_137, %add3A_74, %dma_wait3A_141] : memref<4x4096x1024xf32, #tpu.memory_space<hbm>> -> memref<1x16x1024xf32, #tpu.memory_space<hbm>>
    %dma_wait3A_143 = tpu.memref_squeeze %dma_wait3A_142 : memref<1x16x1024xf32, #tpu.memory_space<hbm>> -> memref<16x1024xf32, #tpu.memory_space<hbm>>
    tpu.wait_dma2 semaphore(%arg12 : memref<!tpu.dma_semaphore, #tpu.memory_space<semaphore_mem>>) src(%dma_wait3A_143 : memref<16x1024xf32, #tpu.memory_space<hbm>>) dst(%arg5 : memref<16x1024xf32, #tpu.memory_space<vmem>>)
    %add3A_144 = arith.constant 16 : i32
    %add3A_145 = arith.addi %mul3A_2, %add3A_144 : i32
    %dma_start3A_146 = arith.constant 1 : i32
    %dma_start3A_147 = arith.constant 0 : i32
    %dma_start3A_148 = tpu.memref_slice %arg2[%dma_start3A_146, %add3A_145, %dma_start3A_147] : memref<4x4096x1024xf32, #tpu.memory_space<hbm>> -> memref<1x16x1024xf32, #tpu.memory_space<hbm>>
    %dma_start3A_149 = tpu.memref_squeeze %dma_start3A_148 : memref<1x16x1024xf32, #tpu.memory_space<hbm>> -> memref<16x1024xf32, #tpu.memory_space<hbm>>
    %dma_start3A_150 = arith.constant 0 : i32
    %dma_start3A_151 = tpu.memref_slice %arg2[%dma_start3A_146, %add3A_145, %dma_start3A_150] : memref<4x4096x1024xf32, #tpu.memory_space<hbm>> -> memref<1x16x1024xf32, #tpu.memory_space<hbm>>
    %dma_start3A_152 = tpu.memref_squeeze %dma_start3A_151 : memref<1x16x1024xf32, #tpu.memory_space<hbm>> -> memref<16x1024xf32, #tpu.memory_space<hbm>>
    tpu.enqueue_dma source(%dma_start3A_152 : memref<16x1024xf32, #tpu.memory_space<hbm>>) target(%arg7 : memref<16x1024xf32, #tpu.memory_space<vmem>>) target_semaphore(%arg14 : memref<!tpu.dma_semaphore, #tpu.memory_space<semaphore_mem>>)
    %dma_wait3A_153 = arith.constant 1 : i32
    %dma_wait3A_154 = arith.constant 0 : i32
    %dma_wait3A_155 = tpu.memref_slice %arg4[%dma_wait3A_153, %add3A_90, %dma_wait3A_154] : memref<4x4096x1024xf32, #tpu.memory_space<hbm>> -> memref<1x16x1024xf32, #tpu.memory_space<hbm>>
    %dma_wait3A_156 = tpu.memref_squeeze %dma_wait3A_155 : memref<1x16x1024xf32, #tpu.memory_space<hbm>> -> memref<16x1024xf32, #tpu.memory_space<hbm>>
    %dma_wait3A_157 = arith.constant 0 : i32
    %dma_wait3A_158 = tpu.memref_slice %arg4[%dma_wait3A_153, %add3A_90, %dma_wait3A_157] : memref<4x4096x1024xf32, #tpu.memory_space<hbm>> -> memref<1x16x1024xf32, #tpu.memory_space<hbm>>
    %dma_wait3A_159 = tpu.memref_squeeze %dma_wait3A_158 : memref<1x16x1024xf32, #tpu.memory_space<hbm>> -> memref<16x1024xf32, #tpu.memory_space<hbm>>
    tpu.wait_dma2 semaphore(%arg16 : memref<!tpu.dma_semaphore, #tpu.memory_space<semaphore_mem>>) src(%arg9 : memref<16x1024xf32, #tpu.memory_space<vmem>>) dst(%dma_wait3A_159 : memref<16x1024xf32, #tpu.memory_space<hbm>>)
    %scan3A_160 = arith.constant 0 : i32
    %scan3A_161 = arith.constant 0 : i32
    %scan3A_162 = arith.constant 16 : i32
    %scan3A_163 = arith.addi %scan3A_161, %scan3A_162 : i32
    %scan3A_164 = arith.constant 1 : i32
    %scan3A_165 = scf.for %scan3A_1328 = %scan3A_161 to %scan3A_163 step %scan3A_164 iter_args(%scan3A_1329 = %scan3A_160) -> (i32)  : i32 {
      %parallel_loop3A = arith.constant 0 : i32
      %parallel_loop3A_1330 = arith.constant 1024 : i32
      %parallel_loop3A_1331 = arith.constant 16 : i32
      scf.for %parallel_loop3A_1333 = %parallel_loop3A to %parallel_loop3A_1330 step %parallel_loop3A_1331  : i32 {
        %parallel_loop3A_1334 = arith.index_cast %scan3A_1328 : i32 to index
        %parallel_loop3A_1335 = arith.index_cast %parallel_loop3A_1333 : i32 to index
        %parallel_loop3A_1336 = tpu.vector_load %arg5[%parallel_loop3A_1334, %parallel_loop3A_1335] {strides = array<i32>} : memref<16x1024xf32, #tpu.memory_space<vmem>>, vector<1x16xf32>,
        %parallel_loop3A_1337 = vector.shape_cast %parallel_loop3A_1336 : vector<1x16xf32> to vector<16xf32>
        %parallel_loop3A_1338 = arith.index_cast %scan3A_1328 : i32 to index
        %parallel_loop3A_1339 = arith.index_cast %parallel_loop3A_1333 : i32 to index
        %parallel_loop3A_1340 = tpu.vector_load %arg10[%parallel_loop3A_1338, %parallel_loop3A_1339] {strides = array<i32>} : memref<16x1024xf32, #tpu.memory_space<vmem>>, vector<1x16xf32>,
        %parallel_loop3A_1341 = vector.shape_cast %parallel_loop3A_1340 : vector<1x16xf32> to vector<16xf32>
        %parallel_loop3A_1342 = arith.addf %parallel_loop3A_1337, %parallel_loop3A_1341 : vector<16xf32>
        %parallel_loop3A_1343 = arith.index_cast %scan3A_1328 : i32 to index
        %parallel_loop3A_1344 = arith.index_cast %parallel_loop3A_1333 : i32 to index
        %parallel_loop3A_1345 = tpu.vector_load %arg9[%parallel_loop3A_1343, %parallel_loop3A_1344] {strides = array<i32>} : memref<16x1024xf32, #tpu.memory_space<vmem>>, vector<1x16xf32>,
        %parallel_loop3A_1346 = vector.shape_cast %parallel_loop3A_1345 : vector<1x16xf32> to vector<16xf32>
        %parallel_loop3A_1347 = vector.shape_cast %parallel_loop3A_1342 : vector<16xf32> to vector<1x16xf32>
        tpu.vector_store %arg9[%parallel_loop3A_1343, %parallel_loop3A_1344], %parallel_loop3A_1347 {strides = array<i32>} : memref<16x1024xf32, #tpu.memory_space<vmem>>, vector<1x16xf32>,
      } {sc.loop_unroll_factor = 4 : i64, sc.parallel_access}
      %scan3A_1332 = arith.constant 0 : i32
      scf.yield %scan3A_1332 : i32
    }
    %scan3A_166 = arith.constant 16 : i32
    %add3A_167 = arith.constant 0 : i32
    %add3A_168 = arith.addi %mul3A_2, %add3A_167 : i32
    %dma_start3A_169 = arith.constant 3 : i32
    %dma_start3A_170 = arith.constant 0 : i32
    %dma_start3A_171 = tpu.memref_slice %arg4[%dma_start3A_169, %add3A_168, %dma_start3A_170] : memref<4x4096x1024xf32, #tpu.memory_space<hbm>> -> memref<1x16x1024xf32, #tpu.memory_space<hbm>>
    %dma_start3A_172 = tpu.memref_squeeze %dma_start3A_171 : memref<1x16x1024xf32, #tpu.memory_space<hbm>> -> memref<16x1024xf32, #tpu.memory_space<hbm>>
    %dma_start3A_173 = arith.constant 0 : i32
    %dma_start3A_174 = tpu.memref_slice %arg4[%dma_start3A_169, %add3A_168, %dma_start3A_173] : memref<4x4096x1024xf32, #tpu.memory_space<hbm>> -> memref<1x16x1024xf32, #tpu.memory_space<hbm>>
    %dma_start3A_175 = tpu.memref_squeeze %dma_start3A_174 : memref<1x16x1024xf32, #tpu.memory_space<hbm>> -> memref<16x1024xf32, #tpu.memory_space<hbm>>
    tpu.enqueue_dma source(%arg9 : memref<16x1024xf32, #tpu.memory_space<vmem>>) target(%dma_start3A_175 : memref<16x1024xf32, #tpu.memory_space<hbm>>) target_semaphore(%arg16 : memref<!tpu.dma_semaphore, #tpu.memory_space<semaphore_mem>>)
    %dma_wait3A_176 = arith.constant 0 : i32
    %dma_wait3A_177 = arith.constant 0 : i32
    %dma_wait3A_178 = tpu.memref_slice %arg2[%dma_wait3A_176, %add3A_106, %dma_wait3A_177] : memref<4x4096x1024xf32, #tpu.memory_space<hbm>> -> memref<1x16x1024xf32, #tpu.memory_space<hbm>>
    %dma_wait3A_179 = tpu.memref_squeeze %dma_wait3A_178 : memref<1x16x1024xf32, #tpu.memory_space<hbm>> -> memref<16x1024xf32, #tpu.memory_space<hbm>>
    %dma_wait3A_180 = arith.constant 0 : i32
    %dma_wait3A_181 = tpu.memref_slice %arg2[%dma_wait3A_176, %add3A_106, %dma_wait3A_180] : memref<4x4096x1024xf32, #tpu.memory_space<hbm>> -> memref<1x16x1024xf32, #tpu.memory_space<hbm>>
    %dma_wait3A_182 = tpu.memref_squeeze %dma_wait3A_181 : memref<1x16x1024xf32, #tpu.memory_space<hbm>> -> memref<16x1024xf32, #tpu.memory_space<hbm>>
    tpu.wait_dma2 semaphore(%arg13 : memref<!tpu.dma_semaphore, #tpu.memory_space<semaphore_mem>>) src(%dma_wait3A_182 : memref<16x1024xf32, #tpu.memory_space<hbm>>) dst(%arg6 : memref<16x1024xf32, #tpu.memory_space<vmem>>)
    %dma_wait3A_183 = arith.constant 0 : i32
    %dma_wait3A_184 = tpu.memref_slice %arg3[%add3A_37, %dma_wait3A_183] : memref<8192x1024xf32, #tpu.memory_space<hbm>> -> memref<16x1024xf32, #tpu.memory_space<hbm>>
    %dma_wait3A_185 = arith.constant 0 : i32
    %dma_wait3A_186 = tpu.memref_slice %arg3[%add3A_37, %dma_wait3A_185] : memref<8192x1024xf32, #tpu.memory_space<hbm>> -> memref<16x1024xf32, #tpu.memory_space<hbm>>
    tpu.wait_dma2 semaphore(%arg18 : memref<!tpu.dma_semaphore, #tpu.memory_space<semaphore_mem>>) src(%dma_wait3A_186 : memref<16x1024xf32, #tpu.memory_space<hbm>>) dst(%arg11 : memref<16x1024xf32, #tpu.memory_space<vmem>>)
    %add3A_187 = arith.constant 32 : i32
    %add3A_188 = arith.addi %mul3A_2, %add3A_187 : i32
    %dma_start3A_189 = arith.constant 0 : i32
    %dma_start3A_190 = tpu.memref_slice %arg3[%add3A_188, %dma_start3A_189] : memref<8192x1024xf32, #tpu.memory_space<hbm>> -> memref<16x1024xf32, #tpu.memory_space<hbm>>
    %dma_start3A_191 = arith.constant 0 : i32
    %dma_start3A_192 = tpu.memref_slice %arg3[%add3A_188, %dma_start3A_191] : memref<8192x1024xf32, #tpu.memory_space<hbm>> -> memref<16x1024xf32, #tpu.memory_space<hbm>>
    tpu.enqueue_dma source(%dma_start3A_192 : memref<16x1024xf32, #tpu.memory_space<hbm>>) target(%arg10 : memref<16x1024xf32, #tpu.memory_space<vmem>>) target_semaphore(%arg17 : memref<!tpu.dma_semaphore, #tpu.memory_space<semaphore_mem>>)
    %add3A_193 = arith.constant 16 : i32
    %add3A_194 = arith.addi %mul3A_2, %add3A_193 : i32
    %dma_start3A_195 = arith.constant 2 : i32
    %dma_start3A_196 = arith.constant 0 : i32
    %dma_start3A_197 = tpu.memref_slice %arg2[%dma_start3A_195, %add3A_194, %dma_start3A_196] : memref<4x4096x1024xf32, #tpu.memory_space<hbm>> -> memref<1x16x1024xf32, #tpu.memory_space<hbm>>
    %dma_start3A_198 = tpu.memref_squeeze %dma_start3A_197 : memref<1x16x1024xf32, #tpu.memory_space<hbm>> -> memref<16x1024xf32, #tpu.memory_space<hbm>>
    %dma_start3A_199 = arith.constant 0 : i32
    %dma_start3A_200 = tpu.memref_slice %arg2[%dma_start3A_195, %add3A_194, %dma_start3A_199] : memref<4x4096x1024xf32, #tpu.memory_space<hbm>> -> memref<1x16x1024xf32, #tpu.memory_space<hbm>>
    %dma_start3A_201 = tpu.memref_squeeze %dma_start3A_200 : memref<1x16x1024xf32, #tpu.memory_space<hbm>> -> memref<16x1024xf32, #tpu.memory_space<hbm>>
    tpu.enqueue_dma source(%dma_start3A_201 : memref<16x1024xf32, #tpu.memory_space<hbm>>) target(%arg5 : memref<16x1024xf32, #tpu.memory_space<vmem>>) target_semaphore(%arg12 : memref<!tpu.dma_semaphore, #tpu.memory_space<semaphore_mem>>)
    %dma_wait3A_202 = arith.constant 2 : i32
    %dma_wait3A_203 = arith.constant 0 : i32
    %dma_wait3A_204 = tpu.memref_slice %arg4[%dma_wait3A_202, %add3A_129, %dma_wait3A_203] : memref<4x4096x1024xf32, #tpu.memory_space<hbm>> -> memref<1x16x1024xf32, #tpu.memory_space<hbm>>
    %dma_wait3A_205 = tpu.memref_squeeze %dma_wait3A_204 : memref<1x16x1024xf32, #tpu.memory_space<hbm>> -> memref<16x1024xf32, #tpu.memory_space<hbm>>
    %dma_wait3A_206 = arith.constant 0 : i32
    %dma_wait3A_207 = tpu.memref_slice %arg4[%dma_wait3A_202, %add3A_129, %dma_wait3A_206] : memref<4x4096x1024xf32, #tpu.memory_space<hbm>> -> memref<1x16x1024xf32, #tpu.memory_space<hbm>>
    %dma_wait3A_208 = tpu.memref_squeeze %dma_wait3A_207 : memref<1x16x1024xf32, #tpu.memory_space<hbm>> -> memref<16x1024xf32, #tpu.memory_space<hbm>>
    tpu.wait_dma2 semaphore(%arg15 : memref<!tpu.dma_semaphore, #tpu.memory_space<semaphore_mem>>) src(%arg8 : memref<16x1024xf32, #tpu.memory_space<vmem>>) dst(%dma_wait3A_208 : memref<16x1024xf32, #tpu.memory_space<hbm>>)
    %scan3A_209 = arith.constant 0 : i32
    %scan3A_210 = arith.constant 0 : i32
    %scan3A_211 = arith.constant 16 : i32
    %scan3A_212 = arith.addi %scan3A_210, %scan3A_211 : i32
    %scan3A_213 = arith.constant 1 : i32
    %scan3A_214 = scf.for %scan3A_1328 = %scan3A_210 to %scan3A_212 step %scan3A_213 iter_args(%scan3A_1329 = %scan3A_209) -> (i32)  : i32 {
      %parallel_loop3A = arith.constant 0 : i32
      %parallel_loop3A_1330 = arith.constant 1024 : i32
      %parallel_loop3A_1331 = arith.constant 16 : i32
      scf.for %parallel_loop3A_1333 = %parallel_loop3A to %parallel_loop3A_1330 step %parallel_loop3A_1331  : i32 {
        %parallel_loop3A_1334 = arith.index_cast %scan3A_1328 : i32 to index
        %parallel_loop3A_1335 = arith.index_cast %parallel_loop3A_1333 : i32 to index
        %parallel_loop3A_1336 = tpu.vector_load %arg6[%parallel_loop3A_1334, %parallel_loop3A_1335] {strides = array<i32>} : memref<16x1024xf32, #tpu.memory_space<vmem>>, vector<1x16xf32>,
        %parallel_loop3A_1337 = vector.shape_cast %parallel_loop3A_1336 : vector<1x16xf32> to vector<16xf32>
        %parallel_loop3A_1338 = arith.index_cast %scan3A_1328 : i32 to index
        %parallel_loop3A_1339 = arith.index_cast %parallel_loop3A_1333 : i32 to index
        %parallel_loop3A_1340 = tpu.vector_load %arg11[%parallel_loop3A_1338, %parallel_loop3A_1339] {strides = array<i32>} : memref<16x1024xf32, #tpu.memory_space<vmem>>, vector<1x16xf32>,
        %parallel_loop3A_1341 = vector.shape_cast %parallel_loop3A_1340 : vector<1x16xf32> to vector<16xf32>
        %parallel_loop3A_1342 = arith.addf %parallel_loop3A_1337, %parallel_loop3A_1341 : vector<16xf32>
        %parallel_loop3A_1343 = arith.index_cast %scan3A_1328 : i32 to index
        %parallel_loop3A_1344 = arith.index_cast %parallel_loop3A_1333 : i32 to index
        %parallel_loop3A_1345 = tpu.vector_load %arg8[%parallel_loop3A_1343, %parallel_loop3A_1344] {strides = array<i32>} : memref<16x1024xf32, #tpu.memory_space<vmem>>, vector<1x16xf32>,
        %parallel_loop3A_1346 = vector.shape_cast %parallel_loop3A_1345 : vector<1x16xf32> to vector<16xf32>
        %parallel_loop3A_1347 = vector.shape_cast %parallel_loop3A_1342 : vector<16xf32> to vector<1x16xf32>
        tpu.vector_store %arg8[%parallel_loop3A_1343, %parallel_loop3A_1344], %parallel_loop3A_1347 {strides = array<i32>} : memref<16x1024xf32, #tpu.memory_space<vmem>>, vector<1x16xf32>,
      } {sc.loop_unroll_factor = 4 : i64, sc.parallel_access}
      %scan3A_1332 = arith.constant 0 : i32
      scf.yield %scan3A_1332 : i32
    }
    %scan3A_215 = arith.constant 16 : i32
    %add3A_216 = arith.constant 16 : i32
    %add3A_217 = arith.addi %mul3A_2, %add3A_216 : i32
    %dma_start3A_218 = arith.constant 0 : i32
    %dma_start3A_219 = arith.constant 0 : i32
    %dma_start3A_220 = tpu.memref_slice %arg4[%dma_start3A_218, %add3A_217, %dma_start3A_219] : memref<4x4096x1024xf32, #tpu.memory_space<hbm>> -> memref<1x16x1024xf32, #tpu.memory_space<hbm>>
    %dma_start3A_221 = tpu.memref_squeeze %dma_start3A_220 : memref<1x16x1024xf32, #tpu.memory_space<hbm>> -> memref<16x1024xf32, #tpu.memory_space<hbm>>
    %dma_start3A_222 = arith.constant 0 : i32
    %dma_start3A_223 = tpu.memref_slice %arg4[%dma_start3A_218, %add3A_217, %dma_start3A_222] : memref<4x4096x1024xf32, #tpu.memory_space<hbm>> -> memref<1x16x1024xf32, #tpu.memory_space<hbm>>
    %dma_start3A_224 = tpu.memref_squeeze %dma_start3A_223 : memref<1x16x1024xf32, #tpu.memory_space<hbm>> -> memref<16x1024xf32, #tpu.memory_space<hbm>>
    tpu.enqueue_dma source(%arg8 : memref<16x1024xf32, #tpu.memory_space<vmem>>) target(%dma_start3A_224 : memref<16x1024xf32, #tpu.memory_space<hbm>>) target_semaphore(%arg15 : memref<!tpu.dma_semaphore, #tpu.memory_space<semaphore_mem>>)
    %dma_wait3A_225 = arith.constant 1 : i32
    %dma_wait3A_226 = arith.constant 0 : i32
    %dma_wait3A_227 = tpu.memref_slice %arg2[%dma_wait3A_225, %add3A_145, %dma_wait3A_226] : memref<4x4096x1024xf32, #tpu.memory_space<hbm>> -> memref<1x16x1024xf32, #tpu.memory_space<hbm>>
    %dma_wait3A_228 = tpu.memref_squeeze %dma_wait3A_227 : memref<1x16x1024xf32, #tpu.memory_space<hbm>> -> memref<16x1024xf32, #tpu.memory_space<hbm>>
    %dma_wait3A_229 = arith.constant 0 : i32
    %dma_wait3A_230 = tpu.memref_slice %arg2[%dma_wait3A_225, %add3A_145, %dma_wait3A_229] : memref<4x4096x1024xf32, #tpu.memory_space<hbm>> -> memref<1x16x1024xf32, #tpu.memory_space<hbm>>
    %dma_wait3A_231 = tpu.memref_squeeze %dma_wait3A_230 : memref<1x16x1024xf32, #tpu.memory_space<hbm>> -> memref<16x1024xf32, #tpu.memory_space<hbm>>
    tpu.wait_dma2 semaphore(%arg14 : memref<!tpu.dma_semaphore, #tpu.memory_space<semaphore_mem>>) src(%dma_wait3A_231 : memref<16x1024xf32, #tpu.memory_space<hbm>>) dst(%arg7 : memref<16x1024xf32, #tpu.memory_space<vmem>>)
    %add3A_232 = arith.constant 16 : i32
    %add3A_233 = arith.addi %mul3A_2, %add3A_232 : i32
    %dma_start3A_234 = arith.constant 3 : i32
    %dma_start3A_235 = arith.constant 0 : i32
    %dma_start3A_236 = tpu.memref_slice %arg2[%dma_start3A_234, %add3A_233, %dma_start3A_235] : memref<4x4096x1024xf32, #tpu.memory_space<hbm>> -> memref<1x16x1024xf32, #tpu.memory_space<hbm>>
    %dma_start3A_237 = tpu.memref_squeeze %dma_start3A_236 : memref<1x16x1024xf32, #tpu.memory_space<hbm>> -> memref<16x1024xf32, #tpu.memory_space<hbm>>
    %dma_start3A_238 = arith.constant 0 : i32
    %dma_start3A_239 = tpu.memref_slice %arg2[%dma_start3A_234, %add3A_233, %dma_start3A_238] : memref<4x4096x1024xf32, #tpu.memory_space<hbm>> -> memref<1x16x1024xf32, #tpu.memory_space<hbm>>
    %dma_start3A_240 = tpu.memref_squeeze %dma_start3A_239 : memref<1x16x1024xf32, #tpu.memory_space<hbm>> -> memref<16x1024xf32, #tpu.memory_space<hbm>>
    tpu.enqueue_dma source(%dma_start3A_240 : memref<16x1024xf32, #tpu.memory_space<hbm>>) target(%arg6 : memref<16x1024xf32, #tpu.memory_space<vmem>>) target_semaphore(%arg13 : memref<!tpu.dma_semaphore, #tpu.memory_space<semaphore_mem>>)
    %dma_wait3A_241 = arith.constant 3 : i32
    %dma_wait3A_242 = arith.constant 0 : i32
    %dma_wait3A_243 = tpu.memref_slice %arg4[%dma_wait3A_241, %add3A_168, %dma_wait3A_242] : memref<4x4096x1024xf32, #tpu.memory_space<hbm>> -> memref<1x16x1024xf32, #tpu.memory_space<hbm>>
    %dma_wait3A_244 = tpu.memref_squeeze %dma_wait3A_243 : memref<1x16x1024xf32, #tpu.memory_space<hbm>> -> memref<16x1024xf32, #tpu.memory_space<hbm>>
    %dma_wait3A_245 = arith.constant 0 : i32
    %dma_wait3A_246 = tpu.memref_slice %arg4[%dma_wait3A_241, %add3A_168, %dma_wait3A_245] : memref<4x4096x1024xf32, #tpu.memory_space<hbm>> -> memref<1x16x1024xf32, #tpu.memory_space<hbm>>
    %dma_wait3A_247 = tpu.memref_squeeze %dma_wait3A_246 : memref<1x16x1024xf32, #tpu.memory_space<hbm>> -> memref<16x1024xf32, #tpu.memory_space<hbm>>
    tpu.wait_dma2 semaphore(%arg16 : memref<!tpu.dma_semaphore, #tpu.memory_space<semaphore_mem>>) src(%arg9 : memref<16x1024xf32, #tpu.memory_space<vmem>>) dst(%dma_wait3A_247 : memref<16x1024xf32, #tpu.memory_space<hbm>>)
    %scan3A_248 = arith.constant 0 : i32
    %scan3A_249 = arith.constant 0 : i32
    %scan3A_250 = arith.constant 16 : i32
    %scan3A_251 = arith.addi %scan3A_249, %scan3A_250 : i32
    %scan3A_252 = arith.constant 1 : i32
    %scan3A_253 = scf.for %scan3A_1328 = %scan3A_249 to %scan3A_251 step %scan3A_252 iter_args(%scan3A_1329 = %scan3A_248) -> (i32)  : i32 {
      %parallel_loop3A = arith.constant 0 : i32
      %parallel_loop3A_1330 = arith.constant 1024 : i32
      %parallel_loop3A_1331 = arith.constant 16 : i32
      scf.for %parallel_loop3A_1333 = %parallel_loop3A to %parallel_loop3A_1330 step %parallel_loop3A_1331  : i32 {
        %parallel_loop3A_1334 = arith.index_cast %scan3A_1328 : i32 to index
        %parallel_loop3A_1335 = arith.index_cast %parallel_loop3A_1333 : i32 to index
        %parallel_loop3A_1336 = tpu.vector_load %arg7[%parallel_loop3A_1334, %parallel_loop3A_1335] {strides = array<i32>} : memref<16x1024xf32, #tpu.memory_space<vmem>>, vector<1x16xf32>,
        %parallel_loop3A_1337 = vector.shape_cast %parallel_loop3A_1336 : vector<1x16xf32> to vector<16xf32>
        %parallel_loop3A_1338 = arith.index_cast %scan3A_1328 : i32 to index
        %parallel_loop3A_1339 = arith.index_cast %parallel_loop3A_1333 : i32 to index
        %parallel_loop3A_1340 = tpu.vector_load %arg11[%parallel_loop3A_1338, %parallel_loop3A_1339] {strides = array<i32>} : memref<16x1024xf32, #tpu.memory_space<vmem>>, vector<1x16xf32>,
        %parallel_loop3A_1341 = vector.shape_cast %parallel_loop3A_1340 : vector<1x16xf32> to vector<16xf32>
        %parallel_loop3A_1342 = arith.addf %parallel_loop3A_1337, %parallel_loop3A_1341 : vector<16xf32>
        %parallel_loop3A_1343 = arith.index_cast %scan3A_1328 : i32 to index
        %parallel_loop3A_1344 = arith.index_cast %parallel_loop3A_1333 : i32 to index
        %parallel_loop3A_1345 = tpu.vector_load %arg9[%parallel_loop3A_1343, %parallel_loop3A_1344] {strides = array<i32>} : memref<16x1024xf32, #tpu.memory_space<vmem>>, vector<1x16xf32>,
        %parallel_loop3A_1346 = vector.shape_cast %parallel_loop3A_1345 : vector<1x16xf32> to vector<16xf32>
        %parallel_loop3A_1347 = vector.shape_cast %parallel_loop3A_1342 : vector<16xf32> to vector<1x16xf32>
        tpu.vector_store %arg9[%parallel_loop3A_1343, %parallel_loop3A_1344], %parallel_loop3A_1347 {strides = array<i32>} : memref<16x1024xf32, #tpu.memory_space<vmem>>, vector<1x16xf32>,
      } {sc.loop_unroll_factor = 4 : i64, sc.parallel_access}
      %scan3A_1332 = arith.constant 0 : i32
      scf.yield %scan3A_1332 : i32
    }
    %scan3A_254 = arith.constant 16 : i32
    %add3A_255 = arith.constant 16 : i32
    %add3A_256 = arith.addi %mul3A_2, %add3A_255 : i32
    %dma_start3A_257 = arith.constant 1 : i32
    %dma_start3A_258 = arith.constant 0 : i32
    %dma_start3A_259 = tpu.memref_slice %arg4[%dma_start3A_257, %add3A_256, %dma_start3A_258] : memref<4x4096x1024xf32, #tpu.memory_space<hbm>> -> memref<1x16x1024xf32, #tpu.memory_space<hbm>>
    %dma_start3A_260 = tpu.memref_squeeze %dma_start3A_259 : memref<1x16x1024xf32, #tpu.memory_space<hbm>> -> memref<16x1024xf32, #tpu.memory_space<hbm>>
    %dma_start3A_261 = arith.constant 0 : i32
    %dma_start3A_262 = tpu.memref_slice %arg4[%dma_start3A_257, %add3A_256, %dma_start3A_261] : memref<4x4096x1024xf32, #tpu.memory_space<hbm>> -> memref<1x16x1024xf32, #tpu.memory_space<hbm>>
    %dma_start3A_263 = tpu.memref_squeeze %dma_start3A_262 : memref<1x16x1024xf32, #tpu.memory_space<hbm>> -> memref<16x1024xf32, #tpu.memory_space<hbm>>
    tpu.enqueue_dma source(%arg9 : memref<16x1024xf32, #tpu.memory_space<vmem>>) target(%dma_start3A_263 : memref<16x1024xf32, #tpu.memory_space<hbm>>) target_semaphore(%arg16 : memref<!tpu.dma_semaphore, #tpu.memory_space<semaphore_mem>>)
    %dma_wait3A_264 = arith.constant 2 : i32
    %dma_wait3A_265 = arith.constant 0 : i32
    %dma_wait3A_266 = tpu.memref_slice %arg2[%dma_wait3A_264, %add3A_194, %dma_wait3A_265] : memref<4x4096x1024xf32, #tpu.memory_space<hbm>> -> memref<1x16x1024xf32, #tpu.memory_space<hbm>>
    %dma_wait3A_267 = tpu.memref_squeeze %dma_wait3A_266 : memref<1x16x1024xf32, #tpu.memory_space<hbm>> -> memref<16x1024xf32, #tpu.memory_space<hbm>>
    %dma_wait3A_268 = arith.constant 0 : i32
    %dma_wait3A_269 = tpu.memref_slice %arg2[%dma_wait3A_264, %add3A_194, %dma_wait3A_268] : memref<4x4096x1024xf32, #tpu.memory_space<hbm>> -> memref<1x16x1024xf32, #tpu.memory_space<hbm>>
    %dma_wait3A_270 = tpu.memref_squeeze %dma_wait3A_269 : memref<1x16x1024xf32, #tpu.memory_space<hbm>> -> memref<16x1024xf32, #tpu.memory_space<hbm>>
    tpu.wait_dma2 semaphore(%arg12 : memref<!tpu.dma_semaphore, #tpu.memory_space<semaphore_mem>>) src(%dma_wait3A_270 : memref<16x1024xf32, #tpu.memory_space<hbm>>) dst(%arg5 : memref<16x1024xf32, #tpu.memory_space<vmem>>)
    %add3A_271 = arith.constant 32 : i32
    %add3A_272 = arith.addi %mul3A_2, %add3A_271 : i32
    %dma_start3A_273 = arith.constant 0 : i32
    %dma_start3A_274 = arith.constant 0 : i32
    %dma_start3A_275 = tpu.memref_slice %arg2[%dma_start3A_273, %add3A_272, %dma_start3A_274] : memref<4x4096x1024xf32, #tpu.memory_space<hbm>> -> memref<1x16x1024xf32, #tpu.memory_space<hbm>>
    %dma_start3A_276 = tpu.memref_squeeze %dma_start3A_275 : memref<1x16x1024xf32, #tpu.memory_space<hbm>> -> memref<16x1024xf32, #tpu.memory_space<hbm>>
    %dma_start3A_277 = arith.constant 0 : i32
    %dma_start3A_278 = tpu.memref_slice %arg2[%dma_start3A_273, %add3A_272, %dma_start3A_277] : memref<4x4096x1024xf32, #tpu.memory_space<hbm>> -> memref<1x16x1024xf32, #tpu.memory_space<hbm>>
    %dma_start3A_279 = tpu.memref_squeeze %dma_start3A_278 : memref<1x16x1024xf32, #tpu.memory_space<hbm>> -> memref<16x1024xf32, #tpu.memory_space<hbm>>
    tpu.enqueue_dma source(%dma_start3A_279 : memref<16x1024xf32, #tpu.memory_space<hbm>>) target(%arg7 : memref<16x1024xf32, #tpu.memory_space<vmem>>) target_semaphore(%arg14 : memref<!tpu.dma_semaphore, #tpu.memory_space<semaphore_mem>>)
    %dma_wait3A_280 = arith.constant 0 : i32
    %dma_wait3A_281 = arith.constant 0 : i32
    %dma_wait3A_282 = tpu.memref_slice %arg4[%dma_wait3A_280, %add3A_217, %dma_wait3A_281] : memref<4x4096x1024xf32, #tpu.memory_space<hbm>> -> memref<1x16x1024xf32, #tpu.memory_space<hbm>>
    %dma_wait3A_283 = tpu.memref_squeeze %dma_wait3A_282 : memref<1x16x1024xf32, #tpu.memory_space<hbm>> -> memref<16x1024xf32, #tpu.memory_space<hbm>>
    %dma_wait3A_284 = arith.constant 0 : i32
    %dma_wait3A_285 = tpu.memref_slice %arg4[%dma_wait3A_280, %add3A_217, %dma_wait3A_284] : memref<4x4096x1024xf32, #tpu.memory_space<hbm>> -> memref<1x16x1024xf32, #tpu.memory_space<hbm>>
    %dma_wait3A_286 = tpu.memref_squeeze %dma_wait3A_285 : memref<1x16x1024xf32, #tpu.memory_space<hbm>> -> memref<16x1024xf32, #tpu.memory_space<hbm>>
    tpu.wait_dma2 semaphore(%arg15 : memref<!tpu.dma_semaphore, #tpu.memory_space<semaphore_mem>>) src(%arg8 : memref<16x1024xf32, #tpu.memory_space<vmem>>) dst(%dma_wait3A_286 : memref<16x1024xf32, #tpu.memory_space<hbm>>)
    %scan3A_287 = arith.constant 0 : i32
    %scan3A_288 = arith.constant 0 : i32
    %scan3A_289 = arith.constant 16 : i32
    %scan3A_290 = arith.addi %scan3A_288, %scan3A_289 : i32
    %scan3A_291 = arith.constant 1 : i32
    %scan3A_292 = scf.for %scan3A_1328 = %scan3A_288 to %scan3A_290 step %scan3A_291 iter_args(%scan3A_1329 = %scan3A_287) -> (i32)  : i32 {
      %parallel_loop3A = arith.constant 0 : i32
      %parallel_loop3A_1330 = arith.constant 1024 : i32
      %parallel_loop3A_1331 = arith.constant 16 : i32
      scf.for %parallel_loop3A_1333 = %parallel_loop3A to %parallel_loop3A_1330 step %parallel_loop3A_1331  : i32 {
        %parallel_loop3A_1334 = arith.index_cast %scan3A_1328 : i32 to index
        %parallel_loop3A_1335 = arith.index_cast %parallel_loop3A_1333 : i32 to index
        %parallel_loop3A_1336 = tpu.vector_load %arg5[%parallel_loop3A_1334, %parallel_loop3A_1335] {strides = array<i32>} : memref<16x1024xf32, #tpu.memory_space<vmem>>, vector<1x16xf32>,
        %parallel_loop3A_1337 = vector.shape_cast %parallel_loop3A_1336 : vector<1x16xf32> to vector<16xf32>
        %parallel_loop3A_1338 = arith.index_cast %scan3A_1328 : i32 to index
        %parallel_loop3A_1339 = arith.index_cast %parallel_loop3A_1333 : i32 to index
        %parallel_loop3A_1340 = tpu.vector_load %arg11[%parallel_loop3A_1338, %parallel_loop3A_1339] {strides = array<i32>} : memref<16x1024xf32, #tpu.memory_space<vmem>>, vector<1x16xf32>,
        %parallel_loop3A_1341 = vector.shape_cast %parallel_loop3A_1340 : vector<1x16xf32> to vector<16xf32>
        %parallel_loop3A_1342 = arith.addf %parallel_loop3A_1337, %parallel_loop3A_1341 : vector<16xf32>
        %parallel_loop3A_1343 = arith.index_cast %scan3A_1328 : i32 to index
        %parallel_loop3A_1344 = arith.index_cast %parallel_loop3A_1333 : i32 to index
        %parallel_loop3A_1345 = tpu.vector_load %arg8[%parallel_loop3A_1343, %parallel_loop3A_1344] {strides = array<i32>} : memref<16x1024xf32, #tpu.memory_space<vmem>>, vector<1x16xf32>,
        %parallel_loop3A_1346 = vector.shape_cast %parallel_loop3A_1345 : vector<1x16xf32> to vector<16xf32>
        %parallel_loop3A_1347 = vector.shape_cast %parallel_loop3A_1342 : vector<16xf32> to vector<1x16xf32>
        tpu.vector_store %arg8[%parallel_loop3A_1343, %parallel_loop3A_1344], %parallel_loop3A_1347 {strides = array<i32>} : memref<16x1024xf32, #tpu.memory_space<vmem>>, vector<1x16xf32>,
      } {sc.loop_unroll_factor = 4 : i64, sc.parallel_access}
      %scan3A_1332 = arith.constant 0 : i32
      scf.yield %scan3A_1332 : i32
    }
    %scan3A_293 = arith.constant 16 : i32
    %add3A_294 = arith.constant 16 : i32
    %add3A_295 = arith.addi %mul3A_2, %add3A_294 : i32
    %dma_start3A_296 = arith.constant 2 : i32
    %dma_start3A_297 = arith.constant 0 : i32
    %dma_start3A_298 = tpu.memref_slice %arg4[%dma_start3A_296, %add3A_295, %dma_start3A_297] : memref<4x4096x1024xf32, #tpu.memory_space<hbm>> -> memref<1x16x1024xf32, #tpu.memory_space<hbm>>
    %dma_start3A_299 = tpu.memref_squeeze %dma_start3A_298 : memref<1x16x1024xf32, #tpu.memory_space<hbm>> -> memref<16x1024xf32, #tpu.memory_space<hbm>>
    %dma_start3A_300 = arith.constant 0 : i32
    %dma_start3A_301 = tpu.memref_slice %arg4[%dma_start3A_296, %add3A_295, %dma_start3A_300] : memref<4x4096x1024xf32, #tpu.memory_space<hbm>> -> memref<1x16x1024xf32, #tpu.memory_space<hbm>>
    %dma_start3A_302 = tpu.memref_squeeze %dma_start3A_301 : memref<1x16x1024xf32, #tpu.memory_space<hbm>> -> memref<16x1024xf32, #tpu.memory_space<hbm>>
    tpu.enqueue_dma source(%arg8 : memref<16x1024xf32, #tpu.memory_space<vmem>>) target(%dma_start3A_302 : memref<16x1024xf32, #tpu.memory_space<hbm>>) target_semaphore(%arg15 : memref<!tpu.dma_semaphore, #tpu.memory_space<semaphore_mem>>)
    %dma_wait3A_303 = arith.constant 3 : i32
    %dma_wait3A_304 = arith.constant 0 : i32
    %dma_wait3A_305 = tpu.memref_slice %arg2[%dma_wait3A_303, %add3A_233, %dma_wait3A_304] : memref<4x4096x1024xf32, #tpu.memory_space<hbm>> -> memref<1x16x1024xf32, #tpu.memory_space<hbm>>
    %dma_wait3A_306 = tpu.memref_squeeze %dma_wait3A_305 : memref<1x16x1024xf32, #tpu.memory_space<hbm>> -> memref<16x1024xf32, #tpu.memory_space<hbm>>
    %dma_wait3A_307 = arith.constant 0 : i32
    %dma_wait3A_308 = tpu.memref_slice %arg2[%dma_wait3A_303, %add3A_233, %dma_wait3A_307] : memref<4x4096x1024xf32, #tpu.memory_space<hbm>> -> memref<1x16x1024xf32, #tpu.memory_space<hbm>>
    %dma_wait3A_309 = tpu.memref_squeeze %dma_wait3A_308 : memref<1x16x1024xf32, #tpu.memory_space<hbm>> -> memref<16x1024xf32, #tpu.memory_space<hbm>>
    tpu.wait_dma2 semaphore(%arg13 : memref<!tpu.dma_semaphore, #tpu.memory_space<semaphore_mem>>) src(%dma_wait3A_309 : memref<16x1024xf32, #tpu.memory_space<hbm>>) dst(%arg6 : memref<16x1024xf32, #tpu.memory_space<vmem>>)
    %add3A_310 = arith.constant 32 : i32
    %add3A_311 = arith.addi %mul3A_2, %add3A_310 : i32
    %dma_start3A_312 = arith.constant 1 : i32
    %dma_start3A_313 = arith.constant 0 : i32
    %dma_start3A_314 = tpu.memref_slice %arg2[%dma_start3A_312, %add3A_311, %dma_start3A_313] : memref<4x4096x1024xf32, #tpu.memory_space<hbm>> -> memref<1x16x1024xf32, #tpu.memory_space<hbm>>
    %dma_start3A_315 = tpu.memref_squeeze %dma_start3A_314 : memref<1x16x1024xf32, #tpu.memory_space<hbm>> -> memref<16x1024xf32, #tpu.memory_space<hbm>>
    %dma_start3A_316 = arith.constant 0 : i32
    %dma_start3A_317 = tpu.memref_slice %arg2[%dma_start3A_312, %add3A_311, %dma_start3A_316] : memref<4x4096x1024xf32, #tpu.memory_space<hbm>> -> memref<1x16x1024xf32, #tpu.memory_space<hbm>>
    %dma_start3A_318 = tpu.memref_squeeze %dma_start3A_317 : memref<1x16x1024xf32, #tpu.memory_space<hbm>> -> memref<16x1024xf32, #tpu.memory_space<hbm>>
    tpu.enqueue_dma source(%dma_start3A_318 : memref<16x1024xf32, #tpu.memory_space<hbm>>) target(%arg5 : memref<16x1024xf32, #tpu.memory_space<vmem>>) target_semaphore(%arg12 : memref<!tpu.dma_semaphore, #tpu.memory_space<semaphore_mem>>)
    %dma_wait3A_319 = arith.constant 1 : i32
    %dma_wait3A_320 = arith.constant 0 : i32
    %dma_wait3A_321 = tpu.memref_slice %arg4[%dma_wait3A_319, %add3A_256, %dma_wait3A_320] : memref<4x4096x1024xf32, #tpu.memory_space<hbm>> -> memref<1x16x1024xf32, #tpu.memory_space<hbm>>
    %dma_wait3A_322 = tpu.memref_squeeze %dma_wait3A_321 : memref<1x16x1024xf32, #tpu.memory_space<hbm>> -> memref<16x1024xf32, #tpu.memory_space<hbm>>
    %dma_wait3A_323 = arith.constant 0 : i32
    %dma_wait3A_324 = tpu.memref_slice %arg4[%dma_wait3A_319, %add3A_256, %dma_wait3A_323] : memref<4x4096x1024xf32, #tpu.memory_space<hbm>> -> memref<1x16x1024xf32, #tpu.memory_space<hbm>>
    %dma_wait3A_325 = tpu.memref_squeeze %dma_wait3A_324 : memref<1x16x1024xf32, #tpu.memory_space<hbm>> -> memref<16x1024xf32, #tpu.memory_space<hbm>>
    tpu.wait_dma2 semaphore(%arg16 : memref<!tpu.dma_semaphore, #tpu.memory_space<semaphore_mem>>) src(%arg9 : memref<16x1024xf32, #tpu.memory_space<vmem>>) dst(%dma_wait3A_325 : memref<16x1024xf32, #tpu.memory_space<hbm>>)
    %scan3A_326 = arith.constant 0 : i32
    %scan3A_327 = arith.constant 0 : i32
    %scan3A_328 = arith.constant 16 : i32
    %scan3A_329 = arith.addi %scan3A_327, %scan3A_328 : i32
    %scan3A_330 = arith.constant 1 : i32
    %scan3A_331 = scf.for %scan3A_1328 = %scan3A_327 to %scan3A_329 step %scan3A_330 iter_args(%scan3A_1329 = %scan3A_326) -> (i32)  : i32 {
      %parallel_loop3A = arith.constant 0 : i32
      %parallel_loop3A_1330 = arith.constant 1024 : i32
      %parallel_loop3A_1331 = arith.constant 16 : i32
      scf.for %parallel_loop3A_1333 = %parallel_loop3A to %parallel_loop3A_1330 step %parallel_loop3A_1331  : i32 {
        %parallel_loop3A_1334 = arith.index_cast %scan3A_1328 : i32 to index
        %parallel_loop3A_1335 = arith.index_cast %parallel_loop3A_1333 : i32 to index
        %parallel_loop3A_1336 = tpu.vector_load %arg6[%parallel_loop3A_1334, %parallel_loop3A_1335] {strides = array<i32>} : memref<16x1024xf32, #tpu.memory_space<vmem>>, vector<1x16xf32>,
        %parallel_loop3A_1337 = vector.shape_cast %parallel_loop3A_1336 : vector<1x16xf32> to vector<16xf32>
        %parallel_loop3A_1338 = arith.index_cast %scan3A_1328 : i32 to index
        %parallel_loop3A_1339 = arith.index_cast %parallel_loop3A_1333 : i32 to index
        %parallel_loop3A_1340 = tpu.vector_load %arg11[%parallel_loop3A_1338, %parallel_loop3A_1339] {strides = array<i32>} : memref<16x1024xf32, #tpu.memory_space<vmem>>, vector<1x16xf32>,
        %parallel_loop3A_1341 = vector.shape_cast %parallel_loop3A_1340 : vector<1x16xf32> to vector<16xf32>
        %parallel_loop3A_1342 = arith.addf %parallel_loop3A_1337, %parallel_loop3A_1341 : vector<16xf32>
        %parallel_loop3A_1343 = arith.index_cast %scan3A_1328 : i32 to index
        %parallel_loop3A_1344 = arith.index_cast %parallel_loop3A_1333 : i32 to index
        %parallel_loop3A_1345 = tpu.vector_load %arg9[%parallel_loop3A_1343, %parallel_loop3A_1344] {strides = array<i32>} : memref<16x1024xf32, #tpu.memory_space<vmem>>, vector<1x16xf32>,
        %parallel_loop3A_1346 = vector.shape_cast %parallel_loop3A_1345 : vector<1x16xf32> to vector<16xf32>
        %parallel_loop3A_1347 = vector.shape_cast %parallel_loop3A_1342 : vector<16xf32> to vector<1x16xf32>
        tpu.vector_store %arg9[%parallel_loop3A_1343, %parallel_loop3A_1344], %parallel_loop3A_1347 {strides = array<i32>} : memref<16x1024xf32, #tpu.memory_space<vmem>>, vector<1x16xf32>,
      } {sc.loop_unroll_factor = 4 : i64, sc.parallel_access}
      %scan3A_1332 = arith.constant 0 : i32
      scf.yield %scan3A_1332 : i32
    }
    %scan3A_332 = arith.constant 16 : i32
    %add3A_333 = arith.constant 16 : i32
    %add3A_334 = arith.addi %mul3A_2, %add3A_333 : i32
    %dma_start3A_335 = arith.constant 3 : i32
    %dma_start3A_336 = arith.constant 0 : i32
    %dma_start3A_337 = tpu.memref_slice %arg4[%dma_start3A_335, %add3A_334, %dma_start3A_336] : memref<4x4096x1024xf32, #tpu.memory_space<hbm>> -> memref<1x16x1024xf32, #tpu.memory_space<hbm>>
    %dma_start3A_338 = tpu.memref_squeeze %dma_start3A_337 : memref<1x16x1024xf32, #tpu.memory_space<hbm>> -> memref<16x1024xf32, #tpu.memory_space<hbm>>
    %dma_start3A_339 = arith.constant 0 : i32
    %dma_start3A_340 = tpu.memref_slice %arg4[%dma_start3A_335, %add3A_334, %dma_start3A_339] : memref<4x4096x1024xf32, #tpu.memory_space<hbm>> -> memref<1x16x1024xf32, #tpu.memory_space<hbm>>
    %dma_start3A_341 = tpu.memref_squeeze %dma_start3A_340 : memref<1x16x1024xf32, #tpu.memory_space<hbm>> -> memref<16x1024xf32, #tpu.memory_space<hbm>>
    tpu.enqueue_dma source(%arg9 : memref<16x1024xf32, #tpu.memory_space<vmem>>) target(%dma_start3A_341 : memref<16x1024xf32, #tpu.memory_space<hbm>>) target_semaphore(%arg16 : memref<!tpu.dma_semaphore, #tpu.memory_space<semaphore_mem>>)
    %dma_wait3A_342 = arith.constant 0 : i32
    %dma_wait3A_343 = arith.constant 0 : i32
    %dma_wait3A_344 = tpu.memref_slice %arg2[%dma_wait3A_342, %add3A_272, %dma_wait3A_343] : memref<4x4096x1024xf32, #tpu.memory_space<hbm>> -> memref<1x16x1024xf32, #tpu.memory_space<hbm>>
    %dma_wait3A_345 = tpu.memref_squeeze %dma_wait3A_344 : memref<1x16x1024xf32, #tpu.memory_space<hbm>> -> memref<16x1024xf32, #tpu.memory_space<hbm>>
    %dma_wait3A_346 = arith.constant 0 : i32
    %dma_wait3A_347 = tpu.memref_slice %arg2[%dma_wait3A_342, %add3A_272, %dma_wait3A_346] : memref<4x4096x1024xf32, #tpu.memory_space<hbm>> -> memref<1x16x1024xf32, #tpu.memory_space<hbm>>
    %dma_wait3A_348 = tpu.memref_squeeze %dma_wait3A_347 : memref<1x16x1024xf32, #tpu.memory_space<hbm>> -> memref<16x1024xf32, #tpu.memory_space<hbm>>
    tpu.wait_dma2 semaphore(%arg14 : memref<!tpu.dma_semaphore, #tpu.memory_space<semaphore_mem>>) src(%dma_wait3A_348 : memref<16x1024xf32, #tpu.memory_space<hbm>>) dst(%arg7 : memref<16x1024xf32, #tpu.memory_space<vmem>>)
    %dma_wait3A_349 = arith.constant 0 : i32
    %dma_wait3A_350 = tpu.memref_slice %arg3[%add3A_188, %dma_wait3A_349] : memref<8192x1024xf32, #tpu.memory_space<hbm>> -> memref<16x1024xf32, #tpu.memory_space<hbm>>
    %dma_wait3A_351 = arith.constant 0 : i32
    %dma_wait3A_352 = tpu.memref_slice %arg3[%add3A_188, %dma_wait3A_351] : memref<8192x1024xf32, #tpu.memory_space<hbm>> -> memref<16x1024xf32, #tpu.memory_space<hbm>>
    tpu.wait_dma2 semaphore(%arg17 : memref<!tpu.dma_semaphore, #tpu.memory_space<semaphore_mem>>) src(%dma_wait3A_352 : memref<16x1024xf32, #tpu.memory_space<hbm>>) dst(%arg10 : memref<16x1024xf32, #tpu.memory_space<vmem>>)
    %add3A_353 = arith.constant 48 : i32
    %add3A_354 = arith.addi %mul3A_2, %add3A_353 : i32
    %dma_start3A_355 = arith.constant 0 : i32
    %dma_start3A_356 = tpu.memref_slice %arg3[%add3A_354, %dma_start3A_355] : memref<8192x1024xf32, #tpu.memory_space<hbm>> -> memref<16x1024xf32, #tpu.memory_space<hbm>>
    %dma_start3A_357 = arith.constant 0 : i32
    %dma_start3A_358 = tpu.memref_slice %arg3[%add3A_354, %dma_start3A_357] : memref<8192x1024xf32, #tpu.memory_space<hbm>> -> memref<16x1024xf32, #tpu.memory_space<hbm>>
    tpu.enqueue_dma source(%dma_start3A_358 : memref<16x1024xf32, #tpu.memory_space<hbm>>) target(%arg11 : memref<16x1024xf32, #tpu.memory_space<vmem>>) target_semaphore(%arg18 : memref<!tpu.dma_semaphore, #tpu.memory_space<semaphore_mem>>)
    %add3A_359 = arith.constant 32 : i32
    %add3A_360 = arith.addi %mul3A_2, %add3A_359 : i32
    %dma_start3A_361 = arith.constant 2 : i32
    %dma_start3A_362 = arith.constant 0 : i32
    %dma_start3A_363 = tpu.memref_slice %arg2[%dma_start3A_361, %add3A_360, %dma_start3A_362] : memref<4x4096x1024xf32, #tpu.memory_space<hbm>> -> memref<1x16x1024xf32, #tpu.memory_space<hbm>>
    %dma_start3A_364 = tpu.memref_squeeze %dma_start3A_363 : memref<1x16x1024xf32, #tpu.memory_space<hbm>> -> memref<16x1024xf32, #tpu.memory_space<hbm>>
    %dma_start3A_365 = arith.constant 0 : i32
    %dma_start3A_366 = tpu.memref_slice %arg2[%dma_start3A_361, %add3A_360, %dma_start3A_365] : memref<4x4096x1024xf32, #tpu.memory_space<hbm>> -> memref<1x16x1024xf32, #tpu.memory_space<hbm>>
    %dma_start3A_367 = tpu.memref_squeeze %dma_start3A_366 : memref<1x16x1024xf32, #tpu.memory_space<hbm>> -> memref<16x1024xf32, #tpu.memory_space<hbm>>
    tpu.enqueue_dma source(%dma_start3A_367 : memref<16x1024xf32, #tpu.memory_space<hbm>>) target(%arg6 : memref<16x1024xf32, #tpu.memory_space<vmem>>) target_semaphore(%arg13 : memref<!tpu.dma_semaphore, #tpu.memory_space<semaphore_mem>>)
    %dma_wait3A_368 = arith.constant 2 : i32
    %dma_wait3A_369 = arith.constant 0 : i32
    %dma_wait3A_370 = tpu.memref_slice %arg4[%dma_wait3A_368, %add3A_295, %dma_wait3A_369] : memref<4x4096x1024xf32, #tpu.memory_space<hbm>> -> memref<1x16x1024xf32, #tpu.memory_space<hbm>>
    %dma_wait3A_371 = tpu.memref_squeeze %dma_wait3A_370 : memref<1x16x1024xf32, #tpu.memory_space<hbm>> -> memref<16x1024xf32, #tpu.memory_space<hbm>>
    %dma_wait3A_372 = arith.constant 0 : i32
    %dma_wait3A_373 = tpu.memref_slice %arg4[%dma_wait3A_368, %add3A_295, %dma_wait3A_372] : memref<4x4096x1024xf32, #tpu.memory_space<hbm>> -> memref<1x16x1024xf32, #tpu.memory_space<hbm>>
    %dma_wait3A_374 = tpu.memref_squeeze %dma_wait3A_373 : memref<1x16x1024xf32, #tpu.memory_space<hbm>> -> memref<16x1024xf32, #tpu.memory_space<hbm>>
    tpu.wait_dma2 semaphore(%arg15 : memref<!tpu.dma_semaphore, #tpu.memory_space<semaphore_mem>>) src(%arg8 : memref<16x1024xf32, #tpu.memory_space<vmem>>) dst(%dma_wait3A_374 : memref<16x1024xf32, #tpu.memory_space<hbm>>)
    %scan3A_375 = arith.constant 0 : i32
    %scan3A_376 = arith.constant 0 : i32
    %scan3A_377 = arith.constant 16 : i32
    %scan3A_378 = arith.addi %scan3A_376, %scan3A_377 : i32
    %scan3A_379 = arith.constant 1 : i32
    %scan3A_380 = scf.for %scan3A_1328 = %scan3A_376 to %scan3A_378 step %scan3A_379 iter_args(%scan3A_1329 = %scan3A_375) -> (i32)  : i32 {
      %parallel_loop3A = arith.constant 0 : i32
      %parallel_loop3A_1330 = arith.constant 1024 : i32
      %parallel_loop3A_1331 = arith.constant 16 : i32
      scf.for %parallel_loop3A_1333 = %parallel_loop3A to %parallel_loop3A_1330 step %parallel_loop3A_1331  : i32 {
        %parallel_loop3A_1334 = arith.index_cast %scan3A_1328 : i32 to index
        %parallel_loop3A_1335 = arith.index_cast %parallel_loop3A_1333 : i32 to index
        %parallel_loop3A_1336 = tpu.vector_load %arg7[%parallel_loop3A_1334, %parallel_loop3A_1335] {strides = array<i32>} : memref<16x1024xf32, #tpu.memory_space<vmem>>, vector<1x16xf32>,
        %parallel_loop3A_1337 = vector.shape_cast %parallel_loop3A_1336 : vector<1x16xf32> to vector<16xf32>
        %parallel_loop3A_1338 = arith.index_cast %scan3A_1328 : i32 to index
        %parallel_loop3A_1339 = arith.index_cast %parallel_loop3A_1333 : i32 to index
        %parallel_loop3A_1340 = tpu.vector_load %arg10[%parallel_loop3A_1338, %parallel_loop3A_1339] {strides = array<i32>} : memref<16x1024xf32, #tpu.memory_space<vmem>>, vector<1x16xf32>,
        %parallel_loop3A_1341 = vector.shape_cast %parallel_loop3A_1340 : vector<1x16xf32> to vector<16xf32>
        %parallel_loop3A_1342 = arith.addf %parallel_loop3A_1337, %parallel_loop3A_1341 : vector<16xf32>
        %parallel_loop3A_1343 = arith.index_cast %scan3A_1328 : i32 to index
        %parallel_loop3A_1344 = arith.index_cast %parallel_loop3A_1333 : i32 to index
        %parallel_loop3A_1345 = tpu.vector_load %arg8[%parallel_loop3A_1343, %parallel_loop3A_1344] {strides = array<i32>} : memref<16x1024xf32, #tpu.memory_space<vmem>>, vector<1x16xf32>,
        %parallel_loop3A_1346 = vector.shape_cast %parallel_loop3A_1345 : vector<1x16xf32> to vector<16xf32>
        %parallel_loop3A_1347 = vector.shape_cast %parallel_loop3A_1342 : vector<16xf32> to vector<1x16xf32>
        tpu.vector_store %arg8[%parallel_loop3A_1343, %parallel_loop3A_1344], %parallel_loop3A_1347 {strides = array<i32>} : memref<16x1024xf32, #tpu.memory_space<vmem>>, vector<1x16xf32>,
      } {sc.loop_unroll_factor = 4 : i64, sc.parallel_access}
      %scan3A_1332 = arith.constant 0 : i32
      scf.yield %scan3A_1332 : i32
    }
    %scan3A_381 = arith.constant 16 : i32
    %add3A_382 = arith.constant 32 : i32
    %add3A_383 = arith.addi %mul3A_2, %add3A_382 : i32
    %dma_start3A_384 = arith.constant 0 : i32
    %dma_start3A_385 = arith.constant 0 : i32
    %dma_start3A_386 = tpu.memref_slice %arg4[%dma_start3A_384, %add3A_383, %dma_start3A_385] : memref<4x4096x1024xf32, #tpu.memory_space<hbm>> -> memref<1x16x1024xf32, #tpu.memory_space<hbm>>
    %dma_start3A_387 = tpu.memref_squeeze %dma_start3A_386 : memref<1x16x1024xf32, #tpu.memory_space<hbm>> -> memref<16x1024xf32, #tpu.memory_space<hbm>>
    %dma_start3A_388 = arith.constant 0 : i32
    %dma_start3A_389 = tpu.memref_slice %arg4[%dma_start3A_384, %add3A_383, %dma_start3A_388] : memref<4x4096x1024xf32, #tpu.memory_space<hbm>> -> memref<1x16x1024xf32, #tpu.memory_space<hbm>>
    %dma_start3A_390 = tpu.memref_squeeze %dma_start3A_389 : memref<1x16x1024xf32, #tpu.memory_space<hbm>> -> memref<16x1024xf32, #tpu.memory_space<hbm>>
    tpu.enqueue_dma source(%arg8 : memref<16x1024xf32, #tpu.memory_space<vmem>>) target(%dma_start3A_390 : memref<16x1024xf32, #tpu.memory_space<hbm>>) target_semaphore(%arg15 : memref<!tpu.dma_semaphore, #tpu.memory_space<semaphore_mem>>)
    %dma_wait3A_391 = arith.constant 1 : i32
    %dma_wait3A_392 = arith.constant 0 : i32
    %dma_wait3A_393 = tpu.memref_slice %arg2[%dma_wait3A_391, %add3A_311, %dma_wait3A_392] : memref<4x4096x1024xf32, #tpu.memory_space<hbm>> -> memref<1x16x1024xf32, #tpu.memory_space<hbm>>
    %dma_wait3A_394 = tpu.memref_squeeze %dma_wait3A_393 : memref<1x16x1024xf32, #tpu.memory_space<hbm>> -> memref<16x1024xf32, #tpu.memory_space<hbm>>
    %dma_wait3A_395 = arith.constant 0 : i32
    %dma_wait3A_396 = tpu.memref_slice %arg2[%dma_wait3A_391, %add3A_311, %dma_wait3A_395] : memref<4x4096x1024xf32, #tpu.memory_space<hbm>> -> memref<1x16x1024xf32, #tpu.memory_space<hbm>>
    %dma_wait3A_397 = tpu.memref_squeeze %dma_wait3A_396 : memref<1x16x1024xf32, #tpu.memory_space<hbm>> -> memref<16x1024xf32, #tpu.memory_space<hbm>>
    tpu.wait_dma2 semaphore(%arg12 : memref<!tpu.dma_semaphore, #tpu.memory_space<semaphore_mem>>) src(%dma_wait3A_397 : memref<16x1024xf32, #tpu.memory_space<hbm>>) dst(%arg5 : memref<16x1024xf32, #tpu.memory_space<vmem>>)
    %add3A_398 = arith.constant 32 : i32
    %add3A_399 = arith.addi %mul3A_2, %add3A_398 : i32
    %dma_start3A_400 = arith.constant 3 : i32
    %dma_start3A_401 = arith.constant 0 : i32
    %dma_start3A_402 = tpu.memref_slice %arg2[%dma_start3A_400, %add3A_399, %dma_start3A_401] : memref<4x4096x1024xf32, #tpu.memory_space<hbm>> -> memref<1x16x1024xf32, #tpu.memory_space<hbm>>
    %dma_start3A_403 = tpu.memref_squeeze %dma_start3A_402 : memref<1x16x1024xf32, #tpu.memory_space<hbm>> -> memref<16x1024xf32, #tpu.memory_space<hbm>>
    %dma_start3A_404 = arith.constant 0 : i32
    %dma_start3A_405 = tpu.memref_slice %arg2[%dma_start3A_400, %add3A_399, %dma_start3A_404] : memref<4x4096x1024xf32, #tpu.memory_space<hbm>> -> memref<1x16x1024xf32, #tpu.memory_space<hbm>>
    %dma_start3A_406 = tpu.memref_squeeze %dma_start3A_405 : memref<1x16x1024xf32, #tpu.memory_space<hbm>> -> memref<16x1024xf32, #tpu.memory_space<hbm>>
    tpu.enqueue_dma source(%dma_start3A_406 : memref<16x1024xf32, #tpu.memory_space<hbm>>) target(%arg7 : memref<16x1024xf32, #tpu.memory_space<vmem>>) target_semaphore(%arg14 : memref<!tpu.dma_semaphore, #tpu.memory_space<semaphore_mem>>)
    %dma_wait3A_407 = arith.constant 3 : i32
    %dma_wait3A_408 = arith.constant 0 : i32
    %dma_wait3A_409 = tpu.memref_slice %arg4[%dma_wait3A_407, %add3A_334, %dma_wait3A_408] : memref<4x4096x1024xf32, #tpu.memory_space<hbm>> -> memref<1x16x1024xf32, #tpu.memory_space<hbm>>
    %dma_wait3A_410 = tpu.memref_squeeze %dma_wait3A_409 : memref<1x16x1024xf32, #tpu.memory_space<hbm>> -> memref<16x1024xf32, #tpu.memory_space<hbm>>
    %dma_wait3A_411 = arith.constant 0 : i32
    %dma_wait3A_412 = tpu.memref_slice %arg4[%dma_wait3A_407, %add3A_334, %dma_wait3A_411] : memref<4x4096x1024xf32, #tpu.memory_space<hbm>> -> memref<1x16x1024xf32, #tpu.memory_space<hbm>>
    %dma_wait3A_413 = tpu.memref_squeeze %dma_wait3A_412 : memref<1x16x1024xf32, #tpu.memory_space<hbm>> -> memref<16x1024xf32, #tpu.memory_space<hbm>>
    tpu.wait_dma2 semaphore(%arg16 : memref<!tpu.dma_semaphore, #tpu.memory_space<semaphore_mem>>) src(%arg9 : memref<16x1024xf32, #tpu.memory_space<vmem>>) dst(%dma_wait3A_413 : memref<16x1024xf32, #tpu.memory_space<hbm>>)
    %scan3A_414 = arith.constant 0 : i32
    %scan3A_415 = arith.constant 0 : i32
    %scan3A_416 = arith.constant 16 : i32
    %scan3A_417 = arith.addi %scan3A_415, %scan3A_416 : i32
    %scan3A_418 = arith.constant 1 : i32
    %scan3A_419 = scf.for %scan3A_1328 = %scan3A_415 to %scan3A_417 step %scan3A_418 iter_args(%scan3A_1329 = %scan3A_414) -> (i32)  : i32 {
      %parallel_loop3A = arith.constant 0 : i32
      %parallel_loop3A_1330 = arith.constant 1024 : i32
      %parallel_loop3A_1331 = arith.constant 16 : i32
      scf.for %parallel_loop3A_1333 = %parallel_loop3A to %parallel_loop3A_1330 step %parallel_loop3A_1331  : i32 {
        %parallel_loop3A_1334 = arith.index_cast %scan3A_1328 : i32 to index
        %parallel_loop3A_1335 = arith.index_cast %parallel_loop3A_1333 : i32 to index
        %parallel_loop3A_1336 = tpu.vector_load %arg5[%parallel_loop3A_1334, %parallel_loop3A_1335] {strides = array<i32>} : memref<16x1024xf32, #tpu.memory_space<vmem>>, vector<1x16xf32>,
        %parallel_loop3A_1337 = vector.shape_cast %parallel_loop3A_1336 : vector<1x16xf32> to vector<16xf32>
        %parallel_loop3A_1338 = arith.index_cast %scan3A_1328 : i32 to index
        %parallel_loop3A_1339 = arith.index_cast %parallel_loop3A_1333 : i32 to index
        %parallel_loop3A_1340 = tpu.vector_load %arg10[%parallel_loop3A_1338, %parallel_loop3A_1339] {strides = array<i32>} : memref<16x1024xf32, #tpu.memory_space<vmem>>, vector<1x16xf32>,
        %parallel_loop3A_1341 = vector.shape_cast %parallel_loop3A_1340 : vector<1x16xf32> to vector<16xf32>
        %parallel_loop3A_1342 = arith.addf %parallel_loop3A_1337, %parallel_loop3A_1341 : vector<16xf32>
        %parallel_loop3A_1343 = arith.index_cast %scan3A_1328 : i32 to index
        %parallel_loop3A_1344 = arith.index_cast %parallel_loop3A_1333 : i32 to index
        %parallel_loop3A_1345 = tpu.vector_load %arg9[%parallel_loop3A_1343, %parallel_loop3A_1344] {strides = array<i32>} : memref<16x1024xf32, #tpu.memory_space<vmem>>, vector<1x16xf32>,
        %parallel_loop3A_1346 = vector.shape_cast %parallel_loop3A_1345 : vector<1x16xf32> to vector<16xf32>
        %parallel_loop3A_1347 = vector.shape_cast %parallel_loop3A_1342 : vector<16xf32> to vector<1x16xf32>
        tpu.vector_store %arg9[%parallel_loop3A_1343, %parallel_loop3A_1344], %parallel_loop3A_1347 {strides = array<i32>} : memref<16x1024xf32, #tpu.memory_space<vmem>>, vector<1x16xf32>,
      } {sc.loop_unroll_factor = 4 : i64, sc.parallel_access}
      %scan3A_1332 = arith.constant 0 : i32
      scf.yield %scan3A_1332 : i32
    }
    %scan3A_420 = arith.constant 16 : i32
    %add3A_421 = arith.constant 32 : i32
    %add3A_422 = arith.addi %mul3A_2, %add3A_421 : i32
    %dma_start3A_423 = arith.constant 1 : i32
    %dma_start3A_424 = arith.constant 0 : i32
    %dma_start3A_425 = tpu.memref_slice %arg4[%dma_start3A_423, %add3A_422, %dma_start3A_424] : memref<4x4096x1024xf32, #tpu.memory_space<hbm>> -> memref<1x16x1024xf32, #tpu.memory_space<hbm>>
    %dma_start3A_426 = tpu.memref_squeeze %dma_start3A_425 : memref<1x16x1024xf32, #tpu.memory_space<hbm>> -> memref<16x1024xf32, #tpu.memory_space<hbm>>
    %dma_start3A_427 = arith.constant 0 : i32
    %dma_start3A_428 = tpu.memref_slice %arg4[%dma_start3A_423, %add3A_422, %dma_start3A_427] : memref<4x4096x1024xf32, #tpu.memory_space<hbm>> -> memref<1x16x1024xf32, #tpu.memory_space<hbm>>
    %dma_start3A_429 = tpu.memref_squeeze %dma_start3A_428 : memref<1x16x1024xf32, #tpu.memory_space<hbm>> -> memref<16x1024xf32, #tpu.memory_space<hbm>>
    tpu.enqueue_dma source(%arg9 : memref<16x1024xf32, #tpu.memory_space<vmem>>) target(%dma_start3A_429 : memref<16x1024xf32, #tpu.memory_space<hbm>>) target_semaphore(%arg16 : memref<!tpu.dma_semaphore, #tpu.memory_space<semaphore_mem>>)
    %dma_wait3A_430 = arith.constant 2 : i32
    %dma_wait3A_431 = arith.constant 0 : i32
    %dma_wait3A_432 = tpu.memref_slice %arg2[%dma_wait3A_430, %add3A_360, %dma_wait3A_431] : memref<4x4096x1024xf32, #tpu.memory_space<hbm>> -> memref<1x16x1024xf32, #tpu.memory_space<hbm>>
    %dma_wait3A_433 = tpu.memref_squeeze %dma_wait3A_432 : memref<1x16x1024xf32, #tpu.memory_space<hbm>> -> memref<16x1024xf32, #tpu.memory_space<hbm>>
    %dma_wait3A_434 = arith.constant 0 : i32
    %dma_wait3A_435 = tpu.memref_slice %arg2[%dma_wait3A_430, %add3A_360, %dma_wait3A_434] : memref<4x4096x1024xf32, #tpu.memory_space<hbm>> -> memref<1x16x1024xf32, #tpu.memory_space<hbm>>
    %dma_wait3A_436 = tpu.memref_squeeze %dma_wait3A_435 : memref<1x16x1024xf32, #tpu.memory_space<hbm>> -> memref<16x1024xf32, #tpu.memory_space<hbm>>
    tpu.wait_dma2 semaphore(%arg13 : memref<!tpu.dma_semaphore, #tpu.memory_space<semaphore_mem>>) src(%dma_wait3A_436 : memref<16x1024xf32, #tpu.memory_space<hbm>>) dst(%arg6 : memref<16x1024xf32, #tpu.memory_space<vmem>>)
    %add3A_437 = arith.constant 48 : i32
    %add3A_438 = arith.addi %mul3A_2, %add3A_437 : i32
    %dma_start3A_439 = arith.constant 0 : i32
    %dma_start3A_440 = arith.constant 0 : i32
    %dma_start3A_441 = tpu.memref_slice %arg2[%dma_start3A_439, %add3A_438, %dma_start3A_440] : memref<4x4096x1024xf32, #tpu.memory_space<hbm>> -> memref<1x16x1024xf32, #tpu.memory_space<hbm>>
    %dma_start3A_442 = tpu.memref_squeeze %dma_start3A_441 : memref<1x16x1024xf32, #tpu.memory_space<hbm>> -> memref<16x1024xf32, #tpu.memory_space<hbm>>
    %dma_start3A_443 = arith.constant 0 : i32
    %dma_start3A_444 = tpu.memref_slice %arg2[%dma_start3A_439, %add3A_438, %dma_start3A_443] : memref<4x4096x1024xf32, #tpu.memory_space<hbm>> -> memref<1x16x1024xf32, #tpu.memory_space<hbm>>
    %dma_start3A_445 = tpu.memref_squeeze %dma_start3A_444 : memref<1x16x1024xf32, #tpu.memory_space<hbm>> -> memref<16x1024xf32, #tpu.memory_space<hbm>>
    tpu.enqueue_dma source(%dma_start3A_445 : memref<16x1024xf32, #tpu.memory_space<hbm>>) target(%arg5 : memref<16x1024xf32, #tpu.memory_space<vmem>>) target_semaphore(%arg12 : memref<!tpu.dma_semaphore, #tpu.memory_space<semaphore_mem>>)
    %dma_wait3A_446 = arith.constant 0 : i32
    %dma_wait3A_447 = arith.constant 0 : i32
    %dma_wait3A_448 = tpu.memref_slice %arg4[%dma_wait3A_446, %add3A_383, %dma_wait3A_447] : memref<4x4096x1024xf32, #tpu.memory_space<hbm>> -> memref<1x16x1024xf32, #tpu.memory_space<hbm>>
    %dma_wait3A_449 = tpu.memref_squeeze %dma_wait3A_448 : memref<1x16x1024xf32, #tpu.memory_space<hbm>> -> memref<16x1024xf32, #tpu.memory_space<hbm>>
    %dma_wait3A_450 = arith.constant 0 : i32
    %dma_wait3A_451 = tpu.memref_slice %arg4[%dma_wait3A_446, %add3A_383, %dma_wait3A_450] : memref<4x4096x1024xf32, #tpu.memory_space<hbm>> -> memref<1x16x1024xf32, #tpu.memory_space<hbm>>
    %dma_wait3A_452 = tpu.memref_squeeze %dma_wait3A_451 : memref<1x16x1024xf32, #tpu.memory_space<hbm>> -> memref<16x1024xf32, #tpu.memory_space<hbm>>
    tpu.wait_dma2 semaphore(%arg15 : memref<!tpu.dma_semaphore, #tpu.memory_space<semaphore_mem>>) src(%arg8 : memref<16x1024xf32, #tpu.memory_space<vmem>>) dst(%dma_wait3A_452 : memref<16x1024xf32, #tpu.memory_space<hbm>>)
    %scan3A_453 = arith.constant 0 : i32
    %scan3A_454 = arith.constant 0 : i32
    %scan3A_455 = arith.constant 16 : i32
    %scan3A_456 = arith.addi %scan3A_454, %scan3A_455 : i32
    %scan3A_457 = arith.constant 1 : i32
    %scan3A_458 = scf.for %scan3A_1328 = %scan3A_454 to %scan3A_456 step %scan3A_457 iter_args(%scan3A_1329 = %scan3A_453) -> (i32)  : i32 {
      %parallel_loop3A = arith.constant 0 : i32
      %parallel_loop3A_1330 = arith.constant 1024 : i32
      %parallel_loop3A_1331 = arith.constant 16 : i32
      scf.for %parallel_loop3A_1333 = %parallel_loop3A to %parallel_loop3A_1330 step %parallel_loop3A_1331  : i32 {
        %parallel_loop3A_1334 = arith.index_cast %scan3A_1328 : i32 to index
        %parallel_loop3A_1335 = arith.index_cast %parallel_loop3A_1333 : i32 to index
        %parallel_loop3A_1336 = tpu.vector_load %arg6[%parallel_loop3A_1334, %parallel_loop3A_1335] {strides = array<i32>} : memref<16x1024xf32, #tpu.memory_space<vmem>>, vector<1x16xf32>,
        %parallel_loop3A_1337 = vector.shape_cast %parallel_loop3A_1336 : vector<1x16xf32> to vector<16xf32>
        %parallel_loop3A_1338 = arith.index_cast %scan3A_1328 : i32 to index
        %parallel_loop3A_1339 = arith.index_cast %parallel_loop3A_1333 : i32 to index
        %parallel_loop3A_1340 = tpu.vector_load %arg10[%parallel_loop3A_1338, %parallel_loop3A_1339] {strides = array<i32>} : memref<16x1024xf32, #tpu.memory_space<vmem>>, vector<1x16xf32>,
        %parallel_loop3A_1341 = vector.shape_cast %parallel_loop3A_1340 : vector<1x16xf32> to vector<16xf32>
        %parallel_loop3A_1342 = arith.addf %parallel_loop3A_1337, %parallel_loop3A_1341 : vector<16xf32>
        %parallel_loop3A_1343 = arith.index_cast %scan3A_1328 : i32 to index
        %parallel_loop3A_1344 = arith.index_cast %parallel_loop3A_1333 : i32 to index
        %parallel_loop3A_1345 = tpu.vector_load %arg8[%parallel_loop3A_1343, %parallel_loop3A_1344] {strides = array<i32>} : memref<16x1024xf32, #tpu.memory_space<vmem>>, vector<1x16xf32>,
        %parallel_loop3A_1346 = vector.shape_cast %parallel_loop3A_1345 : vector<1x16xf32> to vector<16xf32>
        %parallel_loop3A_1347 = vector.shape_cast %parallel_loop3A_1342 : vector<16xf32> to vector<1x16xf32>
        tpu.vector_store %arg8[%parallel_loop3A_1343, %parallel_loop3A_1344], %parallel_loop3A_1347 {strides = array<i32>} : memref<16x1024xf32, #tpu.memory_space<vmem>>, vector<1x16xf32>,
      } {sc.loop_unroll_factor = 4 : i64, sc.parallel_access}
      %scan3A_1332 = arith.constant 0 : i32
      scf.yield %scan3A_1332 : i32
    }
    %scan3A_459 = arith.constant 16 : i32
    %add3A_460 = arith.constant 32 : i32
    %add3A_461 = arith.addi %mul3A_2, %add3A_460 : i32
    %dma_start3A_462 = arith.constant 2 : i32
    %dma_start3A_463 = arith.constant 0 : i32
    %dma_start3A_464 = tpu.memref_slice %arg4[%dma_start3A_462, %add3A_461, %dma_start3A_463] : memref<4x4096x1024xf32, #tpu.memory_space<hbm>> -> memref<1x16x1024xf32, #tpu.memory_space<hbm>>
    %dma_start3A_465 = tpu.memref_squeeze %dma_start3A_464 : memref<1x16x1024xf32, #tpu.memory_space<hbm>> -> memref<16x1024xf32, #tpu.memory_space<hbm>>
    %dma_start3A_466 = arith.constant 0 : i32
    %dma_start3A_467 = tpu.memref_slice %arg4[%dma_start3A_462, %add3A_461, %dma_start3A_466] : memref<4x4096x1024xf32, #tpu.memory_space<hbm>> -> memref<1x16x1024xf32, #tpu.memory_space<hbm>>
    %dma_start3A_468 = tpu.memref_squeeze %dma_start3A_467 : memref<1x16x1024xf32, #tpu.memory_space<hbm>> -> memref<16x1024xf32, #tpu.memory_space<hbm>>
    tpu.enqueue_dma source(%arg8 : memref<16x1024xf32, #tpu.memory_space<vmem>>) target(%dma_start3A_468 : memref<16x1024xf32, #tpu.memory_space<hbm>>) target_semaphore(%arg15 : memref<!tpu.dma_semaphore, #tpu.memory_space<semaphore_mem>>)
    %dma_wait3A_469 = arith.constant 3 : i32
    %dma_wait3A_470 = arith.constant 0 : i32
    %dma_wait3A_471 = tpu.memref_slice %arg2[%dma_wait3A_469, %add3A_399, %dma_wait3A_470] : memref<4x4096x1024xf32, #tpu.memory_space<hbm>> -> memref<1x16x1024xf32, #tpu.memory_space<hbm>>
    %dma_wait3A_472 = tpu.memref_squeeze %dma_wait3A_471 : memref<1x16x1024xf32, #tpu.memory_space<hbm>> -> memref<16x1024xf32, #tpu.memory_space<hbm>>
    %dma_wait3A_473 = arith.constant 0 : i32
    %dma_wait3A_474 = tpu.memref_slice %arg2[%dma_wait3A_469, %add3A_399, %dma_wait3A_473] : memref<4x4096x1024xf32, #tpu.memory_space<hbm>> -> memref<1x16x1024xf32, #tpu.memory_space<hbm>>
    %dma_wait3A_475 = tpu.memref_squeeze %dma_wait3A_474 : memref<1x16x1024xf32, #tpu.memory_space<hbm>> -> memref<16x1024xf32, #tpu.memory_space<hbm>>
    tpu.wait_dma2 semaphore(%arg14 : memref<!tpu.dma_semaphore, #tpu.memory_space<semaphore_mem>>) src(%dma_wait3A_475 : memref<16x1024xf32, #tpu.memory_space<hbm>>) dst(%arg7 : memref<16x1024xf32, #tpu.memory_space<vmem>>)
    %add3A_476 = arith.constant 48 : i32
    %add3A_477 = arith.addi %mul3A_2, %add3A_476 : i32
    %dma_start3A_478 = arith.constant 1 : i32
    %dma_start3A_479 = arith.constant 0 : i32
    %dma_start3A_480 = tpu.memref_slice %arg2[%dma_start3A_478, %add3A_477, %dma_start3A_479] : memref<4x4096x1024xf32, #tpu.memory_space<hbm>> -> memref<1x16x1024xf32, #tpu.memory_space<hbm>>
    %dma_start3A_481 = tpu.memref_squeeze %dma_start3A_480 : memref<1x16x1024xf32, #tpu.memory_space<hbm>> -> memref<16x1024xf32, #tpu.memory_space<hbm>>
    %dma_start3A_482 = arith.constant 0 : i32
    %dma_start3A_483 = tpu.memref_slice %arg2[%dma_start3A_478, %add3A_477, %dma_start3A_482] : memref<4x4096x1024xf32, #tpu.memory_space<hbm>> -> memref<1x16x1024xf32, #tpu.memory_space<hbm>>
    %dma_start3A_484 = tpu.memref_squeeze %dma_start3A_483 : memref<1x16x1024xf32, #tpu.memory_space<hbm>> -> memref<16x1024xf32, #tpu.memory_space<hbm>>
    tpu.enqueue_dma source(%dma_start3A_484 : memref<16x1024xf32, #tpu.memory_space<hbm>>) target(%arg6 : memref<16x1024xf32, #tpu.memory_space<vmem>>) target_semaphore(%arg13 : memref<!tpu.dma_semaphore, #tpu.memory_space<semaphore_mem>>)
    %dma_wait3A_485 = arith.constant 1 : i32
    %dma_wait3A_486 = arith.constant 0 : i32
    %dma_wait3A_487 = tpu.memref_slice %arg4[%dma_wait3A_485, %add3A_422, %dma_wait3A_486] : memref<4x4096x1024xf32, #tpu.memory_space<hbm>> -> memref<1x16x1024xf32, #tpu.memory_space<hbm>>
    %dma_wait3A_488 = tpu.memref_squeeze %dma_wait3A_487 : memref<1x16x1024xf32, #tpu.memory_space<hbm>> -> memref<16x1024xf32, #tpu.memory_space<hbm>>
    %dma_wait3A_489 = arith.constant 0 : i32
    %dma_wait3A_490 = tpu.memref_slice %arg4[%dma_wait3A_485, %add3A_422, %dma_wait3A_489] : memref<4x4096x1024xf32, #tpu.memory_space<hbm>> -> memref<1x16x1024xf32, #tpu.memory_space<hbm>>
    %dma_wait3A_491 = tpu.memref_squeeze %dma_wait3A_490 : memref<1x16x1024xf32, #tpu.memory_space<hbm>> -> memref<16x1024xf32, #tpu.memory_space<hbm>>
    tpu.wait_dma2 semaphore(%arg16 : memref<!tpu.dma_semaphore, #tpu.memory_space<semaphore_mem>>) src(%arg9 : memref<16x1024xf32, #tpu.memory_space<vmem>>) dst(%dma_wait3A_491 : memref<16x1024xf32, #tpu.memory_space<hbm>>)
    %scan3A_492 = arith.constant 0 : i32
    %scan3A_493 = arith.constant 0 : i32
    %scan3A_494 = arith.constant 16 : i32
    %scan3A_495 = arith.addi %scan3A_493, %scan3A_494 : i32
    %scan3A_496 = arith.constant 1 : i32
    %scan3A_497 = scf.for %scan3A_1328 = %scan3A_493 to %scan3A_495 step %scan3A_496 iter_args(%scan3A_1329 = %scan3A_492) -> (i32)  : i32 {
      %parallel_loop3A = arith.constant 0 : i32
      %parallel_loop3A_1330 = arith.constant 1024 : i32
      %parallel_loop3A_1331 = arith.constant 16 : i32
      scf.for %parallel_loop3A_1333 = %parallel_loop3A to %parallel_loop3A_1330 step %parallel_loop3A_1331  : i32 {
        %parallel_loop3A_1334 = arith.index_cast %scan3A_1328 : i32 to index
        %parallel_loop3A_1335 = arith.index_cast %parallel_loop3A_1333 : i32 to index
        %parallel_loop3A_1336 = tpu.vector_load %arg7[%parallel_loop3A_1334, %parallel_loop3A_1335] {strides = array<i32>} : memref<16x1024xf32, #tpu.memory_space<vmem>>, vector<1x16xf32>,
        %parallel_loop3A_1337 = vector.shape_cast %parallel_loop3A_1336 : vector<1x16xf32> to vector<16xf32>
        %parallel_loop3A_1338 = arith.index_cast %scan3A_1328 : i32 to index
        %parallel_loop3A_1339 = arith.index_cast %parallel_loop3A_1333 : i32 to index
        %parallel_loop3A_1340 = tpu.vector_load %arg10[%parallel_loop3A_1338, %parallel_loop3A_1339] {strides = array<i32>} : memref<16x1024xf32, #tpu.memory_space<vmem>>, vector<1x16xf32>,
        %parallel_loop3A_1341 = vector.shape_cast %parallel_loop3A_1340 : vector<1x16xf32> to vector<16xf32>
        %parallel_loop3A_1342 = arith.addf %parallel_loop3A_1337, %parallel_loop3A_1341 : vector<16xf32>
        %parallel_loop3A_1343 = arith.index_cast %scan3A_1328 : i32 to index
        %parallel_loop3A_1344 = arith.index_cast %parallel_loop3A_1333 : i32 to index
        %parallel_loop3A_1345 = tpu.vector_load %arg9[%parallel_loop3A_1343, %parallel_loop3A_1344] {strides = array<i32>} : memref<16x1024xf32, #tpu.memory_space<vmem>>, vector<1x16xf32>,
        %parallel_loop3A_1346 = vector.shape_cast %parallel_loop3A_1345 : vector<1x16xf32> to vector<16xf32>
        %parallel_loop3A_1347 = vector.shape_cast %parallel_loop3A_1342 : vector<16xf32> to vector<1x16xf32>
        tpu.vector_store %arg9[%parallel_loop3A_1343, %parallel_loop3A_1344], %parallel_loop3A_1347 {strides = array<i32>} : memref<16x1024xf32, #tpu.memory_space<vmem>>, vector<1x16xf32>,
      } {sc.loop_unroll_factor = 4 : i64, sc.parallel_access}
      %scan3A_1332 = arith.constant 0 : i32
      scf.yield %scan3A_1332 : i32
    }
    %scan3A_498 = arith.constant 16 : i32
    %add3A_499 = arith.constant 32 : i32
    %add3A_500 = arith.addi %mul3A_2, %add3A_499 : i32
    %dma_start3A_501 = arith.constant 3 : i32
    %dma_start3A_502 = arith.constant 0 : i32
    %dma_start3A_503 = tpu.memref_slice %arg4[%dma_start3A_501, %add3A_500, %dma_start3A_502] : memref<4x4096x1024xf32, #tpu.memory_space<hbm>> -> memref<1x16x1024xf32, #tpu.memory_space<hbm>>
    %dma_start3A_504 = tpu.memref_squeeze %dma_start3A_503 : memref<1x16x1024xf32, #tpu.memory_space<hbm>> -> memref<16x1024xf32, #tpu.memory_space<hbm>>
    %dma_start3A_505 = arith.constant 0 : i32
    %dma_start3A_506 = tpu.memref_slice %arg4[%dma_start3A_501, %add3A_500, %dma_start3A_505] : memref<4x4096x1024xf32, #tpu.memory_space<hbm>> -> memref<1x16x1024xf32, #tpu.memory_space<hbm>>
    %dma_start3A_507 = tpu.memref_squeeze %dma_start3A_506 : memref<1x16x1024xf32, #tpu.memory_space<hbm>> -> memref<16x1024xf32, #tpu.memory_space<hbm>>
    tpu.enqueue_dma source(%arg9 : memref<16x1024xf32, #tpu.memory_space<vmem>>) target(%dma_start3A_507 : memref<16x1024xf32, #tpu.memory_space<hbm>>) target_semaphore(%arg16 : memref<!tpu.dma_semaphore, #tpu.memory_space<semaphore_mem>>)
    %dma_wait3A_508 = arith.constant 0 : i32
    %dma_wait3A_509 = arith.constant 0 : i32
    %dma_wait3A_510 = tpu.memref_slice %arg2[%dma_wait3A_508, %add3A_438, %dma_wait3A_509] : memref<4x4096x1024xf32, #tpu.memory_space<hbm>> -> memref<1x16x1024xf32, #tpu.memory_space<hbm>>
    %dma_wait3A_511 = tpu.memref_squeeze %dma_wait3A_510 : memref<1x16x1024xf32, #tpu.memory_space<hbm>> -> memref<16x1024xf32, #tpu.memory_space<hbm>>
    %dma_wait3A_512 = arith.constant 0 : i32
    %dma_wait3A_513 = tpu.memref_slice %arg2[%dma_wait3A_508, %add3A_438, %dma_wait3A_512] : memref<4x4096x1024xf32, #tpu.memory_space<hbm>> -> memref<1x16x1024xf32, #tpu.memory_space<hbm>>
    %dma_wait3A_514 = tpu.memref_squeeze %dma_wait3A_513 : memref<1x16x1024xf32, #tpu.memory_space<hbm>> -> memref<16x1024xf32, #tpu.memory_space<hbm>>
    tpu.wait_dma2 semaphore(%arg12 : memref<!tpu.dma_semaphore, #tpu.memory_space<semaphore_mem>>) src(%dma_wait3A_514 : memref<16x1024xf32, #tpu.memory_space<hbm>>) dst(%arg5 : memref<16x1024xf32, #tpu.memory_space<vmem>>)
    %dma_wait3A_515 = arith.constant 0 : i32
    %dma_wait3A_516 = tpu.memref_slice %arg3[%add3A_354, %dma_wait3A_515] : memref<8192x1024xf32, #tpu.memory_space<hbm>> -> memref<16x1024xf32, #tpu.memory_space<hbm>>
    %dma_wait3A_517 = arith.constant 0 : i32
    %dma_wait3A_518 = tpu.memref_slice %arg3[%add3A_354, %dma_wait3A_517] : memref<8192x1024xf32, #tpu.memory_space<hbm>> -> memref<16x1024xf32, #tpu.memory_space<hbm>>
    tpu.wait_dma2 semaphore(%arg18 : memref<!tpu.dma_semaphore, #tpu.memory_space<semaphore_mem>>) src(%dma_wait3A_518 : memref<16x1024xf32, #tpu.memory_space<hbm>>) dst(%arg11 : memref<16x1024xf32, #tpu.memory_space<vmem>>)
    %add3A_519 = arith.constant 64 : i32
    %add3A_520 = arith.addi %mul3A_2, %add3A_519 : i32
    %dma_start3A_521 = arith.constant 0 : i32
    %dma_start3A_522 = tpu.memref_slice %arg3[%add3A_520, %dma_start3A_521] : memref<8192x1024xf32, #tpu.memory_space<hbm>> -> memref<16x1024xf32, #tpu.memory_space<hbm>>
    %dma_start3A_523 = arith.constant 0 : i32
    %dma_start3A_524 = tpu.memref_slice %arg3[%add3A_520, %dma_start3A_523] : memref<8192x1024xf32, #tpu.memory_space<hbm>> -> memref<16x1024xf32, #tpu.memory_space<hbm>>
    tpu.enqueue_dma source(%dma_start3A_524 : memref<16x1024xf32, #tpu.memory_space<hbm>>) target(%arg10 : memref<16x1024xf32, #tpu.memory_space<vmem>>) target_semaphore(%arg17 : memref<!tpu.dma_semaphore, #tpu.memory_space<semaphore_mem>>)
    %add3A_525 = arith.constant 48 : i32
    %add3A_526 = arith.addi %mul3A_2, %add3A_525 : i32
    %dma_start3A_527 = arith.constant 2 : i32
    %dma_start3A_528 = arith.constant 0 : i32
    %dma_start3A_529 = tpu.memref_slice %arg2[%dma_start3A_527, %add3A_526, %dma_start3A_528] : memref<4x4096x1024xf32, #tpu.memory_space<hbm>> -> memref<1x16x1024xf32, #tpu.memory_space<hbm>>
    %dma_start3A_530 = tpu.memref_squeeze %dma_start3A_529 : memref<1x16x1024xf32, #tpu.memory_space<hbm>> -> memref<16x1024xf32, #tpu.memory_space<hbm>>
    %dma_start3A_531 = arith.constant 0 : i32
    %dma_start3A_532 = tpu.memref_slice %arg2[%dma_start3A_527, %add3A_526, %dma_start3A_531] : memref<4x4096x1024xf32, #tpu.memory_space<hbm>> -> memref<1x16x1024xf32, #tpu.memory_space<hbm>>
    %dma_start3A_533 = tpu.memref_squeeze %dma_start3A_532 : memref<1x16x1024xf32, #tpu.memory_space<hbm>> -> memref<16x1024xf32, #tpu.memory_space<hbm>>
    tpu.enqueue_dma source(%dma_start3A_533 : memref<16x1024xf32, #tpu.memory_space<hbm>>) target(%arg7 : memref<16x1024xf32, #tpu.memory_space<vmem>>) target_semaphore(%arg14 : memref<!tpu.dma_semaphore, #tpu.memory_space<semaphore_mem>>)
    %dma_wait3A_534 = arith.constant 2 : i32
    %dma_wait3A_535 = arith.constant 0 : i32
    %dma_wait3A_536 = tpu.memref_slice %arg4[%dma_wait3A_534, %add3A_461, %dma_wait3A_535] : memref<4x4096x1024xf32, #tpu.memory_space<hbm>> -> memref<1x16x1024xf32, #tpu.memory_space<hbm>>
    %dma_wait3A_537 = tpu.memref_squeeze %dma_wait3A_536 : memref<1x16x1024xf32, #tpu.memory_space<hbm>> -> memref<16x1024xf32, #tpu.memory_space<hbm>>
    %dma_wait3A_538 = arith.constant 0 : i32
    %dma_wait3A_539 = tpu.memref_slice %arg4[%dma_wait3A_534, %add3A_461, %dma_wait3A_538] : memref<4x4096x1024xf32, #tpu.memory_space<hbm>> -> memref<1x16x1024xf32, #tpu.memory_space<hbm>>
    %dma_wait3A_540 = tpu.memref_squeeze %dma_wait3A_539 : memref<1x16x1024xf32, #tpu.memory_space<hbm>> -> memref<16x1024xf32, #tpu.memory_space<hbm>>
    tpu.wait_dma2 semaphore(%arg15 : memref<!tpu.dma_semaphore, #tpu.memory_space<semaphore_mem>>) src(%arg8 : memref<16x1024xf32, #tpu.memory_space<vmem>>) dst(%dma_wait3A_540 : memref<16x1024xf32, #tpu.memory_space<hbm>>)
    %scan3A_541 = arith.constant 0 : i32
    %scan3A_542 = arith.constant 0 : i32
    %scan3A_543 = arith.constant 16 : i32
    %scan3A_544 = arith.addi %scan3A_542, %scan3A_543 : i32
    %scan3A_545 = arith.constant 1 : i32
    %scan3A_546 = scf.for %scan3A_1328 = %scan3A_542 to %scan3A_544 step %scan3A_545 iter_args(%scan3A_1329 = %scan3A_541) -> (i32)  : i32 {
      %parallel_loop3A = arith.constant 0 : i32
      %parallel_loop3A_1330 = arith.constant 1024 : i32
      %parallel_loop3A_1331 = arith.constant 16 : i32
      scf.for %parallel_loop3A_1333 = %parallel_loop3A to %parallel_loop3A_1330 step %parallel_loop3A_1331  : i32 {
        %parallel_loop3A_1334 = arith.index_cast %scan3A_1328 : i32 to index
        %parallel_loop3A_1335 = arith.index_cast %parallel_loop3A_1333 : i32 to index
        %parallel_loop3A_1336 = tpu.vector_load %arg5[%parallel_loop3A_1334, %parallel_loop3A_1335] {strides = array<i32>} : memref<16x1024xf32, #tpu.memory_space<vmem>>, vector<1x16xf32>,
        %parallel_loop3A_1337 = vector.shape_cast %parallel_loop3A_1336 : vector<1x16xf32> to vector<16xf32>
        %parallel_loop3A_1338 = arith.index_cast %scan3A_1328 : i32 to index
        %parallel_loop3A_1339 = arith.index_cast %parallel_loop3A_1333 : i32 to index
        %parallel_loop3A_1340 = tpu.vector_load %arg11[%parallel_loop3A_1338, %parallel_loop3A_1339] {strides = array<i32>} : memref<16x1024xf32, #tpu.memory_space<vmem>>, vector<1x16xf32>,
        %parallel_loop3A_1341 = vector.shape_cast %parallel_loop3A_1340 : vector<1x16xf32> to vector<16xf32>
        %parallel_loop3A_1342 = arith.addf %parallel_loop3A_1337, %parallel_loop3A_1341 : vector<16xf32>
        %parallel_loop3A_1343 = arith.index_cast %scan3A_1328 : i32 to index
        %parallel_loop3A_1344 = arith.index_cast %parallel_loop3A_1333 : i32 to index
        %parallel_loop3A_1345 = tpu.vector_load %arg8[%parallel_loop3A_1343, %parallel_loop3A_1344] {strides = array<i32>} : memref<16x1024xf32, #tpu.memory_space<vmem>>, vector<1x16xf32>,
        %parallel_loop3A_1346 = vector.shape_cast %parallel_loop3A_1345 : vector<1x16xf32> to vector<16xf32>
        %parallel_loop3A_1347 = vector.shape_cast %parallel_loop3A_1342 : vector<16xf32> to vector<1x16xf32>
        tpu.vector_store %arg8[%parallel_loop3A_1343, %parallel_loop3A_1344], %parallel_loop3A_1347 {strides = array<i32>} : memref<16x1024xf32, #tpu.memory_space<vmem>>, vector<1x16xf32>,
      } {sc.loop_unroll_factor = 4 : i64, sc.parallel_access}
      %scan3A_1332 = arith.constant 0 : i32
      scf.yield %scan3A_1332 : i32
    }
    %scan3A_547 = arith.constant 16 : i32
    %add3A_548 = arith.constant 48 : i32
    %add3A_549 = arith.addi %mul3A_2, %add3A_548 : i32
    %dma_start3A_550 = arith.constant 0 : i32
    %dma_start3A_551 = arith.constant 0 : i32
    %dma_start3A_552 = tpu.memref_slice %arg4[%dma_start3A_550, %add3A_549, %dma_start3A_551] : memref<4x4096x1024xf32, #tpu.memory_space<hbm>> -> memref<1x16x1024xf32, #tpu.memory_space<hbm>>
    %dma_start3A_553 = tpu.memref_squeeze %dma_start3A_552 : memref<1x16x1024xf32, #tpu.memory_space<hbm>> -> memref<16x1024xf32, #tpu.memory_space<hbm>>
    %dma_start3A_554 = arith.constant 0 : i32
    %dma_start3A_555 = tpu.memref_slice %arg4[%dma_start3A_550, %add3A_549, %dma_start3A_554] : memref<4x4096x1024xf32, #tpu.memory_space<hbm>> -> memref<1x16x1024xf32, #tpu.memory_space<hbm>>
    %dma_start3A_556 = tpu.memref_squeeze %dma_start3A_555 : memref<1x16x1024xf32, #tpu.memory_space<hbm>> -> memref<16x1024xf32, #tpu.memory_space<hbm>>
    tpu.enqueue_dma source(%arg8 : memref<16x1024xf32, #tpu.memory_space<vmem>>) target(%dma_start3A_556 : memref<16x1024xf32, #tpu.memory_space<hbm>>) target_semaphore(%arg15 : memref<!tpu.dma_semaphore, #tpu.memory_space<semaphore_mem>>)
    %dma_wait3A_557 = arith.constant 1 : i32
    %dma_wait3A_558 = arith.constant 0 : i32
    %dma_wait3A_559 = tpu.memref_slice %arg2[%dma_wait3A_557, %add3A_477, %dma_wait3A_558] : memref<4x4096x1024xf32, #tpu.memory_space<hbm>> -> memref<1x16x1024xf32, #tpu.memory_space<hbm>>
    %dma_wait3A_560 = tpu.memref_squeeze %dma_wait3A_559 : memref<1x16x1024xf32, #tpu.memory_space<hbm>> -> memref<16x1024xf32, #tpu.memory_space<hbm>>
    %dma_wait3A_561 = arith.constant 0 : i32
    %dma_wait3A_562 = tpu.memref_slice %arg2[%dma_wait3A_557, %add3A_477, %dma_wait3A_561] : memref<4x4096x1024xf32, #tpu.memory_space<hbm>> -> memref<1x16x1024xf32, #tpu.memory_space<hbm>>
    %dma_wait3A_563 = tpu.memref_squeeze %dma_wait3A_562 : memref<1x16x1024xf32, #tpu.memory_space<hbm>> -> memref<16x1024xf32, #tpu.memory_space<hbm>>
    tpu.wait_dma2 semaphore(%arg13 : memref<!tpu.dma_semaphore, #tpu.memory_space<semaphore_mem>>) src(%dma_wait3A_563 : memref<16x1024xf32, #tpu.memory_space<hbm>>) dst(%arg6 : memref<16x1024xf32, #tpu.memory_space<vmem>>)
    %add3A_564 = arith.constant 48 : i32
    %add3A_565 = arith.addi %mul3A_2, %add3A_564 : i32
    %dma_start3A_566 = arith.constant 3 : i32
    %dma_start3A_567 = arith.constant 0 : i32
    %dma_start3A_568 = tpu.memref_slice %arg2[%dma_start3A_566, %add3A_565, %dma_start3A_567] : memref<4x4096x1024xf32, #tpu.memory_space<hbm>> -> memref<1x16x1024xf32, #tpu.memory_space<hbm>>
    %dma_start3A_569 = tpu.memref_squeeze %dma_start3A_568 : memref<1x16x1024xf32, #tpu.memory_space<hbm>> -> memref<16x1024xf32, #tpu.memory_space<hbm>>
    %dma_start3A_570 = arith.constant 0 : i32
    %dma_start3A_571 = tpu.memref_slice %arg2[%dma_start3A_566, %add3A_565, %dma_start3A_570] : memref<4x4096x1024xf32, #tpu.memory_space<hbm>> -> memref<1x16x1024xf32, #tpu.memory_space<hbm>>
    %dma_start3A_572 = tpu.memref_squeeze %dma_start3A_571 : memref<1x16x1024xf32, #tpu.memory_space<hbm>> -> memref<16x1024xf32, #tpu.memory_space<hbm>>
    tpu.enqueue_dma source(%dma_start3A_572 : memref<16x1024xf32, #tpu.memory_space<hbm>>) target(%arg5 : memref<16x1024xf32, #tpu.memory_space<vmem>>) target_semaphore(%arg12 : memref<!tpu.dma_semaphore, #tpu.memory_space<semaphore_mem>>)
    %dma_wait3A_573 = arith.constant 3 : i32
    %dma_wait3A_574 = arith.constant 0 : i32
    %dma_wait3A_575 = tpu.memref_slice %arg4[%dma_wait3A_573, %add3A_500, %dma_wait3A_574] : memref<4x4096x1024xf32, #tpu.memory_space<hbm>> -> memref<1x16x1024xf32, #tpu.memory_space<hbm>>
    %dma_wait3A_576 = tpu.memref_squeeze %dma_wait3A_575 : memref<1x16x1024xf32, #tpu.memory_space<hbm>> -> memref<16x1024xf32, #tpu.memory_space<hbm>>
    %dma_wait3A_577 = arith.constant 0 : i32
    %dma_wait3A_578 = tpu.memref_slice %arg4[%dma_wait3A_573, %add3A_500, %dma_wait3A_577] : memref<4x4096x1024xf32, #tpu.memory_space<hbm>> -> memref<1x16x1024xf32, #tpu.memory_space<hbm>>
    %dma_wait3A_579 = tpu.memref_squeeze %dma_wait3A_578 : memref<1x16x1024xf32, #tpu.memory_space<hbm>> -> memref<16x1024xf32, #tpu.memory_space<hbm>>
    tpu.wait_dma2 semaphore(%arg16 : memref<!tpu.dma_semaphore, #tpu.memory_space<semaphore_mem>>) src(%arg9 : memref<16x1024xf32, #tpu.memory_space<vmem>>) dst(%dma_wait3A_579 : memref<16x1024xf32, #tpu.memory_space<hbm>>)
    %scan3A_580 = arith.constant 0 : i32
    %scan3A_581 = arith.constant 0 : i32
    %scan3A_582 = arith.constant 16 : i32
    %scan3A_583 = arith.addi %scan3A_581, %scan3A_582 : i32
    %scan3A_584 = arith.constant 1 : i32
    %scan3A_585 = scf.for %scan3A_1328 = %scan3A_581 to %scan3A_583 step %scan3A_584 iter_args(%scan3A_1329 = %scan3A_580) -> (i32)  : i32 {
      %parallel_loop3A = arith.constant 0 : i32
      %parallel_loop3A_1330 = arith.constant 1024 : i32
      %parallel_loop3A_1331 = arith.constant 16 : i32
      scf.for %parallel_loop3A_1333 = %parallel_loop3A to %parallel_loop3A_1330 step %parallel_loop3A_1331  : i32 {
        %parallel_loop3A_1334 = arith.index_cast %scan3A_1328 : i32 to index
        %parallel_loop3A_1335 = arith.index_cast %parallel_loop3A_1333 : i32 to index
        %parallel_loop3A_1336 = tpu.vector_load %arg6[%parallel_loop3A_1334, %parallel_loop3A_1335] {strides = array<i32>} : memref<16x1024xf32, #tpu.memory_space<vmem>>, vector<1x16xf32>,
        %parallel_loop3A_1337 = vector.shape_cast %parallel_loop3A_1336 : vector<1x16xf32> to vector<16xf32>
        %parallel_loop3A_1338 = arith.index_cast %scan3A_1328 : i32 to index
        %parallel_loop3A_1339 = arith.index_cast %parallel_loop3A_1333 : i32 to index
        %parallel_loop3A_1340 = tpu.vector_load %arg11[%parallel_loop3A_1338, %parallel_loop3A_1339] {strides = array<i32>} : memref<16x1024xf32, #tpu.memory_space<vmem>>, vector<1x16xf32>,
        %parallel_loop3A_1341 = vector.shape_cast %parallel_loop3A_1340 : vector<1x16xf32> to vector<16xf32>
        %parallel_loop3A_1342 = arith.addf %parallel_loop3A_1337, %parallel_loop3A_1341 : vector<16xf32>
        %parallel_loop3A_1343 = arith.index_cast %scan3A_1328 : i32 to index
        %parallel_loop3A_1344 = arith.index_cast %parallel_loop3A_1333 : i32 to index
        %parallel_loop3A_1345 = tpu.vector_load %arg9[%parallel_loop3A_1343, %parallel_loop3A_1344] {strides = array<i32>} : memref<16x1024xf32, #tpu.memory_space<vmem>>, vector<1x16xf32>,
        %parallel_loop3A_1346 = vector.shape_cast %parallel_loop3A_1345 : vector<1x16xf32> to vector<16xf32>
        %parallel_loop3A_1347 = vector.shape_cast %parallel_loop3A_1342 : vector<16xf32> to vector<1x16xf32>
        tpu.vector_store %arg9[%parallel_loop3A_1343, %parallel_loop3A_1344], %parallel_loop3A_1347 {strides = array<i32>} : memref<16x1024xf32, #tpu.memory_space<vmem>>, vector<1x16xf32>,
      } {sc.loop_unroll_factor = 4 : i64, sc.parallel_access}
      %scan3A_1332 = arith.constant 0 : i32
      scf.yield %scan3A_1332 : i32
    }
    %scan3A_586 = arith.constant 16 : i32
    %add3A_587 = arith.constant 48 : i32
    %add3A_588 = arith.addi %mul3A_2, %add3A_587 : i32
    %dma_start3A_589 = arith.constant 1 : i32
    %dma_start3A_590 = arith.constant 0 : i32
    %dma_start3A_591 = tpu.memref_slice %arg4[%dma_start3A_589, %add3A_588, %dma_start3A_590] : memref<4x4096x1024xf32, #tpu.memory_space<hbm>> -> memref<1x16x1024xf32, #tpu.memory_space<hbm>>
    %dma_start3A_592 = tpu.memref_squeeze %dma_start3A_591 : memref<1x16x1024xf32, #tpu.memory_space<hbm>> -> memref<16x1024xf32, #tpu.memory_space<hbm>>
    %dma_start3A_593 = arith.constant 0 : i32
    %dma_start3A_594 = tpu.memref_slice %arg4[%dma_start3A_589, %add3A_588, %dma_start3A_593] : memref<4x4096x1024xf32, #tpu.memory_space<hbm>> -> memref<1x16x1024xf32, #tpu.memory_space<hbm>>
    %dma_start3A_595 = tpu.memref_squeeze %dma_start3A_594 : memref<1x16x1024xf32, #tpu.memory_space<hbm>> -> memref<16x1024xf32, #tpu.memory_space<hbm>>
    tpu.enqueue_dma source(%arg9 : memref<16x1024xf32, #tpu.memory_space<vmem>>) target(%dma_start3A_595 : memref<16x1024xf32, #tpu.memory_space<hbm>>) target_semaphore(%arg16 : memref<!tpu.dma_semaphore, #tpu.memory_space<semaphore_mem>>)
    %dma_wait3A_596 = arith.constant 2 : i32
    %dma_wait3A_597 = arith.constant 0 : i32
    %dma_wait3A_598 = tpu.memref_slice %arg2[%dma_wait3A_596, %add3A_526, %dma_wait3A_597] : memref<4x4096x1024xf32, #tpu.memory_space<hbm>> -> memref<1x16x1024xf32, #tpu.memory_space<hbm>>
    %dma_wait3A_599 = tpu.memref_squeeze %dma_wait3A_598 : memref<1x16x1024xf32, #tpu.memory_space<hbm>> -> memref<16x1024xf32, #tpu.memory_space<hbm>>
    %dma_wait3A_600 = arith.constant 0 : i32
    %dma_wait3A_601 = tpu.memref_slice %arg2[%dma_wait3A_596, %add3A_526, %dma_wait3A_600] : memref<4x4096x1024xf32, #tpu.memory_space<hbm>> -> memref<1x16x1024xf32, #tpu.memory_space<hbm>>
    %dma_wait3A_602 = tpu.memref_squeeze %dma_wait3A_601 : memref<1x16x1024xf32, #tpu.memory_space<hbm>> -> memref<16x1024xf32, #tpu.memory_space<hbm>>
    tpu.wait_dma2 semaphore(%arg14 : memref<!tpu.dma_semaphore, #tpu.memory_space<semaphore_mem>>) src(%dma_wait3A_602 : memref<16x1024xf32, #tpu.memory_space<hbm>>) dst(%arg7 : memref<16x1024xf32, #tpu.memory_space<vmem>>)
    %add3A_603 = arith.constant 64 : i32
    %add3A_604 = arith.addi %mul3A_2, %add3A_603 : i32
    %dma_start3A_605 = arith.constant 0 : i32
    %dma_start3A_606 = arith.constant 0 : i32
    %dma_start3A_607 = tpu.memref_slice %arg2[%dma_start3A_605, %add3A_604, %dma_start3A_606] : memref<4x4096x1024xf32, #tpu.memory_space<hbm>> -> memref<1x16x1024xf32, #tpu.memory_space<hbm>>
    %dma_start3A_608 = tpu.memref_squeeze %dma_start3A_607 : memref<1x16x1024xf32, #tpu.memory_space<hbm>> -> memref<16x1024xf32, #tpu.memory_space<hbm>>
    %dma_start3A_609 = arith.constant 0 : i32
    %dma_start3A_610 = tpu.memref_slice %arg2[%dma_start3A_605, %add3A_604, %dma_start3A_609] : memref<4x4096x1024xf32, #tpu.memory_space<hbm>> -> memref<1x16x1024xf32, #tpu.memory_space<hbm>>
    %dma_start3A_611 = tpu.memref_squeeze %dma_start3A_610 : memref<1x16x1024xf32, #tpu.memory_space<hbm>> -> memref<16x1024xf32, #tpu.memory_space<hbm>>
    tpu.enqueue_dma source(%dma_start3A_611 : memref<16x1024xf32, #tpu.memory_space<hbm>>) target(%arg6 : memref<16x1024xf32, #tpu.memory_space<vmem>>) target_semaphore(%arg13 : memref<!tpu.dma_semaphore, #tpu.memory_space<semaphore_mem>>)
    %dma_wait3A_612 = arith.constant 0 : i32
    %dma_wait3A_613 = arith.constant 0 : i32
    %dma_wait3A_614 = tpu.memref_slice %arg4[%dma_wait3A_612, %add3A_549, %dma_wait3A_613] : memref<4x4096x1024xf32, #tpu.memory_space<hbm>> -> memref<1x16x1024xf32, #tpu.memory_space<hbm>>
    %dma_wait3A_615 = tpu.memref_squeeze %dma_wait3A_614 : memref<1x16x1024xf32, #tpu.memory_space<hbm>> -> memref<16x1024xf32, #tpu.memory_space<hbm>>
    %dma_wait3A_616 = arith.constant 0 : i32
    %dma_wait3A_617 = tpu.memref_slice %arg4[%dma_wait3A_612, %add3A_549, %dma_wait3A_616] : memref<4x4096x1024xf32, #tpu.memory_space<hbm>> -> memref<1x16x1024xf32, #tpu.memory_space<hbm>>
    %dma_wait3A_618 = tpu.memref_squeeze %dma_wait3A_617 : memref<1x16x1024xf32, #tpu.memory_space<hbm>> -> memref<16x1024xf32, #tpu.memory_space<hbm>>
    tpu.wait_dma2 semaphore(%arg15 : memref<!tpu.dma_semaphore, #tpu.memory_space<semaphore_mem>>) src(%arg8 : memref<16x1024xf32, #tpu.memory_space<vmem>>) dst(%dma_wait3A_618 : memref<16x1024xf32, #tpu.memory_space<hbm>>)
    %scan3A_619 = arith.constant 0 : i32
    %scan3A_620 = arith.constant 0 : i32
    %scan3A_621 = arith.constant 16 : i32
    %scan3A_622 = arith.addi %scan3A_620, %scan3A_621 : i32
    %scan3A_623 = arith.constant 1 : i32
    %scan3A_624 = scf.for %scan3A_1328 = %scan3A_620 to %scan3A_622 step %scan3A_623 iter_args(%scan3A_1329 = %scan3A_619) -> (i32)  : i32 {
      %parallel_loop3A = arith.constant 0 : i32
      %parallel_loop3A_1330 = arith.constant 1024 : i32
      %parallel_loop3A_1331 = arith.constant 16 : i32
      scf.for %parallel_loop3A_1333 = %parallel_loop3A to %parallel_loop3A_1330 step %parallel_loop3A_1331  : i32 {
        %parallel_loop3A_1334 = arith.index_cast %scan3A_1328 : i32 to index
        %parallel_loop3A_1335 = arith.index_cast %parallel_loop3A_1333 : i32 to index
        %parallel_loop3A_1336 = tpu.vector_load %arg7[%parallel_loop3A_1334, %parallel_loop3A_1335] {strides = array<i32>} : memref<16x1024xf32, #tpu.memory_space<vmem>>, vector<1x16xf32>,
        %parallel_loop3A_1337 = vector.shape_cast %parallel_loop3A_1336 : vector<1x16xf32> to vector<16xf32>
        %parallel_loop3A_1338 = arith.index_cast %scan3A_1328 : i32 to index
        %parallel_loop3A_1339 = arith.index_cast %parallel_loop3A_1333 : i32 to index
        %parallel_loop3A_1340 = tpu.vector_load %arg11[%parallel_loop3A_1338, %parallel_loop3A_1339] {strides = array<i32>} : memref<16x1024xf32, #tpu.memory_space<vmem>>, vector<1x16xf32>,
        %parallel_loop3A_1341 = vector.shape_cast %parallel_loop3A_1340 : vector<1x16xf32> to vector<16xf32>
        %parallel_loop3A_1342 = arith.addf %parallel_loop3A_1337, %parallel_loop3A_1341 : vector<16xf32>
        %parallel_loop3A_1343 = arith.index_cast %scan3A_1328 : i32 to index
        %parallel_loop3A_1344 = arith.index_cast %parallel_loop3A_1333 : i32 to index
        %parallel_loop3A_1345 = tpu.vector_load %arg8[%parallel_loop3A_1343, %parallel_loop3A_1344] {strides = array<i32>} : memref<16x1024xf32, #tpu.memory_space<vmem>>, vector<1x16xf32>,
        %parallel_loop3A_1346 = vector.shape_cast %parallel_loop3A_1345 : vector<1x16xf32> to vector<16xf32>
        %parallel_loop3A_1347 = vector.shape_cast %parallel_loop3A_1342 : vector<16xf32> to vector<1x16xf32>
        tpu.vector_store %arg8[%parallel_loop3A_1343, %parallel_loop3A_1344], %parallel_loop3A_1347 {strides = array<i32>} : memref<16x1024xf32, #tpu.memory_space<vmem>>, vector<1x16xf32>,
      } {sc.loop_unroll_factor = 4 : i64, sc.parallel_access}
      %scan3A_1332 = arith.constant 0 : i32
      scf.yield %scan3A_1332 : i32
    }
    %scan3A_625 = arith.constant 16 : i32
    %add3A_626 = arith.constant 48 : i32
    %add3A_627 = arith.addi %mul3A_2, %add3A_626 : i32
    %dma_start3A_628 = arith.constant 2 : i32
    %dma_start3A_629 = arith.constant 0 : i32
    %dma_start3A_630 = tpu.memref_slice %arg4[%dma_start3A_628, %add3A_627, %dma_start3A_629] : memref<4x4096x1024xf32, #tpu.memory_space<hbm>> -> memref<1x16x1024xf32, #tpu.memory_space<hbm>>
    %dma_start3A_631 = tpu.memref_squeeze %dma_start3A_630 : memref<1x16x1024xf32, #tpu.memory_space<hbm>> -> memref<16x1024xf32, #tpu.memory_space<hbm>>
    %dma_start3A_632 = arith.constant 0 : i32
    %dma_start3A_633 = tpu.memref_slice %arg4[%dma_start3A_628, %add3A_627, %dma_start3A_632] : memref<4x4096x1024xf32, #tpu.memory_space<hbm>> -> memref<1x16x1024xf32, #tpu.memory_space<hbm>>
    %dma_start3A_634 = tpu.memref_squeeze %dma_start3A_633 : memref<1x16x1024xf32, #tpu.memory_space<hbm>> -> memref<16x1024xf32, #tpu.memory_space<hbm>>
    tpu.enqueue_dma source(%arg8 : memref<16x1024xf32, #tpu.memory_space<vmem>>) target(%dma_start3A_634 : memref<16x1024xf32, #tpu.memory_space<hbm>>) target_semaphore(%arg15 : memref<!tpu.dma_semaphore, #tpu.memory_space<semaphore_mem>>)
    %dma_wait3A_635 = arith.constant 3 : i32
    %dma_wait3A_636 = arith.constant 0 : i32
    %dma_wait3A_637 = tpu.memref_slice %arg2[%dma_wait3A_635, %add3A_565, %dma_wait3A_636] : memref<4x4096x1024xf32, #tpu.memory_space<hbm>> -> memref<1x16x1024xf32, #tpu.memory_space<hbm>>
    %dma_wait3A_638 = tpu.memref_squeeze %dma_wait3A_637 : memref<1x16x1024xf32, #tpu.memory_space<hbm>> -> memref<16x1024xf32, #tpu.memory_space<hbm>>
    %dma_wait3A_639 = arith.constant 0 : i32
    %dma_wait3A_640 = tpu.memref_slice %arg2[%dma_wait3A_635, %add3A_565, %dma_wait3A_639] : memref<4x4096x1024xf32, #tpu.memory_space<hbm>> -> memref<1x16x1024xf32, #tpu.memory_space<hbm>>
    %dma_wait3A_641 = tpu.memref_squeeze %dma_wait3A_640 : memref<1x16x1024xf32, #tpu.memory_space<hbm>> -> memref<16x1024xf32, #tpu.memory_space<hbm>>
    tpu.wait_dma2 semaphore(%arg12 : memref<!tpu.dma_semaphore, #tpu.memory_space<semaphore_mem>>) src(%dma_wait3A_641 : memref<16x1024xf32, #tpu.memory_space<hbm>>) dst(%arg5 : memref<16x1024xf32, #tpu.memory_space<vmem>>)
    %add3A_642 = arith.constant 64 : i32
    %add3A_643 = arith.addi %mul3A_2, %add3A_642 : i32
    %dma_start3A_644 = arith.constant 1 : i32
    %dma_start3A_645 = arith.constant 0 : i32
    %dma_start3A_646 = tpu.memref_slice %arg2[%dma_start3A_644, %add3A_643, %dma_start3A_645] : memref<4x4096x1024xf32, #tpu.memory_space<hbm>> -> memref<1x16x1024xf32, #tpu.memory_space<hbm>>
    %dma_start3A_647 = tpu.memref_squeeze %dma_start3A_646 : memref<1x16x1024xf32, #tpu.memory_space<hbm>> -> memref<16x1024xf32, #tpu.memory_space<hbm>>
    %dma_start3A_648 = arith.constant 0 : i32
    %dma_start3A_649 = tpu.memref_slice %arg2[%dma_start3A_644, %add3A_643, %dma_start3A_648] : memref<4x4096x1024xf32, #tpu.memory_space<hbm>> -> memref<1x16x1024xf32, #tpu.memory_space<hbm>>
    %dma_start3A_650 = tpu.memref_squeeze %dma_start3A_649 : memref<1x16x1024xf32, #tpu.memory_space<hbm>> -> memref<16x1024xf32, #tpu.memory_space<hbm>>
    tpu.enqueue_dma source(%dma_start3A_650 : memref<16x1024xf32, #tpu.memory_space<hbm>>) target(%arg7 : memref<16x1024xf32, #tpu.memory_space<vmem>>) target_semaphore(%arg14 : memref<!tpu.dma_semaphore, #tpu.memory_space<semaphore_mem>>)
    %dma_wait3A_651 = arith.constant 1 : i32
    %dma_wait3A_652 = arith.constant 0 : i32
    %dma_wait3A_653 = tpu.memref_slice %arg4[%dma_wait3A_651, %add3A_588, %dma_wait3A_652] : memref<4x4096x1024xf32, #tpu.memory_space<hbm>> -> memref<1x16x1024xf32, #tpu.memory_space<hbm>>
    %dma_wait3A_654 = tpu.memref_squeeze %dma_wait3A_653 : memref<1x16x1024xf32, #tpu.memory_space<hbm>> -> memref<16x1024xf32, #tpu.memory_space<hbm>>
    %dma_wait3A_655 = arith.constant 0 : i32
    %dma_wait3A_656 = tpu.memref_slice %arg4[%dma_wait3A_651, %add3A_588, %dma_wait3A_655] : memref<4x4096x1024xf32, #tpu.memory_space<hbm>> -> memref<1x16x1024xf32, #tpu.memory_space<hbm>>
    %dma_wait3A_657 = tpu.memref_squeeze %dma_wait3A_656 : memref<1x16x1024xf32, #tpu.memory_space<hbm>> -> memref<16x1024xf32, #tpu.memory_space<hbm>>
    tpu.wait_dma2 semaphore(%arg16 : memref<!tpu.dma_semaphore, #tpu.memory_space<semaphore_mem>>) src(%arg9 : memref<16x1024xf32, #tpu.memory_space<vmem>>) dst(%dma_wait3A_657 : memref<16x1024xf32, #tpu.memory_space<hbm>>)
    %scan3A_658 = arith.constant 0 : i32
    %scan3A_659 = arith.constant 0 : i32
    %scan3A_660 = arith.constant 16 : i32
    %scan3A_661 = arith.addi %scan3A_659, %scan3A_660 : i32
    %scan3A_662 = arith.constant 1 : i32
    %scan3A_663 = scf.for %scan3A_1328 = %scan3A_659 to %scan3A_661 step %scan3A_662 iter_args(%scan3A_1329 = %scan3A_658) -> (i32)  : i32 {
      %parallel_loop3A = arith.constant 0 : i32
      %parallel_loop3A_1330 = arith.constant 1024 : i32
      %parallel_loop3A_1331 = arith.constant 16 : i32
      scf.for %parallel_loop3A_1333 = %parallel_loop3A to %parallel_loop3A_1330 step %parallel_loop3A_1331  : i32 {
        %parallel_loop3A_1334 = arith.index_cast %scan3A_1328 : i32 to index
        %parallel_loop3A_1335 = arith.index_cast %parallel_loop3A_1333 : i32 to index
        %parallel_loop3A_1336 = tpu.vector_load %arg5[%parallel_loop3A_1334, %parallel_loop3A_1335] {strides = array<i32>} : memref<16x1024xf32, #tpu.memory_space<vmem>>, vector<1x16xf32>,
        %parallel_loop3A_1337 = vector.shape_cast %parallel_loop3A_1336 : vector<1x16xf32> to vector<16xf32>
        %parallel_loop3A_1338 = arith.index_cast %scan3A_1328 : i32 to index
        %parallel_loop3A_1339 = arith.index_cast %parallel_loop3A_1333 : i32 to index
        %parallel_loop3A_1340 = tpu.vector_load %arg11[%parallel_loop3A_1338, %parallel_loop3A_1339] {strides = array<i32>} : memref<16x1024xf32, #tpu.memory_space<vmem>>, vector<1x16xf32>,
        %parallel_loop3A_1341 = vector.shape_cast %parallel_loop3A_1340 : vector<1x16xf32> to vector<16xf32>
        %parallel_loop3A_1342 = arith.addf %parallel_loop3A_1337, %parallel_loop3A_1341 : vector<16xf32>
        %parallel_loop3A_1343 = arith.index_cast %scan3A_1328 : i32 to index
        %parallel_loop3A_1344 = arith.index_cast %parallel_loop3A_1333 : i32 to index
        %parallel_loop3A_1345 = tpu.vector_load %arg9[%parallel_loop3A_1343, %parallel_loop3A_1344] {strides = array<i32>} : memref<16x1024xf32, #tpu.memory_space<vmem>>, vector<1x16xf32>,
        %parallel_loop3A_1346 = vector.shape_cast %parallel_loop3A_1345 : vector<1x16xf32> to vector<16xf32>
        %parallel_loop3A_1347 = vector.shape_cast %parallel_loop3A_1342 : vector<16xf32> to vector<1x16xf32>
        tpu.vector_store %arg9[%parallel_loop3A_1343, %parallel_loop3A_1344], %parallel_loop3A_1347 {strides = array<i32>} : memref<16x1024xf32, #tpu.memory_space<vmem>>, vector<1x16xf32>,
      } {sc.loop_unroll_factor = 4 : i64, sc.parallel_access}
      %scan3A_1332 = arith.constant 0 : i32
      scf.yield %scan3A_1332 : i32
    }
    %scan3A_664 = arith.constant 16 : i32
    %add3A_665 = arith.constant 48 : i32
    %add3A_666 = arith.addi %mul3A_2, %add3A_665 : i32
    %dma_start3A_667 = arith.constant 3 : i32
    %dma_start3A_668 = arith.constant 0 : i32
    %dma_start3A_669 = tpu.memref_slice %arg4[%dma_start3A_667, %add3A_666, %dma_start3A_668] : memref<4x4096x1024xf32, #tpu.memory_space<hbm>> -> memref<1x16x1024xf32, #tpu.memory_space<hbm>>
    %dma_start3A_670 = tpu.memref_squeeze %dma_start3A_669 : memref<1x16x1024xf32, #tpu.memory_space<hbm>> -> memref<16x1024xf32, #tpu.memory_space<hbm>>
    %dma_start3A_671 = arith.constant 0 : i32
    %dma_start3A_672 = tpu.memref_slice %arg4[%dma_start3A_667, %add3A_666, %dma_start3A_671] : memref<4x4096x1024xf32, #tpu.memory_space<hbm>> -> memref<1x16x1024xf32, #tpu.memory_space<hbm>>
    %dma_start3A_673 = tpu.memref_squeeze %dma_start3A_672 : memref<1x16x1024xf32, #tpu.memory_space<hbm>> -> memref<16x1024xf32, #tpu.memory_space<hbm>>
    tpu.enqueue_dma source(%arg9 : memref<16x1024xf32, #tpu.memory_space<vmem>>) target(%dma_start3A_673 : memref<16x1024xf32, #tpu.memory_space<hbm>>) target_semaphore(%arg16 : memref<!tpu.dma_semaphore, #tpu.memory_space<semaphore_mem>>)
    %dma_wait3A_674 = arith.constant 0 : i32
    %dma_wait3A_675 = arith.constant 0 : i32
    %dma_wait3A_676 = tpu.memref_slice %arg2[%dma_wait3A_674, %add3A_604, %dma_wait3A_675] : memref<4x4096x1024xf32, #tpu.memory_space<hbm>> -> memref<1x16x1024xf32, #tpu.memory_space<hbm>>
    %dma_wait3A_677 = tpu.memref_squeeze %dma_wait3A_676 : memref<1x16x1024xf32, #tpu.memory_space<hbm>> -> memref<16x1024xf32, #tpu.memory_space<hbm>>
    %dma_wait3A_678 = arith.constant 0 : i32
    %dma_wait3A_679 = tpu.memref_slice %arg2[%dma_wait3A_674, %add3A_604, %dma_wait3A_678] : memref<4x4096x1024xf32, #tpu.memory_space<hbm>> -> memref<1x16x1024xf32, #tpu.memory_space<hbm>>
    %dma_wait3A_680 = tpu.memref_squeeze %dma_wait3A_679 : memref<1x16x1024xf32, #tpu.memory_space<hbm>> -> memref<16x1024xf32, #tpu.memory_space<hbm>>
    tpu.wait_dma2 semaphore(%arg13 : memref<!tpu.dma_semaphore, #tpu.memory_space<semaphore_mem>>) src(%dma_wait3A_680 : memref<16x1024xf32, #tpu.memory_space<hbm>>) dst(%arg6 : memref<16x1024xf32, #tpu.memory_space<vmem>>)
    %dma_wait3A_681 = arith.constant 0 : i32
    %dma_wait3A_682 = tpu.memref_slice %arg3[%add3A_520, %dma_wait3A_681] : memref<8192x1024xf32, #tpu.memory_space<hbm>> -> memref<16x1024xf32, #tpu.memory_space<hbm>>
    %dma_wait3A_683 = arith.constant 0 : i32
    %dma_wait3A_684 = tpu.memref_slice %arg3[%add3A_520, %dma_wait3A_683] : memref<8192x1024xf32, #tpu.memory_space<hbm>> -> memref<16x1024xf32, #tpu.memory_space<hbm>>
    tpu.wait_dma2 semaphore(%arg17 : memref<!tpu.dma_semaphore, #tpu.memory_space<semaphore_mem>>) src(%dma_wait3A_684 : memref<16x1024xf32, #tpu.memory_space<hbm>>) dst(%arg10 : memref<16x1024xf32, #tpu.memory_space<vmem>>)
    %add3A_685 = arith.constant 80 : i32
    %add3A_686 = arith.addi %mul3A_2, %add3A_685 : i32
    %dma_start3A_687 = arith.constant 0 : i32
    %dma_start3A_688 = tpu.memref_slice %arg3[%add3A_686, %dma_start3A_687] : memref<8192x1024xf32, #tpu.memory_space<hbm>> -> memref<16x1024xf32, #tpu.memory_space<hbm>>
    %dma_start3A_689 = arith.constant 0 : i32
    %dma_start3A_690 = tpu.memref_slice %arg3[%add3A_686, %dma_start3A_689] : memref<8192x1024xf32, #tpu.memory_space<hbm>> -> memref<16x1024xf32, #tpu.memory_space<hbm>>
    tpu.enqueue_dma source(%dma_start3A_690 : memref<16x1024xf32, #tpu.memory_space<hbm>>) target(%arg11 : memref<16x1024xf32, #tpu.memory_space<vmem>>) target_semaphore(%arg18 : memref<!tpu.dma_semaphore, #tpu.memory_space<semaphore_mem>>)
    %add3A_691 = arith.constant 64 : i32
    %add3A_692 = arith.addi %mul3A_2, %add3A_691 : i32
    %dma_start3A_693 = arith.constant 2 : i32
    %dma_start3A_694 = arith.constant 0 : i32
    %dma_start3A_695 = tpu.memref_slice %arg2[%dma_start3A_693, %add3A_692, %dma_start3A_694] : memref<4x4096x1024xf32, #tpu.memory_space<hbm>> -> memref<1x16x1024xf32, #tpu.memory_space<hbm>>
    %dma_start3A_696 = tpu.memref_squeeze %dma_start3A_695 : memref<1x16x1024xf32, #tpu.memory_space<hbm>> -> memref<16x1024xf32, #tpu.memory_space<hbm>>
    %dma_start3A_697 = arith.constant 0 : i32
    %dma_start3A_698 = tpu.memref_slice %arg2[%dma_start3A_693, %add3A_692, %dma_start3A_697] : memref<4x4096x1024xf32, #tpu.memory_space<hbm>> -> memref<1x16x1024xf32, #tpu.memory_space<hbm>>
    %dma_start3A_699 = tpu.memref_squeeze %dma_start3A_698 : memref<1x16x1024xf32, #tpu.memory_space<hbm>> -> memref<16x1024xf32, #tpu.memory_space<hbm>>
    tpu.enqueue_dma source(%dma_start3A_699 : memref<16x1024xf32, #tpu.memory_space<hbm>>) target(%arg5 : memref<16x1024xf32, #tpu.memory_space<vmem>>) target_semaphore(%arg12 : memref<!tpu.dma_semaphore, #tpu.memory_space<semaphore_mem>>)
    %dma_wait3A_700 = arith.constant 2 : i32
    %dma_wait3A_701 = arith.constant 0 : i32
    %dma_wait3A_702 = tpu.memref_slice %arg4[%dma_wait3A_700, %add3A_627, %dma_wait3A_701] : memref<4x4096x1024xf32, #tpu.memory_space<hbm>> -> memref<1x16x1024xf32, #tpu.memory_space<hbm>>
    %dma_wait3A_703 = tpu.memref_squeeze %dma_wait3A_702 : memref<1x16x1024xf32, #tpu.memory_space<hbm>> -> memref<16x1024xf32, #tpu.memory_space<hbm>>
    %dma_wait3A_704 = arith.constant 0 : i32
    %dma_wait3A_705 = tpu.memref_slice %arg4[%dma_wait3A_700, %add3A_627, %dma_wait3A_704] : memref<4x4096x1024xf32, #tpu.memory_space<hbm>> -> memref<1x16x1024xf32, #tpu.memory_space<hbm>>
    %dma_wait3A_706 = tpu.memref_squeeze %dma_wait3A_705 : memref<1x16x1024xf32, #tpu.memory_space<hbm>> -> memref<16x1024xf32, #tpu.memory_space<hbm>>
    tpu.wait_dma2 semaphore(%arg15 : memref<!tpu.dma_semaphore, #tpu.memory_space<semaphore_mem>>) src(%arg8 : memref<16x1024xf32, #tpu.memory_space<vmem>>) dst(%dma_wait3A_706 : memref<16x1024xf32, #tpu.memory_space<hbm>>)
    %scan3A_707 = arith.constant 0 : i32
    %scan3A_708 = arith.constant 0 : i32
    %scan3A_709 = arith.constant 16 : i32
    %scan3A_710 = arith.addi %scan3A_708, %scan3A_709 : i32
    %scan3A_711 = arith.constant 1 : i32
    %scan3A_712 = scf.for %scan3A_1328 = %scan3A_708 to %scan3A_710 step %scan3A_711 iter_args(%scan3A_1329 = %scan3A_707) -> (i32)  : i32 {
      %parallel_loop3A = arith.constant 0 : i32
      %parallel_loop3A_1330 = arith.constant 1024 : i32
      %parallel_loop3A_1331 = arith.constant 16 : i32
      scf.for %parallel_loop3A_1333 = %parallel_loop3A to %parallel_loop3A_1330 step %parallel_loop3A_1331  : i32 {
        %parallel_loop3A_1334 = arith.index_cast %scan3A_1328 : i32 to index
        %parallel_loop3A_1335 = arith.index_cast %parallel_loop3A_1333 : i32 to index
        %parallel_loop3A_1336 = tpu.vector_load %arg6[%parallel_loop3A_1334, %parallel_loop3A_1335] {strides = array<i32>} : memref<16x1024xf32, #tpu.memory_space<vmem>>, vector<1x16xf32>,
        %parallel_loop3A_1337 = vector.shape_cast %parallel_loop3A_1336 : vector<1x16xf32> to vector<16xf32>
        %parallel_loop3A_1338 = arith.index_cast %scan3A_1328 : i32 to index
        %parallel_loop3A_1339 = arith.index_cast %parallel_loop3A_1333 : i32 to index
        %parallel_loop3A_1340 = tpu.vector_load %arg10[%parallel_loop3A_1338, %parallel_loop3A_1339] {strides = array<i32>} : memref<16x1024xf32, #tpu.memory_space<vmem>>, vector<1x16xf32>,
        %parallel_loop3A_1341 = vector.shape_cast %parallel_loop3A_1340 : vector<1x16xf32> to vector<16xf32>
        %parallel_loop3A_1342 = arith.addf %parallel_loop3A_1337, %parallel_loop3A_1341 : vector<16xf32>
        %parallel_loop3A_1343 = arith.index_cast %scan3A_1328 : i32 to index
        %parallel_loop3A_1344 = arith.index_cast %parallel_loop3A_1333 : i32 to index
        %parallel_loop3A_1345 = tpu.vector_load %arg8[%parallel_loop3A_1343, %parallel_loop3A_1344] {strides = array<i32>} : memref<16x1024xf32, #tpu.memory_space<vmem>>, vector<1x16xf32>,
        %parallel_loop3A_1346 = vector.shape_cast %parallel_loop3A_1345 : vector<1x16xf32> to vector<16xf32>
        %parallel_loop3A_1347 = vector.shape_cast %parallel_loop3A_1342 : vector<16xf32> to vector<1x16xf32>
        tpu.vector_store %arg8[%parallel_loop3A_1343, %parallel_loop3A_1344], %parallel_loop3A_1347 {strides = array<i32>} : memref<16x1024xf32, #tpu.memory_space<vmem>>, vector<1x16xf32>,
      } {sc.loop_unroll_factor = 4 : i64, sc.parallel_access}
      %scan3A_1332 = arith.constant 0 : i32
      scf.yield %scan3A_1332 : i32
    }
    %scan3A_713 = arith.constant 16 : i32
    %add3A_714 = arith.constant 64 : i32
    %add3A_715 = arith.addi %mul3A_2, %add3A_714 : i32
    %dma_start3A_716 = arith.constant 0 : i32
    %dma_start3A_717 = arith.constant 0 : i32
    %dma_start3A_718 = tpu.memref_slice %arg4[%dma_start3A_716, %add3A_715, %dma_start3A_717] : memref<4x4096x1024xf32, #tpu.memory_space<hbm>> -> memref<1x16x1024xf32, #tpu.memory_space<hbm>>
    %dma_start3A_719 = tpu.memref_squeeze %dma_start3A_718 : memref<1x16x1024xf32, #tpu.memory_space<hbm>> -> memref<16x1024xf32, #tpu.memory_space<hbm>>
    %dma_start3A_720 = arith.constant 0 : i32
    %dma_start3A_721 = tpu.memref_slice %arg4[%dma_start3A_716, %add3A_715, %dma_start3A_720] : memref<4x4096x1024xf32, #tpu.memory_space<hbm>> -> memref<1x16x1024xf32, #tpu.memory_space<hbm>>
    %dma_start3A_722 = tpu.memref_squeeze %dma_start3A_721 : memref<1x16x1024xf32, #tpu.memory_space<hbm>> -> memref<16x1024xf32, #tpu.memory_space<hbm>>
    tpu.enqueue_dma source(%arg8 : memref<16x1024xf32, #tpu.memory_space<vmem>>) target(%dma_start3A_722 : memref<16x1024xf32, #tpu.memory_space<hbm>>) target_semaphore(%arg15 : memref<!tpu.dma_semaphore, #tpu.memory_space<semaphore_mem>>)
    %dma_wait3A_723 = arith.constant 1 : i32
    %dma_wait3A_724 = arith.constant 0 : i32
    %dma_wait3A_725 = tpu.memref_slice %arg2[%dma_wait3A_723, %add3A_643, %dma_wait3A_724] : memref<4x4096x1024xf32, #tpu.memory_space<hbm>> -> memref<1x16x1024xf32, #tpu.memory_space<hbm>>
    %dma_wait3A_726 = tpu.memref_squeeze %dma_wait3A_725 : memref<1x16x1024xf32, #tpu.memory_space<hbm>> -> memref<16x1024xf32, #tpu.memory_space<hbm>>
    %dma_wait3A_727 = arith.constant 0 : i32
    %dma_wait3A_728 = tpu.memref_slice %arg2[%dma_wait3A_723, %add3A_643, %dma_wait3A_727] : memref<4x4096x1024xf32, #tpu.memory_space<hbm>> -> memref<1x16x1024xf32, #tpu.memory_space<hbm>>
    %dma_wait3A_729 = tpu.memref_squeeze %dma_wait3A_728 : memref<1x16x1024xf32, #tpu.memory_space<hbm>> -> memref<16x1024xf32, #tpu.memory_space<hbm>>
    tpu.wait_dma2 semaphore(%arg14 : memref<!tpu.dma_semaphore, #tpu.memory_space<semaphore_mem>>) src(%dma_wait3A_729 : memref<16x1024xf32, #tpu.memory_space<hbm>>) dst(%arg7 : memref<16x1024xf32, #tpu.memory_space<vmem>>)
    %add3A_730 = arith.constant 64 : i32
    %add3A_731 = arith.addi %mul3A_2, %add3A_730 : i32
    %dma_start3A_732 = arith.constant 3 : i32
    %dma_start3A_733 = arith.constant 0 : i32
    %dma_start3A_734 = tpu.memref_slice %arg2[%dma_start3A_732, %add3A_731, %dma_start3A_733] : memref<4x4096x1024xf32, #tpu.memory_space<hbm>> -> memref<1x16x1024xf32, #tpu.memory_space<hbm>>
    %dma_start3A_735 = tpu.memref_squeeze %dma_start3A_734 : memref<1x16x1024xf32, #tpu.memory_space<hbm>> -> memref<16x1024xf32, #tpu.memory_space<hbm>>
    %dma_start3A_736 = arith.constant 0 : i32
    %dma_start3A_737 = tpu.memref_slice %arg2[%dma_start3A_732, %add3A_731, %dma_start3A_736] : memref<4x4096x1024xf32, #tpu.memory_space<hbm>> -> memref<1x16x1024xf32, #tpu.memory_space<hbm>>
    %dma_start3A_738 = tpu.memref_squeeze %dma_start3A_737 : memref<1x16x1024xf32, #tpu.memory_space<hbm>> -> memref<16x1024xf32, #tpu.memory_space<hbm>>
    tpu.enqueue_dma source(%dma_start3A_738 : memref<16x1024xf32, #tpu.memory_space<hbm>>) target(%arg6 : memref<16x1024xf32, #tpu.memory_space<vmem>>) target_semaphore(%arg13 : memref<!tpu.dma_semaphore, #tpu.memory_space<semaphore_mem>>)
    %dma_wait3A_739 = arith.constant 3 : i32
    %dma_wait3A_740 = arith.constant 0 : i32
    %dma_wait3A_741 = tpu.memref_slice %arg4[%dma_wait3A_739, %add3A_666, %dma_wait3A_740] : memref<4x4096x1024xf32, #tpu.memory_space<hbm>> -> memref<1x16x1024xf32, #tpu.memory_space<hbm>>
    %dma_wait3A_742 = tpu.memref_squeeze %dma_wait3A_741 : memref<1x16x1024xf32, #tpu.memory_space<hbm>> -> memref<16x1024xf32, #tpu.memory_space<hbm>>
    %dma_wait3A_743 = arith.constant 0 : i32
    %dma_wait3A_744 = tpu.memref_slice %arg4[%dma_wait3A_739, %add3A_666, %dma_wait3A_743] : memref<4x4096x1024xf32, #tpu.memory_space<hbm>> -> memref<1x16x1024xf32, #tpu.memory_space<hbm>>
    %dma_wait3A_745 = tpu.memref_squeeze %dma_wait3A_744 : memref<1x16x1024xf32, #tpu.memory_space<hbm>> -> memref<16x1024xf32, #tpu.memory_space<hbm>>
    tpu.wait_dma2 semaphore(%arg16 : memref<!tpu.dma_semaphore, #tpu.memory_space<semaphore_mem>>) src(%arg9 : memref<16x1024xf32, #tpu.memory_space<vmem>>) dst(%dma_wait3A_745 : memref<16x1024xf32, #tpu.memory_space<hbm>>)
    %scan3A_746 = arith.constant 0 : i32
    %scan3A_747 = arith.constant 0 : i32
    %scan3A_748 = arith.constant 16 : i32
    %scan3A_749 = arith.addi %scan3A_747, %scan3A_748 : i32
    %scan3A_750 = arith.constant 1 : i32
    %scan3A_751 = scf.for %scan3A_1328 = %scan3A_747 to %scan3A_749 step %scan3A_750 iter_args(%scan3A_1329 = %scan3A_746) -> (i32)  : i32 {
      %parallel_loop3A = arith.constant 0 : i32
      %parallel_loop3A_1330 = arith.constant 1024 : i32
      %parallel_loop3A_1331 = arith.constant 16 : i32
      scf.for %parallel_loop3A_1333 = %parallel_loop3A to %parallel_loop3A_1330 step %parallel_loop3A_1331  : i32 {
        %parallel_loop3A_1334 = arith.index_cast %scan3A_1328 : i32 to index
        %parallel_loop3A_1335 = arith.index_cast %parallel_loop3A_1333 : i32 to index
        %parallel_loop3A_1336 = tpu.vector_load %arg7[%parallel_loop3A_1334, %parallel_loop3A_1335] {strides = array<i32>} : memref<16x1024xf32, #tpu.memory_space<vmem>>, vector<1x16xf32>,
        %parallel_loop3A_1337 = vector.shape_cast %parallel_loop3A_1336 : vector<1x16xf32> to vector<16xf32>
        %parallel_loop3A_1338 = arith.index_cast %scan3A_1328 : i32 to index
        %parallel_loop3A_1339 = arith.index_cast %parallel_loop3A_1333 : i32 to index
        %parallel_loop3A_1340 = tpu.vector_load %arg10[%parallel_loop3A_1338, %parallel_loop3A_1339] {strides = array<i32>} : memref<16x1024xf32, #tpu.memory_space<vmem>>, vector<1x16xf32>,
        %parallel_loop3A_1341 = vector.shape_cast %parallel_loop3A_1340 : vector<1x16xf32> to vector<16xf32>
        %parallel_loop3A_1342 = arith.addf %parallel_loop3A_1337, %parallel_loop3A_1341 : vector<16xf32>
        %parallel_loop3A_1343 = arith.index_cast %scan3A_1328 : i32 to index
        %parallel_loop3A_1344 = arith.index_cast %parallel_loop3A_1333 : i32 to index
        %parallel_loop3A_1345 = tpu.vector_load %arg9[%parallel_loop3A_1343, %parallel_loop3A_1344] {strides = array<i32>} : memref<16x1024xf32, #tpu.memory_space<vmem>>, vector<1x16xf32>,
        %parallel_loop3A_1346 = vector.shape_cast %parallel_loop3A_1345 : vector<1x16xf32> to vector<16xf32>
        %parallel_loop3A_1347 = vector.shape_cast %parallel_loop3A_1342 : vector<16xf32> to vector<1x16xf32>
        tpu.vector_store %arg9[%parallel_loop3A_1343, %parallel_loop3A_1344], %parallel_loop3A_1347 {strides = array<i32>} : memref<16x1024xf32, #tpu.memory_space<vmem>>, vector<1x16xf32>,
      } {sc.loop_unroll_factor = 4 : i64, sc.parallel_access}
      %scan3A_1332 = arith.constant 0 : i32
      scf.yield %scan3A_1332 : i32
    }
    %scan3A_752 = arith.constant 16 : i32
    %add3A_753 = arith.constant 64 : i32
    %add3A_754 = arith.addi %mul3A_2, %add3A_753 : i32
    %dma_start3A_755 = arith.constant 1 : i32
    %dma_start3A_756 = arith.constant 0 : i32
    %dma_start3A_757 = tpu.memref_slice %arg4[%dma_start3A_755, %add3A_754, %dma_start3A_756] : memref<4x4096x1024xf32, #tpu.memory_space<hbm>> -> memref<1x16x1024xf32, #tpu.memory_space<hbm>>
    %dma_start3A_758 = tpu.memref_squeeze %dma_start3A_757 : memref<1x16x1024xf32, #tpu.memory_space<hbm>> -> memref<16x1024xf32, #tpu.memory_space<hbm>>
    %dma_start3A_759 = arith.constant 0 : i32
    %dma_start3A_760 = tpu.memref_slice %arg4[%dma_start3A_755, %add3A_754, %dma_start3A_759] : memref<4x4096x1024xf32, #tpu.memory_space<hbm>> -> memref<1x16x1024xf32, #tpu.memory_space<hbm>>
    %dma_start3A_761 = tpu.memref_squeeze %dma_start3A_760 : memref<1x16x1024xf32, #tpu.memory_space<hbm>> -> memref<16x1024xf32, #tpu.memory_space<hbm>>
    tpu.enqueue_dma source(%arg9 : memref<16x1024xf32, #tpu.memory_space<vmem>>) target(%dma_start3A_761 : memref<16x1024xf32, #tpu.memory_space<hbm>>) target_semaphore(%arg16 : memref<!tpu.dma_semaphore, #tpu.memory_space<semaphore_mem>>)
    %dma_wait3A_762 = arith.constant 2 : i32
    %dma_wait3A_763 = arith.constant 0 : i32
    %dma_wait3A_764 = tpu.memref_slice %arg2[%dma_wait3A_762, %add3A_692, %dma_wait3A_763] : memref<4x4096x1024xf32, #tpu.memory_space<hbm>> -> memref<1x16x1024xf32, #tpu.memory_space<hbm>>
    %dma_wait3A_765 = tpu.memref_squeeze %dma_wait3A_764 : memref<1x16x1024xf32, #tpu.memory_space<hbm>> -> memref<16x1024xf32, #tpu.memory_space<hbm>>
    %dma_wait3A_766 = arith.constant 0 : i32
    %dma_wait3A_767 = tpu.memref_slice %arg2[%dma_wait3A_762, %add3A_692, %dma_wait3A_766] : memref<4x4096x1024xf32, #tpu.memory_space<hbm>> -> memref<1x16x1024xf32, #tpu.memory_space<hbm>>
    %dma_wait3A_768 = tpu.memref_squeeze %dma_wait3A_767 : memref<1x16x1024xf32, #tpu.memory_space<hbm>> -> memref<16x1024xf32, #tpu.memory_space<hbm>>
    tpu.wait_dma2 semaphore(%arg12 : memref<!tpu.dma_semaphore, #tpu.memory_space<semaphore_mem>>) src(%dma_wait3A_768 : memref<16x1024xf32, #tpu.memory_space<hbm>>) dst(%arg5 : memref<16x1024xf32, #tpu.memory_space<vmem>>)
    %add3A_769 = arith.constant 80 : i32
    %add3A_770 = arith.addi %mul3A_2, %add3A_769 : i32
    %dma_start3A_771 = arith.constant 0 : i32
    %dma_start3A_772 = arith.constant 0 : i32
    %dma_start3A_773 = tpu.memref_slice %arg2[%dma_start3A_771, %add3A_770, %dma_start3A_772] : memref<4x4096x1024xf32, #tpu.memory_space<hbm>> -> memref<1x16x1024xf32, #tpu.memory_space<hbm>>
    %dma_start3A_774 = tpu.memref_squeeze %dma_start3A_773 : memref<1x16x1024xf32, #tpu.memory_space<hbm>> -> memref<16x1024xf32, #tpu.memory_space<hbm>>
    %dma_start3A_775 = arith.constant 0 : i32
    %dma_start3A_776 = tpu.memref_slice %arg2[%dma_start3A_771, %add3A_770, %dma_start3A_775] : memref<4x4096x1024xf32, #tpu.memory_space<hbm>> -> memref<1x16x1024xf32, #tpu.memory_space<hbm>>
    %dma_start3A_777 = tpu.memref_squeeze %dma_start3A_776 : memref<1x16x1024xf32, #tpu.memory_space<hbm>> -> memref<16x1024xf32, #tpu.memory_space<hbm>>
    tpu.enqueue_dma source(%dma_start3A_777 : memref<16x1024xf32, #tpu.memory_space<hbm>>) target(%arg7 : memref<16x1024xf32, #tpu.memory_space<vmem>>) target_semaphore(%arg14 : memref<!tpu.dma_semaphore, #tpu.memory_space<semaphore_mem>>)
    %dma_wait3A_778 = arith.constant 0 : i32
    %dma_wait3A_779 = arith.constant 0 : i32
    %dma_wait3A_780 = tpu.memref_slice %arg4[%dma_wait3A_778, %add3A_715, %dma_wait3A_779] : memref<4x4096x1024xf32, #tpu.memory_space<hbm>> -> memref<1x16x1024xf32, #tpu.memory_space<hbm>>
    %dma_wait3A_781 = tpu.memref_squeeze %dma_wait3A_780 : memref<1x16x1024xf32, #tpu.memory_space<hbm>> -> memref<16x1024xf32, #tpu.memory_space<hbm>>
    %dma_wait3A_782 = arith.constant 0 : i32
    %dma_wait3A_783 = tpu.memref_slice %arg4[%dma_wait3A_778, %add3A_715, %dma_wait3A_782] : memref<4x4096x1024xf32, #tpu.memory_space<hbm>> -> memref<1x16x1024xf32, #tpu.memory_space<hbm>>
    %dma_wait3A_784 = tpu.memref_squeeze %dma_wait3A_783 : memref<1x16x1024xf32, #tpu.memory_space<hbm>> -> memref<16x1024xf32, #tpu.memory_space<hbm>>
    tpu.wait_dma2 semaphore(%arg15 : memref<!tpu.dma_semaphore, #tpu.memory_space<semaphore_mem>>) src(%arg8 : memref<16x1024xf32, #tpu.memory_space<vmem>>) dst(%dma_wait3A_784 : memref<16x1024xf32, #tpu.memory_space<hbm>>)
    %scan3A_785 = arith.constant 0 : i32
    %scan3A_786 = arith.constant 0 : i32
    %scan3A_787 = arith.constant 16 : i32
    %scan3A_788 = arith.addi %scan3A_786, %scan3A_787 : i32
    %scan3A_789 = arith.constant 1 : i32
    %scan3A_790 = scf.for %scan3A_1328 = %scan3A_786 to %scan3A_788 step %scan3A_789 iter_args(%scan3A_1329 = %scan3A_785) -> (i32)  : i32 {
      %parallel_loop3A = arith.constant 0 : i32
      %parallel_loop3A_1330 = arith.constant 1024 : i32
      %parallel_loop3A_1331 = arith.constant 16 : i32
      scf.for %parallel_loop3A_1333 = %parallel_loop3A to %parallel_loop3A_1330 step %parallel_loop3A_1331  : i32 {
        %parallel_loop3A_1334 = arith.index_cast %scan3A_1328 : i32 to index
        %parallel_loop3A_1335 = arith.index_cast %parallel_loop3A_1333 : i32 to index
        %parallel_loop3A_1336 = tpu.vector_load %arg5[%parallel_loop3A_1334, %parallel_loop3A_1335] {strides = array<i32>} : memref<16x1024xf32, #tpu.memory_space<vmem>>, vector<1x16xf32>,
        %parallel_loop3A_1337 = vector.shape_cast %parallel_loop3A_1336 : vector<1x16xf32> to vector<16xf32>
        %parallel_loop3A_1338 = arith.index_cast %scan3A_1328 : i32 to index
        %parallel_loop3A_1339 = arith.index_cast %parallel_loop3A_1333 : i32 to index
        %parallel_loop3A_1340 = tpu.vector_load %arg10[%parallel_loop3A_1338, %parallel_loop3A_1339] {strides = array<i32>} : memref<16x1024xf32, #tpu.memory_space<vmem>>, vector<1x16xf32>,
        %parallel_loop3A_1341 = vector.shape_cast %parallel_loop3A_1340 : vector<1x16xf32> to vector<16xf32>
        %parallel_loop3A_1342 = arith.addf %parallel_loop3A_1337, %parallel_loop3A_1341 : vector<16xf32>
        %parallel_loop3A_1343 = arith.index_cast %scan3A_1328 : i32 to index
        %parallel_loop3A_1344 = arith.index_cast %parallel_loop3A_1333 : i32 to index
        %parallel_loop3A_1345 = tpu.vector_load %arg8[%parallel_loop3A_1343, %parallel_loop3A_1344] {strides = array<i32>} : memref<16x1024xf32, #tpu.memory_space<vmem>>, vector<1x16xf32>,
        %parallel_loop3A_1346 = vector.shape_cast %parallel_loop3A_1345 : vector<1x16xf32> to vector<16xf32>
        %parallel_loop3A_1347 = vector.shape_cast %parallel_loop3A_1342 : vector<16xf32> to vector<1x16xf32>
        tpu.vector_store %arg8[%parallel_loop3A_1343, %parallel_loop3A_1344], %parallel_loop3A_1347 {strides = array<i32>} : memref<16x1024xf32, #tpu.memory_space<vmem>>, vector<1x16xf32>,
      } {sc.loop_unroll_factor = 4 : i64, sc.parallel_access}
      %scan3A_1332 = arith.constant 0 : i32
      scf.yield %scan3A_1332 : i32
    }
    %scan3A_791 = arith.constant 16 : i32
    %add3A_792 = arith.constant 64 : i32
    %add3A_793 = arith.addi %mul3A_2, %add3A_792 : i32
    %dma_start3A_794 = arith.constant 2 : i32
    %dma_start3A_795 = arith.constant 0 : i32
    %dma_start3A_796 = tpu.memref_slice %arg4[%dma_start3A_794, %add3A_793, %dma_start3A_795] : memref<4x4096x1024xf32, #tpu.memory_space<hbm>> -> memref<1x16x1024xf32, #tpu.memory_space<hbm>>
    %dma_start3A_797 = tpu.memref_squeeze %dma_start3A_796 : memref<1x16x1024xf32, #tpu.memory_space<hbm>> -> memref<16x1024xf32, #tpu.memory_space<hbm>>
    %dma_start3A_798 = arith.constant 0 : i32
    %dma_start3A_799 = tpu.memref_slice %arg4[%dma_start3A_794, %add3A_793, %dma_start3A_798] : memref<4x4096x1024xf32, #tpu.memory_space<hbm>> -> memref<1x16x1024xf32, #tpu.memory_space<hbm>>
    %dma_start3A_800 = tpu.memref_squeeze %dma_start3A_799 : memref<1x16x1024xf32, #tpu.memory_space<hbm>> -> memref<16x1024xf32, #tpu.memory_space<hbm>>
    tpu.enqueue_dma source(%arg8 : memref<16x1024xf32, #tpu.memory_space<vmem>>) target(%dma_start3A_800 : memref<16x1024xf32, #tpu.memory_space<hbm>>) target_semaphore(%arg15 : memref<!tpu.dma_semaphore, #tpu.memory_space<semaphore_mem>>)
    %dma_wait3A_801 = arith.constant 3 : i32
    %dma_wait3A_802 = arith.constant 0 : i32
    %dma_wait3A_803 = tpu.memref_slice %arg2[%dma_wait3A_801, %add3A_731, %dma_wait3A_802] : memref<4x4096x1024xf32, #tpu.memory_space<hbm>> -> memref<1x16x1024xf32, #tpu.memory_space<hbm>>
    %dma_wait3A_804 = tpu.memref_squeeze %dma_wait3A_803 : memref<1x16x1024xf32, #tpu.memory_space<hbm>> -> memref<16x1024xf32, #tpu.memory_space<hbm>>
    %dma_wait3A_805 = arith.constant 0 : i32
    %dma_wait3A_806 = tpu.memref_slice %arg2[%dma_wait3A_801, %add3A_731, %dma_wait3A_805] : memref<4x4096x1024xf32, #tpu.memory_space<hbm>> -> memref<1x16x1024xf32, #tpu.memory_space<hbm>>
    %dma_wait3A_807 = tpu.memref_squeeze %dma_wait3A_806 : memref<1x16x1024xf32, #tpu.memory_space<hbm>> -> memref<16x1024xf32, #tpu.memory_space<hbm>>
    tpu.wait_dma2 semaphore(%arg13 : memref<!tpu.dma_semaphore, #tpu.memory_space<semaphore_mem>>) src(%dma_wait3A_807 : memref<16x1024xf32, #tpu.memory_space<hbm>>) dst(%arg6 : memref<16x1024xf32, #tpu.memory_space<vmem>>)
    %add3A_808 = arith.constant 80 : i32
    %add3A_809 = arith.addi %mul3A_2, %add3A_808 : i32
    %dma_start3A_810 = arith.constant 1 : i32
    %dma_start3A_811 = arith.constant 0 : i32
    %dma_start3A_812 = tpu.memref_slice %arg2[%dma_start3A_810, %add3A_809, %dma_start3A_811] : memref<4x4096x1024xf32, #tpu.memory_space<hbm>> -> memref<1x16x1024xf32, #tpu.memory_space<hbm>>
    %dma_start3A_813 = tpu.memref_squeeze %dma_start3A_812 : memref<1x16x1024xf32, #tpu.memory_space<hbm>> -> memref<16x1024xf32, #tpu.memory_space<hbm>>
    %dma_start3A_814 = arith.constant 0 : i32
    %dma_start3A_815 = tpu.memref_slice %arg2[%dma_start3A_810, %add3A_809, %dma_start3A_814] : memref<4x4096x1024xf32, #tpu.memory_space<hbm>> -> memref<1x16x1024xf32, #tpu.memory_space<hbm>>
    %dma_start3A_816 = tpu.memref_squeeze %dma_start3A_815 : memref<1x16x1024xf32, #tpu.memory_space<hbm>> -> memref<16x1024xf32, #tpu.memory_space<hbm>>
    tpu.enqueue_dma source(%dma_start3A_816 : memref<16x1024xf32, #tpu.memory_space<hbm>>) target(%arg5 : memref<16x1024xf32, #tpu.memory_space<vmem>>) target_semaphore(%arg12 : memref<!tpu.dma_semaphore, #tpu.memory_space<semaphore_mem>>)
    %dma_wait3A_817 = arith.constant 1 : i32
    %dma_wait3A_818 = arith.constant 0 : i32
    %dma_wait3A_819 = tpu.memref_slice %arg4[%dma_wait3A_817, %add3A_754, %dma_wait3A_818] : memref<4x4096x1024xf32, #tpu.memory_space<hbm>> -> memref<1x16x1024xf32, #tpu.memory_space<hbm>>
    %dma_wait3A_820 = tpu.memref_squeeze %dma_wait3A_819 : memref<1x16x1024xf32, #tpu.memory_space<hbm>> -> memref<16x1024xf32, #tpu.memory_space<hbm>>
    %dma_wait3A_821 = arith.constant 0 : i32
    %dma_wait3A_822 = tpu.memref_slice %arg4[%dma_wait3A_817, %add3A_754, %dma_wait3A_821] : memref<4x4096x1024xf32, #tpu.memory_space<hbm>> -> memref<1x16x1024xf32, #tpu.memory_space<hbm>>
    %dma_wait3A_823 = tpu.memref_squeeze %dma_wait3A_822 : memref<1x16x1024xf32, #tpu.memory_space<hbm>> -> memref<16x1024xf32, #tpu.memory_space<hbm>>
    tpu.wait_dma2 semaphore(%arg16 : memref<!tpu.dma_semaphore, #tpu.memory_space<semaphore_mem>>) src(%arg9 : memref<16x1024xf32, #tpu.memory_space<vmem>>) dst(%dma_wait3A_823 : memref<16x1024xf32, #tpu.memory_space<hbm>>)
    %scan3A_824 = arith.constant 0 : i32
    %scan3A_825 = arith.constant 0 : i32
    %scan3A_826 = arith.constant 16 : i32
    %scan3A_827 = arith.addi %scan3A_825, %scan3A_826 : i32
    %scan3A_828 = arith.constant 1 : i32
    %scan3A_829 = scf.for %scan3A_1328 = %scan3A_825 to %scan3A_827 step %scan3A_828 iter_args(%scan3A_1329 = %scan3A_824) -> (i32)  : i32 {
      %parallel_loop3A = arith.constant 0 : i32
      %parallel_loop3A_1330 = arith.constant 1024 : i32
      %parallel_loop3A_1331 = arith.constant 16 : i32
      scf.for %parallel_loop3A_1333 = %parallel_loop3A to %parallel_loop3A_1330 step %parallel_loop3A_1331  : i32 {
        %parallel_loop3A_1334 = arith.index_cast %scan3A_1328 : i32 to index
        %parallel_loop3A_1335 = arith.index_cast %parallel_loop3A_1333 : i32 to index
        %parallel_loop3A_1336 = tpu.vector_load %arg6[%parallel_loop3A_1334, %parallel_loop3A_1335] {strides = array<i32>} : memref<16x1024xf32, #tpu.memory_space<vmem>>, vector<1x16xf32>,
        %parallel_loop3A_1337 = vector.shape_cast %parallel_loop3A_1336 : vector<1x16xf32> to vector<16xf32>
        %parallel_loop3A_1338 = arith.index_cast %scan3A_1328 : i32 to index
        %parallel_loop3A_1339 = arith.index_cast %parallel_loop3A_1333 : i32 to index
        %parallel_loop3A_1340 = tpu.vector_load %arg10[%parallel_loop3A_1338, %parallel_loop3A_1339] {strides = array<i32>} : memref<16x1024xf32, #tpu.memory_space<vmem>>, vector<1x16xf32>,
        %parallel_loop3A_1341 = vector.shape_cast %parallel_loop3A_1340 : vector<1x16xf32> to vector<16xf32>
        %parallel_loop3A_1342 = arith.addf %parallel_loop3A_1337, %parallel_loop3A_1341 : vector<16xf32>
        %parallel_loop3A_1343 = arith.index_cast %scan3A_1328 : i32 to index
        %parallel_loop3A_1344 = arith.index_cast %parallel_loop3A_1333 : i32 to index
        %parallel_loop3A_1345 = tpu.vector_load %arg9[%parallel_loop3A_1343, %parallel_loop3A_1344] {strides = array<i32>} : memref<16x1024xf32, #tpu.memory_space<vmem>>, vector<1x16xf32>,
        %parallel_loop3A_1346 = vector.shape_cast %parallel_loop3A_1345 : vector<1x16xf32> to vector<16xf32>
        %parallel_loop3A_1347 = vector.shape_cast %parallel_loop3A_1342 : vector<16xf32> to vector<1x16xf32>
        tpu.vector_store %arg9[%parallel_loop3A_1343, %parallel_loop3A_1344], %parallel_loop3A_1347 {strides = array<i32>} : memref<16x1024xf32, #tpu.memory_space<vmem>>, vector<1x16xf32>,
      } {sc.loop_unroll_factor = 4 : i64, sc.parallel_access}
      %scan3A_1332 = arith.constant 0 : i32
      scf.yield %scan3A_1332 : i32
    }
    %scan3A_830 = arith.constant 16 : i32
    %add3A_831 = arith.constant 64 : i32
    %add3A_832 = arith.addi %mul3A_2, %add3A_831 : i32
    %dma_start3A_833 = arith.constant 3 : i32
    %dma_start3A_834 = arith.constant 0 : i32
    %dma_start3A_835 = tpu.memref_slice %arg4[%dma_start3A_833, %add3A_832, %dma_start3A_834] : memref<4x4096x1024xf32, #tpu.memory_space<hbm>> -> memref<1x16x1024xf32, #tpu.memory_space<hbm>>
    %dma_start3A_836 = tpu.memref_squeeze %dma_start3A_835 : memref<1x16x1024xf32, #tpu.memory_space<hbm>> -> memref<16x1024xf32, #tpu.memory_space<hbm>>
    %dma_start3A_837 = arith.constant 0 : i32
    %dma_start3A_838 = tpu.memref_slice %arg4[%dma_start3A_833, %add3A_832, %dma_start3A_837] : memref<4x4096x1024xf32, #tpu.memory_space<hbm>> -> memref<1x16x1024xf32, #tpu.memory_space<hbm>>
    %dma_start3A_839 = tpu.memref_squeeze %dma_start3A_838 : memref<1x16x1024xf32, #tpu.memory_space<hbm>> -> memref<16x1024xf32, #tpu.memory_space<hbm>>
    tpu.enqueue_dma source(%arg9 : memref<16x1024xf32, #tpu.memory_space<vmem>>) target(%dma_start3A_839 : memref<16x1024xf32, #tpu.memory_space<hbm>>) target_semaphore(%arg16 : memref<!tpu.dma_semaphore, #tpu.memory_space<semaphore_mem>>)
    %dma_wait3A_840 = arith.constant 0 : i32
    %dma_wait3A_841 = arith.constant 0 : i32
    %dma_wait3A_842 = tpu.memref_slice %arg2[%dma_wait3A_840, %add3A_770, %dma_wait3A_841] : memref<4x4096x1024xf32, #tpu.memory_space<hbm>> -> memref<1x16x1024xf32, #tpu.memory_space<hbm>>
    %dma_wait3A_843 = tpu.memref_squeeze %dma_wait3A_842 : memref<1x16x1024xf32, #tpu.memory_space<hbm>> -> memref<16x1024xf32, #tpu.memory_space<hbm>>
    %dma_wait3A_844 = arith.constant 0 : i32
    %dma_wait3A_845 = tpu.memref_slice %arg2[%dma_wait3A_840, %add3A_770, %dma_wait3A_844] : memref<4x4096x1024xf32, #tpu.memory_space<hbm>> -> memref<1x16x1024xf32, #tpu.memory_space<hbm>>
    %dma_wait3A_846 = tpu.memref_squeeze %dma_wait3A_845 : memref<1x16x1024xf32, #tpu.memory_space<hbm>> -> memref<16x1024xf32, #tpu.memory_space<hbm>>
    tpu.wait_dma2 semaphore(%arg14 : memref<!tpu.dma_semaphore, #tpu.memory_space<semaphore_mem>>) src(%dma_wait3A_846 : memref<16x1024xf32, #tpu.memory_space<hbm>>) dst(%arg7 : memref<16x1024xf32, #tpu.memory_space<vmem>>)
    %dma_wait3A_847 = arith.constant 0 : i32
    %dma_wait3A_848 = tpu.memref_slice %arg3[%add3A_686, %dma_wait3A_847] : memref<8192x1024xf32, #tpu.memory_space<hbm>> -> memref<16x1024xf32, #tpu.memory_space<hbm>>
    %dma_wait3A_849 = arith.constant 0 : i32
    %dma_wait3A_850 = tpu.memref_slice %arg3[%add3A_686, %dma_wait3A_849] : memref<8192x1024xf32, #tpu.memory_space<hbm>> -> memref<16x1024xf32, #tpu.memory_space<hbm>>
    tpu.wait_dma2 semaphore(%arg18 : memref<!tpu.dma_semaphore, #tpu.memory_space<semaphore_mem>>) src(%dma_wait3A_850 : memref<16x1024xf32, #tpu.memory_space<hbm>>) dst(%arg11 : memref<16x1024xf32, #tpu.memory_space<vmem>>)
    %add3A_851 = arith.constant 96 : i32
    %add3A_852 = arith.addi %mul3A_2, %add3A_851 : i32
    %dma_start3A_853 = arith.constant 0 : i32
    %dma_start3A_854 = tpu.memref_slice %arg3[%add3A_852, %dma_start3A_853] : memref<8192x1024xf32, #tpu.memory_space<hbm>> -> memref<16x1024xf32, #tpu.memory_space<hbm>>
    %dma_start3A_855 = arith.constant 0 : i32
    %dma_start3A_856 = tpu.memref_slice %arg3[%add3A_852, %dma_start3A_855] : memref<8192x1024xf32, #tpu.memory_space<hbm>> -> memref<16x1024xf32, #tpu.memory_space<hbm>>
    tpu.enqueue_dma source(%dma_start3A_856 : memref<16x1024xf32, #tpu.memory_space<hbm>>) target(%arg10 : memref<16x1024xf32, #tpu.memory_space<vmem>>) target_semaphore(%arg17 : memref<!tpu.dma_semaphore, #tpu.memory_space<semaphore_mem>>)
    %add3A_857 = arith.constant 80 : i32
    %add3A_858 = arith.addi %mul3A_2, %add3A_857 : i32
    %dma_start3A_859 = arith.constant 2 : i32
    %dma_start3A_860 = arith.constant 0 : i32
    %dma_start3A_861 = tpu.memref_slice %arg2[%dma_start3A_859, %add3A_858, %dma_start3A_860] : memref<4x4096x1024xf32, #tpu.memory_space<hbm>> -> memref<1x16x1024xf32, #tpu.memory_space<hbm>>
    %dma_start3A_862 = tpu.memref_squeeze %dma_start3A_861 : memref<1x16x1024xf32, #tpu.memory_space<hbm>> -> memref<16x1024xf32, #tpu.memory_space<hbm>>
    %dma_start3A_863 = arith.constant 0 : i32
    %dma_start3A_864 = tpu.memref_slice %arg2[%dma_start3A_859, %add3A_858, %dma_start3A_863] : memref<4x4096x1024xf32, #tpu.memory_space<hbm>> -> memref<1x16x1024xf32, #tpu.memory_space<hbm>>
    %dma_start3A_865 = tpu.memref_squeeze %dma_start3A_864 : memref<1x16x1024xf32, #tpu.memory_space<hbm>> -> memref<16x1024xf32, #tpu.memory_space<hbm>>
    tpu.enqueue_dma source(%dma_start3A_865 : memref<16x1024xf32, #tpu.memory_space<hbm>>) target(%arg6 : memref<16x1024xf32, #tpu.memory_space<vmem>>) target_semaphore(%arg13 : memref<!tpu.dma_semaphore, #tpu.memory_space<semaphore_mem>>)
    %dma_wait3A_866 = arith.constant 2 : i32
    %dma_wait3A_867 = arith.constant 0 : i32
    %dma_wait3A_868 = tpu.memref_slice %arg4[%dma_wait3A_866, %add3A_793, %dma_wait3A_867] : memref<4x4096x1024xf32, #tpu.memory_space<hbm>> -> memref<1x16x1024xf32, #tpu.memory_space<hbm>>
    %dma_wait3A_869 = tpu.memref_squeeze %dma_wait3A_868 : memref<1x16x1024xf32, #tpu.memory_space<hbm>> -> memref<16x1024xf32, #tpu.memory_space<hbm>>
    %dma_wait3A_870 = arith.constant 0 : i32
    %dma_wait3A_871 = tpu.memref_slice %arg4[%dma_wait3A_866, %add3A_793, %dma_wait3A_870] : memref<4x4096x1024xf32, #tpu.memory_space<hbm>> -> memref<1x16x1024xf32, #tpu.memory_space<hbm>>
    %dma_wait3A_872 = tpu.memref_squeeze %dma_wait3A_871 : memref<1x16x1024xf32, #tpu.memory_space<hbm>> -> memref<16x1024xf32, #tpu.memory_space<hbm>>
    tpu.wait_dma2 semaphore(%arg15 : memref<!tpu.dma_semaphore, #tpu.memory_space<semaphore_mem>>) src(%arg8 : memref<16x1024xf32, #tpu.memory_space<vmem>>) dst(%dma_wait3A_872 : memref<16x1024xf32, #tpu.memory_space<hbm>>)
    %scan3A_873 = arith.constant 0 : i32
    %scan3A_874 = arith.constant 0 : i32
    %scan3A_875 = arith.constant 16 : i32
    %scan3A_876 = arith.addi %scan3A_874, %scan3A_875 : i32
    %scan3A_877 = arith.constant 1 : i32
    %scan3A_878 = scf.for %scan3A_1328 = %scan3A_874 to %scan3A_876 step %scan3A_877 iter_args(%scan3A_1329 = %scan3A_873) -> (i32)  : i32 {
      %parallel_loop3A = arith.constant 0 : i32
      %parallel_loop3A_1330 = arith.constant 1024 : i32
      %parallel_loop3A_1331 = arith.constant 16 : i32
      scf.for %parallel_loop3A_1333 = %parallel_loop3A to %parallel_loop3A_1330 step %parallel_loop3A_1331  : i32 {
        %parallel_loop3A_1334 = arith.index_cast %scan3A_1328 : i32 to index
        %parallel_loop3A_1335 = arith.index_cast %parallel_loop3A_1333 : i32 to index
        %parallel_loop3A_1336 = tpu.vector_load %arg7[%parallel_loop3A_1334, %parallel_loop3A_1335] {strides = array<i32>} : memref<16x1024xf32, #tpu.memory_space<vmem>>, vector<1x16xf32>,
        %parallel_loop3A_1337 = vector.shape_cast %parallel_loop3A_1336 : vector<1x16xf32> to vector<16xf32>
        %parallel_loop3A_1338 = arith.index_cast %scan3A_1328 : i32 to index
        %parallel_loop3A_1339 = arith.index_cast %parallel_loop3A_1333 : i32 to index
        %parallel_loop3A_1340 = tpu.vector_load %arg11[%parallel_loop3A_1338, %parallel_loop3A_1339] {strides = array<i32>} : memref<16x1024xf32, #tpu.memory_space<vmem>>, vector<1x16xf32>,
        %parallel_loop3A_1341 = vector.shape_cast %parallel_loop3A_1340 : vector<1x16xf32> to vector<16xf32>
        %parallel_loop3A_1342 = arith.addf %parallel_loop3A_1337, %parallel_loop3A_1341 : vector<16xf32>
        %parallel_loop3A_1343 = arith.index_cast %scan3A_1328 : i32 to index
        %parallel_loop3A_1344 = arith.index_cast %parallel_loop3A_1333 : i32 to index
        %parallel_loop3A_1345 = tpu.vector_load %arg8[%parallel_loop3A_1343, %parallel_loop3A_1344] {strides = array<i32>} : memref<16x1024xf32, #tpu.memory_space<vmem>>, vector<1x16xf32>,
        %parallel_loop3A_1346 = vector.shape_cast %parallel_loop3A_1345 : vector<1x16xf32> to vector<16xf32>
        %parallel_loop3A_1347 = vector.shape_cast %parallel_loop3A_1342 : vector<16xf32> to vector<1x16xf32>
        tpu.vector_store %arg8[%parallel_loop3A_1343, %parallel_loop3A_1344], %parallel_loop3A_1347 {strides = array<i32>} : memref<16x1024xf32, #tpu.memory_space<vmem>>, vector<1x16xf32>,
      } {sc.loop_unroll_factor = 4 : i64, sc.parallel_access}
      %scan3A_1332 = arith.constant 0 : i32
      scf.yield %scan3A_1332 : i32
    }
    %scan3A_879 = arith.constant 16 : i32
    %add3A_880 = arith.constant 80 : i32
    %add3A_881 = arith.addi %mul3A_2, %add3A_880 : i32
    %dma_start3A_882 = arith.constant 0 : i32
    %dma_start3A_883 = arith.constant 0 : i32
    %dma_start3A_884 = tpu.memref_slice %arg4[%dma_start3A_882, %add3A_881, %dma_start3A_883] : memref<4x4096x1024xf32, #tpu.memory_space<hbm>> -> memref<1x16x1024xf32, #tpu.memory_space<hbm>>
    %dma_start3A_885 = tpu.memref_squeeze %dma_start3A_884 : memref<1x16x1024xf32, #tpu.memory_space<hbm>> -> memref<16x1024xf32, #tpu.memory_space<hbm>>
    %dma_start3A_886 = arith.constant 0 : i32
    %dma_start3A_887 = tpu.memref_slice %arg4[%dma_start3A_882, %add3A_881, %dma_start3A_886] : memref<4x4096x1024xf32, #tpu.memory_space<hbm>> -> memref<1x16x1024xf32, #tpu.memory_space<hbm>>
    %dma_start3A_888 = tpu.memref_squeeze %dma_start3A_887 : memref<1x16x1024xf32, #tpu.memory_space<hbm>> -> memref<16x1024xf32, #tpu.memory_space<hbm>>
    tpu.enqueue_dma source(%arg8 : memref<16x1024xf32, #tpu.memory_space<vmem>>) target(%dma_start3A_888 : memref<16x1024xf32, #tpu.memory_space<hbm>>) target_semaphore(%arg15 : memref<!tpu.dma_semaphore, #tpu.memory_space<semaphore_mem>>)
    %dma_wait3A_889 = arith.constant 1 : i32
    %dma_wait3A_890 = arith.constant 0 : i32
    %dma_wait3A_891 = tpu.memref_slice %arg2[%dma_wait3A_889, %add3A_809, %dma_wait3A_890] : memref<4x4096x1024xf32, #tpu.memory_space<hbm>> -> memref<1x16x1024xf32, #tpu.memory_space<hbm>>
    %dma_wait3A_892 = tpu.memref_squeeze %dma_wait3A_891 : memref<1x16x1024xf32, #tpu.memory_space<hbm>> -> memref<16x1024xf32, #tpu.memory_space<hbm>>
    %dma_wait3A_893 = arith.constant 0 : i32
    %dma_wait3A_894 = tpu.memref_slice %arg2[%dma_wait3A_889, %add3A_809, %dma_wait3A_893] : memref<4x4096x1024xf32, #tpu.memory_space<hbm>> -> memref<1x16x1024xf32, #tpu.memory_space<hbm>>
    %dma_wait3A_895 = tpu.memref_squeeze %dma_wait3A_894 : memref<1x16x1024xf32, #tpu.memory_space<hbm>> -> memref<16x1024xf32, #tpu.memory_space<hbm>>
    tpu.wait_dma2 semaphore(%arg12 : memref<!tpu.dma_semaphore, #tpu.memory_space<semaphore_mem>>) src(%dma_wait3A_895 : memref<16x1024xf32, #tpu.memory_space<hbm>>) dst(%arg5 : memref<16x1024xf32, #tpu.memory_space<vmem>>)
    %add3A_896 = arith.constant 80 : i32
    %add3A_897 = arith.addi %mul3A_2, %add3A_896 : i32
    %dma_start3A_898 = arith.constant 3 : i32
    %dma_start3A_899 = arith.constant 0 : i32
    %dma_start3A_900 = tpu.memref_slice %arg2[%dma_start3A_898, %add3A_897, %dma_start3A_899] : memref<4x4096x1024xf32, #tpu.memory_space<hbm>> -> memref<1x16x1024xf32, #tpu.memory_space<hbm>>
    %dma_start3A_901 = tpu.memref_squeeze %dma_start3A_900 : memref<1x16x1024xf32, #tpu.memory_space<hbm>> -> memref<16x1024xf32, #tpu.memory_space<hbm>>
    %dma_start3A_902 = arith.constant 0 : i32
    %dma_start3A_903 = tpu.memref_slice %arg2[%dma_start3A_898, %add3A_897, %dma_start3A_902] : memref<4x4096x1024xf32, #tpu.memory_space<hbm>> -> memref<1x16x1024xf32, #tpu.memory_space<hbm>>
    %dma_start3A_904 = tpu.memref_squeeze %dma_start3A_903 : memref<1x16x1024xf32, #tpu.memory_space<hbm>> -> memref<16x1024xf32, #tpu.memory_space<hbm>>
    tpu.enqueue_dma source(%dma_start3A_904 : memref<16x1024xf32, #tpu.memory_space<hbm>>) target(%arg7 : memref<16x1024xf32, #tpu.memory_space<vmem>>) target_semaphore(%arg14 : memref<!tpu.dma_semaphore, #tpu.memory_space<semaphore_mem>>)
    %dma_wait3A_905 = arith.constant 3 : i32
    %dma_wait3A_906 = arith.constant 0 : i32
    %dma_wait3A_907 = tpu.memref_slice %arg4[%dma_wait3A_905, %add3A_832, %dma_wait3A_906] : memref<4x4096x1024xf32, #tpu.memory_space<hbm>> -> memref<1x16x1024xf32, #tpu.memory_space<hbm>>
    %dma_wait3A_908 = tpu.memref_squeeze %dma_wait3A_907 : memref<1x16x1024xf32, #tpu.memory_space<hbm>> -> memref<16x1024xf32, #tpu.memory_space<hbm>>
    %dma_wait3A_909 = arith.constant 0 : i32
    %dma_wait3A_910 = tpu.memref_slice %arg4[%dma_wait3A_905, %add3A_832, %dma_wait3A_909] : memref<4x4096x1024xf32, #tpu.memory_space<hbm>> -> memref<1x16x1024xf32, #tpu.memory_space<hbm>>
    %dma_wait3A_911 = tpu.memref_squeeze %dma_wait3A_910 : memref<1x16x1024xf32, #tpu.memory_space<hbm>> -> memref<16x1024xf32, #tpu.memory_space<hbm>>
    tpu.wait_dma2 semaphore(%arg16 : memref<!tpu.dma_semaphore, #tpu.memory_space<semaphore_mem>>) src(%arg9 : memref<16x1024xf32, #tpu.memory_space<vmem>>) dst(%dma_wait3A_911 : memref<16x1024xf32, #tpu.memory_space<hbm>>)
    %scan3A_912 = arith.constant 0 : i32
    %scan3A_913 = arith.constant 0 : i32
    %scan3A_914 = arith.constant 16 : i32
    %scan3A_915 = arith.addi %scan3A_913, %scan3A_914 : i32
    %scan3A_916 = arith.constant 1 : i32
    %scan3A_917 = scf.for %scan3A_1328 = %scan3A_913 to %scan3A_915 step %scan3A_916 iter_args(%scan3A_1329 = %scan3A_912) -> (i32)  : i32 {
      %parallel_loop3A = arith.constant 0 : i32
      %parallel_loop3A_1330 = arith.constant 1024 : i32
      %parallel_loop3A_1331 = arith.constant 16 : i32
      scf.for %parallel_loop3A_1333 = %parallel_loop3A to %parallel_loop3A_1330 step %parallel_loop3A_1331  : i32 {
        %parallel_loop3A_1334 = arith.index_cast %scan3A_1328 : i32 to index
        %parallel_loop3A_1335 = arith.index_cast %parallel_loop3A_1333 : i32 to index
        %parallel_loop3A_1336 = tpu.vector_load %arg5[%parallel_loop3A_1334, %parallel_loop3A_1335] {strides = array<i32>} : memref<16x1024xf32, #tpu.memory_space<vmem>>, vector<1x16xf32>,
        %parallel_loop3A_1337 = vector.shape_cast %parallel_loop3A_1336 : vector<1x16xf32> to vector<16xf32>
        %parallel_loop3A_1338 = arith.index_cast %scan3A_1328 : i32 to index
        %parallel_loop3A_1339 = arith.index_cast %parallel_loop3A_1333 : i32 to index
        %parallel_loop3A_1340 = tpu.vector_load %arg11[%parallel_loop3A_1338, %parallel_loop3A_1339] {strides = array<i32>} : memref<16x1024xf32, #tpu.memory_space<vmem>>, vector<1x16xf32>,
        %parallel_loop3A_1341 = vector.shape_cast %parallel_loop3A_1340 : vector<1x16xf32> to vector<16xf32>
        %parallel_loop3A_1342 = arith.addf %parallel_loop3A_1337, %parallel_loop3A_1341 : vector<16xf32>
        %parallel_loop3A_1343 = arith.index_cast %scan3A_1328 : i32 to index
        %parallel_loop3A_1344 = arith.index_cast %parallel_loop3A_1333 : i32 to index
        %parallel_loop3A_1345 = tpu.vector_load %arg9[%parallel_loop3A_1343, %parallel_loop3A_1344] {strides = array<i32>} : memref<16x1024xf32, #tpu.memory_space<vmem>>, vector<1x16xf32>,
        %parallel_loop3A_1346 = vector.shape_cast %parallel_loop3A_1345 : vector<1x16xf32> to vector<16xf32>
        %parallel_loop3A_1347 = vector.shape_cast %parallel_loop3A_1342 : vector<16xf32> to vector<1x16xf32>
        tpu.vector_store %arg9[%parallel_loop3A_1343, %parallel_loop3A_1344], %parallel_loop3A_1347 {strides = array<i32>} : memref<16x1024xf32, #tpu.memory_space<vmem>>, vector<1x16xf32>,
      } {sc.loop_unroll_factor = 4 : i64, sc.parallel_access}
      %scan3A_1332 = arith.constant 0 : i32
      scf.yield %scan3A_1332 : i32
    }
    %scan3A_918 = arith.constant 16 : i32
    %add3A_919 = arith.constant 80 : i32
    %add3A_920 = arith.addi %mul3A_2, %add3A_919 : i32
    %dma_start3A_921 = arith.constant 1 : i32
    %dma_start3A_922 = arith.constant 0 : i32
    %dma_start3A_923 = tpu.memref_slice %arg4[%dma_start3A_921, %add3A_920, %dma_start3A_922] : memref<4x4096x1024xf32, #tpu.memory_space<hbm>> -> memref<1x16x1024xf32, #tpu.memory_space<hbm>>
    %dma_start3A_924 = tpu.memref_squeeze %dma_start3A_923 : memref<1x16x1024xf32, #tpu.memory_space<hbm>> -> memref<16x1024xf32, #tpu.memory_space<hbm>>
    %dma_start3A_925 = arith.constant 0 : i32
    %dma_start3A_926 = tpu.memref_slice %arg4[%dma_start3A_921, %add3A_920, %dma_start3A_925] : memref<4x4096x1024xf32, #tpu.memory_space<hbm>> -> memref<1x16x1024xf32, #tpu.memory_space<hbm>>
    %dma_start3A_927 = tpu.memref_squeeze %dma_start3A_926 : memref<1x16x1024xf32, #tpu.memory_space<hbm>> -> memref<16x1024xf32, #tpu.memory_space<hbm>>
    tpu.enqueue_dma source(%arg9 : memref<16x1024xf32, #tpu.memory_space<vmem>>) target(%dma_start3A_927 : memref<16x1024xf32, #tpu.memory_space<hbm>>) target_semaphore(%arg16 : memref<!tpu.dma_semaphore, #tpu.memory_space<semaphore_mem>>)
    %dma_wait3A_928 = arith.constant 2 : i32
    %dma_wait3A_929 = arith.constant 0 : i32
    %dma_wait3A_930 = tpu.memref_slice %arg2[%dma_wait3A_928, %add3A_858, %dma_wait3A_929] : memref<4x4096x1024xf32, #tpu.memory_space<hbm>> -> memref<1x16x1024xf32, #tpu.memory_space<hbm>>
    %dma_wait3A_931 = tpu.memref_squeeze %dma_wait3A_930 : memref<1x16x1024xf32, #tpu.memory_space<hbm>> -> memref<16x1024xf32, #tpu.memory_space<hbm>>
    %dma_wait3A_932 = arith.constant 0 : i32
    %dma_wait3A_933 = tpu.memref_slice %arg2[%dma_wait3A_928, %add3A_858, %dma_wait3A_932] : memref<4x4096x1024xf32, #tpu.memory_space<hbm>> -> memref<1x16x1024xf32, #tpu.memory_space<hbm>>
    %dma_wait3A_934 = tpu.memref_squeeze %dma_wait3A_933 : memref<1x16x1024xf32, #tpu.memory_space<hbm>> -> memref<16x1024xf32, #tpu.memory_space<hbm>>
    tpu.wait_dma2 semaphore(%arg13 : memref<!tpu.dma_semaphore, #tpu.memory_space<semaphore_mem>>) src(%dma_wait3A_934 : memref<16x1024xf32, #tpu.memory_space<hbm>>) dst(%arg6 : memref<16x1024xf32, #tpu.memory_space<vmem>>)
    %add3A_935 = arith.constant 96 : i32
    %add3A_936 = arith.addi %mul3A_2, %add3A_935 : i32
    %dma_start3A_937 = arith.constant 0 : i32
    %dma_start3A_938 = arith.constant 0 : i32
    %dma_start3A_939 = tpu.memref_slice %arg2[%dma_start3A_937, %add3A_936, %dma_start3A_938] : memref<4x4096x1024xf32, #tpu.memory_space<hbm>> -> memref<1x16x1024xf32, #tpu.memory_space<hbm>>
    %dma_start3A_940 = tpu.memref_squeeze %dma_start3A_939 : memref<1x16x1024xf32, #tpu.memory_space<hbm>> -> memref<16x1024xf32, #tpu.memory_space<hbm>>
    %dma_start3A_941 = arith.constant 0 : i32
    %dma_start3A_942 = tpu.memref_slice %arg2[%dma_start3A_937, %add3A_936, %dma_start3A_941] : memref<4x4096x1024xf32, #tpu.memory_space<hbm>> -> memref<1x16x1024xf32, #tpu.memory_space<hbm>>
    %dma_start3A_943 = tpu.memref_squeeze %dma_start3A_942 : memref<1x16x1024xf32, #tpu.memory_space<hbm>> -> memref<16x1024xf32, #tpu.memory_space<hbm>>
    tpu.enqueue_dma source(%dma_start3A_943 : memref<16x1024xf32, #tpu.memory_space<hbm>>) target(%arg5 : memref<16x1024xf32, #tpu.memory_space<vmem>>) target_semaphore(%arg12 : memref<!tpu.dma_semaphore, #tpu.memory_space<semaphore_mem>>)
    %dma_wait3A_944 = arith.constant 0 : i32
    %dma_wait3A_945 = arith.constant 0 : i32
    %dma_wait3A_946 = tpu.memref_slice %arg4[%dma_wait3A_944, %add3A_881, %dma_wait3A_945] : memref<4x4096x1024xf32, #tpu.memory_space<hbm>> -> memref<1x16x1024xf32, #tpu.memory_space<hbm>>
    %dma_wait3A_947 = tpu.memref_squeeze %dma_wait3A_946 : memref<1x16x1024xf32, #tpu.memory_space<hbm>> -> memref<16x1024xf32, #tpu.memory_space<hbm>>
    %dma_wait3A_948 = arith.constant 0 : i32
    %dma_wait3A_949 = tpu.memref_slice %arg4[%dma_wait3A_944, %add3A_881, %dma_wait3A_948] : memref<4x4096x1024xf32, #tpu.memory_space<hbm>> -> memref<1x16x1024xf32, #tpu.memory_space<hbm>>
    %dma_wait3A_950 = tpu.memref_squeeze %dma_wait3A_949 : memref<1x16x1024xf32, #tpu.memory_space<hbm>> -> memref<16x1024xf32, #tpu.memory_space<hbm>>
    tpu.wait_dma2 semaphore(%arg15 : memref<!tpu.dma_semaphore, #tpu.memory_space<semaphore_mem>>) src(%arg8 : memref<16x1024xf32, #tpu.memory_space<vmem>>) dst(%dma_wait3A_950 : memref<16x1024xf32, #tpu.memory_space<hbm>>)
    %scan3A_951 = arith.constant 0 : i32
    %scan3A_952 = arith.constant 0 : i32
    %scan3A_953 = arith.constant 16 : i32
    %scan3A_954 = arith.addi %scan3A_952, %scan3A_953 : i32
    %scan3A_955 = arith.constant 1 : i32
    %scan3A_956 = scf.for %scan3A_1328 = %scan3A_952 to %scan3A_954 step %scan3A_955 iter_args(%scan3A_1329 = %scan3A_951) -> (i32)  : i32 {
      %parallel_loop3A = arith.constant 0 : i32
      %parallel_loop3A_1330 = arith.constant 1024 : i32
      %parallel_loop3A_1331 = arith.constant 16 : i32
      scf.for %parallel_loop3A_1333 = %parallel_loop3A to %parallel_loop3A_1330 step %parallel_loop3A_1331  : i32 {
        %parallel_loop3A_1334 = arith.index_cast %scan3A_1328 : i32 to index
        %parallel_loop3A_1335 = arith.index_cast %parallel_loop3A_1333 : i32 to index
        %parallel_loop3A_1336 = tpu.vector_load %arg6[%parallel_loop3A_1334, %parallel_loop3A_1335] {strides = array<i32>} : memref<16x1024xf32, #tpu.memory_space<vmem>>, vector<1x16xf32>,
        %parallel_loop3A_1337 = vector.shape_cast %parallel_loop3A_1336 : vector<1x16xf32> to vector<16xf32>
        %parallel_loop3A_1338 = arith.index_cast %scan3A_1328 : i32 to index
        %parallel_loop3A_1339 = arith.index_cast %parallel_loop3A_1333 : i32 to index
        %parallel_loop3A_1340 = tpu.vector_load %arg11[%parallel_loop3A_1338, %parallel_loop3A_1339] {strides = array<i32>} : memref<16x1024xf32, #tpu.memory_space<vmem>>, vector<1x16xf32>,
        %parallel_loop3A_1341 = vector.shape_cast %parallel_loop3A_1340 : vector<1x16xf32> to vector<16xf32>
        %parallel_loop3A_1342 = arith.addf %parallel_loop3A_1337, %parallel_loop3A_1341 : vector<16xf32>
        %parallel_loop3A_1343 = arith.index_cast %scan3A_1328 : i32 to index
        %parallel_loop3A_1344 = arith.index_cast %parallel_loop3A_1333 : i32 to index
        %parallel_loop3A_1345 = tpu.vector_load %arg8[%parallel_loop3A_1343, %parallel_loop3A_1344] {strides = array<i32>} : memref<16x1024xf32, #tpu.memory_space<vmem>>, vector<1x16xf32>,
        %parallel_loop3A_1346 = vector.shape_cast %parallel_loop3A_1345 : vector<1x16xf32> to vector<16xf32>
        %parallel_loop3A_1347 = vector.shape_cast %parallel_loop3A_1342 : vector<16xf32> to vector<1x16xf32>
        tpu.vector_store %arg8[%parallel_loop3A_1343, %parallel_loop3A_1344], %parallel_loop3A_1347 {strides = array<i32>} : memref<16x1024xf32, #tpu.memory_space<vmem>>, vector<1x16xf32>,
      } {sc.loop_unroll_factor = 4 : i64, sc.parallel_access}
      %scan3A_1332 = arith.constant 0 : i32
      scf.yield %scan3A_1332 : i32
    }
    %scan3A_957 = arith.constant 16 : i32
    %add3A_958 = arith.constant 80 : i32
    %add3A_959 = arith.addi %mul3A_2, %add3A_958 : i32
    %dma_start3A_960 = arith.constant 2 : i32
    %dma_start3A_961 = arith.constant 0 : i32
    %dma_start3A_962 = tpu.memref_slice %arg4[%dma_start3A_960, %add3A_959, %dma_start3A_961] : memref<4x4096x1024xf32, #tpu.memory_space<hbm>> -> memref<1x16x1024xf32, #tpu.memory_space<hbm>>
    %dma_start3A_963 = tpu.memref_squeeze %dma_start3A_962 : memref<1x16x1024xf32, #tpu.memory_space<hbm>> -> memref<16x1024xf32, #tpu.memory_space<hbm>>
    %dma_start3A_964 = arith.constant 0 : i32
    %dma_start3A_965 = tpu.memref_slice %arg4[%dma_start3A_960, %add3A_959, %dma_start3A_964] : memref<4x4096x1024xf32, #tpu.memory_space<hbm>> -> memref<1x16x1024xf32, #tpu.memory_space<hbm>>
    %dma_start3A_966 = tpu.memref_squeeze %dma_start3A_965 : memref<1x16x1024xf32, #tpu.memory_space<hbm>> -> memref<16x1024xf32, #tpu.memory_space<hbm>>
    tpu.enqueue_dma source(%arg8 : memref<16x1024xf32, #tpu.memory_space<vmem>>) target(%dma_start3A_966 : memref<16x1024xf32, #tpu.memory_space<hbm>>) target_semaphore(%arg15 : memref<!tpu.dma_semaphore, #tpu.memory_space<semaphore_mem>>)
    %dma_wait3A_967 = arith.constant 3 : i32
    %dma_wait3A_968 = arith.constant 0 : i32
    %dma_wait3A_969 = tpu.memref_slice %arg2[%dma_wait3A_967, %add3A_897, %dma_wait3A_968] : memref<4x4096x1024xf32, #tpu.memory_space<hbm>> -> memref<1x16x1024xf32, #tpu.memory_space<hbm>>
    %dma_wait3A_970 = tpu.memref_squeeze %dma_wait3A_969 : memref<1x16x1024xf32, #tpu.memory_space<hbm>> -> memref<16x1024xf32, #tpu.memory_space<hbm>>
    %dma_wait3A_971 = arith.constant 0 : i32
    %dma_wait3A_972 = tpu.memref_slice %arg2[%dma_wait3A_967, %add3A_897, %dma_wait3A_971] : memref<4x4096x1024xf32, #tpu.memory_space<hbm>> -> memref<1x16x1024xf32, #tpu.memory_space<hbm>>
    %dma_wait3A_973 = tpu.memref_squeeze %dma_wait3A_972 : memref<1x16x1024xf32, #tpu.memory_space<hbm>> -> memref<16x1024xf32, #tpu.memory_space<hbm>>
    tpu.wait_dma2 semaphore(%arg14 : memref<!tpu.dma_semaphore, #tpu.memory_space<semaphore_mem>>) src(%dma_wait3A_973 : memref<16x1024xf32, #tpu.memory_space<hbm>>) dst(%arg7 : memref<16x1024xf32, #tpu.memory_space<vmem>>)
    %add3A_974 = arith.constant 96 : i32
    %add3A_975 = arith.addi %mul3A_2, %add3A_974 : i32
    %dma_start3A_976 = arith.constant 1 : i32
    %dma_start3A_977 = arith.constant 0 : i32
    %dma_start3A_978 = tpu.memref_slice %arg2[%dma_start3A_976, %add3A_975, %dma_start3A_977] : memref<4x4096x1024xf32, #tpu.memory_space<hbm>> -> memref<1x16x1024xf32, #tpu.memory_space<hbm>>
    %dma_start3A_979 = tpu.memref_squeeze %dma_start3A_978 : memref<1x16x1024xf32, #tpu.memory_space<hbm>> -> memref<16x1024xf32, #tpu.memory_space<hbm>>
    %dma_start3A_980 = arith.constant 0 : i32
    %dma_start3A_981 = tpu.memref_slice %arg2[%dma_start3A_976, %add3A_975, %dma_start3A_980] : memref<4x4096x1024xf32, #tpu.memory_space<hbm>> -> memref<1x16x1024xf32, #tpu.memory_space<hbm>>
    %dma_start3A_982 = tpu.memref_squeeze %dma_start3A_981 : memref<1x16x1024xf32, #tpu.memory_space<hbm>> -> memref<16x1024xf32, #tpu.memory_space<hbm>>
    tpu.enqueue_dma source(%dma_start3A_982 : memref<16x1024xf32, #tpu.memory_space<hbm>>) target(%arg6 : memref<16x1024xf32, #tpu.memory_space<vmem>>) target_semaphore(%arg13 : memref<!tpu.dma_semaphore, #tpu.memory_space<semaphore_mem>>)
    %dma_wait3A_983 = arith.constant 1 : i32
    %dma_wait3A_984 = arith.constant 0 : i32
    %dma_wait3A_985 = tpu.memref_slice %arg4[%dma_wait3A_983, %add3A_920, %dma_wait3A_984] : memref<4x4096x1024xf32, #tpu.memory_space<hbm>> -> memref<1x16x1024xf32, #tpu.memory_space<hbm>>
    %dma_wait3A_986 = tpu.memref_squeeze %dma_wait3A_985 : memref<1x16x1024xf32, #tpu.memory_space<hbm>> -> memref<16x1024xf32, #tpu.memory_space<hbm>>
    %dma_wait3A_987 = arith.constant 0 : i32
    %dma_wait3A_988 = tpu.memref_slice %arg4[%dma_wait3A_983, %add3A_920, %dma_wait3A_987] : memref<4x4096x1024xf32, #tpu.memory_space<hbm>> -> memref<1x16x1024xf32, #tpu.memory_space<hbm>>
    %dma_wait3A_989 = tpu.memref_squeeze %dma_wait3A_988 : memref<1x16x1024xf32, #tpu.memory_space<hbm>> -> memref<16x1024xf32, #tpu.memory_space<hbm>>
    tpu.wait_dma2 semaphore(%arg16 : memref<!tpu.dma_semaphore, #tpu.memory_space<semaphore_mem>>) src(%arg9 : memref<16x1024xf32, #tpu.memory_space<vmem>>) dst(%dma_wait3A_989 : memref<16x1024xf32, #tpu.memory_space<hbm>>)
    %scan3A_990 = arith.constant 0 : i32
    %scan3A_991 = arith.constant 0 : i32
    %scan3A_992 = arith.constant 16 : i32
    %scan3A_993 = arith.addi %scan3A_991, %scan3A_992 : i32
    %scan3A_994 = arith.constant 1 : i32
    %scan3A_995 = scf.for %scan3A_1328 = %scan3A_991 to %scan3A_993 step %scan3A_994 iter_args(%scan3A_1329 = %scan3A_990) -> (i32)  : i32 {
      %parallel_loop3A = arith.constant 0 : i32
      %parallel_loop3A_1330 = arith.constant 1024 : i32
      %parallel_loop3A_1331 = arith.constant 16 : i32
      scf.for %parallel_loop3A_1333 = %parallel_loop3A to %parallel_loop3A_1330 step %parallel_loop3A_1331  : i32 {
        %parallel_loop3A_1334 = arith.index_cast %scan3A_1328 : i32 to index
        %parallel_loop3A_1335 = arith.index_cast %parallel_loop3A_1333 : i32 to index
        %parallel_loop3A_1336 = tpu.vector_load %arg7[%parallel_loop3A_1334, %parallel_loop3A_1335] {strides = array<i32>} : memref<16x1024xf32, #tpu.memory_space<vmem>>, vector<1x16xf32>,
        %parallel_loop3A_1337 = vector.shape_cast %parallel_loop3A_1336 : vector<1x16xf32> to vector<16xf32>
        %parallel_loop3A_1338 = arith.index_cast %scan3A_1328 : i32 to index
        %parallel_loop3A_1339 = arith.index_cast %parallel_loop3A_1333 : i32 to index
        %parallel_loop3A_1340 = tpu.vector_load %arg11[%parallel_loop3A_1338, %parallel_loop3A_1339] {strides = array<i32>} : memref<16x1024xf32, #tpu.memory_space<vmem>>, vector<1x16xf32>,
        %parallel_loop3A_1341 = vector.shape_cast %parallel_loop3A_1340 : vector<1x16xf32> to vector<16xf32>
        %parallel_loop3A_1342 = arith.addf %parallel_loop3A_1337, %parallel_loop3A_1341 : vector<16xf32>
        %parallel_loop3A_1343 = arith.index_cast %scan3A_1328 : i32 to index
        %parallel_loop3A_1344 = arith.index_cast %parallel_loop3A_1333 : i32 to index
        %parallel_loop3A_1345 = tpu.vector_load %arg9[%parallel_loop3A_1343, %parallel_loop3A_1344] {strides = array<i32>} : memref<16x1024xf32, #tpu.memory_space<vmem>>, vector<1x16xf32>,
        %parallel_loop3A_1346 = vector.shape_cast %parallel_loop3A_1345 : vector<1x16xf32> to vector<16xf32>
        %parallel_loop3A_1347 = vector.shape_cast %parallel_loop3A_1342 : vector<16xf32> to vector<1x16xf32>
        tpu.vector_store %arg9[%parallel_loop3A_1343, %parallel_loop3A_1344], %parallel_loop3A_1347 {strides = array<i32>} : memref<16x1024xf32, #tpu.memory_space<vmem>>, vector<1x16xf32>,
      } {sc.loop_unroll_factor = 4 : i64, sc.parallel_access}
      %scan3A_1332 = arith.constant 0 : i32
      scf.yield %scan3A_1332 : i32
    }
    %scan3A_996 = arith.constant 16 : i32
    %add3A_997 = arith.constant 80 : i32
    %add3A_998 = arith.addi %mul3A_2, %add3A_997 : i32
    %dma_start3A_999 = arith.constant 3 : i32
    %dma_start3A_1000 = arith.constant 0 : i32
    %dma_start3A_1001 = tpu.memref_slice %arg4[%dma_start3A_999, %add3A_998, %dma_start3A_1000] : memref<4x4096x1024xf32, #tpu.memory_space<hbm>> -> memref<1x16x1024xf32, #tpu.memory_space<hbm>>
    %dma_start3A_1002 = tpu.memref_squeeze %dma_start3A_1001 : memref<1x16x1024xf32, #tpu.memory_space<hbm>> -> memref<16x1024xf32, #tpu.memory_space<hbm>>
    %dma_start3A_1003 = arith.constant 0 : i32
    %dma_start3A_1004 = tpu.memref_slice %arg4[%dma_start3A_999, %add3A_998, %dma_start3A_1003] : memref<4x4096x1024xf32, #tpu.memory_space<hbm>> -> memref<1x16x1024xf32, #tpu.memory_space<hbm>>
    %dma_start3A_1005 = tpu.memref_squeeze %dma_start3A_1004 : memref<1x16x1024xf32, #tpu.memory_space<hbm>> -> memref<16x1024xf32, #tpu.memory_space<hbm>>
    tpu.enqueue_dma source(%arg9 : memref<16x1024xf32, #tpu.memory_space<vmem>>) target(%dma_start3A_1005 : memref<16x1024xf32, #tpu.memory_space<hbm>>) target_semaphore(%arg16 : memref<!tpu.dma_semaphore, #tpu.memory_space<semaphore_mem>>)
    %dma_wait3A_1006 = arith.constant 0 : i32
    %dma_wait3A_1007 = arith.constant 0 : i32
    %dma_wait3A_1008 = tpu.memref_slice %arg2[%dma_wait3A_1006, %add3A_936, %dma_wait3A_1007] : memref<4x4096x1024xf32, #tpu.memory_space<hbm>> -> memref<1x16x1024xf32, #tpu.memory_space<hbm>>
    %dma_wait3A_1009 = tpu.memref_squeeze %dma_wait3A_1008 : memref<1x16x1024xf32, #tpu.memory_space<hbm>> -> memref<16x1024xf32, #tpu.memory_space<hbm>>
    %dma_wait3A_1010 = arith.constant 0 : i32
    %dma_wait3A_1011 = tpu.memref_slice %arg2[%dma_wait3A_1006, %add3A_936, %dma_wait3A_1010] : memref<4x4096x1024xf32, #tpu.memory_space<hbm>> -> memref<1x16x1024xf32, #tpu.memory_space<hbm>>
    %dma_wait3A_1012 = tpu.memref_squeeze %dma_wait3A_1011 : memref<1x16x1024xf32, #tpu.memory_space<hbm>> -> memref<16x1024xf32, #tpu.memory_space<hbm>>
    tpu.wait_dma2 semaphore(%arg12 : memref<!tpu.dma_semaphore, #tpu.memory_space<semaphore_mem>>) src(%dma_wait3A_1012 : memref<16x1024xf32, #tpu.memory_space<hbm>>) dst(%arg5 : memref<16x1024xf32, #tpu.memory_space<vmem>>)
    %dma_wait3A_1013 = arith.constant 0 : i32
    %dma_wait3A_1014 = tpu.memref_slice %arg3[%add3A_852, %dma_wait3A_1013] : memref<8192x1024xf32, #tpu.memory_space<hbm>> -> memref<16x1024xf32, #tpu.memory_space<hbm>>
    %dma_wait3A_1015 = arith.constant 0 : i32
    %dma_wait3A_1016 = tpu.memref_slice %arg3[%add3A_852, %dma_wait3A_1015] : memref<8192x1024xf32, #tpu.memory_space<hbm>> -> memref<16x1024xf32, #tpu.memory_space<hbm>>
    tpu.wait_dma2 semaphore(%arg17 : memref<!tpu.dma_semaphore, #tpu.memory_space<semaphore_mem>>) src(%dma_wait3A_1016 : memref<16x1024xf32, #tpu.memory_space<hbm>>) dst(%arg10 : memref<16x1024xf32, #tpu.memory_space<vmem>>)
    %add3A_1017 = arith.constant 112 : i32
    %add3A_1018 = arith.addi %mul3A_2, %add3A_1017 : i32
    %dma_start3A_1019 = arith.constant 0 : i32
    %dma_start3A_1020 = tpu.memref_slice %arg3[%add3A_1018, %dma_start3A_1019] : memref<8192x1024xf32, #tpu.memory_space<hbm>> -> memref<16x1024xf32, #tpu.memory_space<hbm>>
    %dma_start3A_1021 = arith.constant 0 : i32
    %dma_start3A_1022 = tpu.memref_slice %arg3[%add3A_1018, %dma_start3A_1021] : memref<8192x1024xf32, #tpu.memory_space<hbm>> -> memref<16x1024xf32, #tpu.memory_space<hbm>>
    tpu.enqueue_dma source(%dma_start3A_1022 : memref<16x1024xf32, #tpu.memory_space<hbm>>) target(%arg11 : memref<16x1024xf32, #tpu.memory_space<vmem>>) target_semaphore(%arg18 : memref<!tpu.dma_semaphore, #tpu.memory_space<semaphore_mem>>)
    %add3A_1023 = arith.constant 96 : i32
    %add3A_1024 = arith.addi %mul3A_2, %add3A_1023 : i32
    %dma_start3A_1025 = arith.constant 2 : i32
    %dma_start3A_1026 = arith.constant 0 : i32
    %dma_start3A_1027 = tpu.memref_slice %arg2[%dma_start3A_1025, %add3A_1024, %dma_start3A_1026] : memref<4x4096x1024xf32, #tpu.memory_space<hbm>> -> memref<1x16x1024xf32, #tpu.memory_space<hbm>>
    %dma_start3A_1028 = tpu.memref_squeeze %dma_start3A_1027 : memref<1x16x1024xf32, #tpu.memory_space<hbm>> -> memref<16x1024xf32, #tpu.memory_space<hbm>>
    %dma_start3A_1029 = arith.constant 0 : i32
    %dma_start3A_1030 = tpu.memref_slice %arg2[%dma_start3A_1025, %add3A_1024, %dma_start3A_1029] : memref<4x4096x1024xf32, #tpu.memory_space<hbm>> -> memref<1x16x1024xf32, #tpu.memory_space<hbm>>
    %dma_start3A_1031 = tpu.memref_squeeze %dma_start3A_1030 : memref<1x16x1024xf32, #tpu.memory_space<hbm>> -> memref<16x1024xf32, #tpu.memory_space<hbm>>
    tpu.enqueue_dma source(%dma_start3A_1031 : memref<16x1024xf32, #tpu.memory_space<hbm>>) target(%arg7 : memref<16x1024xf32, #tpu.memory_space<vmem>>) target_semaphore(%arg14 : memref<!tpu.dma_semaphore, #tpu.memory_space<semaphore_mem>>)
    %dma_wait3A_1032 = arith.constant 2 : i32
    %dma_wait3A_1033 = arith.constant 0 : i32
    %dma_wait3A_1034 = tpu.memref_slice %arg4[%dma_wait3A_1032, %add3A_959, %dma_wait3A_1033] : memref<4x4096x1024xf32, #tpu.memory_space<hbm>> -> memref<1x16x1024xf32, #tpu.memory_space<hbm>>
    %dma_wait3A_1035 = tpu.memref_squeeze %dma_wait3A_1034 : memref<1x16x1024xf32, #tpu.memory_space<hbm>> -> memref<16x1024xf32, #tpu.memory_space<hbm>>
    %dma_wait3A_1036 = arith.constant 0 : i32
    %dma_wait3A_1037 = tpu.memref_slice %arg4[%dma_wait3A_1032, %add3A_959, %dma_wait3A_1036] : memref<4x4096x1024xf32, #tpu.memory_space<hbm>> -> memref<1x16x1024xf32, #tpu.memory_space<hbm>>
    %dma_wait3A_1038 = tpu.memref_squeeze %dma_wait3A_1037 : memref<1x16x1024xf32, #tpu.memory_space<hbm>> -> memref<16x1024xf32, #tpu.memory_space<hbm>>
    tpu.wait_dma2 semaphore(%arg15 : memref<!tpu.dma_semaphore, #tpu.memory_space<semaphore_mem>>) src(%arg8 : memref<16x1024xf32, #tpu.memory_space<vmem>>) dst(%dma_wait3A_1038 : memref<16x1024xf32, #tpu.memory_space<hbm>>)
    %scan3A_1039 = arith.constant 0 : i32
    %scan3A_1040 = arith.constant 0 : i32
    %scan3A_1041 = arith.constant 16 : i32
    %scan3A_1042 = arith.addi %scan3A_1040, %scan3A_1041 : i32
    %scan3A_1043 = arith.constant 1 : i32
    %scan3A_1044 = scf.for %scan3A_1328 = %scan3A_1040 to %scan3A_1042 step %scan3A_1043 iter_args(%scan3A_1329 = %scan3A_1039) -> (i32)  : i32 {
      %parallel_loop3A = arith.constant 0 : i32
      %parallel_loop3A_1330 = arith.constant 1024 : i32
      %parallel_loop3A_1331 = arith.constant 16 : i32
      scf.for %parallel_loop3A_1333 = %parallel_loop3A to %parallel_loop3A_1330 step %parallel_loop3A_1331  : i32 {
        %parallel_loop3A_1334 = arith.index_cast %scan3A_1328 : i32 to index
        %parallel_loop3A_1335 = arith.index_cast %parallel_loop3A_1333 : i32 to index
        %parallel_loop3A_1336 = tpu.vector_load %arg5[%parallel_loop3A_1334, %parallel_loop3A_1335] {strides = array<i32>} : memref<16x1024xf32, #tpu.memory_space<vmem>>, vector<1x16xf32>,
        %parallel_loop3A_1337 = vector.shape_cast %parallel_loop3A_1336 : vector<1x16xf32> to vector<16xf32>
        %parallel_loop3A_1338 = arith.index_cast %scan3A_1328 : i32 to index
        %parallel_loop3A_1339 = arith.index_cast %parallel_loop3A_1333 : i32 to index
        %parallel_loop3A_1340 = tpu.vector_load %arg10[%parallel_loop3A_1338, %parallel_loop3A_1339] {strides = array<i32>} : memref<16x1024xf32, #tpu.memory_space<vmem>>, vector<1x16xf32>,
        %parallel_loop3A_1341 = vector.shape_cast %parallel_loop3A_1340 : vector<1x16xf32> to vector<16xf32>
        %parallel_loop3A_1342 = arith.addf %parallel_loop3A_1337, %parallel_loop3A_1341 : vector<16xf32>
        %parallel_loop3A_1343 = arith.index_cast %scan3A_1328 : i32 to index
        %parallel_loop3A_1344 = arith.index_cast %parallel_loop3A_1333 : i32 to index
        %parallel_loop3A_1345 = tpu.vector_load %arg8[%parallel_loop3A_1343, %parallel_loop3A_1344] {strides = array<i32>} : memref<16x1024xf32, #tpu.memory_space<vmem>>, vector<1x16xf32>,
        %parallel_loop3A_1346 = vector.shape_cast %parallel_loop3A_1345 : vector<1x16xf32> to vector<16xf32>
        %parallel_loop3A_1347 = vector.shape_cast %parallel_loop3A_1342 : vector<16xf32> to vector<1x16xf32>
        tpu.vector_store %arg8[%parallel_loop3A_1343, %parallel_loop3A_1344], %parallel_loop3A_1347 {strides = array<i32>} : memref<16x1024xf32, #tpu.memory_space<vmem>>, vector<1x16xf32>,
      } {sc.loop_unroll_factor = 4 : i64, sc.parallel_access}
      %scan3A_1332 = arith.constant 0 : i32
      scf.yield %scan3A_1332 : i32
    }
    %scan3A_1045 = arith.constant 16 : i32
    %add3A_1046 = arith.constant 96 : i32
    %add3A_1047 = arith.addi %mul3A_2, %add3A_1046 : i32
    %dma_start3A_1048 = arith.constant 0 : i32
    %dma_start3A_1049 = arith.constant 0 : i32
    %dma_start3A_1050 = tpu.memref_slice %arg4[%dma_start3A_1048, %add3A_1047, %dma_start3A_1049] : memref<4x4096x1024xf32, #tpu.memory_space<hbm>> -> memref<1x16x1024xf32, #tpu.memory_space<hbm>>
    %dma_start3A_1051 = tpu.memref_squeeze %dma_start3A_1050 : memref<1x16x1024xf32, #tpu.memory_space<hbm>> -> memref<16x1024xf32, #tpu.memory_space<hbm>>
    %dma_start3A_1052 = arith.constant 0 : i32
    %dma_start3A_1053 = tpu.memref_slice %arg4[%dma_start3A_1048, %add3A_1047, %dma_start3A_1052] : memref<4x4096x1024xf32, #tpu.memory_space<hbm>> -> memref<1x16x1024xf32, #tpu.memory_space<hbm>>
    %dma_start3A_1054 = tpu.memref_squeeze %dma_start3A_1053 : memref<1x16x1024xf32, #tpu.memory_space<hbm>> -> memref<16x1024xf32, #tpu.memory_space<hbm>>
    tpu.enqueue_dma source(%arg8 : memref<16x1024xf32, #tpu.memory_space<vmem>>) target(%dma_start3A_1054 : memref<16x1024xf32, #tpu.memory_space<hbm>>) target_semaphore(%arg15 : memref<!tpu.dma_semaphore, #tpu.memory_space<semaphore_mem>>)
    %dma_wait3A_1055 = arith.constant 1 : i32
    %dma_wait3A_1056 = arith.constant 0 : i32
    %dma_wait3A_1057 = tpu.memref_slice %arg2[%dma_wait3A_1055, %add3A_975, %dma_wait3A_1056] : memref<4x4096x1024xf32, #tpu.memory_space<hbm>> -> memref<1x16x1024xf32, #tpu.memory_space<hbm>>
    %dma_wait3A_1058 = tpu.memref_squeeze %dma_wait3A_1057 : memref<1x16x1024xf32, #tpu.memory_space<hbm>> -> memref<16x1024xf32, #tpu.memory_space<hbm>>
    %dma_wait3A_1059 = arith.constant 0 : i32
    %dma_wait3A_1060 = tpu.memref_slice %arg2[%dma_wait3A_1055, %add3A_975, %dma_wait3A_1059] : memref<4x4096x1024xf32, #tpu.memory_space<hbm>> -> memref<1x16x1024xf32, #tpu.memory_space<hbm>>
    %dma_wait3A_1061 = tpu.memref_squeeze %dma_wait3A_1060 : memref<1x16x1024xf32, #tpu.memory_space<hbm>> -> memref<16x1024xf32, #tpu.memory_space<hbm>>
    tpu.wait_dma2 semaphore(%arg13 : memref<!tpu.dma_semaphore, #tpu.memory_space<semaphore_mem>>) src(%dma_wait3A_1061 : memref<16x1024xf32, #tpu.memory_space<hbm>>) dst(%arg6 : memref<16x1024xf32, #tpu.memory_space<vmem>>)
    %add3A_1062 = arith.constant 96 : i32
    %add3A_1063 = arith.addi %mul3A_2, %add3A_1062 : i32
    %dma_start3A_1064 = arith.constant 3 : i32
    %dma_start3A_1065 = arith.constant 0 : i32
    %dma_start3A_1066 = tpu.memref_slice %arg2[%dma_start3A_1064, %add3A_1063, %dma_start3A_1065] : memref<4x4096x1024xf32, #tpu.memory_space<hbm>> -> memref<1x16x1024xf32, #tpu.memory_space<hbm>>
    %dma_start3A_1067 = tpu.memref_squeeze %dma_start3A_1066 : memref<1x16x1024xf32, #tpu.memory_space<hbm>> -> memref<16x1024xf32, #tpu.memory_space<hbm>>
    %dma_start3A_1068 = arith.constant 0 : i32
    %dma_start3A_1069 = tpu.memref_slice %arg2[%dma_start3A_1064, %add3A_1063, %dma_start3A_1068] : memref<4x4096x1024xf32, #tpu.memory_space<hbm>> -> memref<1x16x1024xf32, #tpu.memory_space<hbm>>
    %dma_start3A_1070 = tpu.memref_squeeze %dma_start3A_1069 : memref<1x16x1024xf32, #tpu.memory_space<hbm>> -> memref<16x1024xf32, #tpu.memory_space<hbm>>
    tpu.enqueue_dma source(%dma_start3A_1070 : memref<16x1024xf32, #tpu.memory_space<hbm>>) target(%arg5 : memref<16x1024xf32, #tpu.memory_space<vmem>>) target_semaphore(%arg12 : memref<!tpu.dma_semaphore, #tpu.memory_space<semaphore_mem>>)
    %dma_wait3A_1071 = arith.constant 3 : i32
    %dma_wait3A_1072 = arith.constant 0 : i32
    %dma_wait3A_1073 = tpu.memref_slice %arg4[%dma_wait3A_1071, %add3A_998, %dma_wait3A_1072] : memref<4x4096x1024xf32, #tpu.memory_space<hbm>> -> memref<1x16x1024xf32, #tpu.memory_space<hbm>>
    %dma_wait3A_1074 = tpu.memref_squeeze %dma_wait3A_1073 : memref<1x16x1024xf32, #tpu.memory_space<hbm>> -> memref<16x1024xf32, #tpu.memory_space<hbm>>
    %dma_wait3A_1075 = arith.constant 0 : i32
    %dma_wait3A_1076 = tpu.memref_slice %arg4[%dma_wait3A_1071, %add3A_998, %dma_wait3A_1075] : memref<4x4096x1024xf32, #tpu.memory_space<hbm>> -> memref<1x16x1024xf32, #tpu.memory_space<hbm>>
    %dma_wait3A_1077 = tpu.memref_squeeze %dma_wait3A_1076 : memref<1x16x1024xf32, #tpu.memory_space<hbm>> -> memref<16x1024xf32, #tpu.memory_space<hbm>>
    tpu.wait_dma2 semaphore(%arg16 : memref<!tpu.dma_semaphore, #tpu.memory_space<semaphore_mem>>) src(%arg9 : memref<16x1024xf32, #tpu.memory_space<vmem>>) dst(%dma_wait3A_1077 : memref<16x1024xf32, #tpu.memory_space<hbm>>)
    %scan3A_1078 = arith.constant 0 : i32
    %scan3A_1079 = arith.constant 0 : i32
    %scan3A_1080 = arith.constant 16 : i32
    %scan3A_1081 = arith.addi %scan3A_1079, %scan3A_1080 : i32
    %scan3A_1082 = arith.constant 1 : i32
    %scan3A_1083 = scf.for %scan3A_1328 = %scan3A_1079 to %scan3A_1081 step %scan3A_1082 iter_args(%scan3A_1329 = %scan3A_1078) -> (i32)  : i32 {
      %parallel_loop3A = arith.constant 0 : i32
      %parallel_loop3A_1330 = arith.constant 1024 : i32
      %parallel_loop3A_1331 = arith.constant 16 : i32
      scf.for %parallel_loop3A_1333 = %parallel_loop3A to %parallel_loop3A_1330 step %parallel_loop3A_1331  : i32 {
        %parallel_loop3A_1334 = arith.index_cast %scan3A_1328 : i32 to index
        %parallel_loop3A_1335 = arith.index_cast %parallel_loop3A_1333 : i32 to index
        %parallel_loop3A_1336 = tpu.vector_load %arg6[%parallel_loop3A_1334, %parallel_loop3A_1335] {strides = array<i32>} : memref<16x1024xf32, #tpu.memory_space<vmem>>, vector<1x16xf32>,
        %parallel_loop3A_1337 = vector.shape_cast %parallel_loop3A_1336 : vector<1x16xf32> to vector<16xf32>
        %parallel_loop3A_1338 = arith.index_cast %scan3A_1328 : i32 to index
        %parallel_loop3A_1339 = arith.index_cast %parallel_loop3A_1333 : i32 to index
        %parallel_loop3A_1340 = tpu.vector_load %arg10[%parallel_loop3A_1338, %parallel_loop3A_1339] {strides = array<i32>} : memref<16x1024xf32, #tpu.memory_space<vmem>>, vector<1x16xf32>,
        %parallel_loop3A_1341 = vector.shape_cast %parallel_loop3A_1340 : vector<1x16xf32> to vector<16xf32>
        %parallel_loop3A_1342 = arith.addf %parallel_loop3A_1337, %parallel_loop3A_1341 : vector<16xf32>
        %parallel_loop3A_1343 = arith.index_cast %scan3A_1328 : i32 to index
        %parallel_loop3A_1344 = arith.index_cast %parallel_loop3A_1333 : i32 to index
        %parallel_loop3A_1345 = tpu.vector_load %arg9[%parallel_loop3A_1343, %parallel_loop3A_1344] {strides = array<i32>} : memref<16x1024xf32, #tpu.memory_space<vmem>>, vector<1x16xf32>,
        %parallel_loop3A_1346 = vector.shape_cast %parallel_loop3A_1345 : vector<1x16xf32> to vector<16xf32>
        %parallel_loop3A_1347 = vector.shape_cast %parallel_loop3A_1342 : vector<16xf32> to vector<1x16xf32>
        tpu.vector_store %arg9[%parallel_loop3A_1343, %parallel_loop3A_1344], %parallel_loop3A_1347 {strides = array<i32>} : memref<16x1024xf32, #tpu.memory_space<vmem>>, vector<1x16xf32>,
      } {sc.loop_unroll_factor = 4 : i64, sc.parallel_access}
      %scan3A_1332 = arith.constant 0 : i32
      scf.yield %scan3A_1332 : i32
    }
    %scan3A_1084 = arith.constant 16 : i32
    %add3A_1085 = arith.constant 96 : i32
    %add3A_1086 = arith.addi %mul3A_2, %add3A_1085 : i32
    %dma_start3A_1087 = arith.constant 1 : i32
    %dma_start3A_1088 = arith.constant 0 : i32
    %dma_start3A_1089 = tpu.memref_slice %arg4[%dma_start3A_1087, %add3A_1086, %dma_start3A_1088] : memref<4x4096x1024xf32, #tpu.memory_space<hbm>> -> memref<1x16x1024xf32, #tpu.memory_space<hbm>>
    %dma_start3A_1090 = tpu.memref_squeeze %dma_start3A_1089 : memref<1x16x1024xf32, #tpu.memory_space<hbm>> -> memref<16x1024xf32, #tpu.memory_space<hbm>>
    %dma_start3A_1091 = arith.constant 0 : i32
    %dma_start3A_1092 = tpu.memref_slice %arg4[%dma_start3A_1087, %add3A_1086, %dma_start3A_1091] : memref<4x4096x1024xf32, #tpu.memory_space<hbm>> -> memref<1x16x1024xf32, #tpu.memory_space<hbm>>
    %dma_start3A_1093 = tpu.memref_squeeze %dma_start3A_1092 : memref<1x16x1024xf32, #tpu.memory_space<hbm>> -> memref<16x1024xf32, #tpu.memory_space<hbm>>
    tpu.enqueue_dma source(%arg9 : memref<16x1024xf32, #tpu.memory_space<vmem>>) target(%dma_start3A_1093 : memref<16x1024xf32, #tpu.memory_space<hbm>>) target_semaphore(%arg16 : memref<!tpu.dma_semaphore, #tpu.memory_space<semaphore_mem>>)
    %dma_wait3A_1094 = arith.constant 2 : i32
    %dma_wait3A_1095 = arith.constant 0 : i32
    %dma_wait3A_1096 = tpu.memref_slice %arg2[%dma_wait3A_1094, %add3A_1024, %dma_wait3A_1095] : memref<4x4096x1024xf32, #tpu.memory_space<hbm>> -> memref<1x16x1024xf32, #tpu.memory_space<hbm>>
    %dma_wait3A_1097 = tpu.memref_squeeze %dma_wait3A_1096 : memref<1x16x1024xf32, #tpu.memory_space<hbm>> -> memref<16x1024xf32, #tpu.memory_space<hbm>>
    %dma_wait3A_1098 = arith.constant 0 : i32
    %dma_wait3A_1099 = tpu.memref_slice %arg2[%dma_wait3A_1094, %add3A_1024, %dma_wait3A_1098] : memref<4x4096x1024xf32, #tpu.memory_space<hbm>> -> memref<1x16x1024xf32, #tpu.memory_space<hbm>>
    %dma_wait3A_1100 = tpu.memref_squeeze %dma_wait3A_1099 : memref<1x16x1024xf32, #tpu.memory_space<hbm>> -> memref<16x1024xf32, #tpu.memory_space<hbm>>
    tpu.wait_dma2 semaphore(%arg14 : memref<!tpu.dma_semaphore, #tpu.memory_space<semaphore_mem>>) src(%dma_wait3A_1100 : memref<16x1024xf32, #tpu.memory_space<hbm>>) dst(%arg7 : memref<16x1024xf32, #tpu.memory_space<vmem>>)
    %add3A_1101 = arith.constant 112 : i32
    %add3A_1102 = arith.addi %mul3A_2, %add3A_1101 : i32
    %dma_start3A_1103 = arith.constant 0 : i32
    %dma_start3A_1104 = arith.constant 0 : i32
    %dma_start3A_1105 = tpu.memref_slice %arg2[%dma_start3A_1103, %add3A_1102, %dma_start3A_1104] : memref<4x4096x1024xf32, #tpu.memory_space<hbm>> -> memref<1x16x1024xf32, #tpu.memory_space<hbm>>
    %dma_start3A_1106 = tpu.memref_squeeze %dma_start3A_1105 : memref<1x16x1024xf32, #tpu.memory_space<hbm>> -> memref<16x1024xf32, #tpu.memory_space<hbm>>
    %dma_start3A_1107 = arith.constant 0 : i32
    %dma_start3A_1108 = tpu.memref_slice %arg2[%dma_start3A_1103, %add3A_1102, %dma_start3A_1107] : memref<4x4096x1024xf32, #tpu.memory_space<hbm>> -> memref<1x16x1024xf32, #tpu.memory_space<hbm>>
    %dma_start3A_1109 = tpu.memref_squeeze %dma_start3A_1108 : memref<1x16x1024xf32, #tpu.memory_space<hbm>> -> memref<16x1024xf32, #tpu.memory_space<hbm>>
    tpu.enqueue_dma source(%dma_start3A_1109 : memref<16x1024xf32, #tpu.memory_space<hbm>>) target(%arg6 : memref<16x1024xf32, #tpu.memory_space<vmem>>) target_semaphore(%arg13 : memref<!tpu.dma_semaphore, #tpu.memory_space<semaphore_mem>>)
    %dma_wait3A_1110 = arith.constant 0 : i32
    %dma_wait3A_1111 = arith.constant 0 : i32
    %dma_wait3A_1112 = tpu.memref_slice %arg4[%dma_wait3A_1110, %add3A_1047, %dma_wait3A_1111] : memref<4x4096x1024xf32, #tpu.memory_space<hbm>> -> memref<1x16x1024xf32, #tpu.memory_space<hbm>>
    %dma_wait3A_1113 = tpu.memref_squeeze %dma_wait3A_1112 : memref<1x16x1024xf32, #tpu.memory_space<hbm>> -> memref<16x1024xf32, #tpu.memory_space<hbm>>
    %dma_wait3A_1114 = arith.constant 0 : i32
    %dma_wait3A_1115 = tpu.memref_slice %arg4[%dma_wait3A_1110, %add3A_1047, %dma_wait3A_1114] : memref<4x4096x1024xf32, #tpu.memory_space<hbm>> -> memref<1x16x1024xf32, #tpu.memory_space<hbm>>
    %dma_wait3A_1116 = tpu.memref_squeeze %dma_wait3A_1115 : memref<1x16x1024xf32, #tpu.memory_space<hbm>> -> memref<16x1024xf32, #tpu.memory_space<hbm>>
    tpu.wait_dma2 semaphore(%arg15 : memref<!tpu.dma_semaphore, #tpu.memory_space<semaphore_mem>>) src(%arg8 : memref<16x1024xf32, #tpu.memory_space<vmem>>) dst(%dma_wait3A_1116 : memref<16x1024xf32, #tpu.memory_space<hbm>>)
    %scan3A_1117 = arith.constant 0 : i32
    %scan3A_1118 = arith.constant 0 : i32
    %scan3A_1119 = arith.constant 16 : i32
    %scan3A_1120 = arith.addi %scan3A_1118, %scan3A_1119 : i32
    %scan3A_1121 = arith.constant 1 : i32
    %scan3A_1122 = scf.for %scan3A_1328 = %scan3A_1118 to %scan3A_1120 step %scan3A_1121 iter_args(%scan3A_1329 = %scan3A_1117) -> (i32)  : i32 {
      %parallel_loop3A = arith.constant 0 : i32
      %parallel_loop3A_1330 = arith.constant 1024 : i32
      %parallel_loop3A_1331 = arith.constant 16 : i32
      scf.for %parallel_loop3A_1333 = %parallel_loop3A to %parallel_loop3A_1330 step %parallel_loop3A_1331  : i32 {
        %parallel_loop3A_1334 = arith.index_cast %scan3A_1328 : i32 to index
        %parallel_loop3A_1335 = arith.index_cast %parallel_loop3A_1333 : i32 to index
        %parallel_loop3A_1336 = tpu.vector_load %arg7[%parallel_loop3A_1334, %parallel_loop3A_1335] {strides = array<i32>} : memref<16x1024xf32, #tpu.memory_space<vmem>>, vector<1x16xf32>,
        %parallel_loop3A_1337 = vector.shape_cast %parallel_loop3A_1336 : vector<1x16xf32> to vector<16xf32>
        %parallel_loop3A_1338 = arith.index_cast %scan3A_1328 : i32 to index
        %parallel_loop3A_1339 = arith.index_cast %parallel_loop3A_1333 : i32 to index
        %parallel_loop3A_1340 = tpu.vector_load %arg10[%parallel_loop3A_1338, %parallel_loop3A_1339] {strides = array<i32>} : memref<16x1024xf32, #tpu.memory_space<vmem>>, vector<1x16xf32>,
        %parallel_loop3A_1341 = vector.shape_cast %parallel_loop3A_1340 : vector<1x16xf32> to vector<16xf32>
        %parallel_loop3A_1342 = arith.addf %parallel_loop3A_1337, %parallel_loop3A_1341 : vector<16xf32>
        %parallel_loop3A_1343 = arith.index_cast %scan3A_1328 : i32 to index
        %parallel_loop3A_1344 = arith.index_cast %parallel_loop3A_1333 : i32 to index
        %parallel_loop3A_1345 = tpu.vector_load %arg8[%parallel_loop3A_1343, %parallel_loop3A_1344] {strides = array<i32>} : memref<16x1024xf32, #tpu.memory_space<vmem>>, vector<1x16xf32>,
        %parallel_loop3A_1346 = vector.shape_cast %parallel_loop3A_1345 : vector<1x16xf32> to vector<16xf32>
        %parallel_loop3A_1347 = vector.shape_cast %parallel_loop3A_1342 : vector<16xf32> to vector<1x16xf32>
        tpu.vector_store %arg8[%parallel_loop3A_1343, %parallel_loop3A_1344], %parallel_loop3A_1347 {strides = array<i32>} : memref<16x1024xf32, #tpu.memory_space<vmem>>, vector<1x16xf32>,
      } {sc.loop_unroll_factor = 4 : i64, sc.parallel_access}
      %scan3A_1332 = arith.constant 0 : i32
      scf.yield %scan3A_1332 : i32
    }
    %scan3A_1123 = arith.constant 16 : i32
    %add3A_1124 = arith.constant 96 : i32
    %add3A_1125 = arith.addi %mul3A_2, %add3A_1124 : i32
    %dma_start3A_1126 = arith.constant 2 : i32
    %dma_start3A_1127 = arith.constant 0 : i32
    %dma_start3A_1128 = tpu.memref_slice %arg4[%dma_start3A_1126, %add3A_1125, %dma_start3A_1127] : memref<4x4096x1024xf32, #tpu.memory_space<hbm>> -> memref<1x16x1024xf32, #tpu.memory_space<hbm>>
    %dma_start3A_1129 = tpu.memref_squeeze %dma_start3A_1128 : memref<1x16x1024xf32, #tpu.memory_space<hbm>> -> memref<16x1024xf32, #tpu.memory_space<hbm>>
    %dma_start3A_1130 = arith.constant 0 : i32
    %dma_start3A_1131 = tpu.memref_slice %arg4[%dma_start3A_1126, %add3A_1125, %dma_start3A_1130] : memref<4x4096x1024xf32, #tpu.memory_space<hbm>> -> memref<1x16x1024xf32, #tpu.memory_space<hbm>>
    %dma_start3A_1132 = tpu.memref_squeeze %dma_start3A_1131 : memref<1x16x1024xf32, #tpu.memory_space<hbm>> -> memref<16x1024xf32, #tpu.memory_space<hbm>>
    tpu.enqueue_dma source(%arg8 : memref<16x1024xf32, #tpu.memory_space<vmem>>) target(%dma_start3A_1132 : memref<16x1024xf32, #tpu.memory_space<hbm>>) target_semaphore(%arg15 : memref<!tpu.dma_semaphore, #tpu.memory_space<semaphore_mem>>)
    %dma_wait3A_1133 = arith.constant 3 : i32
    %dma_wait3A_1134 = arith.constant 0 : i32
    %dma_wait3A_1135 = tpu.memref_slice %arg2[%dma_wait3A_1133, %add3A_1063, %dma_wait3A_1134] : memref<4x4096x1024xf32, #tpu.memory_space<hbm>> -> memref<1x16x1024xf32, #tpu.memory_space<hbm>>
    %dma_wait3A_1136 = tpu.memref_squeeze %dma_wait3A_1135 : memref<1x16x1024xf32, #tpu.memory_space<hbm>> -> memref<16x1024xf32, #tpu.memory_space<hbm>>
    %dma_wait3A_1137 = arith.constant 0 : i32
    %dma_wait3A_1138 = tpu.memref_slice %arg2[%dma_wait3A_1133, %add3A_1063, %dma_wait3A_1137] : memref<4x4096x1024xf32, #tpu.memory_space<hbm>> -> memref<1x16x1024xf32, #tpu.memory_space<hbm>>
    %dma_wait3A_1139 = tpu.memref_squeeze %dma_wait3A_1138 : memref<1x16x1024xf32, #tpu.memory_space<hbm>> -> memref<16x1024xf32, #tpu.memory_space<hbm>>
    tpu.wait_dma2 semaphore(%arg12 : memref<!tpu.dma_semaphore, #tpu.memory_space<semaphore_mem>>) src(%dma_wait3A_1139 : memref<16x1024xf32, #tpu.memory_space<hbm>>) dst(%arg5 : memref<16x1024xf32, #tpu.memory_space<vmem>>)
    %add3A_1140 = arith.constant 112 : i32
    %add3A_1141 = arith.addi %mul3A_2, %add3A_1140 : i32
    %dma_start3A_1142 = arith.constant 1 : i32
    %dma_start3A_1143 = arith.constant 0 : i32
    %dma_start3A_1144 = tpu.memref_slice %arg2[%dma_start3A_1142, %add3A_1141, %dma_start3A_1143] : memref<4x4096x1024xf32, #tpu.memory_space<hbm>> -> memref<1x16x1024xf32, #tpu.memory_space<hbm>>
    %dma_start3A_1145 = tpu.memref_squeeze %dma_start3A_1144 : memref<1x16x1024xf32, #tpu.memory_space<hbm>> -> memref<16x1024xf32, #tpu.memory_space<hbm>>
    %dma_start3A_1146 = arith.constant 0 : i32
    %dma_start3A_1147 = tpu.memref_slice %arg2[%dma_start3A_1142, %add3A_1141, %dma_start3A_1146] : memref<4x4096x1024xf32, #tpu.memory_space<hbm>> -> memref<1x16x1024xf32, #tpu.memory_space<hbm>>
    %dma_start3A_1148 = tpu.memref_squeeze %dma_start3A_1147 : memref<1x16x1024xf32, #tpu.memory_space<hbm>> -> memref<16x1024xf32, #tpu.memory_space<hbm>>
    tpu.enqueue_dma source(%dma_start3A_1148 : memref<16x1024xf32, #tpu.memory_space<hbm>>) target(%arg7 : memref<16x1024xf32, #tpu.memory_space<vmem>>) target_semaphore(%arg14 : memref<!tpu.dma_semaphore, #tpu.memory_space<semaphore_mem>>)
    %dma_wait3A_1149 = arith.constant 1 : i32
    %dma_wait3A_1150 = arith.constant 0 : i32
    %dma_wait3A_1151 = tpu.memref_slice %arg4[%dma_wait3A_1149, %add3A_1086, %dma_wait3A_1150] : memref<4x4096x1024xf32, #tpu.memory_space<hbm>> -> memref<1x16x1024xf32, #tpu.memory_space<hbm>>
    %dma_wait3A_1152 = tpu.memref_squeeze %dma_wait3A_1151 : memref<1x16x1024xf32, #tpu.memory_space<hbm>> -> memref<16x1024xf32, #tpu.memory_space<hbm>>
    %dma_wait3A_1153 = arith.constant 0 : i32
    %dma_wait3A_1154 = tpu.memref_slice %arg4[%dma_wait3A_1149, %add3A_1086, %dma_wait3A_1153] : memref<4x4096x1024xf32, #tpu.memory_space<hbm>> -> memref<1x16x1024xf32, #tpu.memory_space<hbm>>
    %dma_wait3A_1155 = tpu.memref_squeeze %dma_wait3A_1154 : memref<1x16x1024xf32, #tpu.memory_space<hbm>> -> memref<16x1024xf32, #tpu.memory_space<hbm>>
    tpu.wait_dma2 semaphore(%arg16 : memref<!tpu.dma_semaphore, #tpu.memory_space<semaphore_mem>>) src(%arg9 : memref<16x1024xf32, #tpu.memory_space<vmem>>) dst(%dma_wait3A_1155 : memref<16x1024xf32, #tpu.memory_space<hbm>>)
    %scan3A_1156 = arith.constant 0 : i32
    %scan3A_1157 = arith.constant 0 : i32
    %scan3A_1158 = arith.constant 16 : i32
    %scan3A_1159 = arith.addi %scan3A_1157, %scan3A_1158 : i32
    %scan3A_1160 = arith.constant 1 : i32
    %scan3A_1161 = scf.for %scan3A_1328 = %scan3A_1157 to %scan3A_1159 step %scan3A_1160 iter_args(%scan3A_1329 = %scan3A_1156) -> (i32)  : i32 {
      %parallel_loop3A = arith.constant 0 : i32
      %parallel_loop3A_1330 = arith.constant 1024 : i32
      %parallel_loop3A_1331 = arith.constant 16 : i32
      scf.for %parallel_loop3A_1333 = %parallel_loop3A to %parallel_loop3A_1330 step %parallel_loop3A_1331  : i32 {
        %parallel_loop3A_1334 = arith.index_cast %scan3A_1328 : i32 to index
        %parallel_loop3A_1335 = arith.index_cast %parallel_loop3A_1333 : i32 to index
        %parallel_loop3A_1336 = tpu.vector_load %arg5[%parallel_loop3A_1334, %parallel_loop3A_1335] {strides = array<i32>} : memref<16x1024xf32, #tpu.memory_space<vmem>>, vector<1x16xf32>,
        %parallel_loop3A_1337 = vector.shape_cast %parallel_loop3A_1336 : vector<1x16xf32> to vector<16xf32>
        %parallel_loop3A_1338 = arith.index_cast %scan3A_1328 : i32 to index
        %parallel_loop3A_1339 = arith.index_cast %parallel_loop3A_1333 : i32 to index
        %parallel_loop3A_1340 = tpu.vector_load %arg10[%parallel_loop3A_1338, %parallel_loop3A_1339] {strides = array<i32>} : memref<16x1024xf32, #tpu.memory_space<vmem>>, vector<1x16xf32>,
        %parallel_loop3A_1341 = vector.shape_cast %parallel_loop3A_1340 : vector<1x16xf32> to vector<16xf32>
        %parallel_loop3A_1342 = arith.addf %parallel_loop3A_1337, %parallel_loop3A_1341 : vector<16xf32>
        %parallel_loop3A_1343 = arith.index_cast %scan3A_1328 : i32 to index
        %parallel_loop3A_1344 = arith.index_cast %parallel_loop3A_1333 : i32 to index
        %parallel_loop3A_1345 = tpu.vector_load %arg9[%parallel_loop3A_1343, %parallel_loop3A_1344] {strides = array<i32>} : memref<16x1024xf32, #tpu.memory_space<vmem>>, vector<1x16xf32>,
        %parallel_loop3A_1346 = vector.shape_cast %parallel_loop3A_1345 : vector<1x16xf32> to vector<16xf32>
        %parallel_loop3A_1347 = vector.shape_cast %parallel_loop3A_1342 : vector<16xf32> to vector<1x16xf32>
        tpu.vector_store %arg9[%parallel_loop3A_1343, %parallel_loop3A_1344], %parallel_loop3A_1347 {strides = array<i32>} : memref<16x1024xf32, #tpu.memory_space<vmem>>, vector<1x16xf32>,
      } {sc.loop_unroll_factor = 4 : i64, sc.parallel_access}
      %scan3A_1332 = arith.constant 0 : i32
      scf.yield %scan3A_1332 : i32
    }
    %scan3A_1162 = arith.constant 16 : i32
    %add3A_1163 = arith.constant 96 : i32
    %add3A_1164 = arith.addi %mul3A_2, %add3A_1163 : i32
    %dma_start3A_1165 = arith.constant 3 : i32
    %dma_start3A_1166 = arith.constant 0 : i32
    %dma_start3A_1167 = tpu.memref_slice %arg4[%dma_start3A_1165, %add3A_1164, %dma_start3A_1166] : memref<4x4096x1024xf32, #tpu.memory_space<hbm>> -> memref<1x16x1024xf32, #tpu.memory_space<hbm>>
    %dma_start3A_1168 = tpu.memref_squeeze %dma_start3A_1167 : memref<1x16x1024xf32, #tpu.memory_space<hbm>> -> memref<16x1024xf32, #tpu.memory_space<hbm>>
    %dma_start3A_1169 = arith.constant 0 : i32
    %dma_start3A_1170 = tpu.memref_slice %arg4[%dma_start3A_1165, %add3A_1164, %dma_start3A_1169] : memref<4x4096x1024xf32, #tpu.memory_space<hbm>> -> memref<1x16x1024xf32, #tpu.memory_space<hbm>>
    %dma_start3A_1171 = tpu.memref_squeeze %dma_start3A_1170 : memref<1x16x1024xf32, #tpu.memory_space<hbm>> -> memref<16x1024xf32, #tpu.memory_space<hbm>>
    tpu.enqueue_dma source(%arg9 : memref<16x1024xf32, #tpu.memory_space<vmem>>) target(%dma_start3A_1171 : memref<16x1024xf32, #tpu.memory_space<hbm>>) target_semaphore(%arg16 : memref<!tpu.dma_semaphore, #tpu.memory_space<semaphore_mem>>)
    %dma_wait3A_1172 = arith.constant 0 : i32
    %dma_wait3A_1173 = arith.constant 0 : i32
    %dma_wait3A_1174 = tpu.memref_slice %arg2[%dma_wait3A_1172, %add3A_1102, %dma_wait3A_1173] : memref<4x4096x1024xf32, #tpu.memory_space<hbm>> -> memref<1x16x1024xf32, #tpu.memory_space<hbm>>
    %dma_wait3A_1175 = tpu.memref_squeeze %dma_wait3A_1174 : memref<1x16x1024xf32, #tpu.memory_space<hbm>> -> memref<16x1024xf32, #tpu.memory_space<hbm>>
    %dma_wait3A_1176 = arith.constant 0 : i32
    %dma_wait3A_1177 = tpu.memref_slice %arg2[%dma_wait3A_1172, %add3A_1102, %dma_wait3A_1176] : memref<4x4096x1024xf32, #tpu.memory_space<hbm>> -> memref<1x16x1024xf32, #tpu.memory_space<hbm>>
    %dma_wait3A_1178 = tpu.memref_squeeze %dma_wait3A_1177 : memref<1x16x1024xf32, #tpu.memory_space<hbm>> -> memref<16x1024xf32, #tpu.memory_space<hbm>>
    tpu.wait_dma2 semaphore(%arg13 : memref<!tpu.dma_semaphore, #tpu.memory_space<semaphore_mem>>) src(%dma_wait3A_1178 : memref<16x1024xf32, #tpu.memory_space<hbm>>) dst(%arg6 : memref<16x1024xf32, #tpu.memory_space<vmem>>)
    %dma_wait3A_1179 = arith.constant 0 : i32
    %dma_wait3A_1180 = tpu.memref_slice %arg3[%add3A_1018, %dma_wait3A_1179] : memref<8192x1024xf32, #tpu.memory_space<hbm>> -> memref<16x1024xf32, #tpu.memory_space<hbm>>
    %dma_wait3A_1181 = arith.constant 0 : i32
    %dma_wait3A_1182 = tpu.memref_slice %arg3[%add3A_1018, %dma_wait3A_1181] : memref<8192x1024xf32, #tpu.memory_space<hbm>> -> memref<16x1024xf32, #tpu.memory_space<hbm>>
    tpu.wait_dma2 semaphore(%arg18 : memref<!tpu.dma_semaphore, #tpu.memory_space<semaphore_mem>>) src(%dma_wait3A_1182 : memref<16x1024xf32, #tpu.memory_space<hbm>>) dst(%arg11 : memref<16x1024xf32, #tpu.memory_space<vmem>>)
    %add3A_1183 = arith.constant 112 : i32
    %add3A_1184 = arith.addi %mul3A_2, %add3A_1183 : i32
    %dma_start3A_1185 = arith.constant 2 : i32
    %dma_start3A_1186 = arith.constant 0 : i32
    %dma_start3A_1187 = tpu.memref_slice %arg2[%dma_start3A_1185, %add3A_1184, %dma_start3A_1186] : memref<4x4096x1024xf32, #tpu.memory_space<hbm>> -> memref<1x16x1024xf32, #tpu.memory_space<hbm>>
    %dma_start3A_1188 = tpu.memref_squeeze %dma_start3A_1187 : memref<1x16x1024xf32, #tpu.memory_space<hbm>> -> memref<16x1024xf32, #tpu.memory_space<hbm>>
    %dma_start3A_1189 = arith.constant 0 : i32
    %dma_start3A_1190 = tpu.memref_slice %arg2[%dma_start3A_1185, %add3A_1184, %dma_start3A_1189] : memref<4x4096x1024xf32, #tpu.memory_space<hbm>> -> memref<1x16x1024xf32, #tpu.memory_space<hbm>>
    %dma_start3A_1191 = tpu.memref_squeeze %dma_start3A_1190 : memref<1x16x1024xf32, #tpu.memory_space<hbm>> -> memref<16x1024xf32, #tpu.memory_space<hbm>>
    tpu.enqueue_dma source(%dma_start3A_1191 : memref<16x1024xf32, #tpu.memory_space<hbm>>) target(%arg5 : memref<16x1024xf32, #tpu.memory_space<vmem>>) target_semaphore(%arg12 : memref<!tpu.dma_semaphore, #tpu.memory_space<semaphore_mem>>)
    %dma_wait3A_1192 = arith.constant 2 : i32
    %dma_wait3A_1193 = arith.constant 0 : i32
    %dma_wait3A_1194 = tpu.memref_slice %arg4[%dma_wait3A_1192, %add3A_1125, %dma_wait3A_1193] : memref<4x4096x1024xf32, #tpu.memory_space<hbm>> -> memref<1x16x1024xf32, #tpu.memory_space<hbm>>
    %dma_wait3A_1195 = tpu.memref_squeeze %dma_wait3A_1194 : memref<1x16x1024xf32, #tpu.memory_space<hbm>> -> memref<16x1024xf32, #tpu.memory_space<hbm>>
    %dma_wait3A_1196 = arith.constant 0 : i32
    %dma_wait3A_1197 = tpu.memref_slice %arg4[%dma_wait3A_1192, %add3A_1125, %dma_wait3A_1196] : memref<4x4096x1024xf32, #tpu.memory_space<hbm>> -> memref<1x16x1024xf32, #tpu.memory_space<hbm>>
    %dma_wait3A_1198 = tpu.memref_squeeze %dma_wait3A_1197 : memref<1x16x1024xf32, #tpu.memory_space<hbm>> -> memref<16x1024xf32, #tpu.memory_space<hbm>>
    tpu.wait_dma2 semaphore(%arg15 : memref<!tpu.dma_semaphore, #tpu.memory_space<semaphore_mem>>) src(%arg8 : memref<16x1024xf32, #tpu.memory_space<vmem>>) dst(%dma_wait3A_1198 : memref<16x1024xf32, #tpu.memory_space<hbm>>)
    %scan3A_1199 = arith.constant 0 : i32
    %scan3A_1200 = arith.constant 0 : i32
    %scan3A_1201 = arith.constant 16 : i32
    %scan3A_1202 = arith.addi %scan3A_1200, %scan3A_1201 : i32
    %scan3A_1203 = arith.constant 1 : i32
    %scan3A_1204 = scf.for %scan3A_1328 = %scan3A_1200 to %scan3A_1202 step %scan3A_1203 iter_args(%scan3A_1329 = %scan3A_1199) -> (i32)  : i32 {
      %parallel_loop3A = arith.constant 0 : i32
      %parallel_loop3A_1330 = arith.constant 1024 : i32
      %parallel_loop3A_1331 = arith.constant 16 : i32
      scf.for %parallel_loop3A_1333 = %parallel_loop3A to %parallel_loop3A_1330 step %parallel_loop3A_1331  : i32 {
        %parallel_loop3A_1334 = arith.index_cast %scan3A_1328 : i32 to index
        %parallel_loop3A_1335 = arith.index_cast %parallel_loop3A_1333 : i32 to index
        %parallel_loop3A_1336 = tpu.vector_load %arg6[%parallel_loop3A_1334, %parallel_loop3A_1335] {strides = array<i32>} : memref<16x1024xf32, #tpu.memory_space<vmem>>, vector<1x16xf32>,
        %parallel_loop3A_1337 = vector.shape_cast %parallel_loop3A_1336 : vector<1x16xf32> to vector<16xf32>
        %parallel_loop3A_1338 = arith.index_cast %scan3A_1328 : i32 to index
        %parallel_loop3A_1339 = arith.index_cast %parallel_loop3A_1333 : i32 to index
        %parallel_loop3A_1340 = tpu.vector_load %arg11[%parallel_loop3A_1338, %parallel_loop3A_1339] {strides = array<i32>} : memref<16x1024xf32, #tpu.memory_space<vmem>>, vector<1x16xf32>,
        %parallel_loop3A_1341 = vector.shape_cast %parallel_loop3A_1340 : vector<1x16xf32> to vector<16xf32>
        %parallel_loop3A_1342 = arith.addf %parallel_loop3A_1337, %parallel_loop3A_1341 : vector<16xf32>
        %parallel_loop3A_1343 = arith.index_cast %scan3A_1328 : i32 to index
        %parallel_loop3A_1344 = arith.index_cast %parallel_loop3A_1333 : i32 to index
        %parallel_loop3A_1345 = tpu.vector_load %arg8[%parallel_loop3A_1343, %parallel_loop3A_1344] {strides = array<i32>} : memref<16x1024xf32, #tpu.memory_space<vmem>>, vector<1x16xf32>,
        %parallel_loop3A_1346 = vector.shape_cast %parallel_loop3A_1345 : vector<1x16xf32> to vector<16xf32>
        %parallel_loop3A_1347 = vector.shape_cast %parallel_loop3A_1342 : vector<16xf32> to vector<1x16xf32>
        tpu.vector_store %arg8[%parallel_loop3A_1343, %parallel_loop3A_1344], %parallel_loop3A_1347 {strides = array<i32>} : memref<16x1024xf32, #tpu.memory_space<vmem>>, vector<1x16xf32>,
      } {sc.loop_unroll_factor = 4 : i64, sc.parallel_access}
      %scan3A_1332 = arith.constant 0 : i32
      scf.yield %scan3A_1332 : i32
    }
    %scan3A_1205 = arith.constant 16 : i32
    %add3A_1206 = arith.constant 112 : i32
    %add3A_1207 = arith.addi %mul3A_2, %add3A_1206 : i32
    %dma_start3A_1208 = arith.constant 0 : i32
    %dma_start3A_1209 = arith.constant 0 : i32
    %dma_start3A_1210 = tpu.memref_slice %arg4[%dma_start3A_1208, %add3A_1207, %dma_start3A_1209] : memref<4x4096x1024xf32, #tpu.memory_space<hbm>> -> memref<1x16x1024xf32, #tpu.memory_space<hbm>>
    %dma_start3A_1211 = tpu.memref_squeeze %dma_start3A_1210 : memref<1x16x1024xf32, #tpu.memory_space<hbm>> -> memref<16x1024xf32, #tpu.memory_space<hbm>>
    %dma_start3A_1212 = arith.constant 0 : i32
    %dma_start3A_1213 = tpu.memref_slice %arg4[%dma_start3A_1208, %add3A_1207, %dma_start3A_1212] : memref<4x4096x1024xf32, #tpu.memory_space<hbm>> -> memref<1x16x1024xf32, #tpu.memory_space<hbm>>
    %dma_start3A_1214 = tpu.memref_squeeze %dma_start3A_1213 : memref<1x16x1024xf32, #tpu.memory_space<hbm>> -> memref<16x1024xf32, #tpu.memory_space<hbm>>
    tpu.enqueue_dma source(%arg8 : memref<16x1024xf32, #tpu.memory_space<vmem>>) target(%dma_start3A_1214 : memref<16x1024xf32, #tpu.memory_space<hbm>>) target_semaphore(%arg15 : memref<!tpu.dma_semaphore, #tpu.memory_space<semaphore_mem>>)
    %dma_wait3A_1215 = arith.constant 1 : i32
    %dma_wait3A_1216 = arith.constant 0 : i32
    %dma_wait3A_1217 = tpu.memref_slice %arg2[%dma_wait3A_1215, %add3A_1141, %dma_wait3A_1216] : memref<4x4096x1024xf32, #tpu.memory_space<hbm>> -> memref<1x16x1024xf32, #tpu.memory_space<hbm>>
    %dma_wait3A_1218 = tpu.memref_squeeze %dma_wait3A_1217 : memref<1x16x1024xf32, #tpu.memory_space<hbm>> -> memref<16x1024xf32, #tpu.memory_space<hbm>>
    %dma_wait3A_1219 = arith.constant 0 : i32
    %dma_wait3A_1220 = tpu.memref_slice %arg2[%dma_wait3A_1215, %add3A_1141, %dma_wait3A_1219] : memref<4x4096x1024xf32, #tpu.memory_space<hbm>> -> memref<1x16x1024xf32, #tpu.memory_space<hbm>>
    %dma_wait3A_1221 = tpu.memref_squeeze %dma_wait3A_1220 : memref<1x16x1024xf32, #tpu.memory_space<hbm>> -> memref<16x1024xf32, #tpu.memory_space<hbm>>
    tpu.wait_dma2 semaphore(%arg14 : memref<!tpu.dma_semaphore, #tpu.memory_space<semaphore_mem>>) src(%dma_wait3A_1221 : memref<16x1024xf32, #tpu.memory_space<hbm>>) dst(%arg7 : memref<16x1024xf32, #tpu.memory_space<vmem>>)
    %add3A_1222 = arith.constant 112 : i32
    %add3A_1223 = arith.addi %mul3A_2, %add3A_1222 : i32
    %dma_start3A_1224 = arith.constant 3 : i32
    %dma_start3A_1225 = arith.constant 0 : i32
    %dma_start3A_1226 = tpu.memref_slice %arg2[%dma_start3A_1224, %add3A_1223, %dma_start3A_1225] : memref<4x4096x1024xf32, #tpu.memory_space<hbm>> -> memref<1x16x1024xf32, #tpu.memory_space<hbm>>
    %dma_start3A_1227 = tpu.memref_squeeze %dma_start3A_1226 : memref<1x16x1024xf32, #tpu.memory_space<hbm>> -> memref<16x1024xf32, #tpu.memory_space<hbm>>
    %dma_start3A_1228 = arith.constant 0 : i32
    %dma_start3A_1229 = tpu.memref_slice %arg2[%dma_start3A_1224, %add3A_1223, %dma_start3A_1228] : memref<4x4096x1024xf32, #tpu.memory_space<hbm>> -> memref<1x16x1024xf32, #tpu.memory_space<hbm>>
    %dma_start3A_1230 = tpu.memref_squeeze %dma_start3A_1229 : memref<1x16x1024xf32, #tpu.memory_space<hbm>> -> memref<16x1024xf32, #tpu.memory_space<hbm>>
    tpu.enqueue_dma source(%dma_start3A_1230 : memref<16x1024xf32, #tpu.memory_space<hbm>>) target(%arg6 : memref<16x1024xf32, #tpu.memory_space<vmem>>) target_semaphore(%arg13 : memref<!tpu.dma_semaphore, #tpu.memory_space<semaphore_mem>>)
    %dma_wait3A_1231 = arith.constant 3 : i32
    %dma_wait3A_1232 = arith.constant 0 : i32
    %dma_wait3A_1233 = tpu.memref_slice %arg4[%dma_wait3A_1231, %add3A_1164, %dma_wait3A_1232] : memref<4x4096x1024xf32, #tpu.memory_space<hbm>> -> memref<1x16x1024xf32, #tpu.memory_space<hbm>>
    %dma_wait3A_1234 = tpu.memref_squeeze %dma_wait3A_1233 : memref<1x16x1024xf32, #tpu.memory_space<hbm>> -> memref<16x1024xf32, #tpu.memory_space<hbm>>
    %dma_wait3A_1235 = arith.constant 0 : i32
    %dma_wait3A_1236 = tpu.memref_slice %arg4[%dma_wait3A_1231, %add3A_1164, %dma_wait3A_1235] : memref<4x4096x1024xf32, #tpu.memory_space<hbm>> -> memref<1x16x1024xf32, #tpu.memory_space<hbm>>
    %dma_wait3A_1237 = tpu.memref_squeeze %dma_wait3A_1236 : memref<1x16x1024xf32, #tpu.memory_space<hbm>> -> memref<16x1024xf32, #tpu.memory_space<hbm>>
    tpu.wait_dma2 semaphore(%arg16 : memref<!tpu.dma_semaphore, #tpu.memory_space<semaphore_mem>>) src(%arg9 : memref<16x1024xf32, #tpu.memory_space<vmem>>) dst(%dma_wait3A_1237 : memref<16x1024xf32, #tpu.memory_space<hbm>>)
    %scan3A_1238 = arith.constant 0 : i32
    %scan3A_1239 = arith.constant 0 : i32
    %scan3A_1240 = arith.constant 16 : i32
    %scan3A_1241 = arith.addi %scan3A_1239, %scan3A_1240 : i32
    %scan3A_1242 = arith.constant 1 : i32
    %scan3A_1243 = scf.for %scan3A_1328 = %scan3A_1239 to %scan3A_1241 step %scan3A_1242 iter_args(%scan3A_1329 = %scan3A_1238) -> (i32)  : i32 {
      %parallel_loop3A = arith.constant 0 : i32
      %parallel_loop3A_1330 = arith.constant 1024 : i32
      %parallel_loop3A_1331 = arith.constant 16 : i32
      scf.for %parallel_loop3A_1333 = %parallel_loop3A to %parallel_loop3A_1330 step %parallel_loop3A_1331  : i32 {
        %parallel_loop3A_1334 = arith.index_cast %scan3A_1328 : i32 to index
        %parallel_loop3A_1335 = arith.index_cast %parallel_loop3A_1333 : i32 to index
        %parallel_loop3A_1336 = tpu.vector_load %arg7[%parallel_loop3A_1334, %parallel_loop3A_1335] {strides = array<i32>} : memref<16x1024xf32, #tpu.memory_space<vmem>>, vector<1x16xf32>,
        %parallel_loop3A_1337 = vector.shape_cast %parallel_loop3A_1336 : vector<1x16xf32> to vector<16xf32>
        %parallel_loop3A_1338 = arith.index_cast %scan3A_1328 : i32 to index
        %parallel_loop3A_1339 = arith.index_cast %parallel_loop3A_1333 : i32 to index
        %parallel_loop3A_1340 = tpu.vector_load %arg11[%parallel_loop3A_1338, %parallel_loop3A_1339] {strides = array<i32>} : memref<16x1024xf32, #tpu.memory_space<vmem>>, vector<1x16xf32>,
        %parallel_loop3A_1341 = vector.shape_cast %parallel_loop3A_1340 : vector<1x16xf32> to vector<16xf32>
        %parallel_loop3A_1342 = arith.addf %parallel_loop3A_1337, %parallel_loop3A_1341 : vector<16xf32>
        %parallel_loop3A_1343 = arith.index_cast %scan3A_1328 : i32 to index
        %parallel_loop3A_1344 = arith.index_cast %parallel_loop3A_1333 : i32 to index
        %parallel_loop3A_1345 = tpu.vector_load %arg9[%parallel_loop3A_1343, %parallel_loop3A_1344] {strides = array<i32>} : memref<16x1024xf32, #tpu.memory_space<vmem>>, vector<1x16xf32>,
        %parallel_loop3A_1346 = vector.shape_cast %parallel_loop3A_1345 : vector<1x16xf32> to vector<16xf32>
        %parallel_loop3A_1347 = vector.shape_cast %parallel_loop3A_1342 : vector<16xf32> to vector<1x16xf32>
        tpu.vector_store %arg9[%parallel_loop3A_1343, %parallel_loop3A_1344], %parallel_loop3A_1347 {strides = array<i32>} : memref<16x1024xf32, #tpu.memory_space<vmem>>, vector<1x16xf32>,
      } {sc.loop_unroll_factor = 4 : i64, sc.parallel_access}
      %scan3A_1332 = arith.constant 0 : i32
      scf.yield %scan3A_1332 : i32
    }
    %scan3A_1244 = arith.constant 16 : i32
    %add3A_1245 = arith.constant 112 : i32
    %add3A_1246 = arith.addi %mul3A_2, %add3A_1245 : i32
    %dma_start3A_1247 = arith.constant 1 : i32
    %dma_start3A_1248 = arith.constant 0 : i32
    %dma_start3A_1249 = tpu.memref_slice %arg4[%dma_start3A_1247, %add3A_1246, %dma_start3A_1248] : memref<4x4096x1024xf32, #tpu.memory_space<hbm>> -> memref<1x16x1024xf32, #tpu.memory_space<hbm>>
    %dma_start3A_1250 = tpu.memref_squeeze %dma_start3A_1249 : memref<1x16x1024xf32, #tpu.memory_space<hbm>> -> memref<16x1024xf32, #tpu.memory_space<hbm>>
    %dma_start3A_1251 = arith.constant 0 : i32
    %dma_start3A_1252 = tpu.memref_slice %arg4[%dma_start3A_1247, %add3A_1246, %dma_start3A_1251] : memref<4x4096x1024xf32, #tpu.memory_space<hbm>> -> memref<1x16x1024xf32, #tpu.memory_space<hbm>>
    %dma_start3A_1253 = tpu.memref_squeeze %dma_start3A_1252 : memref<1x16x1024xf32, #tpu.memory_space<hbm>> -> memref<16x1024xf32, #tpu.memory_space<hbm>>
    tpu.enqueue_dma source(%arg9 : memref<16x1024xf32, #tpu.memory_space<vmem>>) target(%dma_start3A_1253 : memref<16x1024xf32, #tpu.memory_space<hbm>>) target_semaphore(%arg16 : memref<!tpu.dma_semaphore, #tpu.memory_space<semaphore_mem>>)
    %dma_wait3A_1254 = arith.constant 2 : i32
    %dma_wait3A_1255 = arith.constant 0 : i32
    %dma_wait3A_1256 = tpu.memref_slice %arg2[%dma_wait3A_1254, %add3A_1184, %dma_wait3A_1255] : memref<4x4096x1024xf32, #tpu.memory_space<hbm>> -> memref<1x16x1024xf32, #tpu.memory_space<hbm>>
    %dma_wait3A_1257 = tpu.memref_squeeze %dma_wait3A_1256 : memref<1x16x1024xf32, #tpu.memory_space<hbm>> -> memref<16x1024xf32, #tpu.memory_space<hbm>>
    %dma_wait3A_1258 = arith.constant 0 : i32
    %dma_wait3A_1259 = tpu.memref_slice %arg2[%dma_wait3A_1254, %add3A_1184, %dma_wait3A_1258] : memref<4x4096x1024xf32, #tpu.memory_space<hbm>> -> memref<1x16x1024xf32, #tpu.memory_space<hbm>>
    %dma_wait3A_1260 = tpu.memref_squeeze %dma_wait3A_1259 : memref<1x16x1024xf32, #tpu.memory_space<hbm>> -> memref<16x1024xf32, #tpu.memory_space<hbm>>
    tpu.wait_dma2 semaphore(%arg12 : memref<!tpu.dma_semaphore, #tpu.memory_space<semaphore_mem>>) src(%dma_wait3A_1260 : memref<16x1024xf32, #tpu.memory_space<hbm>>) dst(%arg5 : memref<16x1024xf32, #tpu.memory_space<vmem>>)
    %dma_wait3A_1261 = arith.constant 0 : i32
    %dma_wait3A_1262 = arith.constant 0 : i32
    %dma_wait3A_1263 = tpu.memref_slice %arg4[%dma_wait3A_1261, %add3A_1207, %dma_wait3A_1262] : memref<4x4096x1024xf32, #tpu.memory_space<hbm>> -> memref<1x16x1024xf32, #tpu.memory_space<hbm>>
    %dma_wait3A_1264 = tpu.memref_squeeze %dma_wait3A_1263 : memref<1x16x1024xf32, #tpu.memory_space<hbm>> -> memref<16x1024xf32, #tpu.memory_space<hbm>>
    %dma_wait3A_1265 = arith.constant 0 : i32
    %dma_wait3A_1266 = tpu.memref_slice %arg4[%dma_wait3A_1261, %add3A_1207, %dma_wait3A_1265] : memref<4x4096x1024xf32, #tpu.memory_space<hbm>> -> memref<1x16x1024xf32, #tpu.memory_space<hbm>>
    %dma_wait3A_1267 = tpu.memref_squeeze %dma_wait3A_1266 : memref<1x16x1024xf32, #tpu.memory_space<hbm>> -> memref<16x1024xf32, #tpu.memory_space<hbm>>
    tpu.wait_dma2 semaphore(%arg15 : memref<!tpu.dma_semaphore, #tpu.memory_space<semaphore_mem>>) src(%arg8 : memref<16x1024xf32, #tpu.memory_space<vmem>>) dst(%dma_wait3A_1267 : memref<16x1024xf32, #tpu.memory_space<hbm>>)
    %scan3A_1268 = arith.constant 0 : i32
    %scan3A_1269 = arith.constant 0 : i32
    %scan3A_1270 = arith.constant 16 : i32
    %scan3A_1271 = arith.addi %scan3A_1269, %scan3A_1270 : i32
    %scan3A_1272 = arith.constant 1 : i32
    %scan3A_1273 = scf.for %scan3A_1328 = %scan3A_1269 to %scan3A_1271 step %scan3A_1272 iter_args(%scan3A_1329 = %scan3A_1268) -> (i32)  : i32 {
      %parallel_loop3A = arith.constant 0 : i32
      %parallel_loop3A_1330 = arith.constant 1024 : i32
      %parallel_loop3A_1331 = arith.constant 16 : i32
      scf.for %parallel_loop3A_1333 = %parallel_loop3A to %parallel_loop3A_1330 step %parallel_loop3A_1331  : i32 {
        %parallel_loop3A_1334 = arith.index_cast %scan3A_1328 : i32 to index
        %parallel_loop3A_1335 = arith.index_cast %parallel_loop3A_1333 : i32 to index
        %parallel_loop3A_1336 = tpu.vector_load %arg5[%parallel_loop3A_1334, %parallel_loop3A_1335] {strides = array<i32>} : memref<16x1024xf32, #tpu.memory_space<vmem>>, vector<1x16xf32>,
        %parallel_loop3A_1337 = vector.shape_cast %parallel_loop3A_1336 : vector<1x16xf32> to vector<16xf32>
        %parallel_loop3A_1338 = arith.index_cast %scan3A_1328 : i32 to index
        %parallel_loop3A_1339 = arith.index_cast %parallel_loop3A_1333 : i32 to index
        %parallel_loop3A_1340 = tpu.vector_load %arg11[%parallel_loop3A_1338, %parallel_loop3A_1339] {strides = array<i32>} : memref<16x1024xf32, #tpu.memory_space<vmem>>, vector<1x16xf32>,
        %parallel_loop3A_1341 = vector.shape_cast %parallel_loop3A_1340 : vector<1x16xf32> to vector<16xf32>
        %parallel_loop3A_1342 = arith.addf %parallel_loop3A_1337, %parallel_loop3A_1341 : vector<16xf32>
        %parallel_loop3A_1343 = arith.index_cast %scan3A_1328 : i32 to index
        %parallel_loop3A_1344 = arith.index_cast %parallel_loop3A_1333 : i32 to index
        %parallel_loop3A_1345 = tpu.vector_load %arg8[%parallel_loop3A_1343, %parallel_loop3A_1344] {strides = array<i32>} : memref<16x1024xf32, #tpu.memory_space<vmem>>, vector<1x16xf32>,
        %parallel_loop3A_1346 = vector.shape_cast %parallel_loop3A_1345 : vector<1x16xf32> to vector<16xf32>
        %parallel_loop3A_1347 = vector.shape_cast %parallel_loop3A_1342 : vector<16xf32> to vector<1x16xf32>
        tpu.vector_store %arg8[%parallel_loop3A_1343, %parallel_loop3A_1344], %parallel_loop3A_1347 {strides = array<i32>} : memref<16x1024xf32, #tpu.memory_space<vmem>>, vector<1x16xf32>,
      } {sc.loop_unroll_factor = 4 : i64, sc.parallel_access}
      %scan3A_1332 = arith.constant 0 : i32
      scf.yield %scan3A_1332 : i32
    }
    %scan3A_1274 = arith.constant 16 : i32
    %add3A_1275 = arith.constant 112 : i32
    %add3A_1276 = arith.addi %mul3A_2, %add3A_1275 : i32
    %dma_start3A_1277 = arith.constant 2 : i32
    %dma_start3A_1278 = arith.constant 0 : i32
    %dma_start3A_1279 = tpu.memref_slice %arg4[%dma_start3A_1277, %add3A_1276, %dma_start3A_1278] : memref<4x4096x1024xf32, #tpu.memory_space<hbm>> -> memref<1x16x1024xf32, #tpu.memory_space<hbm>>
    %dma_start3A_1280 = tpu.memref_squeeze %dma_start3A_1279 : memref<1x16x1024xf32, #tpu.memory_space<hbm>> -> memref<16x1024xf32, #tpu.memory_space<hbm>>
    %dma_start3A_1281 = arith.constant 0 : i32
    %dma_start3A_1282 = tpu.memref_slice %arg4[%dma_start3A_1277, %add3A_1276, %dma_start3A_1281] : memref<4x4096x1024xf32, #tpu.memory_space<hbm>> -> memref<1x16x1024xf32, #tpu.memory_space<hbm>>
    %dma_start3A_1283 = tpu.memref_squeeze %dma_start3A_1282 : memref<1x16x1024xf32, #tpu.memory_space<hbm>> -> memref<16x1024xf32, #tpu.memory_space<hbm>>
    tpu.enqueue_dma source(%arg8 : memref<16x1024xf32, #tpu.memory_space<vmem>>) target(%dma_start3A_1283 : memref<16x1024xf32, #tpu.memory_space<hbm>>) target_semaphore(%arg15 : memref<!tpu.dma_semaphore, #tpu.memory_space<semaphore_mem>>)
    %dma_wait3A_1284 = arith.constant 3 : i32
    %dma_wait3A_1285 = arith.constant 0 : i32
    %dma_wait3A_1286 = tpu.memref_slice %arg2[%dma_wait3A_1284, %add3A_1223, %dma_wait3A_1285] : memref<4x4096x1024xf32, #tpu.memory_space<hbm>> -> memref<1x16x1024xf32, #tpu.memory_space<hbm>>
    %dma_wait3A_1287 = tpu.memref_squeeze %dma_wait3A_1286 : memref<1x16x1024xf32, #tpu.memory_space<hbm>> -> memref<16x1024xf32, #tpu.memory_space<hbm>>
    %dma_wait3A_1288 = arith.constant 0 : i32
    %dma_wait3A_1289 = tpu.memref_slice %arg2[%dma_wait3A_1284, %add3A_1223, %dma_wait3A_1288] : memref<4x4096x1024xf32, #tpu.memory_space<hbm>> -> memref<1x16x1024xf32, #tpu.memory_space<hbm>>
    %dma_wait3A_1290 = tpu.memref_squeeze %dma_wait3A_1289 : memref<1x16x1024xf32, #tpu.memory_space<hbm>> -> memref<16x1024xf32, #tpu.memory_space<hbm>>
    tpu.wait_dma2 semaphore(%arg13 : memref<!tpu.dma_semaphore, #tpu.memory_space<semaphore_mem>>) src(%dma_wait3A_1290 : memref<16x1024xf32, #tpu.memory_space<hbm>>) dst(%arg6 : memref<16x1024xf32, #tpu.memory_space<vmem>>)
    %dma_wait3A_1291 = arith.constant 1 : i32
    %dma_wait3A_1292 = arith.constant 0 : i32
    %dma_wait3A_1293 = tpu.memref_slice %arg4[%dma_wait3A_1291, %add3A_1246, %dma_wait3A_1292] : memref<4x4096x1024xf32, #tpu.memory_space<hbm>> -> memref<1x16x1024xf32, #tpu.memory_space<hbm>>
    %dma_wait3A_1294 = tpu.memref_squeeze %dma_wait3A_1293 : memref<1x16x1024xf32, #tpu.memory_space<hbm>> -> memref<16x1024xf32, #tpu.memory_space<hbm>>
    %dma_wait3A_1295 = arith.constant 0 : i32
    %dma_wait3A_1296 = tpu.memref_slice %arg4[%dma_wait3A_1291, %add3A_1246, %dma_wait3A_1295] : memref<4x4096x1024xf32, #tpu.memory_space<hbm>> -> memref<1x16x1024xf32, #tpu.memory_space<hbm>>
    %dma_wait3A_1297 = tpu.memref_squeeze %dma_wait3A_1296 : memref<1x16x1024xf32, #tpu.memory_space<hbm>> -> memref<16x1024xf32, #tpu.memory_space<hbm>>
    tpu.wait_dma2 semaphore(%arg16 : memref<!tpu.dma_semaphore, #tpu.memory_space<semaphore_mem>>) src(%arg9 : memref<16x1024xf32, #tpu.memory_space<vmem>>) dst(%dma_wait3A_1297 : memref<16x1024xf32, #tpu.memory_space<hbm>>)
    %scan3A_1298 = arith.constant 0 : i32
    %scan3A_1299 = arith.constant 0 : i32
    %scan3A_1300 = arith.constant 16 : i32
    %scan3A_1301 = arith.addi %scan3A_1299, %scan3A_1300 : i32
    %scan3A_1302 = arith.constant 1 : i32
    %scan3A_1303 = scf.for %scan3A_1328 = %scan3A_1299 to %scan3A_1301 step %scan3A_1302 iter_args(%scan3A_1329 = %scan3A_1298) -> (i32)  : i32 {
      %parallel_loop3A = arith.constant 0 : i32
      %parallel_loop3A_1330 = arith.constant 1024 : i32
      %parallel_loop3A_1331 = arith.constant 16 : i32
      scf.for %parallel_loop3A_1333 = %parallel_loop3A to %parallel_loop3A_1330 step %parallel_loop3A_1331  : i32 {
        %parallel_loop3A_1334 = arith.index_cast %scan3A_1328 : i32 to index
        %parallel_loop3A_1335 = arith.index_cast %parallel_loop3A_1333 : i32 to index
        %parallel_loop3A_1336 = tpu.vector_load %arg6[%parallel_loop3A_1334, %parallel_loop3A_1335] {strides = array<i32>} : memref<16x1024xf32, #tpu.memory_space<vmem>>, vector<1x16xf32>,
        %parallel_loop3A_1337 = vector.shape_cast %parallel_loop3A_1336 : vector<1x16xf32> to vector<16xf32>
        %parallel_loop3A_1338 = arith.index_cast %scan3A_1328 : i32 to index
        %parallel_loop3A_1339 = arith.index_cast %parallel_loop3A_1333 : i32 to index
        %parallel_loop3A_1340 = tpu.vector_load %arg11[%parallel_loop3A_1338, %parallel_loop3A_1339] {strides = array<i32>} : memref<16x1024xf32, #tpu.memory_space<vmem>>, vector<1x16xf32>,
        %parallel_loop3A_1341 = vector.shape_cast %parallel_loop3A_1340 : vector<1x16xf32> to vector<16xf32>
        %parallel_loop3A_1342 = arith.addf %parallel_loop3A_1337, %parallel_loop3A_1341 : vector<16xf32>
        %parallel_loop3A_1343 = arith.index_cast %scan3A_1328 : i32 to index
        %parallel_loop3A_1344 = arith.index_cast %parallel_loop3A_1333 : i32 to index
        %parallel_loop3A_1345 = tpu.vector_load %arg9[%parallel_loop3A_1343, %parallel_loop3A_1344] {strides = array<i32>} : memref<16x1024xf32, #tpu.memory_space<vmem>>, vector<1x16xf32>,
        %parallel_loop3A_1346 = vector.shape_cast %parallel_loop3A_1345 : vector<1x16xf32> to vector<16xf32>
        %parallel_loop3A_1347 = vector.shape_cast %parallel_loop3A_1342 : vector<16xf32> to vector<1x16xf32>
        tpu.vector_store %arg9[%parallel_loop3A_1343, %parallel_loop3A_1344], %parallel_loop3A_1347 {strides = array<i32>} : memref<16x1024xf32, #tpu.memory_space<vmem>>, vector<1x16xf32>,
      } {sc.loop_unroll_factor = 4 : i64, sc.parallel_access}
      %scan3A_1332 = arith.constant 0 : i32
      scf.yield %scan3A_1332 : i32
    }
    %scan3A_1304 = arith.constant 16 : i32
    %add3A_1305 = arith.constant 112 : i32
    %add3A_1306 = arith.addi %mul3A_2, %add3A_1305 : i32
    %dma_start3A_1307 = arith.constant 3 : i32
    %dma_start3A_1308 = arith.constant 0 : i32
    %dma_start3A_1309 = tpu.memref_slice %arg4[%dma_start3A_1307, %add3A_1306, %dma_start3A_1308] : memref<4x4096x1024xf32, #tpu.memory_space<hbm>> -> memref<1x16x1024xf32, #tpu.memory_space<hbm>>
    %dma_start3A_1310 = tpu.memref_squeeze %dma_start3A_1309 : memref<1x16x1024xf32, #tpu.memory_space<hbm>> -> memref<16x1024xf32, #tpu.memory_space<hbm>>
    %dma_start3A_1311 = arith.constant 0 : i32
    %dma_start3A_1312 = tpu.memref_slice %arg4[%dma_start3A_1307, %add3A_1306, %dma_start3A_1311] : memref<4x4096x1024xf32, #tpu.memory_space<hbm>> -> memref<1x16x1024xf32, #tpu.memory_space<hbm>>
    %dma_start3A_1313 = tpu.memref_squeeze %dma_start3A_1312 : memref<1x16x1024xf32, #tpu.memory_space<hbm>> -> memref<16x1024xf32, #tpu.memory_space<hbm>>
    tpu.enqueue_dma source(%arg9 : memref<16x1024xf32, #tpu.memory_space<vmem>>) target(%dma_start3A_1313 : memref<16x1024xf32, #tpu.memory_space<hbm>>) target_semaphore(%arg16 : memref<!tpu.dma_semaphore, #tpu.memory_space<semaphore_mem>>)
    %dma_wait3A_1314 = arith.constant 2 : i32
    %dma_wait3A_1315 = arith.constant 0 : i32
    %dma_wait3A_1316 = tpu.memref_slice %arg4[%dma_wait3A_1314, %add3A_1276, %dma_wait3A_1315] : memref<4x4096x1024xf32, #tpu.memory_space<hbm>> -> memref<1x16x1024xf32, #tpu.memory_space<hbm>>
    %dma_wait3A_1317 = tpu.memref_squeeze %dma_wait3A_1316 : memref<1x16x1024xf32, #tpu.memory_space<hbm>> -> memref<16x1024xf32, #tpu.memory_space<hbm>>
    %dma_wait3A_1318 = arith.constant 0 : i32
    %dma_wait3A_1319 = tpu.memref_slice %arg4[%dma_wait3A_1314, %add3A_1276, %dma_wait3A_1318] : memref<4x4096x1024xf32, #tpu.memory_space<hbm>> -> memref<1x16x1024xf32, #tpu.memory_space<hbm>>
    %dma_wait3A_1320 = tpu.memref_squeeze %dma_wait3A_1319 : memref<1x16x1024xf32, #tpu.memory_space<hbm>> -> memref<16x1024xf32, #tpu.memory_space<hbm>>
    tpu.wait_dma2 semaphore(%arg15 : memref<!tpu.dma_semaphore, #tpu.memory_space<semaphore_mem>>) src(%arg8 : memref<16x1024xf32, #tpu.memory_space<vmem>>) dst(%dma_wait3A_1320 : memref<16x1024xf32, #tpu.memory_space<hbm>>)
    %dma_wait3A_1321 = arith.constant 3 : i32
    %dma_wait3A_1322 = arith.constant 0 : i32
    %dma_wait3A_1323 = tpu.memref_slice %arg4[%dma_wait3A_1321, %add3A_1306, %dma_wait3A_1322] : memref<4x4096x1024xf32, #tpu.memory_space<hbm>> -> memref<1x16x1024xf32, #tpu.memory_space<hbm>>
    %dma_wait3A_1324 = tpu.memref_squeeze %dma_wait3A_1323 : memref<1x16x1024xf32, #tpu.memory_space<hbm>> -> memref<16x1024xf32, #tpu.memory_space<hbm>>
    %dma_wait3A_1325 = arith.constant 0 : i32
    %dma_wait3A_1326 = tpu.memref_slice %arg4[%dma_wait3A_1321, %add3A_1306, %dma_wait3A_1325] : memref<4x4096x1024xf32, #tpu.memory_space<hbm>> -> memref<1x16x1024xf32, #tpu.memory_space<hbm>>
    %dma_wait3A_1327 = tpu.memref_squeeze %dma_wait3A_1326 : memref<1x16x1024xf32, #tpu.memory_space<hbm>> -> memref<16x1024xf32, #tpu.memory_space<hbm>>
    tpu.wait_dma2 semaphore(%arg16 : memref<!tpu.dma_semaphore, #tpu.memory_space<semaphore_mem>>) src(%arg9 : memref<16x1024xf32, #tpu.memory_space<vmem>>) dst(%dma_wait3A_1327 : memref<16x1024xf32, #tpu.memory_space<hbm>>)
    return
  }
}

</mosaic_0001>

<sc_bundles>
// kernel: kernel.3.cloned.1.call-start
scs
__scs_entry_jumppad:
0x0: {  	(pc) =	sbr.rel $0x88, $3  }
0x1: {  	(tag) =	ssettag $0x0;
	lr =	simm.s32 $0x1  }
0x2: {  	[smem:$0x3F9F] =	sst lr;
	_ =	strace $0xD0000000  }
0x3: {  	_ = 	snop  }
0x4: {  	_ = 	snop  }
0x5: {  	_ = 	snop  }
0x6: {  	_ = 	snop  }
0x7: {  	_ = 	snop  }
__scs_overlays_trampoline_lowered:
0x8: {  	[smem:$0x3FAE] =	sst s0  }
0x9: {  	[smem:$0x3FAF] =	sst s1  }
0xa: {  	[smem:$0x3FB0] =	sst s2  }
0xb: {  	[smem:$0x3FB1] =	sst s3  }
0xc: {  	[smem:$0x3FB2] =	sst s4  }
0xd: {  	[smem:$0x3FB3] =	sst s5  }
0xe: {  	[smem:$0x3FB4] =	sst s6  }
0xf: {  	[smem:$0x3FB5] =	sst s7  }
0x10: {  	[smem:$0x3FB6] =	sst s8  }
0x11: {  	[smem:$0x3FB7] =	sst s9;
	s0 =	simm.s32 @!p0 $0x0  }
0x12: {  	s1 =	sld [smem:$0x3F9D];
	s0 =	simm.s32 @p0 $0x1  }
0x13: {  	[smem:$0x3FB8] =	sst s0;
	s0 =	simm.s32 @!p1 $0x0  }
0x14: {  	s2 =	sld [smem:$0x3F9C];
	s0 =	simm.s32 @p1 $0x1  }
0x15: {  	[smem:$0x3FB9] =	sst s0;
	s0 =	simm.s32 @!p2 $0x0  }
0x16: {  	s3 =	sld [smem:$0x3FDB];
	s0 =	simm.s32 @p2 $0x1  }
0x17: {  	s4 =	simm.s32 $0x1BF5;
	[smem:$0x3FBB] =	sst s0  }
0x18: {  	s0 =	sld [smem:$0x3F9E];
	_ =	swait.ge [sflag:s4], $0x0  }
0x19: {  	s7 =	sld [smem:$0x3F9F]  }
0x1a: {  	s8 =	sadd.s32 $0xFFFFE003, lr  }
0x1b: {  	s9 =	sadd.s32 $0xFFFFFEF7, lr;
	s5 =	simm.s32 $0xFFFFFFFF;
	p2 =	slt.u32 s8, $0xFFFFF086  }
0x1c: {  	p1 =	slt.u32 s9, $0xF7A;
	s5 =	simm.s32 @!p2 $0x0  }
0x1d: {  	s5 =	simm.s32 @p1 $0x1;
	p0 =	seq.s32 s7, s2  }
0x1e: {  	s7 =	smul.u32 @!p0 $0xF7A, s2;
	p2 =	seq.s32 @!p0 s5, $0x0  }
0x1f: {  	s9 =	smul.u32 $0xF7A, s1;
	s8 =	simm.s32 @!p0 $0x1BF5;
	p2 =	por !p2, p0  }
0x20: {  	[sflag:s8] =	ssyncset.s32 @!p0 $0xFFFFF086;
	s6 =	sadd.s32 @!p0 s3, s7;
	s7 =	simm.s32 @!p0 $0x108  }
0x21: {  	s3 =	sadd.s32 s3, s9;
	s6 =	sadd.s32 @!p0 $0x88, s6;
	s7 =	simm.s32 @p2 $0x1082  }
0x22: {  	[simem:s7], [sflag:s8] =	dma.local @!p0 [hbm:s6], $0xF7A  }
0x23: {  	s9 =	sor.u32 $0xD0000000, s2;
	s6 =	simm.s32 $0x108;
	_ =	swait.ge @!p0 [sflag:s8], $0x0  }
0x24: {  	s3 =	sadd.s32 $0x88, s3;
	s6 =	simm.s32 @!p1 $0x1082;
	[sflag:s4] =	ssyncset.s32 $0xFFFFF086  }
0x25: {  	[simem:s6], [sflag:s4] =	dma.local [hbm:s3], $0xF7A  }
0x26: {  	[smem:$0x3F9F] =	sst s1;
	(tag) =	ssettag s2;
	_ =	strace s9  }
0x27: {  	s1 =	sld [smem:$0x3FAF]  }
0x28: {  	s2 =	sld [smem:$0x3FB0]  }
0x29: {  	s4 =	sld [smem:$0x3FB2]  }
0x2a: {  	p0 =	seq.s32 s5, $0x0;
	s5 =	sld [smem:$0x3FB3]  }
0x2b: {  	s6 =	sld [smem:$0x3FB4]  }
0x2c: {  	s7 =	sld [smem:$0x3FB5]  }
0x2d: {  	s3 =	simm.s32 $0x108;
	s8 =	sld [smem:$0x3FB6]  }
0x2e: {  	s3 =	simm.s32 @!p0 $0x1082;
	s9 =	sld [smem:$0x3FB7]  }
0x2f: {  	lr =	sadd.s32 s0, s3;
	s0 =	sld [smem:$0x3FAE]  }
0x30: {  	s3 =	sld [smem:$0x3FB1]  }
0x31: {  	[smem:$0x3FBA] =	sst s10  }
0x32: {  	s10 =	sld [smem:$0x3FB8];
	_ =	sdelay $0x3  }
0x33: {  	p0 =	seq.s32 s10, $0x1;
	s10 =	sld [smem:$0x3FBA];
	_ =	sdelay $0x3  }
0x34: {  	[smem:$0x3FBA] =	sst s10  }
0x35: {  	s10 =	sld [smem:$0x3FB9];
	_ =	sdelay $0x3  }
0x36: {  	p1 =	seq.s32 s10, $0x1;
	s10 =	sld [smem:$0x3FBA];
	_ =	sdelay $0x3  }
0x37: {  	[smem:$0x3FBA] =	sst s10  }
0x38: {  	s10 =	sld [smem:$0x3FBB]  }
0x39: {  	_ = 	snop;
	(pc) =	sbr.ind lr, $3  }
0x3a: {  	_ = 	snop  }
0x3b: {  	_ = 	snop  }
0x3c: {  	p2 =	seq.s32 s10, $0x1;
	s10 =	sld [smem:$0x3FBA]  }
0x3d: {  	_ =	shalt  }
0x3e: {  	_ =	shalt  }
0x3f: {  	_ =	shalt  }
0x40: {  	_ =	shalt  }
0x41: {  	_ =	shalt  }
0x42: {  	_ =	shalt  }
0x43: {  	_ =	shalt  }
0x44: {  	_ =	shalt  }
0x45: {  	_ =	shalt  }
0x46: {  	_ =	shalt  }
0x47: {  	_ =	shalt  }
0x48: {  	_ =	shalt  }
0x49: {  	_ =	shalt  }
0x4a: {  	_ =	shalt  }
0x4b: {  	_ =	shalt  }
0x4c: {  	_ =	shalt  }
0x4d: {  	_ =	shalt  }
0x4e: {  	_ =	shalt  }
0x4f: {  	_ =	shalt  }
0x50: {  	_ =	shalt  }
0x51: {  	_ =	shalt  }
0x52: {  	_ =	shalt  }
0x53: {  	_ =	shalt  }
0x54: {  	_ =	shalt  }
0x55: {  	_ =	shalt  }
0x56: {  	_ =	shalt  }
0x57: {  	_ =	shalt  }
0x58: {  	_ =	shalt  }
0x59: {  	_ =	shalt  }
0x5a: {  	_ =	shalt  }
0x5b: {  	_ =	shalt  }
0x5c: {  	_ =	shalt  }
0x5d: {  	_ =	shalt  }
0x5e: {  	_ =	shalt  }
0x5f: {  	_ =	shalt  }
0x60: {  	_ =	shalt  }
0x61: {  	_ =	shalt  }
0x62: {  	_ =	shalt  }
0x63: {  	_ =	shalt  }
0x64: {  	_ =	shalt  }
0x65: {  	_ =	shalt  }
0x66: {  	_ =	shalt  }
0x67: {  	_ =	shalt  }
0x68: {  	_ =	shalt  }
0x69: {  	_ =	shalt  }
0x6a: {  	_ =	shalt  }
0x6b: {  	_ =	shalt  }
0x6c: {  	_ =	shalt  }
0x6d: {  	_ =	shalt  }
0x6e: {  	_ =	shalt  }
0x6f: {  	_ =	shalt  }
0x70: {  	_ =	shalt  }
0x71: {  	_ =	shalt  }
0x72: {  	_ =	shalt  }
0x73: {  	_ =	shalt  }
0x74: {  	_ =	shalt  }
0x75: {  	_ =	shalt  }
0x76: {  	_ =	shalt  }
0x77: {  	_ =	shalt  }
0x78: {  	_ =	shalt  }
0x79: {  	_ =	shalt  }
0x7a: {  	_ =	shalt  }
0x7b: {  	_ =	shalt  }
0x7c: {  	_ =	shalt  }
0x7d: {  	_ =	shalt  }
0x7e: {  	_ =	shalt  }
0x7f: {  	_ =	shalt  }
0x80: {  	_ =	shalt  }
0x81: {  	_ =	shalt  }
0x82: {  	_ =	shalt  }
0x83: {  	_ =	shalt  }
0x84: {  	_ =	shalt  }
0x85: {  	_ =	shalt  }
0x86: {  	_ =	shalt  }
0x87: {  	_ =	shalt  }
.Lfunc_end0:
.L_simem_size_0:
called_computation_lowered:
.L_overlay_start_0:
0x88: {  	s2 =	sld [smem:$0x3FD9]  }
0x89: {  	s3 =	sld [smem:$0x3FFE];
	_ =	sdelay $0x1  }
0x8a: {  	s1 =	srdreg.scid  }
0x8b: {  	s0 =	sand.u32 $0x1, s1  }
0x8c: {  	s18 =	sshll.u32 s0, $0xA;
	s2 =	sadd.s32 s3, s2  }
0x8d: {  	s2 =	sadd.s32 s2, s18  }
0x8e: {  	[smem:$0x3FC6] =	sst s2  }
0x8f: {  	_ = 	snop  }
0x90: {  	s2 =	sld [smem:$0x3FC9]  }
0x91: {  	s19 =	sld [smem:$0x3FC8]  }
0x92: {  	s4 =	sld [smem:$0x3FD0];
	(tm) =	ssettm $0x1  }
0x93: {  	s5 =	sld [smem:$0x3FFB];
	_ =	sdelay $0x3  }
0x94: {  	_ =	strace s5  }
0x95: {  	s5 =	sld [smem:$0x3FFC];
	_ =	sdelay $0x3  }
0x96: {  	_ =	strace s5  }
0x97: {  	s5 =	sld [smem:$0x3FFD];
	_ =	sdelay $0x3  }
0x98: {  	_ =	strace s5  }
0x99: {  	_ =	strace $0x8FFFFFFF  }
0x9a: {  	s20 =	sld [smem:$0x3FDB];
	_ =	sdelay $0x1  }
0x9b: {  	s6 =	simm.s32 $_scs_section_size  }
0x9c: {  	s7 =	simm.s32 $_size__tile_overlayer_lowered;
	s8 =	simm.s32 $_tile_overlayer_lowered  }
0x9d: {  	s23 =	simm.s32 $0x1BFF;
	s22 =	sshll.u32 s8, $0x1;
	s5 =	sadd.s32 s6, s20  }
0x9e: {  	s9 =	simm.s32 $0x0;
	s21 =	sshll.u32 s7, $0x1;
	s7 =	sadd.s32 s22, s5  }
0x9f: {  	[timem:s9], [sflag:s23] =	dma.local [hbm:s7], s21  }
0xa0: {  	_ =	swait.ge [sflag:s23], s21  }
0xa1: {  	s6 =	ssub.s32 $0x0, s21;
	[sflag:s23] =	ssyncset.done $0x0  }
0xa2: {  	[sflag:s23] =	ssyncadd.s32 s6;
	_ =	sdelay $0x1  }
0xa3: {  	s24 =	simm.s32 $0x1B8B  }
0xa4: {  	_ =	swait.ge [sflag:s24], $0x1  }
0xa5: {  	[sflag:s24] =	ssyncset.done $0x0  }
0xa6: {  	s25 =	simm.s32 $0x1B8E;
	[sflag:s24] =	ssyncadd.s32 $0xFFFFFFFF  }
0xa7: {  	s26 =	simm.s32 $execute0_lowered;
	[smem:$0x3FD2] =	sst s25  }
0xa8: {  	s6 =	sshll.u32 s26, $0x1;
	_ =	strace $0x80000046;
	[dreg:$0x1] =	wrdreg $0xFFFFFFFF  }
0xa9: {  	s28 =	simm.s32 $_size_execute0_lowered;
	s5 =	sadd.s32 s5, s6;
	[dreg:$0x0] =	wrdreg $0x0  }
0xaa: {  	s6 =	sshll.u32 s28, $0x1;
	[dreg:$0x2] =	wrdreg s5  }
0xab: {  	[dreg:$0x3] =	wrdreg s6  }
0xac: {  	[dreg:$0x4] =	wrdreg $0xC0  }
0xad: {  	_ =	task [dreg:s9], $0x5FFFF  }
0xae: {  	[dreg:$0x1] =	wrdreg $0xFFFFFFFF  }
0xaf: {  	[dreg:$0x0] =	wrdreg $0x60  }
0xb0: {  	[dreg:$0x2] =	wrdreg s2  }
0xb1: {  	[dreg:$0x3] =	wrdreg s19  }
0xb2: {  	[dreg:$0x4] =	wrdreg s4  }
0xb3: {  	[dreg:$0x5] =	wrdreg $0x9  }
0xb4: {  	_ =	task.clear_ibuf [dreg:s9], $0x6FFFF;
	_ =	strace $0x90000046  }
0xb5: {  	s29 =	simm.s32 $0x9;
	_ =	strace $0x80000048  }
0xb6: {  	_ =	swait.ge [sflag:s29], $0x1  }
0xb7: {  	[sflag:s29] =	ssyncadd.s32 $0xFFFFFFFF  }
0xb8: {  	_ =	strace $0x90000048  }
0xb9: {  	_ =	sfence  }
0xba: {  	s30 =	sld [smem:$0x0];
	_ =	sdelay $0x2  }
0xbb: {  	s31 =	sshll.u32 s1, $0xD;
	s1 =	sshrl.u32 s1, $0x2  }
0xbc: {  	s3 =	sand.u32 $0x4000, s31;
	s1 =	sadd.s32 s1, s30  }
0xbd: {  	s0 =	sor.u32 s3, s0;
	s1 =	sshll.u32 s1, $0x11  }
0xbe: {  	s0 =	sor.u32 s1, s0  }
0xbf: {  	s0 =	sadd.s32 $0x8F2B, s0  }
0xc0: {  	[sflag:s0] =	ssyncadd.remote.s32 $0x1  }
0xc1: {  	_ =	sfence.sel $0xFFFF  }
0xc2: {  	[dreg:$0x0] =	wrdreg $0xFFFFFFFF;
	(pc) =	sbr.abs _section_cstart, $3  }
0xc3: {  	[dreg:$0x1] =	wrdreg $0xFFFFFFFF  }
0xc4: {  	_ =	task.clear_ibuf [dreg:s9], $0x2FFFF;
	_ =	strace $0x9FFFFFFF  }
0xc5: {  	(tm) =	ssettm $0x7FFFFFFF  }
tec
execute0_lowered:
.L_overlay_start_1:
0x0: {  	(tag) =	ssettag $0x1  }
0x1: {  	s1 =	srdreg.scid  }
0x2: {  	s3 =	stileid.u32;
	s2 =	sand.u32 $0x1, s1  }
0x3: {  	s10 =	rddreg [dreg:$0x0];
	s3 =	sshll.u32 s3, $0xF;
	s4 =	sshll.u32 s2, $0xE  }
0x4: {  	s0 =	rddreg [dreg:$0x1];
	s8 =	sor.u32 s4, s3  }
0x5: {  	s13 =	rddreg [dreg:$0x2];
	s1 =	simm.s32 $0x0;
	s4 =	sor.u32 $0x80000, s8  }
0x6: {  	[smem:$0x7FF] =	sst s1;
	s15 =	sor.u32 $0x800, s8;
	s12 =	sadd.s32 s10, s4  }
0x7: {  	s17 =	sor.u32 $0x100000, s8;
	s16 =	sadd.s32 s0, s15;
	[dreg:$0x4] =	wrdreg s12  }
0x8: {  	s5 =	sor.u32 $0x180000, s8;
	s6 =	sadd.s32 s10, s17;
	[dreg:$0x5] =	wrdreg s16  }
0x9: {  	s18 =	sadd.s32 s10, s5;
	[dreg:$0x6] =	wrdreg s6  }
0xa: {  	s4 =	sadd.s32 s13, s4;
	[dreg:$0x7] =	wrdreg s18  }
0xb: {  	s2 =	ssub.s32 $0x2, s2;
	s19 =	sadd.s32 s10, s15;
	[dreg:$0x8] =	wrdreg s4  }
0xc: {  	s20 =	sor.u32 $0x80800, s8;
	s3 =	sadd.s32 s13, s17;
	[dreg:$0x9] =	wrdreg s19  }
0xd: {  	s11 =	sshrl.u32 s2, $0x1;
	s21 =	sadd.s32 s10, s20;
	[dreg:$0xa] =	wrdreg s3  }
0xe: {  	s23 =	sor.u32 $0x1000, s8;
	s22 =	sadd.s32 s13, s5;
	[dreg:$0xb] =	wrdreg s21  }
0xf: {  	s25 =	sor.u32 $0x100800, s8;
	s24 =	sadd.s32 s0, s23;
	[dreg:$0xc] =	wrdreg s22  }
0x10: {  	s14 =	ssub.s32 s2, s11;
	s7 =	sadd.s32 s10, s25;
	[dreg:$0xd] =	wrdreg s24  }
0x11: {  	s26 =	sor.u32 $0x180800, s8;
	s2 =	sadd.s32 s13, s15;
	[dreg:$0xe] =	wrdreg s7  }
0x12: {  	s30 =	sadd.s32 s10, s26;
	[dreg:$0xf] =	wrdreg s2  }
0x13: {  	s31 =	sadd.s32 s13, s20;
	[dreg:$0x10] =	wrdreg s30  }
0x14: {  	s5 =	sadd.s32 s13, s25;
	[dreg:$0x11] =	wrdreg s31  }
0x15: {  	s9 =	sadd.s32 s13, s26;
	[dreg:$0x13] =	wrdreg s5  }
0x16: {  	s11 =	sadd.s32 s13, s23;
	[dreg:$0x14] =	wrdreg s9  }
0x17: {  	s15 =	sor.u32 $0x101000, s8;
	s3 =	sadd.s32 s10, s23;
	[dreg:$0x15] =	wrdreg s11  }
0x18: {  	s17 =	sor.u32 $0x181000, s8;
	s16 =	sadd.s32 s10, s15;
	[dreg:$0x12] =	wrdreg s3  }
0x19: {  	s26 =	sor.u32 $0x181800, s8;
	s18 =	sadd.s32 s10, s17;
	[dreg:$0x18] =	wrdreg s16  }
0x1a: {  	s7 =	sor.u32 $0x81000, s8;
	s31 =	sadd.s32 s10, s26;
	[dreg:$0x1a] =	wrdreg s18  }
0x1b: {  	s12 =	sadd.s32 s10, s7;
	[smem:$0x7D4] =	sst s31  }
0x1c: {  	s19 =	sor.u32 $0x1800, s8;
	s2 =	sadd.s32 s13, s7;
	[dreg:$0x16] =	wrdreg s12  }
0x1d: {  	s20 =	sadd.s32 s0, s19;
	[dreg:$0x17] =	wrdreg s2  }
0x1e: {  	s22 =	sor.u32 $0x81800, s8;
	s21 =	sadd.s32 s10, s19;
	[dreg:$0x1c] =	wrdreg s20  }
0x1f: {  	s23 =	sadd.s32 s10, s22;
	[dreg:$0x1d] =	wrdreg s21  }
0x20: {  	s24 =	sor.u32 $0x101800, s8;
	s3 =	sadd.s32 s13, s22;
	[dreg:$0x1f] =	wrdreg s23  }
0x21: {  	s30 =	sor.u32 $0x2000, s8;
	s25 =	sadd.s32 s10, s24;
	[smem:$0x7D1] =	sst s3  }
0x22: {  	s4 =	sadd.s32 s0, s30;
	[smem:$0x7D2] =	sst s25  }
0x23: {  	s6 =	sor.u32 $0x82000, s8;
	s5 =	sadd.s32 s10, s30;
	[smem:$0x7D6] =	sst s4  }
0x24: {  	s9 =	sadd.s32 s10, s6;
	[smem:$0x7D7] =	sst s5  }
0x25: {  	s2 =	sadd.s32 s13, s15;
	[smem:$0x7D9] =	sst s9  }
0x26: {  	s7 =	sor.u32 $0x102000, s8;
	s3 =	sadd.s32 s13, s26;
	[dreg:$0x19] =	wrdreg s2  }
0x27: {  	s11 =	sadd.s32 s10, s7;
	[smem:$0x7D5] =	sst s3  }
0x28: {  	s22 =	sor.u32 $0x102800, s8;
	s12 =	sadd.s32 s13, s7;
	[smem:$0x7DB] =	sst s11  }
0x29: {  	s23 =	sadd.s32 s10, s22;
	[smem:$0x7DC] =	sst s12  }
0x2a: {  	s16 =	sor.u32 $0x182000, s8;
	s2 =	sadd.s32 s13, s17;
	[smem:$0x7E4] =	sst s23  }
0x2b: {  	s17 =	sadd.s32 s10, s16;
	[dreg:$0x1b] =	wrdreg s2  }
0x2c: {  	s15 =	sor.u32 $0x2800, s8;
	s3 =	sadd.s32 s13, s16;
	[smem:$0x7DD] =	sst s17  }
0x2d: {  	s20 =	sor.u32 $0x82800, s8;
	s18 =	sadd.s32 s0, s15;
	[smem:$0x7DE] =	sst s3  }
0x2e: {  	s26 =	sor.u32 $0x3000, s8;
	s21 =	sadd.s32 s10, s20;
	[smem:$0x7DF] =	sst s18  }
0x2f: {  	s31 =	sadd.s32 s0, s26;
	[smem:$0x7E2] =	sst s21  }
0x30: {  	s9 =	sor.u32 $0x103000, s8;
	s5 =	sadd.s32 s10, s26;
	[smem:$0x7E9] =	sst s31  }
0x31: {  	s4 =	sor.u32 $0x3800, s8;
	s11 =	sadd.s32 s10, s9;
	[smem:$0x7EB] =	sst s5  }
0x32: {  	s16 =	sadd.s32 s10, s4;
	[smem:$0x7EF] =	sst s11  }
0x33: {  	s2 =	sadd.s32 s13, s19;
	[smem:$0x7F3] =	sst s16  }
0x34: {  	s19 =	sadd.s32 s10, s15;
	[dreg:$0x1e] =	wrdreg s2  }
0x35: {  	s17 =	sadd.s32 s13, s4;
	[smem:$0x7E0] =	sst s19  }
0x36: {  	s18 =	sadd.s32 s10, s8;
	[smem:$0x7F4] =	sst s17  }
0x37: {  	s2 =	sadd.s32 s13, s24;
	[smem:$0x7F5] =	sst s18  }
0x38: {  	s19 =	sadd.s32 s13, s8;
	[smem:$0x7D3] =	sst s2  }
0x39: {  	s24 =	sor.u32 $0x182800, s8;
	s2 =	sadd.s32 s13, s30;
	[smem:$0x7F6] =	sst s19  }
0x3a: {  	s25 =	sadd.s32 s10, s24;
	[smem:$0x7D8] =	sst s2  }
0x3b: {  	s30 =	sadd.s32 s0, s8;
	[smem:$0x7E6] =	sst s25  }
0x3c: {  	s0 =	sadd.s32 s0, s4;
	[smem:$0x7E8] =	sst s30  }
0x3d: {  	s28 =	simm.s32 $0x7;
	s2 =	sadd.s32 s13, s6;
	[smem:$0x7EA] =	sst s0  }
0x3e: {  	s6 =	sor.u32 $0x83000, s8;
	[smem:$0x7DA] =	sst s2;
	s2 =	sadd.s32 s13, s15  }
0x3f: {  	s29 =	simm.s32 $0x0;
	s7 =	sadd.s32 s10, s6;
	[smem:$0x7E1] =	sst s2  }
0x40: {  	s12 =	sor.u32 $0x183000, s8;
	s0 =	sadd.s32 s13, s6;
	[smem:$0x7ED] =	sst s7  }
0x41: {  	s21 =	sor.u32 $0x103800, s8;
	s15 =	sadd.s32 s10, s12;
	[smem:$0x7EE] =	sst s0  }
0x42: {  	s31 =	smax.u32 s14, $0x1;
	s2 =	sadd.s32 s13, s20;
	[smem:$0x7F1] =	sst s15  }
0x43: {  	s16 =	simm.s32 $0x4000;
	s0 =	sadd.s32 s13, s12;
	[smem:$0x7E3] =	sst s2  }
0x44: {  	s20 =	sor.u32 $0x83800, s8;
	s2 =	sadd.s32 s13, s22;
	[smem:$0x7F2] =	sst s0  }
0x45: {  	s17 =	simm.s32 $0x1;
	s23 =	sadd.s32 s10, s20;
	[smem:$0x7E5] =	sst s2  }
0x46: {  	s18 =	simm.s32 $0x6;
	s0 =	sadd.s32 s13, s20;
	[smem:$0x7F7] =	sst s23  }
0x47: {  	s19 =	simm.s32 $0x18000;
	s2 =	sadd.s32 s13, s24;
	[smem:$0x7FA] =	sst s0  }
0x48: {  	s22 =	sor.u32 $0x183800, s8;
	s24 =	sadd.s32 s10, s21;
	[smem:$0x7E7] =	sst s2  }
0x49: {  	s15 =	simm.s32 $0x14000;
	s25 =	sadd.s32 s10, s22;
	[smem:$0x7F8] =	sst s24  }
0x4a: {  	s20 =	simm.s32 $0x8000;
	s30 =	sadd.s32 s13, s22;
	[smem:$0x7F9] =	sst s25  }
0x4b: {  	s22 =	simm.s32 $0x2;
	s2 =	sadd.s32 s13, s26;
	[smem:$0x7FC] =	sst s30  }
0x4c: {  	s23 =	simm.s32 $0x10000;
	s26 =	sadd.s32 s13, s21;
	[smem:$0x7EC] =	sst s2  }
0x4d: {  	s21 =	simm.s32 $0xC000;
	s2 =	sadd.s32 s13, s9;
	[smem:$0x7FB] =	sst s26  }
0x4e: {  	s24 =	simm.s32 $0x3;
	s25 =	simm.s32 $0x4;
	[smem:$0x7F0] =	sst s2  }
0x4f: {  	s26 =	simm.s32 $0x5;
	_ =	strace $0x80000047;
	[smem:$0x7FD] =	sst s31  }
.LBB2_1:
0x50: {  	s0 =	sld [smem:$0x7E8];
	_ =	sdelay $0x1  }
0x51: {  	s12 =	sld [smem:$0x7F5]  }
0x52: {  	[tilespmem:s15], [sflag:$0x6] =	stream.linear.gather [hbm4b:s0+s1], $0x4000, $0x38;
	[tilespmem:$0x1C000] =	vst v63  }
0x53: {  	_ = 	snop  }
0x54: {  	[tilespmem:s1], [sflag:$0x1] =	stream.linear.gather [hbm4b:s12+s1], $0x4000, $0x38;
	[tilespmem:$0x1C000] =	vst v63  }
0x55: {  	s13 =	rddreg [dreg:$0x4]  }
0x56: {  	[tilespmem:s16], [sflag:$0x2] =	stream.linear.gather [hbm4b:s13+s1], $0x4000, $0x38;
	[tilespmem:$0x1C000] =	vst v63  }
0x57: {  	_ =	swait.ge [sflag:s17], $0x4000  }
0x58: {  	[sflag:s17] =	ssyncset.done $0x0  }
0x59: {  	[sflag:s17] =	ssyncadd.s32 $0xFFFFC000  }
0x5a: {  	_ =	swait.ge [sflag:s18], $0x4000  }
0x5b: {  	[sflag:s18] =	ssyncset.done $0x0  }
0x5c: {  	s14 =	rddreg [dreg:$0x5];
	[sflag:s18] =	ssyncadd.s32 $0xFFFFC000  }
0x5d: {  	[tilespmem:s19], [sflag:$0x7] =	stream.linear.gather [hbm4b:s14+s1], $0x4000, $0x38;
	[tilespmem:$0x1C000] =	vst v63  }
0x5e: {  	s30 =	simm.s32 $0x0;
	s31 =	rddreg [dreg:$0x6]  }
0x5f: {  	[tilespmem:s20], [sflag:$0x3] =	stream.linear.gather [hbm4b:s31+s1], $0x4000, $0x38;
	[tilespmem:$0x1C000] =	vst v63  }
.LBB2_2:
0x60: {  	s0 =	sshll.u32 s30, $0xA;
	s2 =	sshll.u32 s30, $0x7  }
0x61: {  	s3 =	simm.s32 $0x0;
	s0 =	sand.u32 $0x2000, s0;
	s2 =	sand.u32 $0x380, s2  }
0x62: {  	s10 =	simm.s32 $0x0;
	s3 =	sand.u32 $0x40, s3;
	s0 =	sor.u32 s0, s2  }
0x63: {  	s2 =	sand.u32 $0x1C00, s10;
	s3 =	sor.u32 s3, s0  }
0x64: {  	s31 =	sor.u32 s2, s3  }
0x65: {  	v0 =	vld [tilespmem:s31+$0x0];
	s2 =	sor.u32 $0x30, s31  }
0x66: {  	s11 =	sor.u32 $0x14030, s31;
	v1 =	vld [tilespmem:s2+$0x0]  }
0x67: {  	s3 =	sor.u32 $0x10, s31;
	v2 =	vld [tilespmem:s11+$0x0]  }
0x68: {  	s12 =	sor.u32 $0x14010, s31;
	v4 =	vld [tilespmem:s3+$0x0]  }
0x69: {  	s4 =	sor.u32 $0x20, s31;
	s3 =	simm.s32 $0x40;
	v5 =	vld [tilespmem:s12+$0x0]  }
0x6a: {  	s13 =	sor.u32 $0x14020, s31;
	v6 =	vld [tilespmem:s4+$0x0];
	s4 =	simm.s32 $0x200;
	s5 =	sand.u32 $0x40, s3  }
0x6b: {  	v7 =	vld [tilespmem:s13+$0x0];
	s6 =	sand.u32 $0x1C00, s4;
	s5 =	sor.u32 s5, s0  }
0x6c: {  	v3 =	vld [tilespmem:s31+$0x14000];
	s2 =	sor.u32 s6, s5  }
0x6d: {  	s7 =	sor.u32 $0xC030, s31;
	s5 =	sor.u32 $0x30, s2;
	v8 =	vadd.f32 v2, v1;
	v1 =	vld [tilespmem:s2+$0x0]  }
0x6e: {  	s11 =	sor.u32 $0xC010, s31;
	s6 =	sor.u32 $0xC020, s31;
	s14 =	sor.u32 $0x14030, s2;
	v2 =	vld [tilespmem:s5+$0x0];
	v9 =	vadd.f32 v5, v4  }
0x6f: {  	s12 =	sor.u32 $0x10, s2;
	s10 =	sor.u32 $0x14010, s2;
	s8 =	sor.u32 $0x20, s2;
	v5 =	vld [tilespmem:s14+$0x0];
	[tilespmem:s7+$0x0] =	vst v8  }
0x70: {  	s9 =	sor.u32 $0x14020, s2;
	s5 =	sor.u32 $0xC010, s2;
	v4 =	vld [tilespmem:s12+$0x0];
	v6 =	vadd.f32 v7, v6;
	s7 =	sor.u32 $0xC020, s2;
	[tilespmem:s11+$0x0] =	vst v9  }
.LBB2_3:
0x71: {  	s3 =	sadd.s32 $0x40, s3;
	v7 =	vld [tilespmem:s10+$0x0];
	v3 =	vadd.f32 v3, v0  }
0x72: {  	s4 =	sadd.s32 $0x200, s4;
	s10 =	sand.u32 $0x40, s3;
	p0 =	slt.u32 s3, $0x3C0;
	v8 =	vld [tilespmem:s8+$0x0];
	[tilespmem:s6+$0x0] =	vst v6;
	v0 =	vmov v1  }
0x73: {  	s6 =	sand.u32 $0x1C00, s4;
	s8 =	sor.u32 s10, s0;
	v6 =	vld [tilespmem:s9+$0x0];
	[tilespmem:s31+$0xC000] =	vst v3;
	s31 =	smov.u32 s2  }
.Ltmp0:
0x74: {  	s2 =	sor.u32 s6, s8;
	v3 =	vld [tilespmem:s31+$0x14000];
	v5 =	vadd.f32 v5, v2;
	s6 =	smov.u32 s7;
	(pc) =	sbr.rel @p0 .LBB2_3-.Ltmp0, $4  }
0x75: {  	s9 =	sor.u32 $0xC030, s31;
	v1 =	vld [tilespmem:s2+$0x0];
	s11 =	sor.u32 $0x10, s2;
	s7 =	sor.u32 $0x30, s2  }
0x76: {  	s10 =	sor.u32 $0x14010, s2;
	s8 =	sor.u32 $0x20, s2;
	s12 =	sor.u32 $0x14030, s2;
	v2 =	vld [tilespmem:s7+$0x0];
	v7 =	vadd.f32 v7, v4;
	[tilespmem:s9+$0x0] =	vst v5  }
0x77: {  	s13 =	sor.u32 $0xC010, s2;
	s9 =	sor.u32 $0x14020, s2;
	s7 =	sor.u32 $0xC020, s2;
	v5 =	vld [tilespmem:s12+$0x0]  }
0x78: {  	v4 =	vld [tilespmem:s11+$0x0];
	[tilespmem:s5+$0x0] =	vst v7;
	v6 =	vadd.f32 v6, v8;
	s5 =	smov.u32 s13  }
0x79: {  	v7 =	vld [tilespmem:s10+$0x0]  }
0x7a: {  	v8 =	vld [tilespmem:s8+$0x0]  }
0x7b: {  	v9 =	vld [tilespmem:s9+$0x0]  }
0x7c: {  	v10 =	vld [tilespmem:s2+$0x14000]  }
0x7d: {  	v0 =	vadd.f32 v3, v0;
	s30 =	sadd.s32 $0x1, s30  }
0x7e: {  	[tilespmem:s6+$0x0] =	vst v6;
	p0 =	sne.s32 s30, $0x10;
	v2 =	vadd.f32 v5, v2  }
.Ltmp1:
0x7f: {  	s0 =	sor.u32 $0xC030, s2;
	[tilespmem:s31+$0xC000] =	vst v0;
	v61 =	vadd.f32 v7, v4;
	(pc) =	sbr.rel @p0 .LBB2_2-.Ltmp1, $4  }
0x80: {  	[tilespmem:s0+$0x0] =	vst v2;
	v62 =	vadd.f32 v9, v8  }
0x81: {  	v63 =	vadd.f32 v10, v1;
	[tilespmem:s5+$0x0] =	vst v61  }
0x82: {  	[tilespmem:s7+$0x0] =	vst v62  }
0x83: {  	[tilespmem:s2+$0xC000] =	vst v63  }
0x84: {  	s0 =	sld [smem:$0x7F6];
	_ =	sdelay $0x1  }
0x85: {  	s30 =	simm.s32 $0x0  }
0x86: {  	[hbm4b:s0+s30] =	stream.linear.scatter [tilespmem:s21], [sflag:$0x4], $0x4000, $0x38;
	[tilespmem:$0x1C000] =	vst v63  }
0x87: {  	_ =	swait.ge [sflag:s22], $0x4000  }
0x88: {  	[sflag:s22] =	ssyncset.done $0x0  }
0x89: {  	s31 =	simm.s32 $0x0;
	s14 =	rddreg [dreg:$0x7];
	[sflag:s22] =	ssyncadd.s32 $0xFFFFC000  }
0x8a: {  	[tilespmem:s30], [sflag:$0x1] =	stream.linear.gather [hbm4b:s14+s30], $0x4000, $0x38;
	[tilespmem:$0x1C000] =	vst v63  }
.LBB2_6:
0x8b: {  	s0 =	sshll.u32 s31, $0xA;
	s2 =	sshll.u32 s31, $0x7  }
0x8c: {  	s3 =	simm.s32 $0x0;
	s0 =	sand.u32 $0x2000, s0;
	s2 =	sand.u32 $0x380, s2  }
0x8d: {  	s9 =	sand.u32 $0x40, s3;
	s2 =	sor.u32 s0, s2  }
0x8e: {  	s10 =	sand.u32 $0x1C00, s30;
	s0 =	sor.u32 s9, s2  }
0x8f: {  	s0 =	sor.u32 s10, s0  }
0x90: {  	v0 =	vld [tilespmem:s0+$0x4000];
	s3 =	sor.u32 $0x4030, s0  }
0x91: {  	s11 =	sor.u32 $0x14030, s0;
	v1 =	vld [tilespmem:s3+$0x0]  }
0x92: {  	s4 =	sor.u32 $0x4010, s0;
	v2 =	vld [tilespmem:s11+$0x0]  }
0x93: {  	s12 =	sor.u32 $0x14010, s0;
	v4 =	vld [tilespmem:s4+$0x0]  }
0x94: {  	s5 =	sor.u32 $0x4020, s0;
	s4 =	simm.s32 $0x40;
	v5 =	vld [tilespmem:s12+$0x0]  }
0x95: {  	s13 =	sor.u32 $0x14020, s0;
	v6 =	vld [tilespmem:s5+$0x0];
	s5 =	simm.s32 $0x200;
	s6 =	sand.u32 $0x40, s4  }
0x96: {  	v7 =	vld [tilespmem:s13+$0x0];
	s7 =	sand.u32 $0x1C00, s5;
	s6 =	sor.u32 s6, s2  }
0x97: {  	v3 =	vld [tilespmem:s0+$0x14000];
	s3 =	sor.u32 s7, s6  }
0x98: {  	s8 =	sor.u32 $0x10030, s0;
	s6 =	sor.u32 $0x4030, s3;
	v8 =	vadd.f32 v2, v1;
	v1 =	vld [tilespmem:s3+$0x4000]  }
0x99: {  	s12 =	sor.u32 $0x10010, s0;
	s7 =	sor.u32 $0x10020, s0;
	s14 =	sor.u32 $0x14030, s3;
	v2 =	vld [tilespmem:s6+$0x0];
	v9 =	vadd.f32 v5, v4  }
0x9a: {  	s13 =	sor.u32 $0x4010, s3;
	s11 =	sor.u32 $0x14010, s3;
	s9 =	sor.u32 $0x4020, s3;
	v5 =	vld [tilespmem:s14+$0x0];
	[tilespmem:s8+$0x0] =	vst v8  }
0x9b: {  	s10 =	sor.u32 $0x14020, s3;
	s6 =	sor.u32 $0x10010, s3;
	v4 =	vld [tilespmem:s13+$0x0];
	v6 =	vadd.f32 v7, v6;
	s8 =	sor.u32 $0x10020, s3;
	[tilespmem:s12+$0x0] =	vst v9  }
.LBB2_7:
0x9c: {  	s4 =	sadd.s32 $0x40, s4;
	v7 =	vld [tilespmem:s11+$0x0];
	v3 =	vadd.f32 v3, v0  }
0x9d: {  	s5 =	sadd.s32 $0x200, s5;
	s11 =	sand.u32 $0x40, s4;
	p0 =	slt.u32 s4, $0x3C0;
	v8 =	vld [tilespmem:s9+$0x0];
	[tilespmem:s7+$0x0] =	vst v6;
	v0 =	vmov v1  }
0x9e: {  	s7 =	sand.u32 $0x1C00, s5;
	s9 =	sor.u32 s11, s2;
	v6 =	vld [tilespmem:s10+$0x0];
	[tilespmem:s0+$0x10000] =	vst v3;
	s0 =	smov.u32 s3  }
.Ltmp2:
0x9f: {  	s3 =	sor.u32 s7, s9;
	v3 =	vld [tilespmem:s0+$0x14000];
	v5 =	vadd.f32 v5, v2;
	s7 =	smov.u32 s8;
	(pc) =	sbr.rel @p0 .LBB2_7-.Ltmp2, $4  }
0xa0: {  	s10 =	sor.u32 $0x10030, s0;
	v1 =	vld [tilespmem:s3+$0x4000];
	s12 =	sor.u32 $0x4010, s3;
	s8 =	sor.u32 $0x4030, s3  }
0xa1: {  	s11 =	sor.u32 $0x14010, s3;
	s9 =	sor.u32 $0x4020, s3;
	s13 =	sor.u32 $0x14030, s3;
	v2 =	vld [tilespmem:s8+$0x0];
	v7 =	vadd.f32 v7, v4;
	[tilespmem:s10+$0x0] =	vst v5  }
0xa2: {  	s14 =	sor.u32 $0x10010, s3;
	s10 =	sor.u32 $0x14020, s3;
	s8 =	sor.u32 $0x10020, s3;
	v5 =	vld [tilespmem:s13+$0x0]  }
0xa3: {  	v4 =	vld [tilespmem:s12+$0x0];
	[tilespmem:s6+$0x0] =	vst v7;
	v6 =	vadd.f32 v6, v8;
	s6 =	smov.u32 s14  }
0xa4: {  	v7 =	vld [tilespmem:s11+$0x0]  }
0xa5: {  	v8 =	vld [tilespmem:s9+$0x0]  }
0xa6: {  	v9 =	vld [tilespmem:s10+$0x0]  }
0xa7: {  	v10 =	vld [tilespmem:s3+$0x14000]  }
0xa8: {  	v0 =	vadd.f32 v3, v0;
	s31 =	sadd.s32 $0x1, s31  }
0xa9: {  	[tilespmem:s7+$0x0] =	vst v6;
	p0 =	sne.s32 s31, $0x10;
	v2 =	vadd.f32 v5, v2  }
.Ltmp3:
0xaa: {  	s14 =	sor.u32 $0x10030, s3;
	[tilespmem:s0+$0x10000] =	vst v0;
	v61 =	vadd.f32 v7, v4;
	(pc) =	sbr.rel @p0 .LBB2_6-.Ltmp3, $4  }
0xab: {  	[tilespmem:s14+$0x0] =	vst v2;
	v62 =	vadd.f32 v9, v8  }
0xac: {  	v63 =	vadd.f32 v10, v1;
	[tilespmem:s6+$0x0] =	vst v61  }
0xad: {  	[tilespmem:s8+$0x0] =	vst v62  }
0xae: {  	[tilespmem:s3+$0x10000] =	vst v63  }
0xaf: {  	s30 =	simm.s32 $0x0;
	s0 =	rddreg [dreg:$0x8]  }
0xb0: {  	[hbm4b:s0+s30] =	stream.linear.scatter [tilespmem:s23], [sflag:$0x5], $0x4000, $0x38;
	[tilespmem:$0x1C000] =	vst v63  }
0xb1: {  	_ =	swait.ge [sflag:s24], $0x4000  }
0xb2: {  	[sflag:s24] =	ssyncset.done $0x0  }
0xb3: {  	s14 =	rddreg [dreg:$0x9];
	[sflag:s24] =	ssyncadd.s32 $0xFFFFC000  }
0xb4: {  	[tilespmem:s16], [sflag:$0x2] =	stream.linear.gather [hbm4b:s14+s30], $0x4000, $0x38;
	[tilespmem:$0x1C000] =	vst v63  }
0xb5: {  	_ =	swait.ge [sflag:s25], $0x4000  }
0xb6: {  	[sflag:s25] =	ssyncset.done $0x0  }
0xb7: {  	s31 =	simm.s32 $0x0;
	[sflag:s25] =	ssyncadd.s32 $0xFFFFC000  }
.LBB2_10:
0xb8: {  	s0 =	sshll.u32 s31, $0xA;
	s2 =	sshll.u32 s31, $0x7  }
0xb9: {  	s3 =	simm.s32 $0x0;
	s0 =	sand.u32 $0x2000, s0;
	s2 =	sand.u32 $0x380, s2  }
0xba: {  	s9 =	sand.u32 $0x40, s3;
	s2 =	sor.u32 s0, s2  }
0xbb: {  	s10 =	sand.u32 $0x1C00, s30;
	s0 =	sor.u32 s9, s2  }
0xbc: {  	s0 =	sor.u32 s10, s0  }
0xbd: {  	v0 =	vld [tilespmem:s0+$0x8000];
	s3 =	sor.u32 $0x8030, s0  }
0xbe: {  	s11 =	sor.u32 $0x14030, s0;
	v1 =	vld [tilespmem:s3+$0x0]  }
0xbf: {  	s4 =	sor.u32 $0x8010, s0;
	v2 =	vld [tilespmem:s11+$0x0]  }
0xc0: {  	s12 =	sor.u32 $0x14010, s0;
	v4 =	vld [tilespmem:s4+$0x0]  }
0xc1: {  	s5 =	sor.u32 $0x8020, s0;
	s4 =	simm.s32 $0x40;
	v5 =	vld [tilespmem:s12+$0x0]  }
0xc2: {  	s13 =	sor.u32 $0x14020, s0;
	v6 =	vld [tilespmem:s5+$0x0];
	s5 =	simm.s32 $0x200;
	s6 =	sand.u32 $0x40, s4  }
0xc3: {  	v7 =	vld [tilespmem:s13+$0x0];
	s7 =	sand.u32 $0x1C00, s5;
	s6 =	sor.u32 s6, s2  }
0xc4: {  	v3 =	vld [tilespmem:s0+$0x14000];
	s3 =	sor.u32 s7, s6  }
0xc5: {  	s8 =	sor.u32 $0xC030, s0;
	s6 =	sor.u32 $0x8030, s3;
	v8 =	vadd.f32 v2, v1;
	v1 =	vld [tilespmem:s3+$0x8000]  }
0xc6: {  	s12 =	sor.u32 $0xC010, s0;
	s7 =	sor.u32 $0xC020, s0;
	s14 =	sor.u32 $0x14030, s3;
	v2 =	vld [tilespmem:s6+$0x0];
	v9 =	vadd.f32 v5, v4  }
0xc7: {  	s13 =	sor.u32 $0x8010, s3;
	s11 =	sor.u32 $0x14010, s3;
	s9 =	sor.u32 $0x8020, s3;
	v5 =	vld [tilespmem:s14+$0x0];
	[tilespmem:s8+$0x0] =	vst v8  }
0xc8: {  	s10 =	sor.u32 $0x14020, s3;
	s6 =	sor.u32 $0xC010, s3;
	v4 =	vld [tilespmem:s13+$0x0];
	v6 =	vadd.f32 v7, v6;
	s8 =	sor.u32 $0xC020, s3;
	[tilespmem:s12+$0x0] =	vst v9  }
.LBB2_11:
0xc9: {  	s4 =	sadd.s32 $0x40, s4;
	v7 =	vld [tilespmem:s11+$0x0];
	v3 =	vadd.f32 v3, v0  }
0xca: {  	s5 =	sadd.s32 $0x200, s5;
	s11 =	sand.u32 $0x40, s4;
	p0 =	slt.u32 s4, $0x3C0;
	v8 =	vld [tilespmem:s9+$0x0];
	[tilespmem:s7+$0x0] =	vst v6;
	v0 =	vmov v1  }
0xcb: {  	s7 =	sand.u32 $0x1C00, s5;
	s9 =	sor.u32 s11, s2;
	v6 =	vld [tilespmem:s10+$0x0];
	[tilespmem:s0+$0xC000] =	vst v3;
	s0 =	smov.u32 s3  }
.Ltmp4:
0xcc: {  	s3 =	sor.u32 s7, s9;
	v3 =	vld [tilespmem:s0+$0x14000];
	v5 =	vadd.f32 v5, v2;
	s7 =	smov.u32 s8;
	(pc) =	sbr.rel @p0 .LBB2_11-.Ltmp4, $4  }
0xcd: {  	s10 =	sor.u32 $0xC030, s0;
	v1 =	vld [tilespmem:s3+$0x8000];
	s12 =	sor.u32 $0x8010, s3;
	s8 =	sor.u32 $0x8030, s3  }
0xce: {  	s11 =	sor.u32 $0x14010, s3;
	s9 =	sor.u32 $0x8020, s3;
	s13 =	sor.u32 $0x14030, s3;
	v2 =	vld [tilespmem:s8+$0x0];
	v7 =	vadd.f32 v7, v4;
	[tilespmem:s10+$0x0] =	vst v5  }
0xcf: {  	s14 =	sor.u32 $0xC010, s3;
	s10 =	sor.u32 $0x14020, s3;
	s8 =	sor.u32 $0xC020, s3;
	v5 =	vld [tilespmem:s13+$0x0]  }
0xd0: {  	v4 =	vld [tilespmem:s12+$0x0];
	[tilespmem:s6+$0x0] =	vst v7;
	v6 =	vadd.f32 v6, v8;
	s6 =	smov.u32 s14  }
0xd1: {  	v7 =	vld [tilespmem:s11+$0x0]  }
0xd2: {  	v8 =	vld [tilespmem:s9+$0x0]  }
0xd3: {  	v9 =	vld [tilespmem:s10+$0x0]  }
0xd4: {  	v10 =	vld [tilespmem:s3+$0x14000]  }
0xd5: {  	v0 =	vadd.f32 v3, v0;
	s31 =	sadd.s32 $0x1, s31  }
0xd6: {  	[tilespmem:s7+$0x0] =	vst v6;
	p0 =	sne.s32 s31, $0x10;
	v2 =	vadd.f32 v5, v2  }
.Ltmp5:
0xd7: {  	s14 =	sor.u32 $0xC030, s3;
	[tilespmem:s0+$0xC000] =	vst v0;
	v61 =	vadd.f32 v7, v4;
	(pc) =	sbr.rel @p0 .LBB2_10-.Ltmp5, $4  }
0xd8: {  	[tilespmem:s14+$0x0] =	vst v2;
	v62 =	vadd.f32 v9, v8  }
0xd9: {  	v63 =	vadd.f32 v10, v1;
	[tilespmem:s6+$0x0] =	vst v61  }
0xda: {  	[tilespmem:s8+$0x0] =	vst v62  }
0xdb: {  	[tilespmem:s3+$0xC000] =	vst v63  }
0xdc: {  	s30 =	simm.s32 $0x0;
	s0 =	rddreg [dreg:$0xa]  }
0xdd: {  	[hbm4b:s0+s30] =	stream.linear.scatter [tilespmem:s21], [sflag:$0x4], $0x4000, $0x38;
	[tilespmem:$0x1C000] =	vst v63  }
0xde: {  	_ =	swait.ge [sflag:s17], $0x4000  }
0xdf: {  	[sflag:s17] =	ssyncset.done $0x0  }
0xe0: {  	s14 =	rddreg [dreg:$0xb];
	[sflag:s17] =	ssyncadd.s32 $0xFFFFC000  }
0xe1: {  	[tilespmem:s20], [sflag:$0x3] =	stream.linear.gather [hbm4b:s14+s30], $0x4000, $0x38;
	[tilespmem:$0x1C000] =	vst v63  }
0xe2: {  	_ =	swait.ge [sflag:s26], $0x4000  }
0xe3: {  	[sflag:s26] =	ssyncset.done $0x0  }
0xe4: {  	s31 =	simm.s32 $0x0;
	[sflag:s26] =	ssyncadd.s32 $0xFFFFC000  }
.LBB2_14:
0xe5: {  	s0 =	sshll.u32 s31, $0xA;
	s2 =	sshll.u32 s31, $0x7  }
0xe6: {  	s3 =	simm.s32 $0x0;
	s0 =	sand.u32 $0x2000, s0;
	s2 =	sand.u32 $0x380, s2  }
0xe7: {  	s9 =	sand.u32 $0x40, s3;
	s2 =	sor.u32 s0, s2  }
0xe8: {  	s10 =	sand.u32 $0x1C00, s30;
	s0 =	sor.u32 s9, s2  }
0xe9: {  	s0 =	sor.u32 s10, s0  }
0xea: {  	v0 =	vld [tilespmem:s0+$0x0];
	s3 =	sor.u32 $0x30, s0  }
0xeb: {  	s11 =	sor.u32 $0x14030, s0;
	v1 =	vld [tilespmem:s3+$0x0]  }
0xec: {  	s4 =	sor.u32 $0x10, s0;
	v2 =	vld [tilespmem:s11+$0x0]  }
0xed: {  	s12 =	sor.u32 $0x14010, s0;
	v4 =	vld [tilespmem:s4+$0x0]  }
0xee: {  	s5 =	sor.u32 $0x20, s0;
	s4 =	simm.s32 $0x40;
	v5 =	vld [tilespmem:s12+$0x0]  }
0xef: {  	s13 =	sor.u32 $0x14020, s0;
	v6 =	vld [tilespmem:s5+$0x0];
	s5 =	simm.s32 $0x200;
	s6 =	sand.u32 $0x40, s4  }
0xf0: {  	v7 =	vld [tilespmem:s13+$0x0];
	s7 =	sand.u32 $0x1C00, s5;
	s6 =	sor.u32 s6, s2  }
0xf1: {  	v3 =	vld [tilespmem:s0+$0x14000];
	s3 =	sor.u32 s7, s6  }
0xf2: {  	s8 =	sor.u32 $0x10030, s0;
	s6 =	sor.u32 $0x30, s3;
	v8 =	vadd.f32 v2, v1;
	v1 =	vld [tilespmem:s3+$0x0]  }
0xf3: {  	s12 =	sor.u32 $0x10010, s0;
	s7 =	sor.u32 $0x10020, s0;
	s14 =	sor.u32 $0x14030, s3;
	v2 =	vld [tilespmem:s6+$0x0];
	v9 =	vadd.f32 v5, v4  }
0xf4: {  	s13 =	sor.u32 $0x10, s3;
	s11 =	sor.u32 $0x14010, s3;
	s9 =	sor.u32 $0x20, s3;
	v5 =	vld [tilespmem:s14+$0x0];
	[tilespmem:s8+$0x0] =	vst v8  }
0xf5: {  	s10 =	sor.u32 $0x14020, s3;
	s6 =	sor.u32 $0x10010, s3;
	v4 =	vld [tilespmem:s13+$0x0];
	v6 =	vadd.f32 v7, v6;
	s8 =	sor.u32 $0x10020, s3;
	[tilespmem:s12+$0x0] =	vst v9  }
.LBB2_15:
0xf6: {  	s4 =	sadd.s32 $0x40, s4;
	v7 =	vld [tilespmem:s11+$0x0];
	v3 =	vadd.f32 v3, v0  }
0xf7: {  	s5 =	sadd.s32 $0x200, s5;
	s11 =	sand.u32 $0x40, s4;
	p0 =	slt.u32 s4, $0x3C0;
	v8 =	vld [tilespmem:s9+$0x0];
	[tilespmem:s7+$0x0] =	vst v6;
	v0 =	vmov v1  }
0xf8: {  	s7 =	sand.u32 $0x1C00, s5;
	s9 =	sor.u32 s11, s2;
	v6 =	vld [tilespmem:s10+$0x0];
	[tilespmem:s0+$0x10000] =	vst v3;
	s0 =	smov.u32 s3  }
.Ltmp6:
0xf9: {  	s3 =	sor.u32 s7, s9;
	v3 =	vld [tilespmem:s0+$0x14000];
	v5 =	vadd.f32 v5, v2;
	s7 =	smov.u32 s8;
	(pc) =	sbr.rel @p0 .LBB2_15-.Ltmp6, $4  }
0xfa: {  	s10 =	sor.u32 $0x10030, s0;
	v1 =	vld [tilespmem:s3+$0x0];
	s12 =	sor.u32 $0x10, s3;
	s8 =	sor.u32 $0x30, s3  }
0xfb: {  	s11 =	sor.u32 $0x14010, s3;
	s9 =	sor.u32 $0x20, s3;
	s13 =	sor.u32 $0x14030, s3;
	v2 =	vld [tilespmem:s8+$0x0];
	v7 =	vadd.f32 v7, v4;
	[tilespmem:s10+$0x0] =	vst v5  }
0xfc: {  	s14 =	sor.u32 $0x10010, s3;
	s10 =	sor.u32 $0x14020, s3;
	s8 =	sor.u32 $0x10020, s3;
	v5 =	vld [tilespmem:s13+$0x0]  }
0xfd: {  	v4 =	vld [tilespmem:s12+$0x0];
	[tilespmem:s6+$0x0] =	vst v7;
	v6 =	vadd.f32 v6, v8;
	s6 =	smov.u32 s14  }
0xfe: {  	v7 =	vld [tilespmem:s11+$0x0]  }
0xff: {  	v8 =	vld [tilespmem:s9+$0x0]  }
0x100: {  	v9 =	vld [tilespmem:s10+$0x0]  }
0x101: {  	v10 =	vld [tilespmem:s3+$0x14000]  }
0x102: {  	v0 =	vadd.f32 v3, v0;
	s31 =	sadd.s32 $0x1, s31  }
0x103: {  	[tilespmem:s7+$0x0] =	vst v6;
	p0 =	sne.s32 s31, $0x10;
	v2 =	vadd.f32 v5, v2  }
.Ltmp7:
0x104: {  	s14 =	sor.u32 $0x10030, s3;
	[tilespmem:s0+$0x10000] =	vst v0;
	v61 =	vadd.f32 v7, v4;
	(pc) =	sbr.rel @p0 .LBB2_14-.Ltmp7, $4  }
0x105: {  	[tilespmem:s14+$0x0] =	vst v2;
	v62 =	vadd.f32 v9, v8  }
0x106: {  	v63 =	vadd.f32 v10, v1;
	[tilespmem:s6+$0x0] =	vst v61  }
0x107: {  	[tilespmem:s8+$0x0] =	vst v62  }
0x108: {  	[tilespmem:s3+$0x10000] =	vst v63  }
0x109: {  	s30 =	simm.s32 $0x0;
	s0 =	rddreg [dreg:$0xc]  }
0x10a: {  	[hbm4b:s0+s30] =	stream.linear.scatter [tilespmem:s23], [sflag:$0x5], $0x4000, $0x38;
	[tilespmem:$0x1C000] =	vst v63  }
0x10b: {  	_ =	swait.ge [sflag:s22], $0x4000  }
0x10c: {  	[sflag:s22] =	ssyncset.done $0x0  }
0x10d: {  	[sflag:s22] =	ssyncadd.s32 $0xFFFFC000  }
0x10e: {  	_ =	swait.ge [sflag:s28], $0x4000  }
0x10f: {  	[sflag:s28] =	ssyncset.done $0x0  }
0x110: {  	s13 =	rddreg [dreg:$0xd];
	[sflag:s28] =	ssyncadd.s32 $0xFFFFC000  }
0x111: {  	[tilespmem:s15], [sflag:$0x6] =	stream.linear.gather [hbm4b:s13+s30], $0x4000, $0x38;
	[tilespmem:$0x1C000] =	vst v63  }
0x112: {  	s14 =	rddreg [dreg:$0xe]  }
0x113: {  	[tilespmem:s30], [sflag:$0x1] =	stream.linear.gather [hbm4b:s14+s30], $0x4000, $0x38;
	[tilespmem:$0x1C000] =	vst v63  }
0x114: {  	_ =	swait.ge [sflag:s25], $0x4000  }
0x115: {  	[sflag:s25] =	ssyncset.done $0x0  }
0x116: {  	s31 =	simm.s32 $0x0;
	[sflag:s25] =	ssyncadd.s32 $0xFFFFC000  }
.LBB2_18:
0x117: {  	s0 =	sshll.u32 s31, $0xA;
	s2 =	sshll.u32 s31, $0x7  }
0x118: {  	s3 =	simm.s32 $0x0;
	s0 =	sand.u32 $0x2000, s0;
	s2 =	sand.u32 $0x380, s2  }
0x119: {  	s9 =	sand.u32 $0x40, s3;
	s2 =	sor.u32 s0, s2  }
0x11a: {  	s10 =	sand.u32 $0x1C00, s30;
	s0 =	sor.u32 s9, s2  }
0x11b: {  	s0 =	sor.u32 s10, s0  }
0x11c: {  	v0 =	vld [tilespmem:s0+$0x4000];
	s3 =	sor.u32 $0x4030, s0  }
0x11d: {  	s11 =	sor.u32 $0x18030, s0;
	v1 =	vld [tilespmem:s3+$0x0]  }
0x11e: {  	s4 =	sor.u32 $0x4010, s0;
	v2 =	vld [tilespmem:s11+$0x0]  }
0x11f: {  	s12 =	sor.u32 $0x18010, s0;
	v4 =	vld [tilespmem:s4+$0x0]  }
0x120: {  	s5 =	sor.u32 $0x4020, s0;
	s4 =	simm.s32 $0x40;
	v5 =	vld [tilespmem:s12+$0x0]  }
0x121: {  	s13 =	sor.u32 $0x18020, s0;
	v6 =	vld [tilespmem:s5+$0x0];
	s5 =	simm.s32 $0x200;
	s6 =	sand.u32 $0x40, s4  }
0x122: {  	v7 =	vld [tilespmem:s13+$0x0];
	s7 =	sand.u32 $0x1C00, s5;
	s6 =	sor.u32 s6, s2  }
0x123: {  	v3 =	vld [tilespmem:s0+$0x18000];
	s3 =	sor.u32 s7, s6  }
0x124: {  	s8 =	sor.u32 $0xC030, s0;
	s6 =	sor.u32 $0x4030, s3;
	v8 =	vadd.f32 v2, v1;
	v1 =	vld [tilespmem:s3+$0x4000]  }
0x125: {  	s12 =	sor.u32 $0xC010, s0;
	s7 =	sor.u32 $0xC020, s0;
	s14 =	sor.u32 $0x18030, s3;
	v2 =	vld [tilespmem:s6+$0x0];
	v9 =	vadd.f32 v5, v4  }
0x126: {  	s13 =	sor.u32 $0x4010, s3;
	s11 =	sor.u32 $0x18010, s3;
	s9 =	sor.u32 $0x4020, s3;
	v5 =	vld [tilespmem:s14+$0x0];
	[tilespmem:s8+$0x0] =	vst v8  }
0x127: {  	s10 =	sor.u32 $0x18020, s3;
	s6 =	sor.u32 $0xC010, s3;
	v4 =	vld [tilespmem:s13+$0x0];
	v6 =	vadd.f32 v7, v6;
	s8 =	sor.u32 $0xC020, s3;
	[tilespmem:s12+$0x0] =	vst v9  }
.LBB2_19:
0x128: {  	s4 =	sadd.s32 $0x40, s4;
	v7 =	vld [tilespmem:s11+$0x0];
	v3 =	vadd.f32 v3, v0  }
0x129: {  	s5 =	sadd.s32 $0x200, s5;
	s11 =	sand.u32 $0x40, s4;
	p0 =	slt.u32 s4, $0x3C0;
	v8 =	vld [tilespmem:s9+$0x0];
	[tilespmem:s7+$0x0] =	vst v6;
	v0 =	vmov v1  }
0x12a: {  	s7 =	sand.u32 $0x1C00, s5;
	s9 =	sor.u32 s11, s2;
	v6 =	vld [tilespmem:s10+$0x0];
	[tilespmem:s0+$0xC000] =	vst v3;
	s0 =	smov.u32 s3  }
.Ltmp8:
0x12b: {  	s3 =	sor.u32 s7, s9;
	v3 =	vld [tilespmem:s0+$0x18000];
	v5 =	vadd.f32 v5, v2;
	s7 =	smov.u32 s8;
	(pc) =	sbr.rel @p0 .LBB2_19-.Ltmp8, $4  }
0x12c: {  	s10 =	sor.u32 $0xC030, s0;
	v1 =	vld [tilespmem:s3+$0x4000];
	s12 =	sor.u32 $0x4010, s3;
	s8 =	sor.u32 $0x4030, s3  }
0x12d: {  	s11 =	sor.u32 $0x18010, s3;
	s9 =	sor.u32 $0x4020, s3;
	s13 =	sor.u32 $0x18030, s3;
	v2 =	vld [tilespmem:s8+$0x0];
	v7 =	vadd.f32 v7, v4;
	[tilespmem:s10+$0x0] =	vst v5  }
0x12e: {  	s14 =	sor.u32 $0xC010, s3;
	s10 =	sor.u32 $0x18020, s3;
	s8 =	sor.u32 $0xC020, s3;
	v5 =	vld [tilespmem:s13+$0x0]  }
0x12f: {  	v4 =	vld [tilespmem:s12+$0x0];
	[tilespmem:s6+$0x0] =	vst v7;
	v6 =	vadd.f32 v6, v8;
	s6 =	smov.u32 s14  }
0x130: {  	v7 =	vld [tilespmem:s11+$0x0]  }
0x131: {  	v8 =	vld [tilespmem:s9+$0x0]  }
0x132: {  	v9 =	vld [tilespmem:s10+$0x0]  }
0x133: {  	v10 =	vld [tilespmem:s3+$0x18000]  }
0x134: {  	v0 =	vadd.f32 v3, v0;
	s31 =	sadd.s32 $0x1, s31  }
0x135: {  	[tilespmem:s7+$0x0] =	vst v6;
	p0 =	sne.s32 s31, $0x10;
	v2 =	vadd.f32 v5, v2  }
.Ltmp9:
0x136: {  	s14 =	sor.u32 $0xC030, s3;
	[tilespmem:s0+$0xC000] =	vst v0;
	v61 =	vadd.f32 v7, v4;
	(pc) =	sbr.rel @p0 .LBB2_18-.Ltmp9, $4  }
0x137: {  	[tilespmem:s14+$0x0] =	vst v2;
	v62 =	vadd.f32 v9, v8  }
0x138: {  	v63 =	vadd.f32 v10, v1;
	[tilespmem:s6+$0x0] =	vst v61  }
0x139: {  	[tilespmem:s8+$0x0] =	vst v62  }
0x13a: {  	[tilespmem:s3+$0xC000] =	vst v63  }
0x13b: {  	s30 =	simm.s32 $0x0;
	s0 =	rddreg [dreg:$0xf]  }
0x13c: {  	[hbm4b:s0+s30] =	stream.linear.scatter [tilespmem:s21], [sflag:$0x4], $0x4000, $0x38;
	[tilespmem:$0x1C000] =	vst v63  }
0x13d: {  	_ =	swait.ge [sflag:s24], $0x4000  }
0x13e: {  	[sflag:s24] =	ssyncset.done $0x0  }
0x13f: {  	s14 =	rddreg [dreg:$0x10];
	[sflag:s24] =	ssyncadd.s32 $0xFFFFC000  }
0x140: {  	[tilespmem:s16], [sflag:$0x2] =	stream.linear.gather [hbm4b:s14+s30], $0x4000, $0x38;
	[tilespmem:$0x1C000] =	vst v63  }
0x141: {  	_ =	swait.ge [sflag:s26], $0x4000  }
0x142: {  	[sflag:s26] =	ssyncset.done $0x0  }
0x143: {  	s31 =	simm.s32 $0x0;
	[sflag:s26] =	ssyncadd.s32 $0xFFFFC000  }
.LBB2_22:
0x144: {  	s0 =	sshll.u32 s31, $0xA;
	s2 =	sshll.u32 s31, $0x7  }
0x145: {  	s3 =	simm.s32 $0x0;
	s0 =	sand.u32 $0x2000, s0;
	s2 =	sand.u32 $0x380, s2  }
0x146: {  	s9 =	sand.u32 $0x40, s3;
	s2 =	sor.u32 s0, s2  }
0x147: {  	s10 =	sand.u32 $0x1C00, s30;
	s0 =	sor.u32 s9, s2  }
0x148: {  	s0 =	sor.u32 s10, s0  }
0x149: {  	v0 =	vld [tilespmem:s0+$0x8000];
	s3 =	sor.u32 $0x8030, s0  }
0x14a: {  	s11 =	sor.u32 $0x18030, s0;
	v1 =	vld [tilespmem:s3+$0x0]  }
0x14b: {  	s4 =	sor.u32 $0x8010, s0;
	v2 =	vld [tilespmem:s11+$0x0]  }
0x14c: {  	s12 =	sor.u32 $0x18010, s0;
	v4 =	vld [tilespmem:s4+$0x0]  }
0x14d: {  	s5 =	sor.u32 $0x8020, s0;
	s4 =	simm.s32 $0x40;
	v5 =	vld [tilespmem:s12+$0x0]  }
0x14e: {  	s13 =	sor.u32 $0x18020, s0;
	v6 =	vld [tilespmem:s5+$0x0];
	s5 =	simm.s32 $0x200;
	s6 =	sand.u32 $0x40, s4  }
0x14f: {  	v7 =	vld [tilespmem:s13+$0x0];
	s7 =	sand.u32 $0x1C00, s5;
	s6 =	sor.u32 s6, s2  }
0x150: {  	v3 =	vld [tilespmem:s0+$0x18000];
	s3 =	sor.u32 s7, s6  }
0x151: {  	s8 =	sor.u32 $0x10030, s0;
	s6 =	sor.u32 $0x8030, s3;
	v8 =	vadd.f32 v2, v1;
	v1 =	vld [tilespmem:s3+$0x8000]  }
0x152: {  	s12 =	sor.u32 $0x10010, s0;
	s7 =	sor.u32 $0x10020, s0;
	s14 =	sor.u32 $0x18030, s3;
	v2 =	vld [tilespmem:s6+$0x0];
	v9 =	vadd.f32 v5, v4  }
0x153: {  	s13 =	sor.u32 $0x8010, s3;
	s11 =	sor.u32 $0x18010, s3;
	s9 =	sor.u32 $0x8020, s3;
	v5 =	vld [tilespmem:s14+$0x0];
	[tilespmem:s8+$0x0] =	vst v8  }
0x154: {  	s10 =	sor.u32 $0x18020, s3;
	s6 =	sor.u32 $0x10010, s3;
	v4 =	vld [tilespmem:s13+$0x0];
	v6 =	vadd.f32 v7, v6;
	s8 =	sor.u32 $0x10020, s3;
	[tilespmem:s12+$0x0] =	vst v9  }
.LBB2_23:
0x155: {  	s4 =	sadd.s32 $0x40, s4;
	v7 =	vld [tilespmem:s11+$0x0];
	v3 =	vadd.f32 v3, v0  }
0x156: {  	s5 =	sadd.s32 $0x200, s5;
	s11 =	sand.u32 $0x40, s4;
	p0 =	slt.u32 s4, $0x3C0;
	v8 =	vld [tilespmem:s9+$0x0];
	[tilespmem:s7+$0x0] =	vst v6;
	v0 =	vmov v1  }
0x157: {  	s7 =	sand.u32 $0x1C00, s5;
	s9 =	sor.u32 s11, s2;
	v6 =	vld [tilespmem:s10+$0x0];
	[tilespmem:s0+$0x10000] =	vst v3;
	s0 =	smov.u32 s3  }
.Ltmp10:
0x158: {  	s3 =	sor.u32 s7, s9;
	v3 =	vld [tilespmem:s0+$0x18000];
	v5 =	vadd.f32 v5, v2;
	s7 =	smov.u32 s8;
	(pc) =	sbr.rel @p0 .LBB2_23-.Ltmp10, $4  }
0x159: {  	s10 =	sor.u32 $0x10030, s0;
	v1 =	vld [tilespmem:s3+$0x8000];
	s12 =	sor.u32 $0x8010, s3;
	s8 =	sor.u32 $0x8030, s3  }
0x15a: {  	s11 =	sor.u32 $0x18010, s3;
	s9 =	sor.u32 $0x8020, s3;
	s13 =	sor.u32 $0x18030, s3;
	v2 =	vld [tilespmem:s8+$0x0];
	v7 =	vadd.f32 v7, v4;
	[tilespmem:s10+$0x0] =	vst v5  }
0x15b: {  	s14 =	sor.u32 $0x10010, s3;
	s10 =	sor.u32 $0x18020, s3;
	s8 =	sor.u32 $0x10020, s3;
	v5 =	vld [tilespmem:s13+$0x0]  }
0x15c: {  	v4 =	vld [tilespmem:s12+$0x0];
	[tilespmem:s6+$0x0] =	vst v7;
	v6 =	vadd.f32 v6, v8;
	s6 =	smov.u32 s14  }
0x15d: {  	v7 =	vld [tilespmem:s11+$0x0]  }
0x15e: {  	v8 =	vld [tilespmem:s9+$0x0]  }
0x15f: {  	v9 =	vld [tilespmem:s10+$0x0]  }
0x160: {  	v10 =	vld [tilespmem:s3+$0x18000]  }
0x161: {  	v0 =	vadd.f32 v3, v0;
	s31 =	sadd.s32 $0x1, s31  }
0x162: {  	[tilespmem:s7+$0x0] =	vst v6;
	p0 =	sne.s32 s31, $0x10;
	v2 =	vadd.f32 v5, v2  }
.Ltmp11:
0x163: {  	s14 =	sor.u32 $0x10030, s3;
	[tilespmem:s0+$0x10000] =	vst v0;
	v61 =	vadd.f32 v7, v4;
	(pc) =	sbr.rel @p0 .LBB2_22-.Ltmp11, $4  }
0x164: {  	[tilespmem:s14+$0x0] =	vst v2;
	v62 =	vadd.f32 v9, v8  }
0x165: {  	v63 =	vadd.f32 v10, v1;
	[tilespmem:s6+$0x0] =	vst v61  }
0x166: {  	[tilespmem:s8+$0x0] =	vst v62  }
0x167: {  	[tilespmem:s3+$0x10000] =	vst v63  }
0x168: {  	s30 =	simm.s32 $0x0;
	s0 =	rddreg [dreg:$0x11]  }
0x169: {  	[hbm4b:s0+s30] =	stream.linear.scatter [tilespmem:s23], [sflag:$0x5], $0x4000, $0x38;
	[tilespmem:$0x1C000] =	vst v63  }
0x16a: {  	_ =	swait.ge [sflag:s17], $0x4000  }
0x16b: {  	[sflag:s17] =	ssyncset.done $0x0  }
0x16c: {  	s14 =	rddreg [dreg:$0x12];
	[sflag:s17] =	ssyncadd.s32 $0xFFFFC000  }
0x16d: {  	[tilespmem:s20], [sflag:$0x3] =	stream.linear.gather [hbm4b:s14+s30], $0x4000, $0x38;
	[tilespmem:$0x1C000] =	vst v63  }
0x16e: {  	_ =	swait.ge [sflag:s25], $0x4000  }
0x16f: {  	[sflag:s25] =	ssyncset.done $0x0  }
0x170: {  	s31 =	simm.s32 $0x0;
	[sflag:s25] =	ssyncadd.s32 $0xFFFFC000  }
.LBB2_26:
0x171: {  	s0 =	sshll.u32 s31, $0xA;
	s2 =	sshll.u32 s31, $0x7  }
0x172: {  	s3 =	simm.s32 $0x0;
	s0 =	sand.u32 $0x2000, s0;
	s2 =	sand.u32 $0x380, s2  }
0x173: {  	s9 =	sand.u32 $0x40, s3;
	s2 =	sor.u32 s0, s2  }
0x174: {  	s10 =	sand.u32 $0x1C00, s30;
	s0 =	sor.u32 s9, s2  }
0x175: {  	s0 =	sor.u32 s10, s0  }
0x176: {  	v0 =	vld [tilespmem:s0+$0x0];
	s3 =	sor.u32 $0x30, s0  }
0x177: {  	s11 =	sor.u32 $0x18030, s0;
	v1 =	vld [tilespmem:s3+$0x0]  }
0x178: {  	s4 =	sor.u32 $0x10, s0;
	v2 =	vld [tilespmem:s11+$0x0]  }
0x179: {  	s12 =	sor.u32 $0x18010, s0;
	v4 =	vld [tilespmem:s4+$0x0]  }
0x17a: {  	s5 =	sor.u32 $0x20, s0;
	s4 =	simm.s32 $0x40;
	v5 =	vld [tilespmem:s12+$0x0]  }
0x17b: {  	s13 =	sor.u32 $0x18020, s0;
	v6 =	vld [tilespmem:s5+$0x0];
	s5 =	simm.s32 $0x200;
	s6 =	sand.u32 $0x40, s4  }
0x17c: {  	v7 =	vld [tilespmem:s13+$0x0];
	s7 =	sand.u32 $0x1C00, s5;
	s6 =	sor.u32 s6, s2  }
0x17d: {  	v3 =	vld [tilespmem:s0+$0x18000];
	s3 =	sor.u32 s7, s6  }
0x17e: {  	s8 =	sor.u32 $0xC030, s0;
	s6 =	sor.u32 $0x30, s3;
	v8 =	vadd.f32 v2, v1;
	v1 =	vld [tilespmem:s3+$0x0]  }
0x17f: {  	s12 =	sor.u32 $0xC010, s0;
	s7 =	sor.u32 $0xC020, s0;
	s14 =	sor.u32 $0x18030, s3;
	v2 =	vld [tilespmem:s6+$0x0];
	v9 =	vadd.f32 v5, v4  }
0x180: {  	s13 =	sor.u32 $0x10, s3;
	s11 =	sor.u32 $0x18010, s3;
	s9 =	sor.u32 $0x20, s3;
	v5 =	vld [tilespmem:s14+$0x0];
	[tilespmem:s8+$0x0] =	vst v8  }
0x181: {  	s10 =	sor.u32 $0x18020, s3;
	s6 =	sor.u32 $0xC010, s3;
	v4 =	vld [tilespmem:s13+$0x0];
	v6 =	vadd.f32 v7, v6;
	s8 =	sor.u32 $0xC020, s3;
	[tilespmem:s12+$0x0] =	vst v9  }
.LBB2_27:
0x182: {  	s4 =	sadd.s32 $0x40, s4;
	v7 =	vld [tilespmem:s11+$0x0];
	v3 =	vadd.f32 v3, v0  }
0x183: {  	s5 =	sadd.s32 $0x200, s5;
	s11 =	sand.u32 $0x40, s4;
	p0 =	slt.u32 s4, $0x3C0;
	v8 =	vld [tilespmem:s9+$0x0];
	[tilespmem:s7+$0x0] =	vst v6;
	v0 =	vmov v1  }
0x184: {  	s7 =	sand.u32 $0x1C00, s5;
	s9 =	sor.u32 s11, s2;
	v6 =	vld [tilespmem:s10+$0x0];
	[tilespmem:s0+$0xC000] =	vst v3;
	s0 =	smov.u32 s3  }
.Ltmp12:
0x185: {  	s3 =	sor.u32 s7, s9;
	v3 =	vld [tilespmem:s0+$0x18000];
	v5 =	vadd.f32 v5, v2;
	s7 =	smov.u32 s8;
	(pc) =	sbr.rel @p0 .LBB2_27-.Ltmp12, $4  }
0x186: {  	s10 =	sor.u32 $0xC030, s0;
	v1 =	vld [tilespmem:s3+$0x0];
	s12 =	sor.u32 $0x10, s3;
	s8 =	sor.u32 $0x30, s3  }
0x187: {  	s11 =	sor.u32 $0x18010, s3;
	s9 =	sor.u32 $0x20, s3;
	s13 =	sor.u32 $0x18030, s3;
	v2 =	vld [tilespmem:s8+$0x0];
	v7 =	vadd.f32 v7, v4;
	[tilespmem:s10+$0x0] =	vst v5  }
0x188: {  	s14 =	sor.u32 $0xC010, s3;
	s10 =	sor.u32 $0x18020, s3;
	s8 =	sor.u32 $0xC020, s3;
	v5 =	vld [tilespmem:s13+$0x0]  }
0x189: {  	v4 =	vld [tilespmem:s12+$0x0];
	[tilespmem:s6+$0x0] =	vst v7;
	v6 =	vadd.f32 v6, v8;
	s6 =	smov.u32 s14  }
0x18a: {  	v7 =	vld [tilespmem:s11+$0x0]  }
0x18b: {  	v8 =	vld [tilespmem:s9+$0x0]  }
0x18c: {  	v9 =	vld [tilespmem:s10+$0x0]  }
0x18d: {  	v10 =	vld [tilespmem:s3+$0x18000]  }
0x18e: {  	v0 =	vadd.f32 v3, v0;
	s31 =	sadd.s32 $0x1, s31  }
0x18f: {  	[tilespmem:s7+$0x0] =	vst v6;
	p0 =	sne.s32 s31, $0x10;
	v2 =	vadd.f32 v5, v2  }
.Ltmp13:
0x190: {  	s14 =	sor.u32 $0xC030, s3;
	[tilespmem:s0+$0xC000] =	vst v0;
	v61 =	vadd.f32 v7, v4;
	(pc) =	sbr.rel @p0 .LBB2_26-.Ltmp13, $4  }
0x191: {  	[tilespmem:s14+$0x0] =	vst v2;
	v62 =	vadd.f32 v9, v8  }
0x192: {  	v63 =	vadd.f32 v10, v1;
	[tilespmem:s6+$0x0] =	vst v61  }
0x193: {  	[tilespmem:s8+$0x0] =	vst v62  }
0x194: {  	[tilespmem:s3+$0xC000] =	vst v63  }
0x195: {  	s30 =	simm.s32 $0x0;
	s0 =	rddreg [dreg:$0x13]  }
0x196: {  	[hbm4b:s0+s30] =	stream.linear.scatter [tilespmem:s21], [sflag:$0x4], $0x4000, $0x38;
	[tilespmem:$0x1C000] =	vst v63  }
0x197: {  	_ =	swait.ge [sflag:s22], $0x4000  }
0x198: {  	[sflag:s22] =	ssyncset.done $0x0  }
0x199: {  	s14 =	rddreg [dreg:$0x16];
	[sflag:s22] =	ssyncadd.s32 $0xFFFFC000  }
0x19a: {  	[tilespmem:s30], [sflag:$0x1] =	stream.linear.gather [hbm4b:s14+s30], $0x4000, $0x38;
	[tilespmem:$0x1C000] =	vst v63  }
0x19b: {  	_ =	swait.ge [sflag:s26], $0x4000  }
0x19c: {  	[sflag:s26] =	ssyncset.done $0x0  }
0x19d: {  	s31 =	simm.s32 $0x0;
	[sflag:s26] =	ssyncadd.s32 $0xFFFFC000  }
.LBB2_30:
0x19e: {  	s0 =	sshll.u32 s31, $0xA;
	s2 =	sshll.u32 s31, $0x7  }
0x19f: {  	s3 =	simm.s32 $0x0;
	s0 =	sand.u32 $0x2000, s0;
	s2 =	sand.u32 $0x380, s2  }
0x1a0: {  	s9 =	sand.u32 $0x40, s3;
	s2 =	sor.u32 s0, s2  }
0x1a1: {  	s10 =	sand.u32 $0x1C00, s30;
	s0 =	sor.u32 s9, s2  }
0x1a2: {  	s0 =	sor.u32 s10, s0  }
0x1a3: {  	v0 =	vld [tilespmem:s0+$0x4000];
	s3 =	sor.u32 $0x4030, s0  }
0x1a4: {  	s11 =	sor.u32 $0x18030, s0;
	v1 =	vld [tilespmem:s3+$0x0]  }
0x1a5: {  	s4 =	sor.u32 $0x4010, s0;
	v2 =	vld [tilespmem:s11+$0x0]  }
0x1a6: {  	s12 =	sor.u32 $0x18010, s0;
	v4 =	vld [tilespmem:s4+$0x0]  }
0x1a7: {  	s5 =	sor.u32 $0x4020, s0;
	s4 =	simm.s32 $0x40;
	v5 =	vld [tilespmem:s12+$0x0]  }
0x1a8: {  	s13 =	sor.u32 $0x18020, s0;
	v6 =	vld [tilespmem:s5+$0x0];
	s5 =	simm.s32 $0x200;
	s6 =	sand.u32 $0x40, s4  }
0x1a9: {  	v7 =	vld [tilespmem:s13+$0x0];
	s7 =	sand.u32 $0x1C00, s5;
	s6 =	sor.u32 s6, s2  }
0x1aa: {  	v3 =	vld [tilespmem:s0+$0x18000];
	s3 =	sor.u32 s7, s6  }
0x1ab: {  	s8 =	sor.u32 $0x10030, s0;
	s6 =	sor.u32 $0x4030, s3;
	v8 =	vadd.f32 v2, v1;
	v1 =	vld [tilespmem:s3+$0x4000]  }
0x1ac: {  	s12 =	sor.u32 $0x10010, s0;
	s7 =	sor.u32 $0x10020, s0;
	s14 =	sor.u32 $0x18030, s3;
	v2 =	vld [tilespmem:s6+$0x0];
	v9 =	vadd.f32 v5, v4  }
0x1ad: {  	s13 =	sor.u32 $0x4010, s3;
	s11 =	sor.u32 $0x18010, s3;
	s9 =	sor.u32 $0x4020, s3;
	v5 =	vld [tilespmem:s14+$0x0];
	[tilespmem:s8+$0x0] =	vst v8  }
0x1ae: {  	s10 =	sor.u32 $0x18020, s3;
	s6 =	sor.u32 $0x10010, s3;
	v4 =	vld [tilespmem:s13+$0x0];
	v6 =	vadd.f32 v7, v6;
	s8 =	sor.u32 $0x10020, s3;
	[tilespmem:s12+$0x0] =	vst v9  }
.LBB2_31:
0x1af: {  	s4 =	sadd.s32 $0x40, s4;
	v7 =	vld [tilespmem:s11+$0x0];
	v3 =	vadd.f32 v3, v0  }
0x1b0: {  	s5 =	sadd.s32 $0x200, s5;
	s11 =	sand.u32 $0x40, s4;
	p0 =	slt.u32 s4, $0x3C0;
	v8 =	vld [tilespmem:s9+$0x0];
	[tilespmem:s7+$0x0] =	vst v6;
	v0 =	vmov v1  }
0x1b1: {  	s7 =	sand.u32 $0x1C00, s5;
	s9 =	sor.u32 s11, s2;
	v6 =	vld [tilespmem:s10+$0x0];
	[tilespmem:s0+$0x10000] =	vst v3;
	s0 =	smov.u32 s3  }
.Ltmp14:
0x1b2: {  	s3 =	sor.u32 s7, s9;
	v3 =	vld [tilespmem:s0+$0x18000];
	v5 =	vadd.f32 v5, v2;
	s7 =	smov.u32 s8;
	(pc) =	sbr.rel @p0 .LBB2_31-.Ltmp14, $4  }
0x1b3: {  	s10 =	sor.u32 $0x10030, s0;
	v1 =	vld [tilespmem:s3+$0x4000];
	s12 =	sor.u32 $0x4010, s3;
	s8 =	sor.u32 $0x4030, s3  }
0x1b4: {  	s11 =	sor.u32 $0x18010, s3;
	s9 =	sor.u32 $0x4020, s3;
	s13 =	sor.u32 $0x18030, s3;
	v2 =	vld [tilespmem:s8+$0x0];
	v7 =	vadd.f32 v7, v4;
	[tilespmem:s10+$0x0] =	vst v5  }
0x1b5: {  	s14 =	sor.u32 $0x10010, s3;
	s10 =	sor.u32 $0x18020, s3;
	s8 =	sor.u32 $0x10020, s3;
	v5 =	vld [tilespmem:s13+$0x0]  }
0x1b6: {  	v4 =	vld [tilespmem:s12+$0x0];
	[tilespmem:s6+$0x0] =	vst v7;
	v6 =	vadd.f32 v6, v8;
	s6 =	smov.u32 s14  }
0x1b7: {  	v7 =	vld [tilespmem:s11+$0x0]  }
0x1b8: {  	v8 =	vld [tilespmem:s9+$0x0]  }
0x1b9: {  	v9 =	vld [tilespmem:s10+$0x0]  }
0x1ba: {  	v10 =	vld [tilespmem:s3+$0x18000]  }
0x1bb: {  	v0 =	vadd.f32 v3, v0;
	s31 =	sadd.s32 $0x1, s31  }
0x1bc: {  	[tilespmem:s7+$0x0] =	vst v6;
	p0 =	sne.s32 s31, $0x10;
	v2 =	vadd.f32 v5, v2  }
.Ltmp15:
0x1bd: {  	s14 =	sor.u32 $0x10030, s3;
	[tilespmem:s0+$0x10000] =	vst v0;
	v61 =	vadd.f32 v7, v4;
	(pc) =	sbr.rel @p0 .LBB2_30-.Ltmp15, $4  }
0x1be: {  	[tilespmem:s14+$0x0] =	vst v2;
	v62 =	vadd.f32 v9, v8  }
0x1bf: {  	v63 =	vadd.f32 v10, v1;
	[tilespmem:s6+$0x0] =	vst v61  }
0x1c0: {  	[tilespmem:s8+$0x0] =	vst v62  }
0x1c1: {  	[tilespmem:s3+$0x10000] =	vst v63  }
0x1c2: {  	s30 =	simm.s32 $0x0;
	s0 =	rddreg [dreg:$0x14]  }
0x1c3: {  	[hbm4b:s0+s30] =	stream.linear.scatter [tilespmem:s23], [sflag:$0x5], $0x4000, $0x38;
	[tilespmem:$0x1C000] =	vst v63  }
0x1c4: {  	_ =	swait.ge [sflag:s24], $0x4000  }
0x1c5: {  	[sflag:s24] =	ssyncset.done $0x0  }
0x1c6: {  	[sflag:s24] =	ssyncadd.s32 $0xFFFFC000  }
0x1c7: {  	_ =	swait.ge [sflag:s18], $0x4000  }
0x1c8: {  	[sflag:s18] =	ssyncset.done $0x0  }
0x1c9: {  	s13 =	rddreg [dreg:$0x1c];
	[sflag:s18] =	ssyncadd.s32 $0xFFFFC000  }
0x1ca: {  	[tilespmem:s19], [sflag:$0x7] =	stream.linear.gather [hbm4b:s13+s30], $0x4000, $0x38;
	[tilespmem:$0x1C000] =	vst v63  }
0x1cb: {  	s14 =	rddreg [dreg:$0x18]  }
0x1cc: {  	[tilespmem:s16], [sflag:$0x2] =	stream.linear.gather [hbm4b:s14+s30], $0x4000, $0x38;
	[tilespmem:$0x1C000] =	vst v63  }
0x1cd: {  	_ =	swait.ge [sflag:s25], $0x4000  }
0x1ce: {  	[sflag:s25] =	ssyncset.done $0x0  }
0x1cf: {  	s31 =	simm.s32 $0x0;
	[sflag:s25] =	ssyncadd.s32 $0xFFFFC000  }
.LBB2_34:
0x1d0: {  	s0 =	sshll.u32 s31, $0xA;
	s2 =	sshll.u32 s31, $0x7  }
0x1d1: {  	s3 =	simm.s32 $0x0;
	s0 =	sand.u32 $0x2000, s0;
	s2 =	sand.u32 $0x380, s2  }
0x1d2: {  	s9 =	sand.u32 $0x40, s3;
	s2 =	sor.u32 s0, s2  }
0x1d3: {  	s10 =	sand.u32 $0x1C00, s30;
	s0 =	sor.u32 s9, s2  }
0x1d4: {  	s0 =	sor.u32 s10, s0  }
0x1d5: {  	v0 =	vld [tilespmem:s0+$0x8000];
	s3 =	sor.u32 $0x8030, s0  }
0x1d6: {  	s11 =	sor.u32 $0x14030, s0;
	v1 =	vld [tilespmem:s3+$0x0]  }
0x1d7: {  	s4 =	sor.u32 $0x8010, s0;
	v2 =	vld [tilespmem:s11+$0x0]  }
0x1d8: {  	s12 =	sor.u32 $0x14010, s0;
	v4 =	vld [tilespmem:s4+$0x0]  }
0x1d9: {  	s5 =	sor.u32 $0x8020, s0;
	s4 =	simm.s32 $0x40;
	v5 =	vld [tilespmem:s12+$0x0]  }
0x1da: {  	s13 =	sor.u32 $0x14020, s0;
	v6 =	vld [tilespmem:s5+$0x0];
	s5 =	simm.s32 $0x200;
	s6 =	sand.u32 $0x40, s4  }
0x1db: {  	v7 =	vld [tilespmem:s13+$0x0];
	s7 =	sand.u32 $0x1C00, s5;
	s6 =	sor.u32 s6, s2  }
0x1dc: {  	v3 =	vld [tilespmem:s0+$0x14000];
	s3 =	sor.u32 s7, s6  }
0x1dd: {  	s8 =	sor.u32 $0xC030, s0;
	s6 =	sor.u32 $0x8030, s3;
	v8 =	vadd.f32 v2, v1;
	v1 =	vld [tilespmem:s3+$0x8000]  }
0x1de: {  	s12 =	sor.u32 $0xC010, s0;
	s7 =	sor.u32 $0xC020, s0;
	s14 =	sor.u32 $0x14030, s3;
	v2 =	vld [tilespmem:s6+$0x0];
	v9 =	vadd.f32 v5, v4  }
0x1df: {  	s13 =	sor.u32 $0x8010, s3;
	s11 =	sor.u32 $0x14010, s3;
	s9 =	sor.u32 $0x8020, s3;
	v5 =	vld [tilespmem:s14+$0x0];
	[tilespmem:s8+$0x0] =	vst v8  }
0x1e0: {  	s10 =	sor.u32 $0x14020, s3;
	s6 =	sor.u32 $0xC010, s3;
	v4 =	vld [tilespmem:s13+$0x0];
	v6 =	vadd.f32 v7, v6;
	s8 =	sor.u32 $0xC020, s3;
	[tilespmem:s12+$0x0] =	vst v9  }
.LBB2_35:
0x1e1: {  	s4 =	sadd.s32 $0x40, s4;
	v7 =	vld [tilespmem:s11+$0x0];
	v3 =	vadd.f32 v3, v0  }
0x1e2: {  	s5 =	sadd.s32 $0x200, s5;
	s11 =	sand.u32 $0x40, s4;
	p0 =	slt.u32 s4, $0x3C0;
	v8 =	vld [tilespmem:s9+$0x0];
	[tilespmem:s7+$0x0] =	vst v6;
	v0 =	vmov v1  }
0x1e3: {  	s7 =	sand.u32 $0x1C00, s5;
	s9 =	sor.u32 s11, s2;
	v6 =	vld [tilespmem:s10+$0x0];
	[tilespmem:s0+$0xC000] =	vst v3;
	s0 =	smov.u32 s3  }
.Ltmp16:
0x1e4: {  	s3 =	sor.u32 s7, s9;
	v3 =	vld [tilespmem:s0+$0x14000];
	v5 =	vadd.f32 v5, v2;
	s7 =	smov.u32 s8;
	(pc) =	sbr.rel @p0 .LBB2_35-.Ltmp16, $4  }
0x1e5: {  	s10 =	sor.u32 $0xC030, s0;
	v1 =	vld [tilespmem:s3+$0x8000];
	s12 =	sor.u32 $0x8010, s3;
	s8 =	sor.u32 $0x8030, s3  }
0x1e6: {  	s11 =	sor.u32 $0x14010, s3;
	s9 =	sor.u32 $0x8020, s3;
	s13 =	sor.u32 $0x14030, s3;
	v2 =	vld [tilespmem:s8+$0x0];
	v7 =	vadd.f32 v7, v4;
	[tilespmem:s10+$0x0] =	vst v5  }
0x1e7: {  	s14 =	sor.u32 $0xC010, s3;
	s10 =	sor.u32 $0x14020, s3;
	s8 =	sor.u32 $0xC020, s3;
	v5 =	vld [tilespmem:s13+$0x0]  }
0x1e8: {  	v4 =	vld [tilespmem:s12+$0x0];
	[tilespmem:s6+$0x0] =	vst v7;
	v6 =	vadd.f32 v6, v8;
	s6 =	smov.u32 s14  }
0x1e9: {  	v7 =	vld [tilespmem:s11+$0x0]  }
0x1ea: {  	v8 =	vld [tilespmem:s9+$0x0]  }
0x1eb: {  	v9 =	vld [tilespmem:s10+$0x0]  }
0x1ec: {  	v10 =	vld [tilespmem:s3+$0x14000]  }
0x1ed: {  	v0 =	vadd.f32 v3, v0;
	s31 =	sadd.s32 $0x1, s31  }
0x1ee: {  	[tilespmem:s7+$0x0] =	vst v6;
	p0 =	sne.s32 s31, $0x10;
	v2 =	vadd.f32 v5, v2  }
.Ltmp17:
0x1ef: {  	s14 =	sor.u32 $0xC030, s3;
	[tilespmem:s0+$0xC000] =	vst v0;
	v61 =	vadd.f32 v7, v4;
	(pc) =	sbr.rel @p0 .LBB2_34-.Ltmp17, $4  }
0x1f0: {  	[tilespmem:s14+$0x0] =	vst v2;
	v62 =	vadd.f32 v9, v8  }
0x1f1: {  	v63 =	vadd.f32 v10, v1;
	[tilespmem:s6+$0x0] =	vst v61  }
0x1f2: {  	[tilespmem:s8+$0x0] =	vst v62  }
0x1f3: {  	[tilespmem:s3+$0xC000] =	vst v63  }
0x1f4: {  	s30 =	simm.s32 $0x0;
	s0 =	rddreg [dreg:$0x15]  }
0x1f5: {  	[hbm4b:s0+s30] =	stream.linear.scatter [tilespmem:s21], [sflag:$0x4], $0x4000, $0x38;
	[tilespmem:$0x1C000] =	vst v63  }
0x1f6: {  	_ =	swait.ge [sflag:s17], $0x4000  }
0x1f7: {  	[sflag:s17] =	ssyncset.done $0x0  }
0x1f8: {  	s14 =	rddreg [dreg:$0x1a];
	[sflag:s17] =	ssyncadd.s32 $0xFFFFC000  }
0x1f9: {  	[tilespmem:s20], [sflag:$0x3] =	stream.linear.gather [hbm4b:s14+s30], $0x4000, $0x38;
	[tilespmem:$0x1C000] =	vst v63  }
0x1fa: {  	_ =	swait.ge [sflag:s26], $0x4000  }
0x1fb: {  	[sflag:s26] =	ssyncset.done $0x0  }
0x1fc: {  	s31 =	simm.s32 $0x0;
	[sflag:s26] =	ssyncadd.s32 $0xFFFFC000  }
.LBB2_38:
0x1fd: {  	s0 =	sshll.u32 s31, $0xA;
	s2 =	sshll.u32 s31, $0x7  }
0x1fe: {  	s3 =	simm.s32 $0x0;
	s0 =	sand.u32 $0x2000, s0;
	s2 =	sand.u32 $0x380, s2  }
0x1ff: {  	s9 =	sand.u32 $0x40, s3;
	s2 =	sor.u32 s0, s2  }
0x200: {  	s10 =	sand.u32 $0x1C00, s30;
	s0 =	sor.u32 s9, s2  }
0x201: {  	s0 =	sor.u32 s10, s0  }
0x202: {  	v0 =	vld [tilespmem:s0+$0x0];
	s3 =	sor.u32 $0x30, s0  }
0x203: {  	s11 =	sor.u32 $0x14030, s0;
	v1 =	vld [tilespmem:s3+$0x0]  }
0x204: {  	s4 =	sor.u32 $0x10, s0;
	v2 =	vld [tilespmem:s11+$0x0]  }
0x205: {  	s12 =	sor.u32 $0x14010, s0;
	v4 =	vld [tilespmem:s4+$0x0]  }
0x206: {  	s5 =	sor.u32 $0x20, s0;
	s4 =	simm.s32 $0x40;
	v5 =	vld [tilespmem:s12+$0x0]  }
0x207: {  	s13 =	sor.u32 $0x14020, s0;
	v6 =	vld [tilespmem:s5+$0x0];
	s5 =	simm.s32 $0x200;
	s6 =	sand.u32 $0x40, s4  }
0x208: {  	v7 =	vld [tilespmem:s13+$0x0];
	s7 =	sand.u32 $0x1C00, s5;
	s6 =	sor.u32 s6, s2  }
0x209: {  	v3 =	vld [tilespmem:s0+$0x14000];
	s3 =	sor.u32 s7, s6  }
0x20a: {  	s8 =	sor.u32 $0x10030, s0;
	s6 =	sor.u32 $0x30, s3;
	v8 =	vadd.f32 v2, v1;
	v1 =	vld [tilespmem:s3+$0x0]  }
0x20b: {  	s12 =	sor.u32 $0x10010, s0;
	s7 =	sor.u32 $0x10020, s0;
	s14 =	sor.u32 $0x14030, s3;
	v2 =	vld [tilespmem:s6+$0x0];
	v9 =	vadd.f32 v5, v4  }
0x20c: {  	s13 =	sor.u32 $0x10, s3;
	s11 =	sor.u32 $0x14010, s3;
	s9 =	sor.u32 $0x20, s3;
	v5 =	vld [tilespmem:s14+$0x0];
	[tilespmem:s8+$0x0] =	vst v8  }
0x20d: {  	s10 =	sor.u32 $0x14020, s3;
	s6 =	sor.u32 $0x10010, s3;
	v4 =	vld [tilespmem:s13+$0x0];
	v6 =	vadd.f32 v7, v6;
	s8 =	sor.u32 $0x10020, s3;
	[tilespmem:s12+$0x0] =	vst v9  }
.LBB2_39:
0x20e: {  	s4 =	sadd.s32 $0x40, s4;
	v7 =	vld [tilespmem:s11+$0x0];
	v3 =	vadd.f32 v3, v0  }
0x20f: {  	s5 =	sadd.s32 $0x200, s5;
	s11 =	sand.u32 $0x40, s4;
	p0 =	slt.u32 s4, $0x3C0;
	v8 =	vld [tilespmem:s9+$0x0];
	[tilespmem:s7+$0x0] =	vst v6;
	v0 =	vmov v1  }
0x210: {  	s7 =	sand.u32 $0x1C00, s5;
	s9 =	sor.u32 s11, s2;
	v6 =	vld [tilespmem:s10+$0x0];
	[tilespmem:s0+$0x10000] =	vst v3;
	s0 =	smov.u32 s3  }
.Ltmp18:
0x211: {  	s3 =	sor.u32 s7, s9;
	v3 =	vld [tilespmem:s0+$0x14000];
	v5 =	vadd.f32 v5, v2;
	s7 =	smov.u32 s8;
	(pc) =	sbr.rel @p0 .LBB2_39-.Ltmp18, $4  }
0x212: {  	s10 =	sor.u32 $0x10030, s0;
	v1 =	vld [tilespmem:s3+$0x0];
	s12 =	sor.u32 $0x10, s3;
	s8 =	sor.u32 $0x30, s3  }
0x213: {  	s11 =	sor.u32 $0x14010, s3;
	s9 =	sor.u32 $0x20, s3;
	s13 =	sor.u32 $0x14030, s3;
	v2 =	vld [tilespmem:s8+$0x0];
	v7 =	vadd.f32 v7, v4;
	[tilespmem:s10+$0x0] =	vst v5  }
0x214: {  	s14 =	sor.u32 $0x10010, s3;
	s10 =	sor.u32 $0x14020, s3;
	s8 =	sor.u32 $0x10020, s3;
	v5 =	vld [tilespmem:s13+$0x0]  }
0x215: {  	v4 =	vld [tilespmem:s12+$0x0];
	[tilespmem:s6+$0x0] =	vst v7;
	v6 =	vadd.f32 v6, v8;
	s6 =	smov.u32 s14  }
0x216: {  	v7 =	vld [tilespmem:s11+$0x0]  }
0x217: {  	v8 =	vld [tilespmem:s9+$0x0]  }
0x218: {  	v9 =	vld [tilespmem:s10+$0x0]  }
0x219: {  	v10 =	vld [tilespmem:s3+$0x14000]  }
0x21a: {  	v0 =	vadd.f32 v3, v0;
	s31 =	sadd.s32 $0x1, s31  }
0x21b: {  	[tilespmem:s7+$0x0] =	vst v6;
	p0 =	sne.s32 s31, $0x10;
	v2 =	vadd.f32 v5, v2  }
.Ltmp19:
0x21c: {  	s14 =	sor.u32 $0x10030, s3;
	[tilespmem:s0+$0x10000] =	vst v0;
	v61 =	vadd.f32 v7, v4;
	(pc) =	sbr.rel @p0 .LBB2_38-.Ltmp19, $4  }
0x21d: {  	[tilespmem:s14+$0x0] =	vst v2;
	v62 =	vadd.f32 v9, v8  }
0x21e: {  	v63 =	vadd.f32 v10, v1;
	[tilespmem:s6+$0x0] =	vst v61  }
0x21f: {  	[tilespmem:s8+$0x0] =	vst v62  }
0x220: {  	[tilespmem:s3+$0x10000] =	vst v63  }
0x221: {  	s30 =	simm.s32 $0x0;
	s0 =	rddreg [dreg:$0x17]  }
0x222: {  	[hbm4b:s0+s30] =	stream.linear.scatter [tilespmem:s23], [sflag:$0x5], $0x4000, $0x38;
	[tilespmem:$0x1C000] =	vst v63  }
0x223: {  	_ =	swait.ge [sflag:s22], $0x4000  }
0x224: {  	[sflag:s22] =	ssyncset.done $0x0  }
0x225: {  	s14 =	rddreg [dreg:$0x1d];
	[sflag:s22] =	ssyncadd.s32 $0xFFFFC000  }
0x226: {  	[tilespmem:s30], [sflag:$0x1] =	stream.linear.gather [hbm4b:s14+s30], $0x4000, $0x38;
	[tilespmem:$0x1C000] =	vst v63  }
0x227: {  	_ =	swait.ge [sflag:s25], $0x4000  }
0x228: {  	[sflag:s25] =	ssyncset.done $0x0  }
0x229: {  	s31 =	simm.s32 $0x0;
	[sflag:s25] =	ssyncadd.s32 $0xFFFFC000  }
.LBB2_42:
0x22a: {  	s0 =	sshll.u32 s31, $0xA;
	s2 =	sshll.u32 s31, $0x7  }
0x22b: {  	s3 =	simm.s32 $0x0;
	s0 =	sand.u32 $0x2000, s0;
	s2 =	sand.u32 $0x380, s2  }
0x22c: {  	s9 =	sand.u32 $0x40, s3;
	s2 =	sor.u32 s0, s2  }
0x22d: {  	s10 =	sand.u32 $0x1C00, s30;
	s0 =	sor.u32 s9, s2  }
0x22e: {  	s0 =	sor.u32 s10, s0  }
0x22f: {  	v0 =	vld [tilespmem:s0+$0x4000];
	s3 =	sor.u32 $0x4030, s0  }
0x230: {  	s11 =	sor.u32 $0x14030, s0;
	v1 =	vld [tilespmem:s3+$0x0]  }
0x231: {  	s4 =	sor.u32 $0x4010, s0;
	v2 =	vld [tilespmem:s11+$0x0]  }
0x232: {  	s12 =	sor.u32 $0x14010, s0;
	v4 =	vld [tilespmem:s4+$0x0]  }
0x233: {  	s5 =	sor.u32 $0x4020, s0;
	s4 =	simm.s32 $0x40;
	v5 =	vld [tilespmem:s12+$0x0]  }
0x234: {  	s13 =	sor.u32 $0x14020, s0;
	v6 =	vld [tilespmem:s5+$0x0];
	s5 =	simm.s32 $0x200;
	s6 =	sand.u32 $0x40, s4  }
0x235: {  	v7 =	vld [tilespmem:s13+$0x0];
	s7 =	sand.u32 $0x1C00, s5;
	s6 =	sor.u32 s6, s2  }
0x236: {  	v3 =	vld [tilespmem:s0+$0x14000];
	s3 =	sor.u32 s7, s6  }
0x237: {  	s8 =	sor.u32 $0xC030, s0;
	s6 =	sor.u32 $0x4030, s3;
	v8 =	vadd.f32 v2, v1;
	v1 =	vld [tilespmem:s3+$0x4000]  }
0x238: {  	s12 =	sor.u32 $0xC010, s0;
	s7 =	sor.u32 $0xC020, s0;
	s14 =	sor.u32 $0x14030, s3;
	v2 =	vld [tilespmem:s6+$0x0];
	v9 =	vadd.f32 v5, v4  }
0x239: {  	s13 =	sor.u32 $0x4010, s3;
	s11 =	sor.u32 $0x14010, s3;
	s9 =	sor.u32 $0x4020, s3;
	v5 =	vld [tilespmem:s14+$0x0];
	[tilespmem:s8+$0x0] =	vst v8  }
0x23a: {  	s10 =	sor.u32 $0x14020, s3;
	s6 =	sor.u32 $0xC010, s3;
	v4 =	vld [tilespmem:s13+$0x0];
	v6 =	vadd.f32 v7, v6;
	s8 =	sor.u32 $0xC020, s3;
	[tilespmem:s12+$0x0] =	vst v9  }
.LBB2_43:
0x23b: {  	s4 =	sadd.s32 $0x40, s4;
	v7 =	vld [tilespmem:s11+$0x0];
	v3 =	vadd.f32 v3, v0  }
0x23c: {  	s5 =	sadd.s32 $0x200, s5;
	s11 =	sand.u32 $0x40, s4;
	p0 =	slt.u32 s4, $0x3C0;
	v8 =	vld [tilespmem:s9+$0x0];
	[tilespmem:s7+$0x0] =	vst v6;
	v0 =	vmov v1  }
0x23d: {  	s7 =	sand.u32 $0x1C00, s5;
	s9 =	sor.u32 s11, s2;
	v6 =	vld [tilespmem:s10+$0x0];
	[tilespmem:s0+$0xC000] =	vst v3;
	s0 =	smov.u32 s3  }
.Ltmp20:
0x23e: {  	s3 =	sor.u32 s7, s9;
	v3 =	vld [tilespmem:s0+$0x14000];
	v5 =	vadd.f32 v5, v2;
	s7 =	smov.u32 s8;
	(pc) =	sbr.rel @p0 .LBB2_43-.Ltmp20, $4  }
0x23f: {  	s10 =	sor.u32 $0xC030, s0;
	v1 =	vld [tilespmem:s3+$0x4000];
	s12 =	sor.u32 $0x4010, s3;
	s8 =	sor.u32 $0x4030, s3  }
0x240: {  	s11 =	sor.u32 $0x14010, s3;
	s9 =	sor.u32 $0x4020, s3;
	s13 =	sor.u32 $0x14030, s3;
	v2 =	vld [tilespmem:s8+$0x0];
	v7 =	vadd.f32 v7, v4;
	[tilespmem:s10+$0x0] =	vst v5  }
0x241: {  	s14 =	sor.u32 $0xC010, s3;
	s10 =	sor.u32 $0x14020, s3;
	s8 =	sor.u32 $0xC020, s3;
	v5 =	vld [tilespmem:s13+$0x0]  }
0x242: {  	v4 =	vld [tilespmem:s12+$0x0];
	[tilespmem:s6+$0x0] =	vst v7;
	v6 =	vadd.f32 v6, v8;
	s6 =	smov.u32 s14  }
0x243: {  	v7 =	vld [tilespmem:s11+$0x0]  }
0x244: {  	v8 =	vld [tilespmem:s9+$0x0]  }
0x245: {  	v9 =	vld [tilespmem:s10+$0x0]  }
0x246: {  	v10 =	vld [tilespmem:s3+$0x14000]  }
0x247: {  	v0 =	vadd.f32 v3, v0;
	s31 =	sadd.s32 $0x1, s31  }
0x248: {  	[tilespmem:s7+$0x0] =	vst v6;
	p0 =	sne.s32 s31, $0x10;
	v2 =	vadd.f32 v5, v2  }
.Ltmp21:
0x249: {  	s14 =	sor.u32 $0xC030, s3;
	[tilespmem:s0+$0xC000] =	vst v0;
	v61 =	vadd.f32 v7, v4;
	(pc) =	sbr.rel @p0 .LBB2_42-.Ltmp21, $4  }
0x24a: {  	[tilespmem:s14+$0x0] =	vst v2;
	v62 =	vadd.f32 v9, v8  }
0x24b: {  	v63 =	vadd.f32 v10, v1;
	[tilespmem:s6+$0x0] =	vst v61  }
0x24c: {  	[tilespmem:s8+$0x0] =	vst v62  }
0x24d: {  	[tilespmem:s3+$0xC000] =	vst v63  }
0x24e: {  	s30 =	simm.s32 $0x0;
	s0 =	rddreg [dreg:$0x19]  }
0x24f: {  	[hbm4b:s0+s30] =	stream.linear.scatter [tilespmem:s21], [sflag:$0x4], $0x4000, $0x38;
	[tilespmem:$0x1C000] =	vst v63  }
0x250: {  	_ =	swait.ge [sflag:s24], $0x4000  }
0x251: {  	[sflag:s24] =	ssyncset.done $0x0  }
0x252: {  	s14 =	rddreg [dreg:$0x1f];
	[sflag:s24] =	ssyncadd.s32 $0xFFFFC000  }
0x253: {  	[tilespmem:s16], [sflag:$0x2] =	stream.linear.gather [hbm4b:s14+s30], $0x4000, $0x38;
	[tilespmem:$0x1C000] =	vst v63  }
0x254: {  	_ =	swait.ge [sflag:s26], $0x4000  }
0x255: {  	[sflag:s26] =	ssyncset.done $0x0  }
0x256: {  	s31 =	simm.s32 $0x0;
	[sflag:s26] =	ssyncadd.s32 $0xFFFFC000  }
.LBB2_46:
0x257: {  	s0 =	sshll.u32 s31, $0xA;
	s2 =	sshll.u32 s31, $0x7  }
0x258: {  	s3 =	simm.s32 $0x0;
	s0 =	sand.u32 $0x2000, s0;
	s2 =	sand.u32 $0x380, s2  }
0x259: {  	s9 =	sand.u32 $0x40, s3;
	s2 =	sor.u32 s0, s2  }
0x25a: {  	s10 =	sand.u32 $0x1C00, s30;
	s0 =	sor.u32 s9, s2  }
0x25b: {  	s0 =	sor.u32 s10, s0  }
0x25c: {  	v0 =	vld [tilespmem:s0+$0x8000];
	s3 =	sor.u32 $0x8030, s0  }
0x25d: {  	s11 =	sor.u32 $0x14030, s0;
	v1 =	vld [tilespmem:s3+$0x0]  }
0x25e: {  	s4 =	sor.u32 $0x8010, s0;
	v2 =	vld [tilespmem:s11+$0x0]  }
0x25f: {  	s12 =	sor.u32 $0x14010, s0;
	v4 =	vld [tilespmem:s4+$0x0]  }
0x260: {  	s5 =	sor.u32 $0x8020, s0;
	s4 =	simm.s32 $0x40;
	v5 =	vld [tilespmem:s12+$0x0]  }
0x261: {  	s13 =	sor.u32 $0x14020, s0;
	v6 =	vld [tilespmem:s5+$0x0];
	s5 =	simm.s32 $0x200;
	s6 =	sand.u32 $0x40, s4  }
0x262: {  	v7 =	vld [tilespmem:s13+$0x0];
	s7 =	sand.u32 $0x1C00, s5;
	s6 =	sor.u32 s6, s2  }
0x263: {  	v3 =	vld [tilespmem:s0+$0x14000];
	s3 =	sor.u32 s7, s6  }
0x264: {  	s8 =	sor.u32 $0x10030, s0;
	s6 =	sor.u32 $0x8030, s3;
	v8 =	vadd.f32 v2, v1;
	v1 =	vld [tilespmem:s3+$0x8000]  }
0x265: {  	s12 =	sor.u32 $0x10010, s0;
	s7 =	sor.u32 $0x10020, s0;
	s14 =	sor.u32 $0x14030, s3;
	v2 =	vld [tilespmem:s6+$0x0];
	v9 =	vadd.f32 v5, v4  }
0x266: {  	s13 =	sor.u32 $0x8010, s3;
	s11 =	sor.u32 $0x14010, s3;
	s9 =	sor.u32 $0x8020, s3;
	v5 =	vld [tilespmem:s14+$0x0];
	[tilespmem:s8+$0x0] =	vst v8  }
0x267: {  	s10 =	sor.u32 $0x14020, s3;
	s6 =	sor.u32 $0x10010, s3;
	v4 =	vld [tilespmem:s13+$0x0];
	v6 =	vadd.f32 v7, v6;
	s8 =	sor.u32 $0x10020, s3;
	[tilespmem:s12+$0x0] =	vst v9  }
.LBB2_47:
0x268: {  	s4 =	sadd.s32 $0x40, s4;
	v7 =	vld [tilespmem:s11+$0x0];
	v3 =	vadd.f32 v3, v0  }
0x269: {  	s5 =	sadd.s32 $0x200, s5;
	s11 =	sand.u32 $0x40, s4;
	p0 =	slt.u32 s4, $0x3C0;
	v8 =	vld [tilespmem:s9+$0x0];
	[tilespmem:s7+$0x0] =	vst v6;
	v0 =	vmov v1  }
0x26a: {  	s7 =	sand.u32 $0x1C00, s5;
	s9 =	sor.u32 s11, s2;
	v6 =	vld [tilespmem:s10+$0x0];
	[tilespmem:s0+$0x10000] =	vst v3;
	s0 =	smov.u32 s3  }
.Ltmp22:
0x26b: {  	s3 =	sor.u32 s7, s9;
	v3 =	vld [tilespmem:s0+$0x14000];
	v5 =	vadd.f32 v5, v2;
	s7 =	smov.u32 s8;
	(pc) =	sbr.rel @p0 .LBB2_47-.Ltmp22, $4  }
0x26c: {  	s10 =	sor.u32 $0x10030, s0;
	v1 =	vld [tilespmem:s3+$0x8000];
	s12 =	sor.u32 $0x8010, s3;
	s8 =	sor.u32 $0x8030, s3  }
0x26d: {  	s11 =	sor.u32 $0x14010, s3;
	s9 =	sor.u32 $0x8020, s3;
	s13 =	sor.u32 $0x14030, s3;
	v2 =	vld [tilespmem:s8+$0x0];
	v7 =	vadd.f32 v7, v4;
	[tilespmem:s10+$0x0] =	vst v5  }
0x26e: {  	s14 =	sor.u32 $0x10010, s3;
	s10 =	sor.u32 $0x14020, s3;
	s8 =	sor.u32 $0x10020, s3;
	v5 =	vld [tilespmem:s13+$0x0]  }
0x26f: {  	v4 =	vld [tilespmem:s12+$0x0];
	[tilespmem:s6+$0x0] =	vst v7;
	v6 =	vadd.f32 v6, v8;
	s6 =	smov.u32 s14  }
0x270: {  	v7 =	vld [tilespmem:s11+$0x0]  }
0x271: {  	v8 =	vld [tilespmem:s9+$0x0]  }
0x272: {  	v9 =	vld [tilespmem:s10+$0x0]  }
0x273: {  	v10 =	vld [tilespmem:s3+$0x14000]  }
0x274: {  	v0 =	vadd.f32 v3, v0;
	s31 =	sadd.s32 $0x1, s31  }
0x275: {  	[tilespmem:s7+$0x0] =	vst v6;
	p0 =	sne.s32 s31, $0x10;
	v2 =	vadd.f32 v5, v2  }
.Ltmp23:
0x276: {  	s14 =	sor.u32 $0x10030, s3;
	[tilespmem:s0+$0x10000] =	vst v0;
	v61 =	vadd.f32 v7, v4;
	(pc) =	sbr.rel @p0 .LBB2_46-.Ltmp23, $4  }
0x277: {  	[tilespmem:s14+$0x0] =	vst v2;
	v62 =	vadd.f32 v9, v8  }
0x278: {  	v63 =	vadd.f32 v10, v1;
	[tilespmem:s6+$0x0] =	vst v61  }
0x279: {  	[tilespmem:s8+$0x0] =	vst v62  }
0x27a: {  	[tilespmem:s3+$0x10000] =	vst v63  }
0x27b: {  	s30 =	simm.s32 $0x0;
	s0 =	rddreg [dreg:$0x1b]  }
0x27c: {  	[hbm4b:s0+s30] =	stream.linear.scatter [tilespmem:s23], [sflag:$0x5], $0x4000, $0x38;
	[tilespmem:$0x1C000] =	vst v63  }
0x27d: {  	_ =	swait.ge [sflag:s17], $0x4000  }
0x27e: {  	[sflag:s17] =	ssyncset.done $0x0  }
0x27f: {  	[sflag:s17] =	ssyncadd.s32 $0xFFFFC000  }
0x280: {  	_ =	swait.ge [sflag:s28], $0x4000  }
0x281: {  	s13 =	sld [smem:$0x7D6]  }
0x282: {  	[sflag:s28] =	ssyncset.done $0x0  }
0x283: {  	s14 =	sld [smem:$0x7D2];
	[sflag:s28] =	ssyncadd.s32 $0xFFFFC000  }
0x284: {  	[tilespmem:s15], [sflag:$0x6] =	stream.linear.gather [hbm4b:s13+s30], $0x4000, $0x38;
	[tilespmem:$0x1C000] =	vst v63  }
0x285: {  	_ = 	snop  }
0x286: {  	[tilespmem:s20], [sflag:$0x3] =	stream.linear.gather [hbm4b:s14+s30], $0x4000, $0x38;
	[tilespmem:$0x1C000] =	vst v63  }
0x287: {  	_ =	swait.ge [sflag:s25], $0x4000  }
0x288: {  	[sflag:s25] =	ssyncset.done $0x0  }
0x289: {  	s31 =	simm.s32 $0x0;
	[sflag:s25] =	ssyncadd.s32 $0xFFFFC000  }
.LBB2_50:
0x28a: {  	s0 =	sshll.u32 s31, $0xA;
	s2 =	sshll.u32 s31, $0x7  }
0x28b: {  	s3 =	simm.s32 $0x0;
	s0 =	sand.u32 $0x2000, s0;
	s2 =	sand.u32 $0x380, s2  }
0x28c: {  	s9 =	sand.u32 $0x40, s3;
	s2 =	sor.u32 s0, s2  }
0x28d: {  	s10 =	sand.u32 $0x1C00, s30;
	s0 =	sor.u32 s9, s2  }
0x28e: {  	s0 =	sor.u32 s10, s0  }
0x28f: {  	v0 =	vld [tilespmem:s0+$0x0];
	s3 =	sor.u32 $0x30, s0  }
0x290: {  	s11 =	sor.u32 $0x18030, s0;
	v1 =	vld [tilespmem:s3+$0x0]  }
0x291: {  	s4 =	sor.u32 $0x10, s0;
	v2 =	vld [tilespmem:s11+$0x0]  }
0x292: {  	s12 =	sor.u32 $0x18010, s0;
	v4 =	vld [tilespmem:s4+$0x0]  }
0x293: {  	s5 =	sor.u32 $0x20, s0;
	s4 =	simm.s32 $0x40;
	v5 =	vld [tilespmem:s12+$0x0]  }
0x294: {  	s13 =	sor.u32 $0x18020, s0;
	v6 =	vld [tilespmem:s5+$0x0];
	s5 =	simm.s32 $0x200;
	s6 =	sand.u32 $0x40, s4  }
0x295: {  	v7 =	vld [tilespmem:s13+$0x0];
	s7 =	sand.u32 $0x1C00, s5;
	s6 =	sor.u32 s6, s2  }
0x296: {  	v3 =	vld [tilespmem:s0+$0x18000];
	s3 =	sor.u32 s7, s6  }
0x297: {  	s8 =	sor.u32 $0xC030, s0;
	s6 =	sor.u32 $0x30, s3;
	v8 =	vadd.f32 v2, v1;
	v1 =	vld [tilespmem:s3+$0x0]  }
0x298: {  	s12 =	sor.u32 $0xC010, s0;
	s7 =	sor.u32 $0xC020, s0;
	s14 =	sor.u32 $0x18030, s3;
	v2 =	vld [tilespmem:s6+$0x0];
	v9 =	vadd.f32 v5, v4  }
0x299: {  	s13 =	sor.u32 $0x10, s3;
	s11 =	sor.u32 $0x18010, s3;
	s9 =	sor.u32 $0x20, s3;
	v5 =	vld [tilespmem:s14+$0x0];
	[tilespmem:s8+$0x0] =	vst v8  }
0x29a: {  	s10 =	sor.u32 $0x18020, s3;
	s6 =	sor.u32 $0xC010, s3;
	v4 =	vld [tilespmem:s13+$0x0];
	v6 =	vadd.f32 v7, v6;
	s8 =	sor.u32 $0xC020, s3;
	[tilespmem:s12+$0x0] =	vst v9  }
.LBB2_51:
0x29b: {  	s4 =	sadd.s32 $0x40, s4;
	v7 =	vld [tilespmem:s11+$0x0];
	v3 =	vadd.f32 v3, v0  }
0x29c: {  	s5 =	sadd.s32 $0x200, s5;
	s11 =	sand.u32 $0x40, s4;
	p0 =	slt.u32 s4, $0x3C0;
	v8 =	vld [tilespmem:s9+$0x0];
	[tilespmem:s7+$0x0] =	vst v6;
	v0 =	vmov v1  }
0x29d: {  	s7 =	sand.u32 $0x1C00, s5;
	s9 =	sor.u32 s11, s2;
	v6 =	vld [tilespmem:s10+$0x0];
	[tilespmem:s0+$0xC000] =	vst v3;
	s0 =	smov.u32 s3  }
.Ltmp24:
0x29e: {  	s3 =	sor.u32 s7, s9;
	v3 =	vld [tilespmem:s0+$0x18000];
	v5 =	vadd.f32 v5, v2;
	s7 =	smov.u32 s8;
	(pc) =	sbr.rel @p0 .LBB2_51-.Ltmp24, $4  }
0x29f: {  	s10 =	sor.u32 $0xC030, s0;
	v1 =	vld [tilespmem:s3+$0x0];
	s12 =	sor.u32 $0x10, s3;
	s8 =	sor.u32 $0x30, s3  }
0x2a0: {  	s11 =	sor.u32 $0x18010, s3;
	s9 =	sor.u32 $0x20, s3;
	s13 =	sor.u32 $0x18030, s3;
	v2 =	vld [tilespmem:s8+$0x0];
	v7 =	vadd.f32 v7, v4;
	[tilespmem:s10+$0x0] =	vst v5  }
0x2a1: {  	s14 =	sor.u32 $0xC010, s3;
	s10 =	sor.u32 $0x18020, s3;
	s8 =	sor.u32 $0xC020, s3;
	v5 =	vld [tilespmem:s13+$0x0]  }
0x2a2: {  	v4 =	vld [tilespmem:s12+$0x0];
	[tilespmem:s6+$0x0] =	vst v7;
	v6 =	vadd.f32 v6, v8;
	s6 =	smov.u32 s14  }
0x2a3: {  	v7 =	vld [tilespmem:s11+$0x0]  }
0x2a4: {  	v8 =	vld [tilespmem:s9+$0x0]  }
0x2a5: {  	v9 =	vld [tilespmem:s10+$0x0]  }
0x2a6: {  	v10 =	vld [tilespmem:s3+$0x18000]  }
0x2a7: {  	v0 =	vadd.f32 v3, v0;
	s31 =	sadd.s32 $0x1, s31  }
0x2a8: {  	[tilespmem:s7+$0x0] =	vst v6;
	p0 =	sne.s32 s31, $0x10;
	v2 =	vadd.f32 v5, v2  }
.Ltmp25:
0x2a9: {  	s14 =	sor.u32 $0xC030, s3;
	[tilespmem:s0+$0xC000] =	vst v0;
	v61 =	vadd.f32 v7, v4;
	(pc) =	sbr.rel @p0 .LBB2_50-.Ltmp25, $4  }
0x2aa: {  	[tilespmem:s14+$0x0] =	vst v2;
	v62 =	vadd.f32 v9, v8  }
0x2ab: {  	v63 =	vadd.f32 v10, v1;
	[tilespmem:s6+$0x0] =	vst v61  }
0x2ac: {  	[tilespmem:s8+$0x0] =	vst v62  }
0x2ad: {  	[tilespmem:s3+$0xC000] =	vst v63  }
0x2ae: {  	s30 =	simm.s32 $0x0;
	s0 =	rddreg [dreg:$0x1e]  }
0x2af: {  	[hbm4b:s0+s30] =	stream.linear.scatter [tilespmem:s21], [sflag:$0x4], $0x4000, $0x38;
	[tilespmem:$0x1C000] =	vst v63  }
0x2b0: {  	_ =	swait.ge [sflag:s22], $0x4000  }
0x2b1: {  	s14 =	sld [smem:$0x7D4]  }
0x2b2: {  	[sflag:s22] =	ssyncset.done $0x0  }
0x2b3: {  	[sflag:s22] =	ssyncadd.s32 $0xFFFFC000  }
0x2b4: {  	[tilespmem:s30], [sflag:$0x1] =	stream.linear.gather [hbm4b:s14+s30], $0x4000, $0x38;
	[tilespmem:$0x1C000] =	vst v63  }
0x2b5: {  	_ =	swait.ge [sflag:s26], $0x4000  }
0x2b6: {  	[sflag:s26] =	ssyncset.done $0x0  }
0x2b7: {  	s31 =	simm.s32 $0x0;
	[sflag:s26] =	ssyncadd.s32 $0xFFFFC000  }
.LBB2_54:
0x2b8: {  	s0 =	sshll.u32 s31, $0xA;
	s2 =	sshll.u32 s31, $0x7  }
0x2b9: {  	s3 =	simm.s32 $0x0;
	s0 =	sand.u32 $0x2000, s0;
	s2 =	sand.u32 $0x380, s2  }
0x2ba: {  	s9 =	sand.u32 $0x40, s3;
	s2 =	sor.u32 s0, s2  }
0x2bb: {  	s10 =	sand.u32 $0x1C00, s30;
	s0 =	sor.u32 s9, s2  }
0x2bc: {  	s0 =	sor.u32 s10, s0  }
0x2bd: {  	v0 =	vld [tilespmem:s0+$0x4000];
	s3 =	sor.u32 $0x4030, s0  }
0x2be: {  	s11 =	sor.u32 $0x18030, s0;
	v1 =	vld [tilespmem:s3+$0x0]  }
0x2bf: {  	s4 =	sor.u32 $0x4010, s0;
	v2 =	vld [tilespmem:s11+$0x0]  }
0x2c0: {  	s12 =	sor.u32 $0x18010, s0;
	v4 =	vld [tilespmem:s4+$0x0]  }
0x2c1: {  	s5 =	sor.u32 $0x4020, s0;
	s4 =	simm.s32 $0x40;
	v5 =	vld [tilespmem:s12+$0x0]  }
0x2c2: {  	s13 =	sor.u32 $0x18020, s0;
	v6 =	vld [tilespmem:s5+$0x0];
	s5 =	simm.s32 $0x200;
	s6 =	sand.u32 $0x40, s4  }
0x2c3: {  	v7 =	vld [tilespmem:s13+$0x0];
	s7 =	sand.u32 $0x1C00, s5;
	s6 =	sor.u32 s6, s2  }
0x2c4: {  	v3 =	vld [tilespmem:s0+$0x18000];
	s3 =	sor.u32 s7, s6  }
0x2c5: {  	s8 =	sor.u32 $0x10030, s0;
	s6 =	sor.u32 $0x4030, s3;
	v8 =	vadd.f32 v2, v1;
	v1 =	vld [tilespmem:s3+$0x4000]  }
0x2c6: {  	s12 =	sor.u32 $0x10010, s0;
	s7 =	sor.u32 $0x10020, s0;
	s14 =	sor.u32 $0x18030, s3;
	v2 =	vld [tilespmem:s6+$0x0];
	v9 =	vadd.f32 v5, v4  }
0x2c7: {  	s13 =	sor.u32 $0x4010, s3;
	s11 =	sor.u32 $0x18010, s3;
	s9 =	sor.u32 $0x4020, s3;
	v5 =	vld [tilespmem:s14+$0x0];
	[tilespmem:s8+$0x0] =	vst v8  }
0x2c8: {  	s10 =	sor.u32 $0x18020, s3;
	s6 =	sor.u32 $0x10010, s3;
	v4 =	vld [tilespmem:s13+$0x0];
	v6 =	vadd.f32 v7, v6;
	s8 =	sor.u32 $0x10020, s3;
	[tilespmem:s12+$0x0] =	vst v9  }
.LBB2_55:
0x2c9: {  	s4 =	sadd.s32 $0x40, s4;
	v7 =	vld [tilespmem:s11+$0x0];
	v3 =	vadd.f32 v3, v0  }
0x2ca: {  	s5 =	sadd.s32 $0x200, s5;
	s11 =	sand.u32 $0x40, s4;
	p0 =	slt.u32 s4, $0x3C0;
	v8 =	vld [tilespmem:s9+$0x0];
	[tilespmem:s7+$0x0] =	vst v6;
	v0 =	vmov v1  }
0x2cb: {  	s7 =	sand.u32 $0x1C00, s5;
	s9 =	sor.u32 s11, s2;
	v6 =	vld [tilespmem:s10+$0x0];
	[tilespmem:s0+$0x10000] =	vst v3;
	s0 =	smov.u32 s3  }
.Ltmp26:
0x2cc: {  	s3 =	sor.u32 s7, s9;
	v3 =	vld [tilespmem:s0+$0x18000];
	v5 =	vadd.f32 v5, v2;
	s7 =	smov.u32 s8;
	(pc) =	sbr.rel @p0 .LBB2_55-.Ltmp26, $4  }
0x2cd: {  	s10 =	sor.u32 $0x10030, s0;
	v1 =	vld [tilespmem:s3+$0x4000];
	s12 =	sor.u32 $0x4010, s3;
	s8 =	sor.u32 $0x4030, s3  }
0x2ce: {  	s11 =	sor.u32 $0x18010, s3;
	s9 =	sor.u32 $0x4020, s3;
	s13 =	sor.u32 $0x18030, s3;
	v2 =	vld [tilespmem:s8+$0x0];
	v7 =	vadd.f32 v7, v4;
	[tilespmem:s10+$0x0] =	vst v5  }
0x2cf: {  	s14 =	sor.u32 $0x10010, s3;
	s10 =	sor.u32 $0x18020, s3;
	s8 =	sor.u32 $0x10020, s3;
	v5 =	vld [tilespmem:s13+$0x0]  }
0x2d0: {  	v4 =	vld [tilespmem:s12+$0x0];
	[tilespmem:s6+$0x0] =	vst v7;
	v6 =	vadd.f32 v6, v8;
	s6 =	smov.u32 s14  }
0x2d1: {  	v7 =	vld [tilespmem:s11+$0x0]  }
0x2d2: {  	v8 =	vld [tilespmem:s9+$0x0]  }
0x2d3: {  	v9 =	vld [tilespmem:s10+$0x0]  }
0x2d4: {  	v10 =	vld [tilespmem:s3+$0x18000]  }
0x2d5: {  	v0 =	vadd.f32 v3, v0;
	s31 =	sadd.s32 $0x1, s31  }
0x2d6: {  	[tilespmem:s7+$0x0] =	vst v6;
	p0 =	sne.s32 s31, $0x10;
	v2 =	vadd.f32 v5, v2  }
.Ltmp27:
0x2d7: {  	s14 =	sor.u32 $0x10030, s3;
	[tilespmem:s0+$0x10000] =	vst v0;
	v61 =	vadd.f32 v7, v4;
	(pc) =	sbr.rel @p0 .LBB2_54-.Ltmp27, $4  }
0x2d8: {  	[tilespmem:s14+$0x0] =	vst v2;
	v62 =	vadd.f32 v9, v8  }
0x2d9: {  	v63 =	vadd.f32 v10, v1;
	[tilespmem:s6+$0x0] =	vst v61  }
0x2da: {  	[tilespmem:s8+$0x0] =	vst v62  }
0x2db: {  	[tilespmem:s3+$0x10000] =	vst v63  }
0x2dc: {  	s0 =	sld [smem:$0x7D1];
	_ =	sdelay $0x1  }
0x2dd: {  	s30 =	simm.s32 $0x0  }
0x2de: {  	[hbm4b:s0+s30] =	stream.linear.scatter [tilespmem:s23], [sflag:$0x5], $0x4000, $0x38;
	[tilespmem:$0x1C000] =	vst v63  }
0x2df: {  	_ =	swait.ge [sflag:s24], $0x4000  }
0x2e0: {  	s14 =	sld [smem:$0x7D7]  }
0x2e1: {  	[sflag:s24] =	ssyncset.done $0x0  }
0x2e2: {  	[sflag:s24] =	ssyncadd.s32 $0xFFFFC000  }
0x2e3: {  	[tilespmem:s16], [sflag:$0x2] =	stream.linear.gather [hbm4b:s14+s30], $0x4000, $0x38;
	[tilespmem:$0x1C000] =	vst v63  }
0x2e4: {  	_ =	swait.ge [sflag:s25], $0x4000  }
0x2e5: {  	[sflag:s25] =	ssyncset.done $0x0  }
0x2e6: {  	s31 =	simm.s32 $0x0;
	[sflag:s25] =	ssyncadd.s32 $0xFFFFC000  }
.LBB2_58:
0x2e7: {  	s0 =	sshll.u32 s31, $0xA;
	s2 =	sshll.u32 s31, $0x7  }
0x2e8: {  	s3 =	simm.s32 $0x0;
	s0 =	sand.u32 $0x2000, s0;
	s2 =	sand.u32 $0x380, s2  }
0x2e9: {  	s9 =	sand.u32 $0x40, s3;
	s2 =	sor.u32 s0, s2  }
0x2ea: {  	s10 =	sand.u32 $0x1C00, s30;
	s0 =	sor.u32 s9, s2  }
0x2eb: {  	s0 =	sor.u32 s10, s0  }
0x2ec: {  	v0 =	vld [tilespmem:s0+$0x8000];
	s3 =	sor.u32 $0x8030, s0  }
0x2ed: {  	s11 =	sor.u32 $0x18030, s0;
	v1 =	vld [tilespmem:s3+$0x0]  }
0x2ee: {  	s4 =	sor.u32 $0x8010, s0;
	v2 =	vld [tilespmem:s11+$0x0]  }
0x2ef: {  	s12 =	sor.u32 $0x18010, s0;
	v4 =	vld [tilespmem:s4+$0x0]  }
0x2f0: {  	s5 =	sor.u32 $0x8020, s0;
	s4 =	simm.s32 $0x40;
	v5 =	vld [tilespmem:s12+$0x0]  }
0x2f1: {  	s13 =	sor.u32 $0x18020, s0;
	v6 =	vld [tilespmem:s5+$0x0];
	s5 =	simm.s32 $0x200;
	s6 =	sand.u32 $0x40, s4  }
0x2f2: {  	v7 =	vld [tilespmem:s13+$0x0];
	s7 =	sand.u32 $0x1C00, s5;
	s6 =	sor.u32 s6, s2  }
0x2f3: {  	v3 =	vld [tilespmem:s0+$0x18000];
	s3 =	sor.u32 s7, s6  }
0x2f4: {  	s8 =	sor.u32 $0xC030, s0;
	s6 =	sor.u32 $0x8030, s3;
	v8 =	vadd.f32 v2, v1;
	v1 =	vld [tilespmem:s3+$0x8000]  }
0x2f5: {  	s12 =	sor.u32 $0xC010, s0;
	s7 =	sor.u32 $0xC020, s0;
	s14 =	sor.u32 $0x18030, s3;
	v2 =	vld [tilespmem:s6+$0x0];
	v9 =	vadd.f32 v5, v4  }
0x2f6: {  	s13 =	sor.u32 $0x8010, s3;
	s11 =	sor.u32 $0x18010, s3;
	s9 =	sor.u32 $0x8020, s3;
	v5 =	vld [tilespmem:s14+$0x0];
	[tilespmem:s8+$0x0] =	vst v8  }
0x2f7: {  	s10 =	sor.u32 $0x18020, s3;
	s6 =	sor.u32 $0xC010, s3;
	v4 =	vld [tilespmem:s13+$0x0];
	v6 =	vadd.f32 v7, v6;
	s8 =	sor.u32 $0xC020, s3;
	[tilespmem:s12+$0x0] =	vst v9  }
.LBB2_59:
0x2f8: {  	s4 =	sadd.s32 $0x40, s4;
	v7 =	vld [tilespmem:s11+$0x0];
	v3 =	vadd.f32 v3, v0  }
0x2f9: {  	s5 =	sadd.s32 $0x200, s5;
	s11 =	sand.u32 $0x40, s4;
	p0 =	slt.u32 s4, $0x3C0;
	v8 =	vld [tilespmem:s9+$0x0];
	[tilespmem:s7+$0x0] =	vst v6;
	v0 =	vmov v1  }
0x2fa: {  	s7 =	sand.u32 $0x1C00, s5;
	s9 =	sor.u32 s11, s2;
	v6 =	vld [tilespmem:s10+$0x0];
	[tilespmem:s0+$0xC000] =	vst v3;
	s0 =	smov.u32 s3  }
.Ltmp28:
0x2fb: {  	s3 =	sor.u32 s7, s9;
	v3 =	vld [tilespmem:s0+$0x18000];
	v5 =	vadd.f32 v5, v2;
	s7 =	smov.u32 s8;
	(pc) =	sbr.rel @p0 .LBB2_59-.Ltmp28, $4  }
0x2fc: {  	s10 =	sor.u32 $0xC030, s0;
	v1 =	vld [tilespmem:s3+$0x8000];
	s12 =	sor.u32 $0x8010, s3;
	s8 =	sor.u32 $0x8030, s3  }
0x2fd: {  	s11 =	sor.u32 $0x18010, s3;
	s9 =	sor.u32 $0x8020, s3;
	s13 =	sor.u32 $0x18030, s3;
	v2 =	vld [tilespmem:s8+$0x0];
	v7 =	vadd.f32 v7, v4;
	[tilespmem:s10+$0x0] =	vst v5  }
0x2fe: {  	s14 =	sor.u32 $0xC010, s3;
	s10 =	sor.u32 $0x18020, s3;
	s8 =	sor.u32 $0xC020, s3;
	v5 =	vld [tilespmem:s13+$0x0]  }
0x2ff: {  	v4 =	vld [tilespmem:s12+$0x0];
	[tilespmem:s6+$0x0] =	vst v7;
	v6 =	vadd.f32 v6, v8;
	s6 =	smov.u32 s14  }
0x300: {  	v7 =	vld [tilespmem:s11+$0x0]  }
0x301: {  	v8 =	vld [tilespmem:s9+$0x0]  }
0x302: {  	v9 =	vld [tilespmem:s10+$0x0]  }
0x303: {  	v10 =	vld [tilespmem:s3+$0x18000]  }
0x304: {  	v0 =	vadd.f32 v3, v0;
	s31 =	sadd.s32 $0x1, s31  }
0x305: {  	[tilespmem:s7+$0x0] =	vst v6;
	p0 =	sne.s32 s31, $0x10;
	v2 =	vadd.f32 v5, v2  }
.Ltmp29:
0x306: {  	s14 =	sor.u32 $0xC030, s3;
	[tilespmem:s0+$0xC000] =	vst v0;
	v61 =	vadd.f32 v7, v4;
	(pc) =	sbr.rel @p0 .LBB2_58-.Ltmp29, $4  }
0x307: {  	[tilespmem:s14+$0x0] =	vst v2;
	v62 =	vadd.f32 v9, v8  }
0x308: {  	v63 =	vadd.f32 v10, v1;
	[tilespmem:s6+$0x0] =	vst v61  }
0x309: {  	[tilespmem:s8+$0x0] =	vst v62  }
0x30a: {  	[tilespmem:s3+$0xC000] =	vst v63  }
0x30b: {  	s0 =	sld [smem:$0x7D3];
	_ =	sdelay $0x1  }
0x30c: {  	s30 =	simm.s32 $0x0  }
0x30d: {  	[hbm4b:s0+s30] =	stream.linear.scatter [tilespmem:s21], [sflag:$0x4], $0x4000, $0x38;
	[tilespmem:$0x1C000] =	vst v63  }
0x30e: {  	_ =	swait.ge [sflag:s17], $0x4000  }
0x30f: {  	s14 =	sld [smem:$0x7D9]  }
0x310: {  	[sflag:s17] =	ssyncset.done $0x0  }
0x311: {  	[sflag:s17] =	ssyncadd.s32 $0xFFFFC000  }
0x312: {  	[tilespmem:s20], [sflag:$0x3] =	stream.linear.gather [hbm4b:s14+s30], $0x4000, $0x38;
	[tilespmem:$0x1C000] =	vst v63  }
0x313: {  	_ =	swait.ge [sflag:s26], $0x4000  }
0x314: {  	[sflag:s26] =	ssyncset.done $0x0  }
0x315: {  	s31 =	simm.s32 $0x0;
	[sflag:s26] =	ssyncadd.s32 $0xFFFFC000  }
.LBB2_62:
0x316: {  	s0 =	sshll.u32 s31, $0xA;
	s2 =	sshll.u32 s31, $0x7  }
0x317: {  	s3 =	simm.s32 $0x0;
	s0 =	sand.u32 $0x2000, s0;
	s2 =	sand.u32 $0x380, s2  }
0x318: {  	s9 =	sand.u32 $0x40, s3;
	s2 =	sor.u32 s0, s2  }
0x319: {  	s10 =	sand.u32 $0x1C00, s30;
	s0 =	sor.u32 s9, s2  }
0x31a: {  	s0 =	sor.u32 s10, s0  }
0x31b: {  	v0 =	vld [tilespmem:s0+$0x0];
	s3 =	sor.u32 $0x30, s0  }
0x31c: {  	s11 =	sor.u32 $0x18030, s0;
	v1 =	vld [tilespmem:s3+$0x0]  }
0x31d: {  	s4 =	sor.u32 $0x10, s0;
	v2 =	vld [tilespmem:s11+$0x0]  }
0x31e: {  	s12 =	sor.u32 $0x18010, s0;
	v4 =	vld [tilespmem:s4+$0x0]  }
0x31f: {  	s5 =	sor.u32 $0x20, s0;
	s4 =	simm.s32 $0x40;
	v5 =	vld [tilespmem:s12+$0x0]  }
0x320: {  	s13 =	sor.u32 $0x18020, s0;
	v6 =	vld [tilespmem:s5+$0x0];
	s5 =	simm.s32 $0x200;
	s6 =	sand.u32 $0x40, s4  }
0x321: {  	v7 =	vld [tilespmem:s13+$0x0];
	s7 =	sand.u32 $0x1C00, s5;
	s6 =	sor.u32 s6, s2  }
0x322: {  	v3 =	vld [tilespmem:s0+$0x18000];
	s3 =	sor.u32 s7, s6  }
0x323: {  	s8 =	sor.u32 $0x10030, s0;
	s6 =	sor.u32 $0x30, s3;
	v8 =	vadd.f32 v2, v1;
	v1 =	vld [tilespmem:s3+$0x0]  }
0x324: {  	s12 =	sor.u32 $0x10010, s0;
	s7 =	sor.u32 $0x10020, s0;
	s14 =	sor.u32 $0x18030, s3;
	v2 =	vld [tilespmem:s6+$0x0];
	v9 =	vadd.f32 v5, v4  }
0x325: {  	s13 =	sor.u32 $0x10, s3;
	s11 =	sor.u32 $0x18010, s3;
	s9 =	sor.u32 $0x20, s3;
	v5 =	vld [tilespmem:s14+$0x0];
	[tilespmem:s8+$0x0] =	vst v8  }
0x326: {  	s10 =	sor.u32 $0x18020, s3;
	s6 =	sor.u32 $0x10010, s3;
	v4 =	vld [tilespmem:s13+$0x0];
	v6 =	vadd.f32 v7, v6;
	s8 =	sor.u32 $0x10020, s3;
	[tilespmem:s12+$0x0] =	vst v9  }
.LBB2_63:
0x327: {  	s4 =	sadd.s32 $0x40, s4;
	v7 =	vld [tilespmem:s11+$0x0];
	v3 =	vadd.f32 v3, v0  }
0x328: {  	s5 =	sadd.s32 $0x200, s5;
	s11 =	sand.u32 $0x40, s4;
	p0 =	slt.u32 s4, $0x3C0;
	v8 =	vld [tilespmem:s9+$0x0];
	[tilespmem:s7+$0x0] =	vst v6;
	v0 =	vmov v1  }
0x329: {  	s7 =	sand.u32 $0x1C00, s5;
	s9 =	sor.u32 s11, s2;
	v6 =	vld [tilespmem:s10+$0x0];
	[tilespmem:s0+$0x10000] =	vst v3;
	s0 =	smov.u32 s3  }
.Ltmp30:
0x32a: {  	s3 =	sor.u32 s7, s9;
	v3 =	vld [tilespmem:s0+$0x18000];
	v5 =	vadd.f32 v5, v2;
	s7 =	smov.u32 s8;
	(pc) =	sbr.rel @p0 .LBB2_63-.Ltmp30, $4  }
0x32b: {  	s10 =	sor.u32 $0x10030, s0;
	v1 =	vld [tilespmem:s3+$0x0];
	s12 =	sor.u32 $0x10, s3;
	s8 =	sor.u32 $0x30, s3  }
0x32c: {  	s11 =	sor.u32 $0x18010, s3;
	s9 =	sor.u32 $0x20, s3;
	s13 =	sor.u32 $0x18030, s3;
	v2 =	vld [tilespmem:s8+$0x0];
	v7 =	vadd.f32 v7, v4;
	[tilespmem:s10+$0x0] =	vst v5  }
0x32d: {  	s14 =	sor.u32 $0x10010, s3;
	s10 =	sor.u32 $0x18020, s3;
	s8 =	sor.u32 $0x10020, s3;
	v5 =	vld [tilespmem:s13+$0x0]  }
0x32e: {  	v4 =	vld [tilespmem:s12+$0x0];
	[tilespmem:s6+$0x0] =	vst v7;
	v6 =	vadd.f32 v6, v8;
	s6 =	smov.u32 s14  }
0x32f: {  	v7 =	vld [tilespmem:s11+$0x0]  }
0x330: {  	v8 =	vld [tilespmem:s9+$0x0]  }
0x331: {  	v9 =	vld [tilespmem:s10+$0x0]  }
0x332: {  	v10 =	vld [tilespmem:s3+$0x18000]  }
0x333: {  	v0 =	vadd.f32 v3, v0;
	s31 =	sadd.s32 $0x1, s31  }
0x334: {  	[tilespmem:s7+$0x0] =	vst v6;
	p0 =	sne.s32 s31, $0x10;
	v2 =	vadd.f32 v5, v2  }
.Ltmp31:
0x335: {  	s14 =	sor.u32 $0x10030, s3;
	[tilespmem:s0+$0x10000] =	vst v0;
	v61 =	vadd.f32 v7, v4;
	(pc) =	sbr.rel @p0 .LBB2_62-.Ltmp31, $4  }
0x336: {  	[tilespmem:s14+$0x0] =	vst v2;
	v62 =	vadd.f32 v9, v8  }
0x337: {  	v63 =	vadd.f32 v10, v1;
	[tilespmem:s6+$0x0] =	vst v61  }
0x338: {  	[tilespmem:s8+$0x0] =	vst v62  }
0x339: {  	[tilespmem:s3+$0x10000] =	vst v63  }
0x33a: {  	s0 =	sld [smem:$0x7D5];
	_ =	sdelay $0x1  }
0x33b: {  	s30 =	simm.s32 $0x0  }
0x33c: {  	[hbm4b:s0+s30] =	stream.linear.scatter [tilespmem:s23], [sflag:$0x5], $0x4000, $0x38;
	[tilespmem:$0x1C000] =	vst v63  }
0x33d: {  	_ =	swait.ge [sflag:s22], $0x4000  }
0x33e: {  	[sflag:s22] =	ssyncset.done $0x0  }
0x33f: {  	[sflag:s22] =	ssyncadd.s32 $0xFFFFC000  }
0x340: {  	_ =	swait.ge [sflag:s18], $0x4000  }
0x341: {  	s13 =	sld [smem:$0x7DF]  }
0x342: {  	[sflag:s18] =	ssyncset.done $0x0  }
0x343: {  	s14 =	sld [smem:$0x7DB];
	[sflag:s18] =	ssyncadd.s32 $0xFFFFC000  }
0x344: {  	[tilespmem:s19], [sflag:$0x7] =	stream.linear.gather [hbm4b:s13+s30], $0x4000, $0x38;
	[tilespmem:$0x1C000] =	vst v63  }
0x345: {  	_ = 	snop  }
0x346: {  	[tilespmem:s30], [sflag:$0x1] =	stream.linear.gather [hbm4b:s14+s30], $0x4000, $0x38;
	[tilespmem:$0x1C000] =	vst v63  }
0x347: {  	_ =	swait.ge [sflag:s25], $0x4000  }
0x348: {  	[sflag:s25] =	ssyncset.done $0x0  }
0x349: {  	s31 =	simm.s32 $0x0;
	[sflag:s25] =	ssyncadd.s32 $0xFFFFC000  }
.LBB2_66:
0x34a: {  	s0 =	sshll.u32 s31, $0xA;
	s2 =	sshll.u32 s31, $0x7  }
0x34b: {  	s3 =	simm.s32 $0x0;
	s0 =	sand.u32 $0x2000, s0;
	s2 =	sand.u32 $0x380, s2  }
0x34c: {  	s9 =	sand.u32 $0x40, s3;
	s2 =	sor.u32 s0, s2  }
0x34d: {  	s10 =	sand.u32 $0x1C00, s30;
	s0 =	sor.u32 s9, s2  }
0x34e: {  	s0 =	sor.u32 s10, s0  }
0x34f: {  	v0 =	vld [tilespmem:s0+$0x4000];
	s3 =	sor.u32 $0x4030, s0  }
0x350: {  	s11 =	sor.u32 $0x14030, s0;
	v1 =	vld [tilespmem:s3+$0x0]  }
0x351: {  	s4 =	sor.u32 $0x4010, s0;
	v2 =	vld [tilespmem:s11+$0x0]  }
0x352: {  	s12 =	sor.u32 $0x14010, s0;
	v4 =	vld [tilespmem:s4+$0x0]  }
0x353: {  	s5 =	sor.u32 $0x4020, s0;
	s4 =	simm.s32 $0x40;
	v5 =	vld [tilespmem:s12+$0x0]  }
0x354: {  	s13 =	sor.u32 $0x14020, s0;
	v6 =	vld [tilespmem:s5+$0x0];
	s5 =	simm.s32 $0x200;
	s6 =	sand.u32 $0x40, s4  }
0x355: {  	v7 =	vld [tilespmem:s13+$0x0];
	s7 =	sand.u32 $0x1C00, s5;
	s6 =	sor.u32 s6, s2  }
0x356: {  	v3 =	vld [tilespmem:s0+$0x14000];
	s3 =	sor.u32 s7, s6  }
0x357: {  	s8 =	sor.u32 $0xC030, s0;
	s6 =	sor.u32 $0x4030, s3;
	v8 =	vadd.f32 v2, v1;
	v1 =	vld [tilespmem:s3+$0x4000]  }
0x358: {  	s12 =	sor.u32 $0xC010, s0;
	s7 =	sor.u32 $0xC020, s0;
	s14 =	sor.u32 $0x14030, s3;
	v2 =	vld [tilespmem:s6+$0x0];
	v9 =	vadd.f32 v5, v4  }
0x359: {  	s13 =	sor.u32 $0x4010, s3;
	s11 =	sor.u32 $0x14010, s3;
	s9 =	sor.u32 $0x4020, s3;
	v5 =	vld [tilespmem:s14+$0x0];
	[tilespmem:s8+$0x0] =	vst v8  }
0x35a: {  	s10 =	sor.u32 $0x14020, s3;
	s6 =	sor.u32 $0xC010, s3;
	v4 =	vld [tilespmem:s13+$0x0];
	v6 =	vadd.f32 v7, v6;
	s8 =	sor.u32 $0xC020, s3;
	[tilespmem:s12+$0x0] =	vst v9  }
.LBB2_67:
0x35b: {  	s4 =	sadd.s32 $0x40, s4;
	v7 =	vld [tilespmem:s11+$0x0];
	v3 =	vadd.f32 v3, v0  }
0x35c: {  	s5 =	sadd.s32 $0x200, s5;
	s11 =	sand.u32 $0x40, s4;
	p0 =	slt.u32 s4, $0x3C0;
	v8 =	vld [tilespmem:s9+$0x0];
	[tilespmem:s7+$0x0] =	vst v6;
	v0 =	vmov v1  }
0x35d: {  	s7 =	sand.u32 $0x1C00, s5;
	s9 =	sor.u32 s11, s2;
	v6 =	vld [tilespmem:s10+$0x0];
	[tilespmem:s0+$0xC000] =	vst v3;
	s0 =	smov.u32 s3  }
.Ltmp32:
0x35e: {  	s3 =	sor.u32 s7, s9;
	v3 =	vld [tilespmem:s0+$0x14000];
	v5 =	vadd.f32 v5, v2;
	s7 =	smov.u32 s8;
	(pc) =	sbr.rel @p0 .LBB2_67-.Ltmp32, $4  }
0x35f: {  	s10 =	sor.u32 $0xC030, s0;
	v1 =	vld [tilespmem:s3+$0x4000];
	s12 =	sor.u32 $0x4010, s3;
	s8 =	sor.u32 $0x4030, s3  }
0x360: {  	s11 =	sor.u32 $0x14010, s3;
	s9 =	sor.u32 $0x4020, s3;
	s13 =	sor.u32 $0x14030, s3;
	v2 =	vld [tilespmem:s8+$0x0];
	v7 =	vadd.f32 v7, v4;
	[tilespmem:s10+$0x0] =	vst v5  }
0x361: {  	s14 =	sor.u32 $0xC010, s3;
	s10 =	sor.u32 $0x14020, s3;
	s8 =	sor.u32 $0xC020, s3;
	v5 =	vld [tilespmem:s13+$0x0]  }
0x362: {  	v4 =	vld [tilespmem:s12+$0x0];
	[tilespmem:s6+$0x0] =	vst v7;
	v6 =	vadd.f32 v6, v8;
	s6 =	smov.u32 s14  }
0x363: {  	v7 =	vld [tilespmem:s11+$0x0]  }
0x364: {  	v8 =	vld [tilespmem:s9+$0x0]  }
0x365: {  	v9 =	vld [tilespmem:s10+$0x0]  }
0x366: {  	v10 =	vld [tilespmem:s3+$0x14000]  }
0x367: {  	v0 =	vadd.f32 v3, v0;
	s31 =	sadd.s32 $0x1, s31  }
0x368: {  	[tilespmem:s7+$0x0] =	vst v6;
	p0 =	sne.s32 s31, $0x10;
	v2 =	vadd.f32 v5, v2  }
.Ltmp33:
0x369: {  	s14 =	sor.u32 $0xC030, s3;
	[tilespmem:s0+$0xC000] =	vst v0;
	v61 =	vadd.f32 v7, v4;
	(pc) =	sbr.rel @p0 .LBB2_66-.Ltmp33, $4  }
0x36a: {  	[tilespmem:s14+$0x0] =	vst v2;
	v62 =	vadd.f32 v9, v8  }
0x36b: {  	v63 =	vadd.f32 v10, v1;
	[tilespmem:s6+$0x0] =	vst v61  }
0x36c: {  	[tilespmem:s8+$0x0] =	vst v62  }
0x36d: {  	[tilespmem:s3+$0xC000] =	vst v63  }
0x36e: {  	s0 =	sld [smem:$0x7D8];
	_ =	sdelay $0x1  }
0x36f: {  	s30 =	simm.s32 $0x0  }
0x370: {  	[hbm4b:s0+s30] =	stream.linear.scatter [tilespmem:s21], [sflag:$0x4], $0x4000, $0x38;
	[tilespmem:$0x1C000] =	vst v63  }
0x371: {  	_ =	swait.ge [sflag:s24], $0x4000  }
0x372: {  	s14 =	sld [smem:$0x7DD]  }
0x373: {  	[sflag:s24] =	ssyncset.done $0x0  }
0x374: {  	[sflag:s24] =	ssyncadd.s32 $0xFFFFC000  }
0x375: {  	[tilespmem:s16], [sflag:$0x2] =	stream.linear.gather [hbm4b:s14+s30], $0x4000, $0x38;
	[tilespmem:$0x1C000] =	vst v63  }
0x376: {  	_ =	swait.ge [sflag:s26], $0x4000  }
0x377: {  	[sflag:s26] =	ssyncset.done $0x0  }
0x378: {  	s31 =	simm.s32 $0x0;
	[sflag:s26] =	ssyncadd.s32 $0xFFFFC000  }
.LBB2_70:
0x379: {  	s0 =	sshll.u32 s31, $0xA;
	s2 =	sshll.u32 s31, $0x7  }
0x37a: {  	s3 =	simm.s32 $0x0;
	s0 =	sand.u32 $0x2000, s0;
	s2 =	sand.u32 $0x380, s2  }
0x37b: {  	s9 =	sand.u32 $0x40, s3;
	s2 =	sor.u32 s0, s2  }
0x37c: {  	s10 =	sand.u32 $0x1C00, s30;
	s0 =	sor.u32 s9, s2  }
0x37d: {  	s0 =	sor.u32 s10, s0  }
0x37e: {  	v0 =	vld [tilespmem:s0+$0x8000];
	s3 =	sor.u32 $0x8030, s0  }
0x37f: {  	s11 =	sor.u32 $0x14030, s0;
	v1 =	vld [tilespmem:s3+$0x0]  }
0x380: {  	s4 =	sor.u32 $0x8010, s0;
	v2 =	vld [tilespmem:s11+$0x0]  }
0x381: {  	s12 =	sor.u32 $0x14010, s0;
	v4 =	vld [tilespmem:s4+$0x0]  }
0x382: {  	s5 =	sor.u32 $0x8020, s0;
	s4 =	simm.s32 $0x40;
	v5 =	vld [tilespmem:s12+$0x0]  }
0x383: {  	s13 =	sor.u32 $0x14020, s0;
	v6 =	vld [tilespmem:s5+$0x0];
	s5 =	simm.s32 $0x200;
	s6 =	sand.u32 $0x40, s4  }
0x384: {  	v7 =	vld [tilespmem:s13+$0x0];
	s7 =	sand.u32 $0x1C00, s5;
	s6 =	sor.u32 s6, s2  }
0x385: {  	v3 =	vld [tilespmem:s0+$0x14000];
	s3 =	sor.u32 s7, s6  }
0x386: {  	s8 =	sor.u32 $0x10030, s0;
	s6 =	sor.u32 $0x8030, s3;
	v8 =	vadd.f32 v2, v1;
	v1 =	vld [tilespmem:s3+$0x8000]  }
0x387: {  	s12 =	sor.u32 $0x10010, s0;
	s7 =	sor.u32 $0x10020, s0;
	s14 =	sor.u32 $0x14030, s3;
	v2 =	vld [tilespmem:s6+$0x0];
	v9 =	vadd.f32 v5, v4  }
0x388: {  	s13 =	sor.u32 $0x8010, s3;
	s11 =	sor.u32 $0x14010, s3;
	s9 =	sor.u32 $0x8020, s3;
	v5 =	vld [tilespmem:s14+$0x0];
	[tilespmem:s8+$0x0] =	vst v8  }
0x389: {  	s10 =	sor.u32 $0x14020, s3;
	s6 =	sor.u32 $0x10010, s3;
	v4 =	vld [tilespmem:s13+$0x0];
	v6 =	vadd.f32 v7, v6;
	s8 =	sor.u32 $0x10020, s3;
	[tilespmem:s12+$0x0] =	vst v9  }
.LBB2_71:
0x38a: {  	s4 =	sadd.s32 $0x40, s4;
	v7 =	vld [tilespmem:s11+$0x0];
	v3 =	vadd.f32 v3, v0  }
0x38b: {  	s5 =	sadd.s32 $0x200, s5;
	s11 =	sand.u32 $0x40, s4;
	p0 =	slt.u32 s4, $0x3C0;
	v8 =	vld [tilespmem:s9+$0x0];
	[tilespmem:s7+$0x0] =	vst v6;
	v0 =	vmov v1  }
0x38c: {  	s7 =	sand.u32 $0x1C00, s5;
	s9 =	sor.u32 s11, s2;
	v6 =	vld [tilespmem:s10+$0x0];
	[tilespmem:s0+$0x10000] =	vst v3;
	s0 =	smov.u32 s3  }
.Ltmp34:
0x38d: {  	s3 =	sor.u32 s7, s9;
	v3 =	vld [tilespmem:s0+$0x14000];
	v5 =	vadd.f32 v5, v2;
	s7 =	smov.u32 s8;
	(pc) =	sbr.rel @p0 .LBB2_71-.Ltmp34, $4  }
0x38e: {  	s10 =	sor.u32 $0x10030, s0;
	v1 =	vld [tilespmem:s3+$0x8000];
	s12 =	sor.u32 $0x8010, s3;
	s8 =	sor.u32 $0x8030, s3  }
0x38f: {  	s11 =	sor.u32 $0x14010, s3;
	s9 =	sor.u32 $0x8020, s3;
	s13 =	sor.u32 $0x14030, s3;
	v2 =	vld [tilespmem:s8+$0x0];
	v7 =	vadd.f32 v7, v4;
	[tilespmem:s10+$0x0] =	vst v5  }
0x390: {  	s14 =	sor.u32 $0x10010, s3;
	s10 =	sor.u32 $0x14020, s3;
	s8 =	sor.u32 $0x10020, s3;
	v5 =	vld [tilespmem:s13+$0x0]  }
0x391: {  	v4 =	vld [tilespmem:s12+$0x0];
	[tilespmem:s6+$0x0] =	vst v7;
	v6 =	vadd.f32 v6, v8;
	s6 =	smov.u32 s14  }
0x392: {  	v7 =	vld [tilespmem:s11+$0x0]  }
0x393: {  	v8 =	vld [tilespmem:s9+$0x0]  }
0x394: {  	v9 =	vld [tilespmem:s10+$0x0]  }
0x395: {  	v10 =	vld [tilespmem:s3+$0x14000]  }
0x396: {  	v0 =	vadd.f32 v3, v0;
	s31 =	sadd.s32 $0x1, s31  }
0x397: {  	[tilespmem:s7+$0x0] =	vst v6;
	p0 =	sne.s32 s31, $0x10;
	v2 =	vadd.f32 v5, v2  }
.Ltmp35:
0x398: {  	s14 =	sor.u32 $0x10030, s3;
	[tilespmem:s0+$0x10000] =	vst v0;
	v61 =	vadd.f32 v7, v4;
	(pc) =	sbr.rel @p0 .LBB2_70-.Ltmp35, $4  }
0x399: {  	[tilespmem:s14+$0x0] =	vst v2;
	v62 =	vadd.f32 v9, v8  }
0x39a: {  	v63 =	vadd.f32 v10, v1;
	[tilespmem:s6+$0x0] =	vst v61  }
0x39b: {  	[tilespmem:s8+$0x0] =	vst v62  }
0x39c: {  	[tilespmem:s3+$0x10000] =	vst v63  }
0x39d: {  	s0 =	sld [smem:$0x7DA];
	_ =	sdelay $0x1  }
0x39e: {  	s30 =	simm.s32 $0x0  }
0x39f: {  	[hbm4b:s0+s30] =	stream.linear.scatter [tilespmem:s23], [sflag:$0x5], $0x4000, $0x38;
	[tilespmem:$0x1C000] =	vst v63  }
0x3a0: {  	_ =	swait.ge [sflag:s17], $0x4000  }
0x3a1: {  	s14 =	sld [smem:$0x7E0]  }
0x3a2: {  	[sflag:s17] =	ssyncset.done $0x0  }
0x3a3: {  	[sflag:s17] =	ssyncadd.s32 $0xFFFFC000  }
0x3a4: {  	[tilespmem:s20], [sflag:$0x3] =	stream.linear.gather [hbm4b:s14+s30], $0x4000, $0x38;
	[tilespmem:$0x1C000] =	vst v63  }
0x3a5: {  	_ =	swait.ge [sflag:s25], $0x4000  }
0x3a6: {  	[sflag:s25] =	ssyncset.done $0x0  }
0x3a7: {  	s31 =	simm.s32 $0x0;
	[sflag:s25] =	ssyncadd.s32 $0xFFFFC000  }
.LBB2_74:
0x3a8: {  	s0 =	sshll.u32 s31, $0xA;
	s2 =	sshll.u32 s31, $0x7  }
0x3a9: {  	s3 =	simm.s32 $0x0;
	s0 =	sand.u32 $0x2000, s0;
	s2 =	sand.u32 $0x380, s2  }
0x3aa: {  	s9 =	sand.u32 $0x40, s3;
	s2 =	sor.u32 s0, s2  }
0x3ab: {  	s10 =	sand.u32 $0x1C00, s30;
	s0 =	sor.u32 s9, s2  }
0x3ac: {  	s0 =	sor.u32 s10, s0  }
0x3ad: {  	v0 =	vld [tilespmem:s0+$0x0];
	s3 =	sor.u32 $0x30, s0  }
0x3ae: {  	s11 =	sor.u32 $0x14030, s0;
	v1 =	vld [tilespmem:s3+$0x0]  }
0x3af: {  	s4 =	sor.u32 $0x10, s0;
	v2 =	vld [tilespmem:s11+$0x0]  }
0x3b0: {  	s12 =	sor.u32 $0x14010, s0;
	v4 =	vld [tilespmem:s4+$0x0]  }
0x3b1: {  	s5 =	sor.u32 $0x20, s0;
	s4 =	simm.s32 $0x40;
	v5 =	vld [tilespmem:s12+$0x0]  }
0x3b2: {  	s13 =	sor.u32 $0x14020, s0;
	v6 =	vld [tilespmem:s5+$0x0];
	s5 =	simm.s32 $0x200;
	s6 =	sand.u32 $0x40, s4  }
0x3b3: {  	v7 =	vld [tilespmem:s13+$0x0];
	s7 =	sand.u32 $0x1C00, s5;
	s6 =	sor.u32 s6, s2  }
0x3b4: {  	v3 =	vld [tilespmem:s0+$0x14000];
	s3 =	sor.u32 s7, s6  }
0x3b5: {  	s8 =	sor.u32 $0xC030, s0;
	s6 =	sor.u32 $0x30, s3;
	v8 =	vadd.f32 v2, v1;
	v1 =	vld [tilespmem:s3+$0x0]  }
0x3b6: {  	s12 =	sor.u32 $0xC010, s0;
	s7 =	sor.u32 $0xC020, s0;
	s14 =	sor.u32 $0x14030, s3;
	v2 =	vld [tilespmem:s6+$0x0];
	v9 =	vadd.f32 v5, v4  }
0x3b7: {  	s13 =	sor.u32 $0x10, s3;
	s11 =	sor.u32 $0x14010, s3;
	s9 =	sor.u32 $0x20, s3;
	v5 =	vld [tilespmem:s14+$0x0];
	[tilespmem:s8+$0x0] =	vst v8  }
0x3b8: {  	s10 =	sor.u32 $0x14020, s3;
	s6 =	sor.u32 $0xC010, s3;
	v4 =	vld [tilespmem:s13+$0x0];
	v6 =	vadd.f32 v7, v6;
	s8 =	sor.u32 $0xC020, s3;
	[tilespmem:s12+$0x0] =	vst v9  }
.LBB2_75:
0x3b9: {  	s4 =	sadd.s32 $0x40, s4;
	v7 =	vld [tilespmem:s11+$0x0];
	v3 =	vadd.f32 v3, v0  }
0x3ba: {  	s5 =	sadd.s32 $0x200, s5;
	s11 =	sand.u32 $0x40, s4;
	p0 =	slt.u32 s4, $0x3C0;
	v8 =	vld [tilespmem:s9+$0x0];
	[tilespmem:s7+$0x0] =	vst v6;
	v0 =	vmov v1  }
0x3bb: {  	s7 =	sand.u32 $0x1C00, s5;
	s9 =	sor.u32 s11, s2;
	v6 =	vld [tilespmem:s10+$0x0];
	[tilespmem:s0+$0xC000] =	vst v3;
	s0 =	smov.u32 s3  }
.Ltmp36:
0x3bc: {  	s3 =	sor.u32 s7, s9;
	v3 =	vld [tilespmem:s0+$0x14000];
	v5 =	vadd.f32 v5, v2;
	s7 =	smov.u32 s8;
	(pc) =	sbr.rel @p0 .LBB2_75-.Ltmp36, $4  }
0x3bd: {  	s10 =	sor.u32 $0xC030, s0;
	v1 =	vld [tilespmem:s3+$0x0];
	s12 =	sor.u32 $0x10, s3;
	s8 =	sor.u32 $0x30, s3  }
0x3be: {  	s11 =	sor.u32 $0x14010, s3;
	s9 =	sor.u32 $0x20, s3;
	s13 =	sor.u32 $0x14030, s3;
	v2 =	vld [tilespmem:s8+$0x0];
	v7 =	vadd.f32 v7, v4;
	[tilespmem:s10+$0x0] =	vst v5  }
0x3bf: {  	s14 =	sor.u32 $0xC010, s3;
	s10 =	sor.u32 $0x14020, s3;
	s8 =	sor.u32 $0xC020, s3;
	v5 =	vld [tilespmem:s13+$0x0]  }
0x3c0: {  	v4 =	vld [tilespmem:s12+$0x0];
	[tilespmem:s6+$0x0] =	vst v7;
	v6 =	vadd.f32 v6, v8;
	s6 =	smov.u32 s14  }
0x3c1: {  	v7 =	vld [tilespmem:s11+$0x0]  }
0x3c2: {  	v8 =	vld [tilespmem:s9+$0x0]  }
0x3c3: {  	v9 =	vld [tilespmem:s10+$0x0]  }
0x3c4: {  	v10 =	vld [tilespmem:s3+$0x14000]  }
0x3c5: {  	v0 =	vadd.f32 v3, v0;
	s31 =	sadd.s32 $0x1, s31  }
0x3c6: {  	[tilespmem:s7+$0x0] =	vst v6;
	p0 =	sne.s32 s31, $0x10;
	v2 =	vadd.f32 v5, v2  }
.Ltmp37:
0x3c7: {  	s14 =	sor.u32 $0xC030, s3;
	[tilespmem:s0+$0xC000] =	vst v0;
	v61 =	vadd.f32 v7, v4;
	(pc) =	sbr.rel @p0 .LBB2_74-.Ltmp37, $4  }
0x3c8: {  	[tilespmem:s14+$0x0] =	vst v2;
	v62 =	vadd.f32 v9, v8  }
0x3c9: {  	v63 =	vadd.f32 v10, v1;
	[tilespmem:s6+$0x0] =	vst v61  }
0x3ca: {  	[tilespmem:s8+$0x0] =	vst v62  }
0x3cb: {  	[tilespmem:s3+$0xC000] =	vst v63  }
0x3cc: {  	s0 =	sld [smem:$0x7DC];
	_ =	sdelay $0x1  }
0x3cd: {  	s30 =	simm.s32 $0x0  }
0x3ce: {  	[hbm4b:s0+s30] =	stream.linear.scatter [tilespmem:s21], [sflag:$0x4], $0x4000, $0x38;
	[tilespmem:$0x1C000] =	vst v63  }
0x3cf: {  	_ =	swait.ge [sflag:s22], $0x4000  }
0x3d0: {  	s14 =	sld [smem:$0x7E2]  }
0x3d1: {  	[sflag:s22] =	ssyncset.done $0x0  }
0x3d2: {  	[sflag:s22] =	ssyncadd.s32 $0xFFFFC000  }
0x3d3: {  	[tilespmem:s30], [sflag:$0x1] =	stream.linear.gather [hbm4b:s14+s30], $0x4000, $0x38;
	[tilespmem:$0x1C000] =	vst v63  }
0x3d4: {  	_ =	swait.ge [sflag:s26], $0x4000  }
0x3d5: {  	[sflag:s26] =	ssyncset.done $0x0  }
0x3d6: {  	s31 =	simm.s32 $0x0;
	[sflag:s26] =	ssyncadd.s32 $0xFFFFC000  }
.LBB2_78:
0x3d7: {  	s0 =	sshll.u32 s31, $0xA;
	s2 =	sshll.u32 s31, $0x7  }
0x3d8: {  	s3 =	simm.s32 $0x0;
	s0 =	sand.u32 $0x2000, s0;
	s2 =	sand.u32 $0x380, s2  }
0x3d9: {  	s9 =	sand.u32 $0x40, s3;
	s2 =	sor.u32 s0, s2  }
0x3da: {  	s10 =	sand.u32 $0x1C00, s30;
	s0 =	sor.u32 s9, s2  }
0x3db: {  	s0 =	sor.u32 s10, s0  }
0x3dc: {  	v0 =	vld [tilespmem:s0+$0x4000];
	s3 =	sor.u32 $0x4030, s0  }
0x3dd: {  	s11 =	sor.u32 $0x14030, s0;
	v1 =	vld [tilespmem:s3+$0x0]  }
0x3de: {  	s4 =	sor.u32 $0x4010, s0;
	v2 =	vld [tilespmem:s11+$0x0]  }
0x3df: {  	s12 =	sor.u32 $0x14010, s0;
	v4 =	vld [tilespmem:s4+$0x0]  }
0x3e0: {  	s5 =	sor.u32 $0x4020, s0;
	s4 =	simm.s32 $0x40;
	v5 =	vld [tilespmem:s12+$0x0]  }
0x3e1: {  	s13 =	sor.u32 $0x14020, s0;
	v6 =	vld [tilespmem:s5+$0x0];
	s5 =	simm.s32 $0x200;
	s6 =	sand.u32 $0x40, s4  }
0x3e2: {  	v7 =	vld [tilespmem:s13+$0x0];
	s7 =	sand.u32 $0x1C00, s5;
	s6 =	sor.u32 s6, s2  }
0x3e3: {  	v3 =	vld [tilespmem:s0+$0x14000];
	s3 =	sor.u32 s7, s6  }
0x3e4: {  	s8 =	sor.u32 $0x10030, s0;
	s6 =	sor.u32 $0x4030, s3;
	v8 =	vadd.f32 v2, v1;
	v1 =	vld [tilespmem:s3+$0x4000]  }
0x3e5: {  	s12 =	sor.u32 $0x10010, s0;
	s7 =	sor.u32 $0x10020, s0;
	s14 =	sor.u32 $0x14030, s3;
	v2 =	vld [tilespmem:s6+$0x0];
	v9 =	vadd.f32 v5, v4  }
0x3e6: {  	s13 =	sor.u32 $0x4010, s3;
	s11 =	sor.u32 $0x14010, s3;
	s9 =	sor.u32 $0x4020, s3;
	v5 =	vld [tilespmem:s14+$0x0];
	[tilespmem:s8+$0x0] =	vst v8  }
0x3e7: {  	s10 =	sor.u32 $0x14020, s3;
	s6 =	sor.u32 $0x10010, s3;
	v4 =	vld [tilespmem:s13+$0x0];
	v6 =	vadd.f32 v7, v6;
	s8 =	sor.u32 $0x10020, s3;
	[tilespmem:s12+$0x0] =	vst v9  }
.LBB2_79:
0x3e8: {  	s4 =	sadd.s32 $0x40, s4;
	v7 =	vld [tilespmem:s11+$0x0];
	v3 =	vadd.f32 v3, v0  }
0x3e9: {  	s5 =	sadd.s32 $0x200, s5;
	s11 =	sand.u32 $0x40, s4;
	p0 =	slt.u32 s4, $0x3C0;
	v8 =	vld [tilespmem:s9+$0x0];
	[tilespmem:s7+$0x0] =	vst v6;
	v0 =	vmov v1  }
0x3ea: {  	s7 =	sand.u32 $0x1C00, s5;
	s9 =	sor.u32 s11, s2;
	v6 =	vld [tilespmem:s10+$0x0];
	[tilespmem:s0+$0x10000] =	vst v3;
	s0 =	smov.u32 s3  }
.Ltmp38:
0x3eb: {  	s3 =	sor.u32 s7, s9;
	v3 =	vld [tilespmem:s0+$0x14000];
	v5 =	vadd.f32 v5, v2;
	s7 =	smov.u32 s8;
	(pc) =	sbr.rel @p0 .LBB2_79-.Ltmp38, $4  }
0x3ec: {  	s10 =	sor.u32 $0x10030, s0;
	v1 =	vld [tilespmem:s3+$0x4000];
	s12 =	sor.u32 $0x4010, s3;
	s8 =	sor.u32 $0x4030, s3  }
0x3ed: {  	s11 =	sor.u32 $0x14010, s3;
	s9 =	sor.u32 $0x4020, s3;
	s13 =	sor.u32 $0x14030, s3;
	v2 =	vld [tilespmem:s8+$0x0];
	v7 =	vadd.f32 v7, v4;
	[tilespmem:s10+$0x0] =	vst v5  }
0x3ee: {  	s14 =	sor.u32 $0x10010, s3;
	s10 =	sor.u32 $0x14020, s3;
	s8 =	sor.u32 $0x10020, s3;
	v5 =	vld [tilespmem:s13+$0x0]  }
0x3ef: {  	v4 =	vld [tilespmem:s12+$0x0];
	[tilespmem:s6+$0x0] =	vst v7;
	v6 =	vadd.f32 v6, v8;
	s6 =	smov.u32 s14  }
0x3f0: {  	v7 =	vld [tilespmem:s11+$0x0]  }
0x3f1: {  	v8 =	vld [tilespmem:s9+$0x0]  }
0x3f2: {  	v9 =	vld [tilespmem:s10+$0x0]  }
0x3f3: {  	v10 =	vld [tilespmem:s3+$0x14000]  }
0x3f4: {  	v0 =	vadd.f32 v3, v0;
	s31 =	sadd.s32 $0x1, s31  }
0x3f5: {  	[tilespmem:s7+$0x0] =	vst v6;
	p0 =	sne.s32 s31, $0x10;
	v2 =	vadd.f32 v5, v2  }
.Ltmp39:
0x3f6: {  	s14 =	sor.u32 $0x10030, s3;
	[tilespmem:s0+$0x10000] =	vst v0;
	v61 =	vadd.f32 v7, v4;
	(pc) =	sbr.rel @p0 .LBB2_78-.Ltmp39, $4  }
0x3f7: {  	[tilespmem:s14+$0x0] =	vst v2;
	v62 =	vadd.f32 v9, v8  }
0x3f8: {  	v63 =	vadd.f32 v10, v1;
	[tilespmem:s6+$0x0] =	vst v61  }
0x3f9: {  	[tilespmem:s8+$0x0] =	vst v62  }
0x3fa: {  	[tilespmem:s3+$0x10000] =	vst v63  }
0x3fb: {  	s0 =	sld [smem:$0x7DE];
	_ =	sdelay $0x1  }
0x3fc: {  	s30 =	simm.s32 $0x0  }
0x3fd: {  	[hbm4b:s0+s30] =	stream.linear.scatter [tilespmem:s23], [sflag:$0x5], $0x4000, $0x38;
	[tilespmem:$0x1C000] =	vst v63  }
0x3fe: {  	_ =	swait.ge [sflag:s24], $0x4000  }
0x3ff: {  	[sflag:s24] =	ssyncset.done $0x0  }
0x400: {  	[sflag:s24] =	ssyncadd.s32 $0xFFFFC000  }
0x401: {  	_ =	swait.ge [sflag:s28], $0x4000  }
0x402: {  	s13 =	sld [smem:$0x7E9]  }
0x403: {  	[sflag:s28] =	ssyncset.done $0x0  }
0x404: {  	s14 =	sld [smem:$0x7E4];
	[sflag:s28] =	ssyncadd.s32 $0xFFFFC000  }
0x405: {  	[tilespmem:s15], [sflag:$0x6] =	stream.linear.gather [hbm4b:s13+s30], $0x4000, $0x38;
	[tilespmem:$0x1C000] =	vst v63  }
0x406: {  	_ = 	snop  }
0x407: {  	[tilespmem:s16], [sflag:$0x2] =	stream.linear.gather [hbm4b:s14+s30], $0x4000, $0x38;
	[tilespmem:$0x1C000] =	vst v63  }
0x408: {  	_ =	swait.ge [sflag:s25], $0x4000  }
0x409: {  	[sflag:s25] =	ssyncset.done $0x0  }
0x40a: {  	s31 =	simm.s32 $0x0;
	[sflag:s25] =	ssyncadd.s32 $0xFFFFC000  }
.LBB2_82:
0x40b: {  	s0 =	sshll.u32 s31, $0xA;
	s2 =	sshll.u32 s31, $0x7  }
0x40c: {  	s3 =	simm.s32 $0x0;
	s0 =	sand.u32 $0x2000, s0;
	s2 =	sand.u32 $0x380, s2  }
0x40d: {  	s9 =	sand.u32 $0x40, s3;
	s2 =	sor.u32 s0, s2  }
0x40e: {  	s10 =	sand.u32 $0x1C00, s30;
	s0 =	sor.u32 s9, s2  }
0x40f: {  	s0 =	sor.u32 s10, s0  }
0x410: {  	v0 =	vld [tilespmem:s0+$0x8000];
	s3 =	sor.u32 $0x8030, s0  }
0x411: {  	s11 =	sor.u32 $0x18030, s0;
	v1 =	vld [tilespmem:s3+$0x0]  }
0x412: {  	s4 =	sor.u32 $0x8010, s0;
	v2 =	vld [tilespmem:s11+$0x0]  }
0x413: {  	s12 =	sor.u32 $0x18010, s0;
	v4 =	vld [tilespmem:s4+$0x0]  }
0x414: {  	s5 =	sor.u32 $0x8020, s0;
	s4 =	simm.s32 $0x40;
	v5 =	vld [tilespmem:s12+$0x0]  }
0x415: {  	s13 =	sor.u32 $0x18020, s0;
	v6 =	vld [tilespmem:s5+$0x0];
	s5 =	simm.s32 $0x200;
	s6 =	sand.u32 $0x40, s4  }
0x416: {  	v7 =	vld [tilespmem:s13+$0x0];
	s7 =	sand.u32 $0x1C00, s5;
	s6 =	sor.u32 s6, s2  }
0x417: {  	v3 =	vld [tilespmem:s0+$0x18000];
	s3 =	sor.u32 s7, s6  }
0x418: {  	s8 =	sor.u32 $0xC030, s0;
	s6 =	sor.u32 $0x8030, s3;
	v8 =	vadd.f32 v2, v1;
	v1 =	vld [tilespmem:s3+$0x8000]  }
0x419: {  	s12 =	sor.u32 $0xC010, s0;
	s7 =	sor.u32 $0xC020, s0;
	s14 =	sor.u32 $0x18030, s3;
	v2 =	vld [tilespmem:s6+$0x0];
	v9 =	vadd.f32 v5, v4  }
0x41a: {  	s13 =	sor.u32 $0x8010, s3;
	s11 =	sor.u32 $0x18010, s3;
	s9 =	sor.u32 $0x8020, s3;
	v5 =	vld [tilespmem:s14+$0x0];
	[tilespmem:s8+$0x0] =	vst v8  }
0x41b: {  	s10 =	sor.u32 $0x18020, s3;
	s6 =	sor.u32 $0xC010, s3;
	v4 =	vld [tilespmem:s13+$0x0];
	v6 =	vadd.f32 v7, v6;
	s8 =	sor.u32 $0xC020, s3;
	[tilespmem:s12+$0x0] =	vst v9  }
.LBB2_83:
0x41c: {  	s4 =	sadd.s32 $0x40, s4;
	v7 =	vld [tilespmem:s11+$0x0];
	v3 =	vadd.f32 v3, v0  }
0x41d: {  	s5 =	sadd.s32 $0x200, s5;
	s11 =	sand.u32 $0x40, s4;
	p0 =	slt.u32 s4, $0x3C0;
	v8 =	vld [tilespmem:s9+$0x0];
	[tilespmem:s7+$0x0] =	vst v6;
	v0 =	vmov v1  }
0x41e: {  	s7 =	sand.u32 $0x1C00, s5;
	s9 =	sor.u32 s11, s2;
	v6 =	vld [tilespmem:s10+$0x0];
	[tilespmem:s0+$0xC000] =	vst v3;
	s0 =	smov.u32 s3  }
.Ltmp40:
0x41f: {  	s3 =	sor.u32 s7, s9;
	v3 =	vld [tilespmem:s0+$0x18000];
	v5 =	vadd.f32 v5, v2;
	s7 =	smov.u32 s8;
	(pc) =	sbr.rel @p0 .LBB2_83-.Ltmp40, $4  }
0x420: {  	s10 =	sor.u32 $0xC030, s0;
	v1 =	vld [tilespmem:s3+$0x8000];
	s12 =	sor.u32 $0x8010, s3;
	s8 =	sor.u32 $0x8030, s3  }
0x421: {  	s11 =	sor.u32 $0x18010, s3;
	s9 =	sor.u32 $0x8020, s3;
	s13 =	sor.u32 $0x18030, s3;
	v2 =	vld [tilespmem:s8+$0x0];
	v7 =	vadd.f32 v7, v4;
	[tilespmem:s10+$0x0] =	vst v5  }
0x422: {  	s14 =	sor.u32 $0xC010, s3;
	s10 =	sor.u32 $0x18020, s3;
	s8 =	sor.u32 $0xC020, s3;
	v5 =	vld [tilespmem:s13+$0x0]  }
0x423: {  	v4 =	vld [tilespmem:s12+$0x0];
	[tilespmem:s6+$0x0] =	vst v7;
	v6 =	vadd.f32 v6, v8;
	s6 =	smov.u32 s14  }
0x424: {  	v7 =	vld [tilespmem:s11+$0x0]  }
0x425: {  	v8 =	vld [tilespmem:s9+$0x0]  }
0x426: {  	v9 =	vld [tilespmem:s10+$0x0]  }
0x427: {  	v10 =	vld [tilespmem:s3+$0x18000]  }
0x428: {  	v0 =	vadd.f32 v3, v0;
	s31 =	sadd.s32 $0x1, s31  }
0x429: {  	[tilespmem:s7+$0x0] =	vst v6;
	p0 =	sne.s32 s31, $0x10;
	v2 =	vadd.f32 v5, v2  }
.Ltmp41:
0x42a: {  	s14 =	sor.u32 $0xC030, s3;
	[tilespmem:s0+$0xC000] =	vst v0;
	v61 =	vadd.f32 v7, v4;
	(pc) =	sbr.rel @p0 .LBB2_82-.Ltmp41, $4  }
0x42b: {  	[tilespmem:s14+$0x0] =	vst v2;
	v62 =	vadd.f32 v9, v8  }
0x42c: {  	v63 =	vadd.f32 v10, v1;
	[tilespmem:s6+$0x0] =	vst v61  }
0x42d: {  	[tilespmem:s8+$0x0] =	vst v62  }
0x42e: {  	[tilespmem:s3+$0xC000] =	vst v63  }
0x42f: {  	s0 =	sld [smem:$0x7E1];
	_ =	sdelay $0x1  }
0x430: {  	s30 =	simm.s32 $0x0  }
0x431: {  	[hbm4b:s0+s30] =	stream.linear.scatter [tilespmem:s21], [sflag:$0x4], $0x4000, $0x38;
	[tilespmem:$0x1C000] =	vst v63  }
0x432: {  	_ =	swait.ge [sflag:s17], $0x4000  }
0x433: {  	s14 =	sld [smem:$0x7E6]  }
0x434: {  	[sflag:s17] =	ssyncset.done $0x0  }
0x435: {  	[sflag:s17] =	ssyncadd.s32 $0xFFFFC000  }
0x436: {  	[tilespmem:s20], [sflag:$0x3] =	stream.linear.gather [hbm4b:s14+s30], $0x4000, $0x38;
	[tilespmem:$0x1C000] =	vst v63  }
0x437: {  	_ =	swait.ge [sflag:s26], $0x4000  }
0x438: {  	[sflag:s26] =	ssyncset.done $0x0  }
0x439: {  	s31 =	simm.s32 $0x0;
	[sflag:s26] =	ssyncadd.s32 $0xFFFFC000  }
.LBB2_86:
0x43a: {  	s0 =	sshll.u32 s31, $0xA;
	s2 =	sshll.u32 s31, $0x7  }
0x43b: {  	s3 =	simm.s32 $0x0;
	s0 =	sand.u32 $0x2000, s0;
	s2 =	sand.u32 $0x380, s2  }
0x43c: {  	s9 =	sand.u32 $0x40, s3;
	s2 =	sor.u32 s0, s2  }
0x43d: {  	s10 =	sand.u32 $0x1C00, s30;
	s0 =	sor.u32 s9, s2  }
0x43e: {  	s0 =	sor.u32 s10, s0  }
0x43f: {  	v0 =	vld [tilespmem:s0+$0x0];
	s3 =	sor.u32 $0x30, s0  }
0x440: {  	s11 =	sor.u32 $0x18030, s0;
	v1 =	vld [tilespmem:s3+$0x0]  }
0x441: {  	s4 =	sor.u32 $0x10, s0;
	v2 =	vld [tilespmem:s11+$0x0]  }
0x442: {  	s12 =	sor.u32 $0x18010, s0;
	v4 =	vld [tilespmem:s4+$0x0]  }
0x443: {  	s5 =	sor.u32 $0x20, s0;
	s4 =	simm.s32 $0x40;
	v5 =	vld [tilespmem:s12+$0x0]  }
0x444: {  	s13 =	sor.u32 $0x18020, s0;
	v6 =	vld [tilespmem:s5+$0x0];
	s5 =	simm.s32 $0x200;
	s6 =	sand.u32 $0x40, s4  }
0x445: {  	v7 =	vld [tilespmem:s13+$0x0];
	s7 =	sand.u32 $0x1C00, s5;
	s6 =	sor.u32 s6, s2  }
0x446: {  	v3 =	vld [tilespmem:s0+$0x18000];
	s3 =	sor.u32 s7, s6  }
0x447: {  	s8 =	sor.u32 $0x10030, s0;
	s6 =	sor.u32 $0x30, s3;
	v8 =	vadd.f32 v2, v1;
	v1 =	vld [tilespmem:s3+$0x0]  }
0x448: {  	s12 =	sor.u32 $0x10010, s0;
	s7 =	sor.u32 $0x10020, s0;
	s14 =	sor.u32 $0x18030, s3;
	v2 =	vld [tilespmem:s6+$0x0];
	v9 =	vadd.f32 v5, v4  }
0x449: {  	s13 =	sor.u32 $0x10, s3;
	s11 =	sor.u32 $0x18010, s3;
	s9 =	sor.u32 $0x20, s3;
	v5 =	vld [tilespmem:s14+$0x0];
	[tilespmem:s8+$0x0] =	vst v8  }
0x44a: {  	s10 =	sor.u32 $0x18020, s3;
	s6 =	sor.u32 $0x10010, s3;
	v4 =	vld [tilespmem:s13+$0x0];
	v6 =	vadd.f32 v7, v6;
	s8 =	sor.u32 $0x10020, s3;
	[tilespmem:s12+$0x0] =	vst v9  }
.LBB2_87:
0x44b: {  	s4 =	sadd.s32 $0x40, s4;
	v7 =	vld [tilespmem:s11+$0x0];
	v3 =	vadd.f32 v3, v0  }
0x44c: {  	s5 =	sadd.s32 $0x200, s5;
	s11 =	sand.u32 $0x40, s4;
	p0 =	slt.u32 s4, $0x3C0;
	v8 =	vld [tilespmem:s9+$0x0];
	[tilespmem:s7+$0x0] =	vst v6;
	v0 =	vmov v1  }
0x44d: {  	s7 =	sand.u32 $0x1C00, s5;
	s9 =	sor.u32 s11, s2;
	v6 =	vld [tilespmem:s10+$0x0];
	[tilespmem:s0+$0x10000] =	vst v3;
	s0 =	smov.u32 s3  }
.Ltmp42:
0x44e: {  	s3 =	sor.u32 s7, s9;
	v3 =	vld [tilespmem:s0+$0x18000];
	v5 =	vadd.f32 v5, v2;
	s7 =	smov.u32 s8;
	(pc) =	sbr.rel @p0 .LBB2_87-.Ltmp42, $4  }
0x44f: {  	s10 =	sor.u32 $0x10030, s0;
	v1 =	vld [tilespmem:s3+$0x0];
	s12 =	sor.u32 $0x10, s3;
	s8 =	sor.u32 $0x30, s3  }
0x450: {  	s11 =	sor.u32 $0x18010, s3;
	s9 =	sor.u32 $0x20, s3;
	s13 =	sor.u32 $0x18030, s3;
	v2 =	vld [tilespmem:s8+$0x0];
	v7 =	vadd.f32 v7, v4;
	[tilespmem:s10+$0x0] =	vst v5  }
0x451: {  	s14 =	sor.u32 $0x10010, s3;
	s10 =	sor.u32 $0x18020, s3;
	s8 =	sor.u32 $0x10020, s3;
	v5 =	vld [tilespmem:s13+$0x0]  }
0x452: {  	v4 =	vld [tilespmem:s12+$0x0];
	[tilespmem:s6+$0x0] =	vst v7;
	v6 =	vadd.f32 v6, v8;
	s6 =	smov.u32 s14  }
0x453: {  	v7 =	vld [tilespmem:s11+$0x0]  }
0x454: {  	v8 =	vld [tilespmem:s9+$0x0]  }
0x455: {  	v9 =	vld [tilespmem:s10+$0x0]  }
0x456: {  	v10 =	vld [tilespmem:s3+$0x18000]  }
0x457: {  	v0 =	vadd.f32 v3, v0;
	s31 =	sadd.s32 $0x1, s31  }
0x458: {  	[tilespmem:s7+$0x0] =	vst v6;
	p0 =	sne.s32 s31, $0x10;
	v2 =	vadd.f32 v5, v2  }
.Ltmp43:
0x459: {  	s14 =	sor.u32 $0x10030, s3;
	[tilespmem:s0+$0x10000] =	vst v0;
	v61 =	vadd.f32 v7, v4;
	(pc) =	sbr.rel @p0 .LBB2_86-.Ltmp43, $4  }
0x45a: {  	[tilespmem:s14+$0x0] =	vst v2;
	v62 =	vadd.f32 v9, v8  }
0x45b: {  	v63 =	vadd.f32 v10, v1;
	[tilespmem:s6+$0x0] =	vst v61  }
0x45c: {  	[tilespmem:s8+$0x0] =	vst v62  }
0x45d: {  	[tilespmem:s3+$0x10000] =	vst v63  }
0x45e: {  	s0 =	sld [smem:$0x7E3];
	_ =	sdelay $0x1  }
0x45f: {  	s30 =	simm.s32 $0x0  }
0x460: {  	[hbm4b:s0+s30] =	stream.linear.scatter [tilespmem:s23], [sflag:$0x5], $0x4000, $0x38;
	[tilespmem:$0x1C000] =	vst v63  }
0x461: {  	_ =	swait.ge [sflag:s22], $0x4000  }
0x462: {  	s14 =	sld [smem:$0x7EB]  }
0x463: {  	[sflag:s22] =	ssyncset.done $0x0  }
0x464: {  	[sflag:s22] =	ssyncadd.s32 $0xFFFFC000  }
0x465: {  	[tilespmem:s30], [sflag:$0x1] =	stream.linear.gather [hbm4b:s14+s30], $0x4000, $0x38;
	[tilespmem:$0x1C000] =	vst v63  }
0x466: {  	_ =	swait.ge [sflag:s25], $0x4000  }
0x467: {  	[sflag:s25] =	ssyncset.done $0x0  }
0x468: {  	s31 =	simm.s32 $0x0;
	[sflag:s25] =	ssyncadd.s32 $0xFFFFC000  }
.LBB2_90:
0x469: {  	s0 =	sshll.u32 s31, $0xA;
	s2 =	sshll.u32 s31, $0x7  }
0x46a: {  	s3 =	simm.s32 $0x0;
	s0 =	sand.u32 $0x2000, s0;
	s2 =	sand.u32 $0x380, s2  }
0x46b: {  	s9 =	sand.u32 $0x40, s3;
	s2 =	sor.u32 s0, s2  }
0x46c: {  	s10 =	sand.u32 $0x1C00, s30;
	s0 =	sor.u32 s9, s2  }
0x46d: {  	s0 =	sor.u32 s10, s0  }
0x46e: {  	v0 =	vld [tilespmem:s0+$0x4000];
	s3 =	sor.u32 $0x4030, s0  }
0x46f: {  	s11 =	sor.u32 $0x18030, s0;
	v1 =	vld [tilespmem:s3+$0x0]  }
0x470: {  	s4 =	sor.u32 $0x4010, s0;
	v2 =	vld [tilespmem:s11+$0x0]  }
0x471: {  	s12 =	sor.u32 $0x18010, s0;
	v4 =	vld [tilespmem:s4+$0x0]  }
0x472: {  	s5 =	sor.u32 $0x4020, s0;
	s4 =	simm.s32 $0x40;
	v5 =	vld [tilespmem:s12+$0x0]  }
0x473: {  	s13 =	sor.u32 $0x18020, s0;
	v6 =	vld [tilespmem:s5+$0x0];
	s5 =	simm.s32 $0x200;
	s6 =	sand.u32 $0x40, s4  }
0x474: {  	v7 =	vld [tilespmem:s13+$0x0];
	s7 =	sand.u32 $0x1C00, s5;
	s6 =	sor.u32 s6, s2  }
0x475: {  	v3 =	vld [tilespmem:s0+$0x18000];
	s3 =	sor.u32 s7, s6  }
0x476: {  	s8 =	sor.u32 $0xC030, s0;
	s6 =	sor.u32 $0x4030, s3;
	v8 =	vadd.f32 v2, v1;
	v1 =	vld [tilespmem:s3+$0x4000]  }
0x477: {  	s12 =	sor.u32 $0xC010, s0;
	s7 =	sor.u32 $0xC020, s0;
	s14 =	sor.u32 $0x18030, s3;
	v2 =	vld [tilespmem:s6+$0x0];
	v9 =	vadd.f32 v5, v4  }
0x478: {  	s13 =	sor.u32 $0x4010, s3;
	s11 =	sor.u32 $0x18010, s3;
	s9 =	sor.u32 $0x4020, s3;
	v5 =	vld [tilespmem:s14+$0x0];
	[tilespmem:s8+$0x0] =	vst v8  }
0x479: {  	s10 =	sor.u32 $0x18020, s3;
	s6 =	sor.u32 $0xC010, s3;
	v4 =	vld [tilespmem:s13+$0x0];
	v6 =	vadd.f32 v7, v6;
	s8 =	sor.u32 $0xC020, s3;
	[tilespmem:s12+$0x0] =	vst v9  }
.LBB2_91:
0x47a: {  	s4 =	sadd.s32 $0x40, s4;
	v7 =	vld [tilespmem:s11+$0x0];
	v3 =	vadd.f32 v3, v0  }
0x47b: {  	s5 =	sadd.s32 $0x200, s5;
	s11 =	sand.u32 $0x40, s4;
	p0 =	slt.u32 s4, $0x3C0;
	v8 =	vld [tilespmem:s9+$0x0];
	[tilespmem:s7+$0x0] =	vst v6;
	v0 =	vmov v1  }
0x47c: {  	s7 =	sand.u32 $0x1C00, s5;
	s9 =	sor.u32 s11, s2;
	v6 =	vld [tilespmem:s10+$0x0];
	[tilespmem:s0+$0xC000] =	vst v3;
	s0 =	smov.u32 s3  }
.Ltmp44:
0x47d: {  	s3 =	sor.u32 s7, s9;
	v3 =	vld [tilespmem:s0+$0x18000];
	v5 =	vadd.f32 v5, v2;
	s7 =	smov.u32 s8;
	(pc) =	sbr.rel @p0 .LBB2_91-.Ltmp44, $4  }
0x47e: {  	s10 =	sor.u32 $0xC030, s0;
	v1 =	vld [tilespmem:s3+$0x4000];
	s12 =	sor.u32 $0x4010, s3;
	s8 =	sor.u32 $0x4030, s3  }
0x47f: {  	s11 =	sor.u32 $0x18010, s3;
	s9 =	sor.u32 $0x4020, s3;
	s13 =	sor.u32 $0x18030, s3;
	v2 =	vld [tilespmem:s8+$0x0];
	v7 =	vadd.f32 v7, v4;
	[tilespmem:s10+$0x0] =	vst v5  }
0x480: {  	s14 =	sor.u32 $0xC010, s3;
	s10 =	sor.u32 $0x18020, s3;
	s8 =	sor.u32 $0xC020, s3;
	v5 =	vld [tilespmem:s13+$0x0]  }
0x481: {  	v4 =	vld [tilespmem:s12+$0x0];
	[tilespmem:s6+$0x0] =	vst v7;
	v6 =	vadd.f32 v6, v8;
	s6 =	smov.u32 s14  }
0x482: {  	v7 =	vld [tilespmem:s11+$0x0]  }
0x483: {  	v8 =	vld [tilespmem:s9+$0x0]  }
0x484: {  	v9 =	vld [tilespmem:s10+$0x0]  }
0x485: {  	v10 =	vld [tilespmem:s3+$0x18000]  }
0x486: {  	v0 =	vadd.f32 v3, v0;
	s31 =	sadd.s32 $0x1, s31  }
0x487: {  	[tilespmem:s7+$0x0] =	vst v6;
	p0 =	sne.s32 s31, $0x10;
	v2 =	vadd.f32 v5, v2  }
.Ltmp45:
0x488: {  	s14 =	sor.u32 $0xC030, s3;
	[tilespmem:s0+$0xC000] =	vst v0;
	v61 =	vadd.f32 v7, v4;
	(pc) =	sbr.rel @p0 .LBB2_90-.Ltmp45, $4  }
0x489: {  	[tilespmem:s14+$0x0] =	vst v2;
	v62 =	vadd.f32 v9, v8  }
0x48a: {  	v63 =	vadd.f32 v10, v1;
	[tilespmem:s6+$0x0] =	vst v61  }
0x48b: {  	[tilespmem:s8+$0x0] =	vst v62  }
0x48c: {  	[tilespmem:s3+$0xC000] =	vst v63  }
0x48d: {  	s0 =	sld [smem:$0x7E5];
	_ =	sdelay $0x1  }
0x48e: {  	s30 =	simm.s32 $0x0  }
0x48f: {  	[hbm4b:s0+s30] =	stream.linear.scatter [tilespmem:s21], [sflag:$0x4], $0x4000, $0x38;
	[tilespmem:$0x1C000] =	vst v63  }
0x490: {  	_ =	swait.ge [sflag:s24], $0x4000  }
0x491: {  	s14 =	sld [smem:$0x7ED]  }
0x492: {  	[sflag:s24] =	ssyncset.done $0x0  }
0x493: {  	[sflag:s24] =	ssyncadd.s32 $0xFFFFC000  }
0x494: {  	[tilespmem:s16], [sflag:$0x2] =	stream.linear.gather [hbm4b:s14+s30], $0x4000, $0x38;
	[tilespmem:$0x1C000] =	vst v63  }
0x495: {  	_ =	swait.ge [sflag:s26], $0x4000  }
0x496: {  	[sflag:s26] =	ssyncset.done $0x0  }
0x497: {  	s31 =	simm.s32 $0x0;
	[sflag:s26] =	ssyncadd.s32 $0xFFFFC000  }
.LBB2_94:
0x498: {  	s0 =	sshll.u32 s31, $0xA;
	s2 =	sshll.u32 s31, $0x7  }
0x499: {  	s3 =	simm.s32 $0x0;
	s0 =	sand.u32 $0x2000, s0;
	s2 =	sand.u32 $0x380, s2  }
0x49a: {  	s9 =	sand.u32 $0x40, s3;
	s2 =	sor.u32 s0, s2  }
0x49b: {  	s10 =	sand.u32 $0x1C00, s30;
	s0 =	sor.u32 s9, s2  }
0x49c: {  	s0 =	sor.u32 s10, s0  }
0x49d: {  	v0 =	vld [tilespmem:s0+$0x8000];
	s3 =	sor.u32 $0x8030, s0  }
0x49e: {  	s11 =	sor.u32 $0x18030, s0;
	v1 =	vld [tilespmem:s3+$0x0]  }
0x49f: {  	s4 =	sor.u32 $0x8010, s0;
	v2 =	vld [tilespmem:s11+$0x0]  }
0x4a0: {  	s12 =	sor.u32 $0x18010, s0;
	v4 =	vld [tilespmem:s4+$0x0]  }
0x4a1: {  	s5 =	sor.u32 $0x8020, s0;
	s4 =	simm.s32 $0x40;
	v5 =	vld [tilespmem:s12+$0x0]  }
0x4a2: {  	s13 =	sor.u32 $0x18020, s0;
	v6 =	vld [tilespmem:s5+$0x0];
	s5 =	simm.s32 $0x200;
	s6 =	sand.u32 $0x40, s4  }
0x4a3: {  	v7 =	vld [tilespmem:s13+$0x0];
	s7 =	sand.u32 $0x1C00, s5;
	s6 =	sor.u32 s6, s2  }
0x4a4: {  	v3 =	vld [tilespmem:s0+$0x18000];
	s3 =	sor.u32 s7, s6  }
0x4a5: {  	s8 =	sor.u32 $0x10030, s0;
	s6 =	sor.u32 $0x8030, s3;
	v8 =	vadd.f32 v2, v1;
	v1 =	vld [tilespmem:s3+$0x8000]  }
0x4a6: {  	s12 =	sor.u32 $0x10010, s0;
	s7 =	sor.u32 $0x10020, s0;
	s14 =	sor.u32 $0x18030, s3;
	v2 =	vld [tilespmem:s6+$0x0];
	v9 =	vadd.f32 v5, v4  }
0x4a7: {  	s13 =	sor.u32 $0x8010, s3;
	s11 =	sor.u32 $0x18010, s3;
	s9 =	sor.u32 $0x8020, s3;
	v5 =	vld [tilespmem:s14+$0x0];
	[tilespmem:s8+$0x0] =	vst v8  }
0x4a8: {  	s10 =	sor.u32 $0x18020, s3;
	s6 =	sor.u32 $0x10010, s3;
	v4 =	vld [tilespmem:s13+$0x0];
	v6 =	vadd.f32 v7, v6;
	s8 =	sor.u32 $0x10020, s3;
	[tilespmem:s12+$0x0] =	vst v9  }
.LBB2_95:
0x4a9: {  	s4 =	sadd.s32 $0x40, s4;
	v7 =	vld [tilespmem:s11+$0x0];
	v3 =	vadd.f32 v3, v0  }
0x4aa: {  	s5 =	sadd.s32 $0x200, s5;
	s11 =	sand.u32 $0x40, s4;
	p0 =	slt.u32 s4, $0x3C0;
	v8 =	vld [tilespmem:s9+$0x0];
	[tilespmem:s7+$0x0] =	vst v6;
	v0 =	vmov v1  }
0x4ab: {  	s7 =	sand.u32 $0x1C00, s5;
	s9 =	sor.u32 s11, s2;
	v6 =	vld [tilespmem:s10+$0x0];
	[tilespmem:s0+$0x10000] =	vst v3;
	s0 =	smov.u32 s3  }
.Ltmp46:
0x4ac: {  	s3 =	sor.u32 s7, s9;
	v3 =	vld [tilespmem:s0+$0x18000];
	v5 =	vadd.f32 v5, v2;
	s7 =	smov.u32 s8;
	(pc) =	sbr.rel @p0 .LBB2_95-.Ltmp46, $4  }
0x4ad: {  	s10 =	sor.u32 $0x10030, s0;
	v1 =	vld [tilespmem:s3+$0x8000];
	s12 =	sor.u32 $0x8010, s3;
	s8 =	sor.u32 $0x8030, s3  }
0x4ae: {  	s11 =	sor.u32 $0x18010, s3;
	s9 =	sor.u32 $0x8020, s3;
	s13 =	sor.u32 $0x18030, s3;
	v2 =	vld [tilespmem:s8+$0x0];
	v7 =	vadd.f32 v7, v4;
	[tilespmem:s10+$0x0] =	vst v5  }
0x4af: {  	s14 =	sor.u32 $0x10010, s3;
	s10 =	sor.u32 $0x18020, s3;
	s8 =	sor.u32 $0x10020, s3;
	v5 =	vld [tilespmem:s13+$0x0]  }
0x4b0: {  	v4 =	vld [tilespmem:s12+$0x0];
	[tilespmem:s6+$0x0] =	vst v7;
	v6 =	vadd.f32 v6, v8;
	s6 =	smov.u32 s14  }
0x4b1: {  	v7 =	vld [tilespmem:s11+$0x0]  }
0x4b2: {  	v8 =	vld [tilespmem:s9+$0x0]  }
0x4b3: {  	v9 =	vld [tilespmem:s10+$0x0]  }
0x4b4: {  	v10 =	vld [tilespmem:s3+$0x18000]  }
0x4b5: {  	v0 =	vadd.f32 v3, v0;
	s31 =	sadd.s32 $0x1, s31  }
0x4b6: {  	[tilespmem:s7+$0x0] =	vst v6;
	p0 =	sne.s32 s31, $0x10;
	v2 =	vadd.f32 v5, v2  }
.Ltmp47:
0x4b7: {  	s14 =	sor.u32 $0x10030, s3;
	[tilespmem:s0+$0x10000] =	vst v0;
	v61 =	vadd.f32 v7, v4;
	(pc) =	sbr.rel @p0 .LBB2_94-.Ltmp47, $4  }
0x4b8: {  	[tilespmem:s14+$0x0] =	vst v2;
	v62 =	vadd.f32 v9, v8  }
0x4b9: {  	v63 =	vadd.f32 v10, v1;
	[tilespmem:s6+$0x0] =	vst v61  }
0x4ba: {  	[tilespmem:s8+$0x0] =	vst v62  }
0x4bb: {  	[tilespmem:s3+$0x10000] =	vst v63  }
0x4bc: {  	s0 =	sld [smem:$0x7E7];
	_ =	sdelay $0x1  }
0x4bd: {  	s30 =	simm.s32 $0x0  }
0x4be: {  	[hbm4b:s0+s30] =	stream.linear.scatter [tilespmem:s23], [sflag:$0x5], $0x4000, $0x38;
	[tilespmem:$0x1C000] =	vst v63  }
0x4bf: {  	_ =	swait.ge [sflag:s17], $0x4000  }
0x4c0: {  	[sflag:s17] =	ssyncset.done $0x0  }
0x4c1: {  	[sflag:s17] =	ssyncadd.s32 $0xFFFFC000  }
0x4c2: {  	_ =	swait.ge [sflag:s18], $0x4000  }
0x4c3: {  	s13 =	sld [smem:$0x7EA]  }
0x4c4: {  	[sflag:s18] =	ssyncset.done $0x0  }
0x4c5: {  	s14 =	sld [smem:$0x7EF];
	[sflag:s18] =	ssyncadd.s32 $0xFFFFC000  }
0x4c6: {  	[tilespmem:s19], [sflag:$0x7] =	stream.linear.gather [hbm4b:s13+s30], $0x4000, $0x38;
	[tilespmem:$0x1C000] =	vst v63  }
0x4c7: {  	_ = 	snop  }
0x4c8: {  	[tilespmem:s20], [sflag:$0x3] =	stream.linear.gather [hbm4b:s14+s30], $0x4000, $0x38;
	[tilespmem:$0x1C000] =	vst v63  }
0x4c9: {  	_ =	swait.ge [sflag:s25], $0x4000  }
0x4ca: {  	[sflag:s25] =	ssyncset.done $0x0  }
0x4cb: {  	s31 =	simm.s32 $0x0;
	[sflag:s25] =	ssyncadd.s32 $0xFFFFC000  }
.LBB2_98:
0x4cc: {  	s0 =	sshll.u32 s31, $0xA;
	s2 =	sshll.u32 s31, $0x7  }
0x4cd: {  	s3 =	simm.s32 $0x0;
	s0 =	sand.u32 $0x2000, s0;
	s2 =	sand.u32 $0x380, s2  }
0x4ce: {  	s9 =	sand.u32 $0x40, s3;
	s2 =	sor.u32 s0, s2  }
0x4cf: {  	s10 =	sand.u32 $0x1C00, s30;
	s0 =	sor.u32 s9, s2  }
0x4d0: {  	s0 =	sor.u32 s10, s0  }
0x4d1: {  	v0 =	vld [tilespmem:s0+$0x0];
	s3 =	sor.u32 $0x30, s0  }
0x4d2: {  	s11 =	sor.u32 $0x14030, s0;
	v1 =	vld [tilespmem:s3+$0x0]  }
0x4d3: {  	s4 =	sor.u32 $0x10, s0;
	v2 =	vld [tilespmem:s11+$0x0]  }
0x4d4: {  	s12 =	sor.u32 $0x14010, s0;
	v4 =	vld [tilespmem:s4+$0x0]  }
0x4d5: {  	s5 =	sor.u32 $0x20, s0;
	s4 =	simm.s32 $0x40;
	v5 =	vld [tilespmem:s12+$0x0]  }
0x4d6: {  	s13 =	sor.u32 $0x14020, s0;
	v6 =	vld [tilespmem:s5+$0x0];
	s5 =	simm.s32 $0x200;
	s6 =	sand.u32 $0x40, s4  }
0x4d7: {  	v7 =	vld [tilespmem:s13+$0x0];
	s7 =	sand.u32 $0x1C00, s5;
	s6 =	sor.u32 s6, s2  }
0x4d8: {  	v3 =	vld [tilespmem:s0+$0x14000];
	s3 =	sor.u32 s7, s6  }
0x4d9: {  	s8 =	sor.u32 $0xC030, s0;
	s6 =	sor.u32 $0x30, s3;
	v8 =	vadd.f32 v2, v1;
	v1 =	vld [tilespmem:s3+$0x0]  }
0x4da: {  	s12 =	sor.u32 $0xC010, s0;
	s7 =	sor.u32 $0xC020, s0;
	s14 =	sor.u32 $0x14030, s3;
	v2 =	vld [tilespmem:s6+$0x0];
	v9 =	vadd.f32 v5, v4  }
0x4db: {  	s13 =	sor.u32 $0x10, s3;
	s11 =	sor.u32 $0x14010, s3;
	s9 =	sor.u32 $0x20, s3;
	v5 =	vld [tilespmem:s14+$0x0];
	[tilespmem:s8+$0x0] =	vst v8  }
0x4dc: {  	s10 =	sor.u32 $0x14020, s3;
	s6 =	sor.u32 $0xC010, s3;
	v4 =	vld [tilespmem:s13+$0x0];
	v6 =	vadd.f32 v7, v6;
	s8 =	sor.u32 $0xC020, s3;
	[tilespmem:s12+$0x0] =	vst v9  }
.LBB2_99:
0x4dd: {  	s4 =	sadd.s32 $0x40, s4;
	v7 =	vld [tilespmem:s11+$0x0];
	v3 =	vadd.f32 v3, v0  }
0x4de: {  	s5 =	sadd.s32 $0x200, s5;
	s11 =	sand.u32 $0x40, s4;
	p0 =	slt.u32 s4, $0x3C0;
	v8 =	vld [tilespmem:s9+$0x0];
	[tilespmem:s7+$0x0] =	vst v6;
	v0 =	vmov v1  }
0x4df: {  	s7 =	sand.u32 $0x1C00, s5;
	s9 =	sor.u32 s11, s2;
	v6 =	vld [tilespmem:s10+$0x0];
	[tilespmem:s0+$0xC000] =	vst v3;
	s0 =	smov.u32 s3  }
.Ltmp48:
0x4e0: {  	s3 =	sor.u32 s7, s9;
	v3 =	vld [tilespmem:s0+$0x14000];
	v5 =	vadd.f32 v5, v2;
	s7 =	smov.u32 s8;
	(pc) =	sbr.rel @p0 .LBB2_99-.Ltmp48, $4  }
0x4e1: {  	s10 =	sor.u32 $0xC030, s0;
	v1 =	vld [tilespmem:s3+$0x0];
	s12 =	sor.u32 $0x10, s3;
	s8 =	sor.u32 $0x30, s3  }
0x4e2: {  	s11 =	sor.u32 $0x14010, s3;
	s9 =	sor.u32 $0x20, s3;
	s13 =	sor.u32 $0x14030, s3;
	v2 =	vld [tilespmem:s8+$0x0];
	v7 =	vadd.f32 v7, v4;
	[tilespmem:s10+$0x0] =	vst v5  }
0x4e3: {  	s14 =	sor.u32 $0xC010, s3;
	s10 =	sor.u32 $0x14020, s3;
	s8 =	sor.u32 $0xC020, s3;
	v5 =	vld [tilespmem:s13+$0x0]  }
0x4e4: {  	v4 =	vld [tilespmem:s12+$0x0];
	[tilespmem:s6+$0x0] =	vst v7;
	v6 =	vadd.f32 v6, v8;
	s6 =	smov.u32 s14  }
0x4e5: {  	v7 =	vld [tilespmem:s11+$0x0]  }
0x4e6: {  	v8 =	vld [tilespmem:s9+$0x0]  }
0x4e7: {  	v9 =	vld [tilespmem:s10+$0x0]  }
0x4e8: {  	v10 =	vld [tilespmem:s3+$0x14000]  }
0x4e9: {  	v0 =	vadd.f32 v3, v0;
	s31 =	sadd.s32 $0x1, s31  }
0x4ea: {  	[tilespmem:s7+$0x0] =	vst v6;
	p0 =	sne.s32 s31, $0x10;
	v2 =	vadd.f32 v5, v2  }
.Ltmp49:
0x4eb: {  	s14 =	sor.u32 $0xC030, s3;
	[tilespmem:s0+$0xC000] =	vst v0;
	v61 =	vadd.f32 v7, v4;
	(pc) =	sbr.rel @p0 .LBB2_98-.Ltmp49, $4  }
0x4ec: {  	[tilespmem:s14+$0x0] =	vst v2;
	v62 =	vadd.f32 v9, v8  }
0x4ed: {  	v63 =	vadd.f32 v10, v1;
	[tilespmem:s6+$0x0] =	vst v61  }
0x4ee: {  	[tilespmem:s8+$0x0] =	vst v62  }
0x4ef: {  	[tilespmem:s3+$0xC000] =	vst v63  }
0x4f0: {  	s0 =	sld [smem:$0x7EC];
	_ =	sdelay $0x1  }
0x4f1: {  	s30 =	simm.s32 $0x0  }
0x4f2: {  	[hbm4b:s0+s30] =	stream.linear.scatter [tilespmem:s21], [sflag:$0x4], $0x4000, $0x38;
	[tilespmem:$0x1C000] =	vst v63  }
0x4f3: {  	_ =	swait.ge [sflag:s22], $0x4000  }
0x4f4: {  	s14 =	sld [smem:$0x7F1]  }
0x4f5: {  	[sflag:s22] =	ssyncset.done $0x0  }
0x4f6: {  	[sflag:s22] =	ssyncadd.s32 $0xFFFFC000  }
0x4f7: {  	[tilespmem:s30], [sflag:$0x1] =	stream.linear.gather [hbm4b:s14+s30], $0x4000, $0x38;
	[tilespmem:$0x1C000] =	vst v63  }
0x4f8: {  	_ =	swait.ge [sflag:s26], $0x4000  }
0x4f9: {  	[sflag:s26] =	ssyncset.done $0x0  }
0x4fa: {  	s31 =	simm.s32 $0x0;
	[sflag:s26] =	ssyncadd.s32 $0xFFFFC000  }
.LBB2_102:
0x4fb: {  	s0 =	sshll.u32 s31, $0xA;
	s2 =	sshll.u32 s31, $0x7  }
0x4fc: {  	s3 =	simm.s32 $0x0;
	s0 =	sand.u32 $0x2000, s0;
	s2 =	sand.u32 $0x380, s2  }
0x4fd: {  	s9 =	sand.u32 $0x40, s3;
	s2 =	sor.u32 s0, s2  }
0x4fe: {  	s10 =	sand.u32 $0x1C00, s30;
	s0 =	sor.u32 s9, s2  }
0x4ff: {  	s0 =	sor.u32 s10, s0  }
0x500: {  	v0 =	vld [tilespmem:s0+$0x4000];
	s3 =	sor.u32 $0x4030, s0  }
0x501: {  	s11 =	sor.u32 $0x14030, s0;
	v1 =	vld [tilespmem:s3+$0x0]  }
0x502: {  	s4 =	sor.u32 $0x4010, s0;
	v2 =	vld [tilespmem:s11+$0x0]  }
0x503: {  	s12 =	sor.u32 $0x14010, s0;
	v4 =	vld [tilespmem:s4+$0x0]  }
0x504: {  	s5 =	sor.u32 $0x4020, s0;
	s4 =	simm.s32 $0x40;
	v5 =	vld [tilespmem:s12+$0x0]  }
0x505: {  	s13 =	sor.u32 $0x14020, s0;
	v6 =	vld [tilespmem:s5+$0x0];
	s5 =	simm.s32 $0x200;
	s6 =	sand.u32 $0x40, s4  }
0x506: {  	v7 =	vld [tilespmem:s13+$0x0];
	s7 =	sand.u32 $0x1C00, s5;
	s6 =	sor.u32 s6, s2  }
0x507: {  	v3 =	vld [tilespmem:s0+$0x14000];
	s3 =	sor.u32 s7, s6  }
0x508: {  	s8 =	sor.u32 $0x10030, s0;
	s6 =	sor.u32 $0x4030, s3;
	v8 =	vadd.f32 v2, v1;
	v1 =	vld [tilespmem:s3+$0x4000]  }
0x509: {  	s12 =	sor.u32 $0x10010, s0;
	s7 =	sor.u32 $0x10020, s0;
	s14 =	sor.u32 $0x14030, s3;
	v2 =	vld [tilespmem:s6+$0x0];
	v9 =	vadd.f32 v5, v4  }
0x50a: {  	s13 =	sor.u32 $0x4010, s3;
	s11 =	sor.u32 $0x14010, s3;
	s9 =	sor.u32 $0x4020, s3;
	v5 =	vld [tilespmem:s14+$0x0];
	[tilespmem:s8+$0x0] =	vst v8  }
0x50b: {  	s10 =	sor.u32 $0x14020, s3;
	s6 =	sor.u32 $0x10010, s3;
	v4 =	vld [tilespmem:s13+$0x0];
	v6 =	vadd.f32 v7, v6;
	s8 =	sor.u32 $0x10020, s3;
	[tilespmem:s12+$0x0] =	vst v9  }
.LBB2_103:
0x50c: {  	s4 =	sadd.s32 $0x40, s4;
	v7 =	vld [tilespmem:s11+$0x0];
	v3 =	vadd.f32 v3, v0  }
0x50d: {  	s5 =	sadd.s32 $0x200, s5;
	s11 =	sand.u32 $0x40, s4;
	p0 =	slt.u32 s4, $0x3C0;
	v8 =	vld [tilespmem:s9+$0x0];
	[tilespmem:s7+$0x0] =	vst v6;
	v0 =	vmov v1  }
0x50e: {  	s7 =	sand.u32 $0x1C00, s5;
	s9 =	sor.u32 s11, s2;
	v6 =	vld [tilespmem:s10+$0x0];
	[tilespmem:s0+$0x10000] =	vst v3;
	s0 =	smov.u32 s3  }
.Ltmp50:
0x50f: {  	s3 =	sor.u32 s7, s9;
	v3 =	vld [tilespmem:s0+$0x14000];
	v5 =	vadd.f32 v5, v2;
	s7 =	smov.u32 s8;
	(pc) =	sbr.rel @p0 .LBB2_103-.Ltmp50, $4  }
0x510: {  	s10 =	sor.u32 $0x10030, s0;
	v1 =	vld [tilespmem:s3+$0x4000];
	s12 =	sor.u32 $0x4010, s3;
	s8 =	sor.u32 $0x4030, s3  }
0x511: {  	s11 =	sor.u32 $0x14010, s3;
	s9 =	sor.u32 $0x4020, s3;
	s13 =	sor.u32 $0x14030, s3;
	v2 =	vld [tilespmem:s8+$0x0];
	v7 =	vadd.f32 v7, v4;
	[tilespmem:s10+$0x0] =	vst v5  }
0x512: {  	s14 =	sor.u32 $0x10010, s3;
	s10 =	sor.u32 $0x14020, s3;
	s8 =	sor.u32 $0x10020, s3;
	v5 =	vld [tilespmem:s13+$0x0]  }
0x513: {  	v4 =	vld [tilespmem:s12+$0x0];
	[tilespmem:s6+$0x0] =	vst v7;
	v6 =	vadd.f32 v6, v8;
	s6 =	smov.u32 s14  }
0x514: {  	v7 =	vld [tilespmem:s11+$0x0]  }
0x515: {  	v8 =	vld [tilespmem:s9+$0x0]  }
0x516: {  	v9 =	vld [tilespmem:s10+$0x0]  }
0x517: {  	v10 =	vld [tilespmem:s3+$0x14000]  }
0x518: {  	v0 =	vadd.f32 v3, v0;
	s31 =	sadd.s32 $0x1, s31  }
0x519: {  	[tilespmem:s7+$0x0] =	vst v6;
	p0 =	sne.s32 s31, $0x10;
	v2 =	vadd.f32 v5, v2  }
.Ltmp51:
0x51a: {  	s14 =	sor.u32 $0x10030, s3;
	[tilespmem:s0+$0x10000] =	vst v0;
	v61 =	vadd.f32 v7, v4;
	(pc) =	sbr.rel @p0 .LBB2_102-.Ltmp51, $4  }
0x51b: {  	[tilespmem:s14+$0x0] =	vst v2;
	v62 =	vadd.f32 v9, v8  }
0x51c: {  	v63 =	vadd.f32 v10, v1;
	[tilespmem:s6+$0x0] =	vst v61  }
0x51d: {  	[tilespmem:s8+$0x0] =	vst v62  }
0x51e: {  	[tilespmem:s3+$0x10000] =	vst v63  }
0x51f: {  	s0 =	sld [smem:$0x7EE];
	_ =	sdelay $0x1  }
0x520: {  	s30 =	simm.s32 $0x0  }
0x521: {  	[hbm4b:s0+s30] =	stream.linear.scatter [tilespmem:s23], [sflag:$0x5], $0x4000, $0x38;
	[tilespmem:$0x1C000] =	vst v63  }
0x522: {  	_ =	swait.ge [sflag:s24], $0x4000  }
0x523: {  	s14 =	sld [smem:$0x7F3]  }
0x524: {  	[sflag:s24] =	ssyncset.done $0x0  }
0x525: {  	[sflag:s24] =	ssyncadd.s32 $0xFFFFC000  }
0x526: {  	[tilespmem:s16], [sflag:$0x2] =	stream.linear.gather [hbm4b:s14+s30], $0x4000, $0x38;
	[tilespmem:$0x1C000] =	vst v63  }
0x527: {  	_ =	swait.ge [sflag:s25], $0x4000  }
0x528: {  	[sflag:s25] =	ssyncset.done $0x0  }
0x529: {  	s31 =	simm.s32 $0x0;
	[sflag:s25] =	ssyncadd.s32 $0xFFFFC000  }
.LBB2_106:
0x52a: {  	s0 =	sshll.u32 s31, $0xA;
	s2 =	sshll.u32 s31, $0x7  }
0x52b: {  	s3 =	simm.s32 $0x0;
	s0 =	sand.u32 $0x2000, s0;
	s2 =	sand.u32 $0x380, s2  }
0x52c: {  	s9 =	sand.u32 $0x40, s3;
	s2 =	sor.u32 s0, s2  }
0x52d: {  	s10 =	sand.u32 $0x1C00, s30;
	s0 =	sor.u32 s9, s2  }
0x52e: {  	s0 =	sor.u32 s10, s0  }
0x52f: {  	v0 =	vld [tilespmem:s0+$0x8000];
	s3 =	sor.u32 $0x8030, s0  }
0x530: {  	s11 =	sor.u32 $0x14030, s0;
	v1 =	vld [tilespmem:s3+$0x0]  }
0x531: {  	s4 =	sor.u32 $0x8010, s0;
	v2 =	vld [tilespmem:s11+$0x0]  }
0x532: {  	s12 =	sor.u32 $0x14010, s0;
	v4 =	vld [tilespmem:s4+$0x0]  }
0x533: {  	s5 =	sor.u32 $0x8020, s0;
	s4 =	simm.s32 $0x40;
	v5 =	vld [tilespmem:s12+$0x0]  }
0x534: {  	s13 =	sor.u32 $0x14020, s0;
	v6 =	vld [tilespmem:s5+$0x0];
	s5 =	simm.s32 $0x200;
	s6 =	sand.u32 $0x40, s4  }
0x535: {  	v7 =	vld [tilespmem:s13+$0x0];
	s7 =	sand.u32 $0x1C00, s5;
	s6 =	sor.u32 s6, s2  }
0x536: {  	v3 =	vld [tilespmem:s0+$0x14000];
	s3 =	sor.u32 s7, s6  }
0x537: {  	s8 =	sor.u32 $0xC030, s0;
	s6 =	sor.u32 $0x8030, s3;
	v8 =	vadd.f32 v2, v1;
	v1 =	vld [tilespmem:s3+$0x8000]  }
0x538: {  	s12 =	sor.u32 $0xC010, s0;
	s7 =	sor.u32 $0xC020, s0;
	s14 =	sor.u32 $0x14030, s3;
	v2 =	vld [tilespmem:s6+$0x0];
	v9 =	vadd.f32 v5, v4  }
0x539: {  	s13 =	sor.u32 $0x8010, s3;
	s11 =	sor.u32 $0x14010, s3;
	s9 =	sor.u32 $0x8020, s3;
	v5 =	vld [tilespmem:s14+$0x0];
	[tilespmem:s8+$0x0] =	vst v8  }
0x53a: {  	s10 =	sor.u32 $0x14020, s3;
	s6 =	sor.u32 $0xC010, s3;
	v4 =	vld [tilespmem:s13+$0x0];
	v6 =	vadd.f32 v7, v6;
	s8 =	sor.u32 $0xC020, s3;
	[tilespmem:s12+$0x0] =	vst v9  }
.LBB2_107:
0x53b: {  	s4 =	sadd.s32 $0x40, s4;
	v7 =	vld [tilespmem:s11+$0x0];
	v3 =	vadd.f32 v3, v0  }
0x53c: {  	s5 =	sadd.s32 $0x200, s5;
	s11 =	sand.u32 $0x40, s4;
	p0 =	slt.u32 s4, $0x3C0;
	v8 =	vld [tilespmem:s9+$0x0];
	[tilespmem:s7+$0x0] =	vst v6;
	v0 =	vmov v1  }
0x53d: {  	s7 =	sand.u32 $0x1C00, s5;
	s9 =	sor.u32 s11, s2;
	v6 =	vld [tilespmem:s10+$0x0];
	[tilespmem:s0+$0xC000] =	vst v3;
	s0 =	smov.u32 s3  }
.Ltmp52:
0x53e: {  	s3 =	sor.u32 s7, s9;
	v3 =	vld [tilespmem:s0+$0x14000];
	v5 =	vadd.f32 v5, v2;
	s7 =	smov.u32 s8;
	(pc) =	sbr.rel @p0 .LBB2_107-.Ltmp52, $4  }
0x53f: {  	s10 =	sor.u32 $0xC030, s0;
	v1 =	vld [tilespmem:s3+$0x8000];
	s12 =	sor.u32 $0x8010, s3;
	s8 =	sor.u32 $0x8030, s3  }
0x540: {  	s11 =	sor.u32 $0x14010, s3;
	s9 =	sor.u32 $0x8020, s3;
	s13 =	sor.u32 $0x14030, s3;
	v2 =	vld [tilespmem:s8+$0x0];
	v7 =	vadd.f32 v7, v4;
	[tilespmem:s10+$0x0] =	vst v5  }
0x541: {  	s14 =	sor.u32 $0xC010, s3;
	s10 =	sor.u32 $0x14020, s3;
	s8 =	sor.u32 $0xC020, s3;
	v5 =	vld [tilespmem:s13+$0x0]  }
0x542: {  	v4 =	vld [tilespmem:s12+$0x0];
	[tilespmem:s6+$0x0] =	vst v7;
	v6 =	vadd.f32 v6, v8;
	s6 =	smov.u32 s14  }
0x543: {  	v7 =	vld [tilespmem:s11+$0x0]  }
0x544: {  	v8 =	vld [tilespmem:s9+$0x0]  }
0x545: {  	v9 =	vld [tilespmem:s10+$0x0]  }
0x546: {  	v10 =	vld [tilespmem:s3+$0x14000]  }
0x547: {  	v0 =	vadd.f32 v3, v0;
	s31 =	sadd.s32 $0x1, s31  }
0x548: {  	[tilespmem:s7+$0x0] =	vst v6;
	p0 =	sne.s32 s31, $0x10;
	v2 =	vadd.f32 v5, v2  }
.Ltmp53:
0x549: {  	s14 =	sor.u32 $0xC030, s3;
	[tilespmem:s0+$0xC000] =	vst v0;
	v61 =	vadd.f32 v7, v4;
	(pc) =	sbr.rel @p0 .LBB2_106-.Ltmp53, $4  }
0x54a: {  	[tilespmem:s14+$0x0] =	vst v2;
	v62 =	vadd.f32 v9, v8  }
0x54b: {  	v63 =	vadd.f32 v10, v1;
	[tilespmem:s6+$0x0] =	vst v61  }
0x54c: {  	[tilespmem:s8+$0x0] =	vst v62  }
0x54d: {  	[tilespmem:s3+$0xC000] =	vst v63  }
0x54e: {  	s0 =	sld [smem:$0x7F0];
	_ =	sdelay $0x1  }
0x54f: {  	s30 =	simm.s32 $0x0  }
0x550: {  	[hbm4b:s0+s30] =	stream.linear.scatter [tilespmem:s21], [sflag:$0x4], $0x4000, $0x38;
	[tilespmem:$0x1C000] =	vst v63  }
0x551: {  	_ =	swait.ge [sflag:s17], $0x4000  }
0x552: {  	s14 =	sld [smem:$0x7F7]  }
0x553: {  	[sflag:s17] =	ssyncset.done $0x0  }
0x554: {  	[sflag:s17] =	ssyncadd.s32 $0xFFFFC000  }
0x555: {  	[tilespmem:s20], [sflag:$0x3] =	stream.linear.gather [hbm4b:s14+s30], $0x4000, $0x38;
	[tilespmem:$0x1C000] =	vst v63  }
0x556: {  	_ =	swait.ge [sflag:s26], $0x4000  }
0x557: {  	[sflag:s26] =	ssyncset.done $0x0  }
0x558: {  	s31 =	simm.s32 $0x0;
	[sflag:s26] =	ssyncadd.s32 $0xFFFFC000  }
.LBB2_110:
0x559: {  	s0 =	sshll.u32 s31, $0xA;
	s2 =	sshll.u32 s31, $0x7  }
0x55a: {  	s3 =	simm.s32 $0x0;
	s0 =	sand.u32 $0x2000, s0;
	s2 =	sand.u32 $0x380, s2  }
0x55b: {  	s9 =	sand.u32 $0x40, s3;
	s2 =	sor.u32 s0, s2  }
0x55c: {  	s10 =	sand.u32 $0x1C00, s30;
	s0 =	sor.u32 s9, s2  }
0x55d: {  	s0 =	sor.u32 s10, s0  }
0x55e: {  	v0 =	vld [tilespmem:s0+$0x0];
	s3 =	sor.u32 $0x30, s0  }
0x55f: {  	s11 =	sor.u32 $0x14030, s0;
	v1 =	vld [tilespmem:s3+$0x0]  }
0x560: {  	s4 =	sor.u32 $0x10, s0;
	v2 =	vld [tilespmem:s11+$0x0]  }
0x561: {  	s12 =	sor.u32 $0x14010, s0;
	v4 =	vld [tilespmem:s4+$0x0]  }
0x562: {  	s5 =	sor.u32 $0x20, s0;
	s4 =	simm.s32 $0x40;
	v5 =	vld [tilespmem:s12+$0x0]  }
0x563: {  	s13 =	sor.u32 $0x14020, s0;
	v6 =	vld [tilespmem:s5+$0x0];
	s5 =	simm.s32 $0x200;
	s6 =	sand.u32 $0x40, s4  }
0x564: {  	v7 =	vld [tilespmem:s13+$0x0];
	s7 =	sand.u32 $0x1C00, s5;
	s6 =	sor.u32 s6, s2  }
0x565: {  	v3 =	vld [tilespmem:s0+$0x14000];
	s3 =	sor.u32 s7, s6  }
0x566: {  	s8 =	sor.u32 $0x10030, s0;
	s6 =	sor.u32 $0x30, s3;
	v8 =	vadd.f32 v2, v1;
	v1 =	vld [tilespmem:s3+$0x0]  }
0x567: {  	s12 =	sor.u32 $0x10010, s0;
	s7 =	sor.u32 $0x10020, s0;
	s14 =	sor.u32 $0x14030, s3;
	v2 =	vld [tilespmem:s6+$0x0];
	v9 =	vadd.f32 v5, v4  }
0x568: {  	s13 =	sor.u32 $0x10, s3;
	s11 =	sor.u32 $0x14010, s3;
	s9 =	sor.u32 $0x20, s3;
	v5 =	vld [tilespmem:s14+$0x0];
	[tilespmem:s8+$0x0] =	vst v8  }
0x569: {  	s10 =	sor.u32 $0x14020, s3;
	s6 =	sor.u32 $0x10010, s3;
	v4 =	vld [tilespmem:s13+$0x0];
	v6 =	vadd.f32 v7, v6;
	s8 =	sor.u32 $0x10020, s3;
	[tilespmem:s12+$0x0] =	vst v9  }
.LBB2_111:
0x56a: {  	s4 =	sadd.s32 $0x40, s4;
	v7 =	vld [tilespmem:s11+$0x0];
	v3 =	vadd.f32 v3, v0  }
0x56b: {  	s5 =	sadd.s32 $0x200, s5;
	s11 =	sand.u32 $0x40, s4;
	p0 =	slt.u32 s4, $0x3C0;
	v8 =	vld [tilespmem:s9+$0x0];
	[tilespmem:s7+$0x0] =	vst v6;
	v0 =	vmov v1  }
0x56c: {  	s7 =	sand.u32 $0x1C00, s5;
	s9 =	sor.u32 s11, s2;
	v6 =	vld [tilespmem:s10+$0x0];
	[tilespmem:s0+$0x10000] =	vst v3;
	s0 =	smov.u32 s3  }
.Ltmp54:
0x56d: {  	s3 =	sor.u32 s7, s9;
	v3 =	vld [tilespmem:s0+$0x14000];
	v5 =	vadd.f32 v5, v2;
	s7 =	smov.u32 s8;
	(pc) =	sbr.rel @p0 .LBB2_111-.Ltmp54, $4  }
0x56e: {  	s10 =	sor.u32 $0x10030, s0;
	v1 =	vld [tilespmem:s3+$0x0];
	s12 =	sor.u32 $0x10, s3;
	s8 =	sor.u32 $0x30, s3  }
0x56f: {  	s11 =	sor.u32 $0x14010, s3;
	s9 =	sor.u32 $0x20, s3;
	s13 =	sor.u32 $0x14030, s3;
	v2 =	vld [tilespmem:s8+$0x0];
	v7 =	vadd.f32 v7, v4;
	[tilespmem:s10+$0x0] =	vst v5  }
0x570: {  	s14 =	sor.u32 $0x10010, s3;
	s10 =	sor.u32 $0x14020, s3;
	s8 =	sor.u32 $0x10020, s3;
	v5 =	vld [tilespmem:s13+$0x0]  }
0x571: {  	v4 =	vld [tilespmem:s12+$0x0];
	[tilespmem:s6+$0x0] =	vst v7;
	v6 =	vadd.f32 v6, v8;
	s6 =	smov.u32 s14  }
0x572: {  	v7 =	vld [tilespmem:s11+$0x0]  }
0x573: {  	v8 =	vld [tilespmem:s9+$0x0]  }
0x574: {  	v9 =	vld [tilespmem:s10+$0x0]  }
0x575: {  	v10 =	vld [tilespmem:s3+$0x14000]  }
0x576: {  	v0 =	vadd.f32 v3, v0;
	s31 =	sadd.s32 $0x1, s31  }
0x577: {  	[tilespmem:s7+$0x0] =	vst v6;
	p0 =	sne.s32 s31, $0x10;
	v2 =	vadd.f32 v5, v2  }
.Ltmp55:
0x578: {  	s14 =	sor.u32 $0x10030, s3;
	[tilespmem:s0+$0x10000] =	vst v0;
	v61 =	vadd.f32 v7, v4;
	(pc) =	sbr.rel @p0 .LBB2_110-.Ltmp55, $4  }
0x579: {  	[tilespmem:s14+$0x0] =	vst v2;
	v62 =	vadd.f32 v9, v8  }
0x57a: {  	v63 =	vadd.f32 v10, v1;
	[tilespmem:s6+$0x0] =	vst v61  }
0x57b: {  	[tilespmem:s8+$0x0] =	vst v62  }
0x57c: {  	[tilespmem:s3+$0x10000] =	vst v63  }
0x57d: {  	s0 =	sld [smem:$0x7F2];
	_ =	sdelay $0x1  }
0x57e: {  	s30 =	simm.s32 $0x0  }
0x57f: {  	[hbm4b:s0+s30] =	stream.linear.scatter [tilespmem:s23], [sflag:$0x5], $0x4000, $0x38;
	[tilespmem:$0x1C000] =	vst v63  }
0x580: {  	_ =	swait.ge [sflag:s22], $0x4000  }
0x581: {  	[sflag:s22] =	ssyncset.done $0x0  }
0x582: {  	[sflag:s22] =	ssyncadd.s32 $0xFFFFC000  }
0x583: {  	_ =	swait.ge [sflag:s28], $0x4000  }
0x584: {  	s14 =	sld [smem:$0x7F8]  }
0x585: {  	[sflag:s28] =	ssyncset.done $0x0  }
0x586: {  	[sflag:s28] =	ssyncadd.s32 $0xFFFFC000  }
0x587: {  	[tilespmem:s30], [sflag:$0x1] =	stream.linear.gather [hbm4b:s14+s30], $0x4000, $0x38;
	[tilespmem:$0x1C000] =	vst v63  }
0x588: {  	_ =	swait.ge [sflag:s25], $0x4000  }
0x589: {  	[sflag:s25] =	ssyncset.done $0x0  }
0x58a: {  	s31 =	simm.s32 $0x0;
	[sflag:s25] =	ssyncadd.s32 $0xFFFFC000  }
.LBB2_114:
0x58b: {  	s0 =	sshll.u32 s31, $0xA;
	s2 =	sshll.u32 s31, $0x7  }
0x58c: {  	s3 =	simm.s32 $0x0;
	s0 =	sand.u32 $0x2000, s0;
	s2 =	sand.u32 $0x380, s2  }
0x58d: {  	s9 =	sand.u32 $0x40, s3;
	s2 =	sor.u32 s0, s2  }
0x58e: {  	s10 =	sand.u32 $0x1C00, s30;
	s0 =	sor.u32 s9, s2  }
0x58f: {  	s0 =	sor.u32 s10, s0  }
0x590: {  	v0 =	vld [tilespmem:s0+$0x4000];
	s3 =	sor.u32 $0x4030, s0  }
0x591: {  	s11 =	sor.u32 $0x18030, s0;
	v1 =	vld [tilespmem:s3+$0x0]  }
0x592: {  	s4 =	sor.u32 $0x4010, s0;
	v2 =	vld [tilespmem:s11+$0x0]  }
0x593: {  	s12 =	sor.u32 $0x18010, s0;
	v4 =	vld [tilespmem:s4+$0x0]  }
0x594: {  	s5 =	sor.u32 $0x4020, s0;
	s4 =	simm.s32 $0x40;
	v5 =	vld [tilespmem:s12+$0x0]  }
0x595: {  	s13 =	sor.u32 $0x18020, s0;
	v6 =	vld [tilespmem:s5+$0x0];
	s5 =	simm.s32 $0x200;
	s6 =	sand.u32 $0x40, s4  }
0x596: {  	v7 =	vld [tilespmem:s13+$0x0];
	s7 =	sand.u32 $0x1C00, s5;
	s6 =	sor.u32 s6, s2  }
0x597: {  	v3 =	vld [tilespmem:s0+$0x18000];
	s3 =	sor.u32 s7, s6  }
0x598: {  	s8 =	sor.u32 $0xC030, s0;
	s6 =	sor.u32 $0x4030, s3;
	v8 =	vadd.f32 v2, v1;
	v1 =	vld [tilespmem:s3+$0x4000]  }
0x599: {  	s12 =	sor.u32 $0xC010, s0;
	s7 =	sor.u32 $0xC020, s0;
	s14 =	sor.u32 $0x18030, s3;
	v2 =	vld [tilespmem:s6+$0x0];
	v9 =	vadd.f32 v5, v4  }
0x59a: {  	s13 =	sor.u32 $0x4010, s3;
	s11 =	sor.u32 $0x18010, s3;
	s9 =	sor.u32 $0x4020, s3;
	v5 =	vld [tilespmem:s14+$0x0];
	[tilespmem:s8+$0x0] =	vst v8  }
0x59b: {  	s10 =	sor.u32 $0x18020, s3;
	s6 =	sor.u32 $0xC010, s3;
	v4 =	vld [tilespmem:s13+$0x0];
	v6 =	vadd.f32 v7, v6;
	s8 =	sor.u32 $0xC020, s3;
	[tilespmem:s12+$0x0] =	vst v9  }
.LBB2_115:
0x59c: {  	s4 =	sadd.s32 $0x40, s4;
	v7 =	vld [tilespmem:s11+$0x0];
	v3 =	vadd.f32 v3, v0  }
0x59d: {  	s5 =	sadd.s32 $0x200, s5;
	s11 =	sand.u32 $0x40, s4;
	p0 =	slt.u32 s4, $0x3C0;
	v8 =	vld [tilespmem:s9+$0x0];
	[tilespmem:s7+$0x0] =	vst v6;
	v0 =	vmov v1  }
0x59e: {  	s7 =	sand.u32 $0x1C00, s5;
	s9 =	sor.u32 s11, s2;
	v6 =	vld [tilespmem:s10+$0x0];
	[tilespmem:s0+$0xC000] =	vst v3;
	s0 =	smov.u32 s3  }
.Ltmp56:
0x59f: {  	s3 =	sor.u32 s7, s9;
	v3 =	vld [tilespmem:s0+$0x18000];
	v5 =	vadd.f32 v5, v2;
	s7 =	smov.u32 s8;
	(pc) =	sbr.rel @p0 .LBB2_115-.Ltmp56, $4  }
0x5a0: {  	s10 =	sor.u32 $0xC030, s0;
	v1 =	vld [tilespmem:s3+$0x4000];
	s12 =	sor.u32 $0x4010, s3;
	s8 =	sor.u32 $0x4030, s3  }
0x5a1: {  	s11 =	sor.u32 $0x18010, s3;
	s9 =	sor.u32 $0x4020, s3;
	s13 =	sor.u32 $0x18030, s3;
	v2 =	vld [tilespmem:s8+$0x0];
	v7 =	vadd.f32 v7, v4;
	[tilespmem:s10+$0x0] =	vst v5  }
0x5a2: {  	s14 =	sor.u32 $0xC010, s3;
	s10 =	sor.u32 $0x18020, s3;
	s8 =	sor.u32 $0xC020, s3;
	v5 =	vld [tilespmem:s13+$0x0]  }
0x5a3: {  	v4 =	vld [tilespmem:s12+$0x0];
	[tilespmem:s6+$0x0] =	vst v7;
	v6 =	vadd.f32 v6, v8;
	s6 =	smov.u32 s14  }
0x5a4: {  	v7 =	vld [tilespmem:s11+$0x0]  }
0x5a5: {  	v8 =	vld [tilespmem:s9+$0x0]  }
0x5a6: {  	v9 =	vld [tilespmem:s10+$0x0]  }
0x5a7: {  	v10 =	vld [tilespmem:s3+$0x18000]  }
0x5a8: {  	v0 =	vadd.f32 v3, v0;
	s31 =	sadd.s32 $0x1, s31  }
0x5a9: {  	[tilespmem:s7+$0x0] =	vst v6;
	p0 =	sne.s32 s31, $0x10;
	v2 =	vadd.f32 v5, v2  }
.Ltmp57:
0x5aa: {  	s14 =	sor.u32 $0xC030, s3;
	[tilespmem:s0+$0xC000] =	vst v0;
	v61 =	vadd.f32 v7, v4;
	(pc) =	sbr.rel @p0 .LBB2_114-.Ltmp57, $4  }
0x5ab: {  	[tilespmem:s14+$0x0] =	vst v2;
	v62 =	vadd.f32 v9, v8  }
0x5ac: {  	v63 =	vadd.f32 v10, v1;
	[tilespmem:s6+$0x0] =	vst v61  }
0x5ad: {  	[tilespmem:s8+$0x0] =	vst v62  }
0x5ae: {  	[tilespmem:s3+$0xC000] =	vst v63  }
0x5af: {  	s0 =	sld [smem:$0x7F4];
	_ =	sdelay $0x1  }
0x5b0: {  	s30 =	simm.s32 $0x0  }
0x5b1: {  	[hbm4b:s0+s30] =	stream.linear.scatter [tilespmem:s21], [sflag:$0x4], $0x4000, $0x38;
	[tilespmem:$0x1C000] =	vst v63  }
0x5b2: {  	_ =	swait.ge [sflag:s24], $0x4000  }
0x5b3: {  	s14 =	sld [smem:$0x7F9]  }
0x5b4: {  	[sflag:s24] =	ssyncset.done $0x0  }
0x5b5: {  	[sflag:s24] =	ssyncadd.s32 $0xFFFFC000  }
0x5b6: {  	[tilespmem:s16], [sflag:$0x2] =	stream.linear.gather [hbm4b:s14+s30], $0x4000, $0x38;
	[tilespmem:$0x1C000] =	vst v63  }
0x5b7: {  	_ =	swait.ge [sflag:s26], $0x4000  }
0x5b8: {  	[sflag:s26] =	ssyncset.done $0x0  }
0x5b9: {  	s31 =	simm.s32 $0x0;
	[sflag:s26] =	ssyncadd.s32 $0xFFFFC000  }
.LBB2_118:
0x5ba: {  	s0 =	sshll.u32 s31, $0xA;
	s2 =	sshll.u32 s31, $0x7  }
0x5bb: {  	s3 =	simm.s32 $0x0;
	s0 =	sand.u32 $0x2000, s0;
	s2 =	sand.u32 $0x380, s2  }
0x5bc: {  	s9 =	sand.u32 $0x40, s3;
	s2 =	sor.u32 s0, s2  }
0x5bd: {  	s10 =	sand.u32 $0x1C00, s30;
	s0 =	sor.u32 s9, s2  }
0x5be: {  	s0 =	sor.u32 s10, s0  }
0x5bf: {  	v0 =	vld [tilespmem:s0+$0x8000];
	s3 =	sor.u32 $0x8030, s0  }
0x5c0: {  	s11 =	sor.u32 $0x18030, s0;
	v1 =	vld [tilespmem:s3+$0x0]  }
0x5c1: {  	s4 =	sor.u32 $0x8010, s0;
	v2 =	vld [tilespmem:s11+$0x0]  }
0x5c2: {  	s12 =	sor.u32 $0x18010, s0;
	v4 =	vld [tilespmem:s4+$0x0]  }
0x5c3: {  	s5 =	sor.u32 $0x8020, s0;
	s4 =	simm.s32 $0x40;
	v5 =	vld [tilespmem:s12+$0x0]  }
0x5c4: {  	s13 =	sor.u32 $0x18020, s0;
	v6 =	vld [tilespmem:s5+$0x0];
	s5 =	simm.s32 $0x200;
	s6 =	sand.u32 $0x40, s4  }
0x5c5: {  	v7 =	vld [tilespmem:s13+$0x0];
	s7 =	sand.u32 $0x1C00, s5;
	s6 =	sor.u32 s6, s2  }
0x5c6: {  	v3 =	vld [tilespmem:s0+$0x18000];
	s3 =	sor.u32 s7, s6  }
0x5c7: {  	s8 =	sor.u32 $0x10030, s0;
	s6 =	sor.u32 $0x8030, s3;
	v8 =	vadd.f32 v2, v1;
	v1 =	vld [tilespmem:s3+$0x8000]  }
0x5c8: {  	s12 =	sor.u32 $0x10010, s0;
	s7 =	sor.u32 $0x10020, s0;
	s14 =	sor.u32 $0x18030, s3;
	v2 =	vld [tilespmem:s6+$0x0];
	v9 =	vadd.f32 v5, v4  }
0x5c9: {  	s13 =	sor.u32 $0x8010, s3;
	s11 =	sor.u32 $0x18010, s3;
	s9 =	sor.u32 $0x8020, s3;
	v5 =	vld [tilespmem:s14+$0x0];
	[tilespmem:s8+$0x0] =	vst v8  }
0x5ca: {  	s10 =	sor.u32 $0x18020, s3;
	s6 =	sor.u32 $0x10010, s3;
	v4 =	vld [tilespmem:s13+$0x0];
	v6 =	vadd.f32 v7, v6;
	s8 =	sor.u32 $0x10020, s3;
	[tilespmem:s12+$0x0] =	vst v9  }
.LBB2_119:
0x5cb: {  	s4 =	sadd.s32 $0x40, s4;
	v7 =	vld [tilespmem:s11+$0x0];
	v3 =	vadd.f32 v3, v0  }
0x5cc: {  	s5 =	sadd.s32 $0x200, s5;
	s11 =	sand.u32 $0x40, s4;
	p0 =	slt.u32 s4, $0x3C0;
	v8 =	vld [tilespmem:s9+$0x0];
	[tilespmem:s7+$0x0] =	vst v6;
	v0 =	vmov v1  }
0x5cd: {  	s7 =	sand.u32 $0x1C00, s5;
	s9 =	sor.u32 s11, s2;
	v6 =	vld [tilespmem:s10+$0x0];
	[tilespmem:s0+$0x10000] =	vst v3;
	s0 =	smov.u32 s3  }
.Ltmp58:
0x5ce: {  	s3 =	sor.u32 s7, s9;
	v3 =	vld [tilespmem:s0+$0x18000];
	v5 =	vadd.f32 v5, v2;
	s7 =	smov.u32 s8;
	(pc) =	sbr.rel @p0 .LBB2_119-.Ltmp58, $4  }
0x5cf: {  	s10 =	sor.u32 $0x10030, s0;
	v1 =	vld [tilespmem:s3+$0x8000];
	s12 =	sor.u32 $0x8010, s3;
	s8 =	sor.u32 $0x8030, s3  }
0x5d0: {  	s11 =	sor.u32 $0x18010, s3;
	s9 =	sor.u32 $0x8020, s3;
	s13 =	sor.u32 $0x18030, s3;
	v2 =	vld [tilespmem:s8+$0x0];
	v7 =	vadd.f32 v7, v4;
	[tilespmem:s10+$0x0] =	vst v5  }
0x5d1: {  	s14 =	sor.u32 $0x10010, s3;
	s10 =	sor.u32 $0x18020, s3;
	s8 =	sor.u32 $0x10020, s3;
	v5 =	vld [tilespmem:s13+$0x0]  }
0x5d2: {  	v4 =	vld [tilespmem:s12+$0x0];
	[tilespmem:s6+$0x0] =	vst v7;
	v6 =	vadd.f32 v6, v8;
	s6 =	smov.u32 s14  }
0x5d3: {  	v7 =	vld [tilespmem:s11+$0x0]  }
0x5d4: {  	v8 =	vld [tilespmem:s9+$0x0]  }
0x5d5: {  	v9 =	vld [tilespmem:s10+$0x0]  }
0x5d6: {  	v10 =	vld [tilespmem:s3+$0x18000]  }
0x5d7: {  	v0 =	vadd.f32 v3, v0;
	s31 =	sadd.s32 $0x1, s31  }
0x5d8: {  	[tilespmem:s7+$0x0] =	vst v6;
	p0 =	sne.s32 s31, $0x10;
	v2 =	vadd.f32 v5, v2  }
.Ltmp59:
0x5d9: {  	s14 =	sor.u32 $0x10030, s3;
	[tilespmem:s0+$0x10000] =	vst v0;
	v61 =	vadd.f32 v7, v4;
	(pc) =	sbr.rel @p0 .LBB2_118-.Ltmp59, $4  }
0x5da: {  	[tilespmem:s14+$0x0] =	vst v2;
	v62 =	vadd.f32 v9, v8  }
0x5db: {  	v63 =	vadd.f32 v10, v1;
	[tilespmem:s6+$0x0] =	vst v61  }
0x5dc: {  	[tilespmem:s8+$0x0] =	vst v62  }
0x5dd: {  	[tilespmem:s3+$0x10000] =	vst v63  }
0x5de: {  	s0 =	sld [smem:$0x7FA];
	_ =	sdelay $0x1  }
0x5df: {  	s30 =	simm.s32 $0x0  }
0x5e0: {  	[hbm4b:s0+s30] =	stream.linear.scatter [tilespmem:s23], [sflag:$0x5], $0x4000, $0x38;
	[tilespmem:$0x1C000] =	vst v63  }
0x5e1: {  	_ =	swait.ge [sflag:s17], $0x4000  }
0x5e2: {  	[sflag:s17] =	ssyncset.done $0x0  }
0x5e3: {  	[sflag:s17] =	ssyncadd.s32 $0xFFFFC000  }
0x5e4: {  	_ =	swait.ge [sflag:s25], $0x4000  }
0x5e5: {  	[sflag:s25] =	ssyncset.done $0x0  }
0x5e6: {  	s31 =	simm.s32 $0x0;
	[sflag:s25] =	ssyncadd.s32 $0xFFFFC000  }
.LBB2_122:
0x5e7: {  	s0 =	sshll.u32 s31, $0xA;
	s2 =	sshll.u32 s31, $0x7  }
0x5e8: {  	s3 =	simm.s32 $0x0;
	s0 =	sand.u32 $0x2000, s0;
	s2 =	sand.u32 $0x380, s2  }
0x5e9: {  	s9 =	sand.u32 $0x40, s3;
	s2 =	sor.u32 s0, s2  }
0x5ea: {  	s10 =	sand.u32 $0x1C00, s30;
	s0 =	sor.u32 s9, s2  }
0x5eb: {  	s0 =	sor.u32 s10, s0  }
0x5ec: {  	v0 =	vld [tilespmem:s0+$0x0];
	s3 =	sor.u32 $0x30, s0  }
0x5ed: {  	s11 =	sor.u32 $0x18030, s0;
	v1 =	vld [tilespmem:s3+$0x0]  }
0x5ee: {  	s4 =	sor.u32 $0x10, s0;
	v2 =	vld [tilespmem:s11+$0x0]  }
0x5ef: {  	s12 =	sor.u32 $0x18010, s0;
	v4 =	vld [tilespmem:s4+$0x0]  }
0x5f0: {  	s5 =	sor.u32 $0x20, s0;
	s4 =	simm.s32 $0x40;
	v5 =	vld [tilespmem:s12+$0x0]  }
0x5f1: {  	s13 =	sor.u32 $0x18020, s0;
	v6 =	vld [tilespmem:s5+$0x0];
	s5 =	simm.s32 $0x200;
	s6 =	sand.u32 $0x40, s4  }
0x5f2: {  	v7 =	vld [tilespmem:s13+$0x0];
	s7 =	sand.u32 $0x1C00, s5;
	s6 =	sor.u32 s6, s2  }
0x5f3: {  	v3 =	vld [tilespmem:s0+$0x18000];
	s3 =	sor.u32 s7, s6  }
0x5f4: {  	s8 =	sor.u32 $0xC030, s0;
	s6 =	sor.u32 $0x30, s3;
	v8 =	vadd.f32 v2, v1;
	v1 =	vld [tilespmem:s3+$0x0]  }
0x5f5: {  	s12 =	sor.u32 $0xC010, s0;
	s7 =	sor.u32 $0xC020, s0;
	s14 =	sor.u32 $0x18030, s3;
	v2 =	vld [tilespmem:s6+$0x0];
	v9 =	vadd.f32 v5, v4  }
0x5f6: {  	s13 =	sor.u32 $0x10, s3;
	s11 =	sor.u32 $0x18010, s3;
	s9 =	sor.u32 $0x20, s3;
	v5 =	vld [tilespmem:s14+$0x0];
	[tilespmem:s8+$0x0] =	vst v8  }
0x5f7: {  	s10 =	sor.u32 $0x18020, s3;
	s6 =	sor.u32 $0xC010, s3;
	v4 =	vld [tilespmem:s13+$0x0];
	v6 =	vadd.f32 v7, v6;
	s8 =	sor.u32 $0xC020, s3;
	[tilespmem:s12+$0x0] =	vst v9  }
.LBB2_123:
0x5f8: {  	s4 =	sadd.s32 $0x40, s4;
	v7 =	vld [tilespmem:s11+$0x0];
	v3 =	vadd.f32 v3, v0  }
0x5f9: {  	s5 =	sadd.s32 $0x200, s5;
	s11 =	sand.u32 $0x40, s4;
	p0 =	slt.u32 s4, $0x3C0;
	v8 =	vld [tilespmem:s9+$0x0];
	[tilespmem:s7+$0x0] =	vst v6;
	v0 =	vmov v1  }
0x5fa: {  	s7 =	sand.u32 $0x1C00, s5;
	s9 =	sor.u32 s11, s2;
	v6 =	vld [tilespmem:s10+$0x0];
	[tilespmem:s0+$0xC000] =	vst v3;
	s0 =	smov.u32 s3  }
.Ltmp60:
0x5fb: {  	s3 =	sor.u32 s7, s9;
	v3 =	vld [tilespmem:s0+$0x18000];
	v5 =	vadd.f32 v5, v2;
	s7 =	smov.u32 s8;
	(pc) =	sbr.rel @p0 .LBB2_123-.Ltmp60, $4  }
0x5fc: {  	s10 =	sor.u32 $0xC030, s0;
	v1 =	vld [tilespmem:s3+$0x0];
	s12 =	sor.u32 $0x10, s3;
	s8 =	sor.u32 $0x30, s3  }
0x5fd: {  	s11 =	sor.u32 $0x18010, s3;
	s9 =	sor.u32 $0x20, s3;
	s13 =	sor.u32 $0x18030, s3;
	v2 =	vld [tilespmem:s8+$0x0];
	v7 =	vadd.f32 v7, v4;
	[tilespmem:s10+$0x0] =	vst v5  }
0x5fe: {  	s14 =	sor.u32 $0xC010, s3;
	s10 =	sor.u32 $0x18020, s3;
	s8 =	sor.u32 $0xC020, s3;
	v5 =	vld [tilespmem:s13+$0x0]  }
0x5ff: {  	v4 =	vld [tilespmem:s12+$0x0];
	[tilespmem:s6+$0x0] =	vst v7;
	v6 =	vadd.f32 v6, v8;
	s6 =	smov.u32 s14  }
0x600: {  	v7 =	vld [tilespmem:s11+$0x0]  }
0x601: {  	v8 =	vld [tilespmem:s9+$0x0]  }
0x602: {  	v9 =	vld [tilespmem:s10+$0x0]  }
0x603: {  	v10 =	vld [tilespmem:s3+$0x18000]  }
0x604: {  	v0 =	vadd.f32 v3, v0;
	s31 =	sadd.s32 $0x1, s31  }
0x605: {  	[tilespmem:s7+$0x0] =	vst v6;
	p0 =	sne.s32 s31, $0x10;
	v2 =	vadd.f32 v5, v2  }
.Ltmp61:
0x606: {  	s14 =	sor.u32 $0xC030, s3;
	[tilespmem:s0+$0xC000] =	vst v0;
	v61 =	vadd.f32 v7, v4;
	(pc) =	sbr.rel @p0 .LBB2_122-.Ltmp61, $4  }
0x607: {  	[tilespmem:s14+$0x0] =	vst v2;
	v62 =	vadd.f32 v9, v8  }
0x608: {  	v63 =	vadd.f32 v10, v1;
	[tilespmem:s6+$0x0] =	vst v61  }
0x609: {  	[tilespmem:s8+$0x0] =	vst v62  }
0x60a: {  	[tilespmem:s3+$0xC000] =	vst v63  }
0x60b: {  	s0 =	sld [smem:$0x7FB];
	_ =	sdelay $0x1  }
0x60c: {  	s30 =	simm.s32 $0x0  }
0x60d: {  	[hbm4b:s0+s30] =	stream.linear.scatter [tilespmem:s21], [sflag:$0x4], $0x4000, $0x38;
	[tilespmem:$0x1C000] =	vst v63  }
0x60e: {  	_ =	swait.ge [sflag:s22], $0x4000  }
0x60f: {  	[sflag:s22] =	ssyncset.done $0x0  }
0x610: {  	[sflag:s22] =	ssyncadd.s32 $0xFFFFC000  }
0x611: {  	_ =	swait.ge [sflag:s26], $0x4000  }
0x612: {  	[sflag:s26] =	ssyncset.done $0x0  }
0x613: {  	s31 =	simm.s32 $0x0;
	[sflag:s26] =	ssyncadd.s32 $0xFFFFC000  }
.LBB2_126:
0x614: {  	s0 =	sshll.u32 s31, $0xA;
	s2 =	sshll.u32 s31, $0x7  }
0x615: {  	s3 =	simm.s32 $0x0;
	s0 =	sand.u32 $0x2000, s0;
	s2 =	sand.u32 $0x380, s2  }
0x616: {  	s9 =	sand.u32 $0x40, s3;
	s2 =	sor.u32 s0, s2  }
0x617: {  	s10 =	sand.u32 $0x1C00, s30;
	s0 =	sor.u32 s9, s2  }
0x618: {  	s0 =	sor.u32 s10, s0  }
0x619: {  	v0 =	vld [tilespmem:s0+$0x4000];
	s3 =	sor.u32 $0x4030, s0  }
0x61a: {  	s11 =	sor.u32 $0x18030, s0;
	v1 =	vld [tilespmem:s3+$0x0]  }
0x61b: {  	s4 =	sor.u32 $0x4010, s0;
	v2 =	vld [tilespmem:s11+$0x0]  }
0x61c: {  	s12 =	sor.u32 $0x18010, s0;
	v4 =	vld [tilespmem:s4+$0x0]  }
0x61d: {  	s5 =	sor.u32 $0x4020, s0;
	s4 =	simm.s32 $0x40;
	v5 =	vld [tilespmem:s12+$0x0]  }
0x61e: {  	s13 =	sor.u32 $0x18020, s0;
	v6 =	vld [tilespmem:s5+$0x0];
	s5 =	simm.s32 $0x200;
	s6 =	sand.u32 $0x40, s4  }
0x61f: {  	v7 =	vld [tilespmem:s13+$0x0];
	s7 =	sand.u32 $0x1C00, s5;
	s6 =	sor.u32 s6, s2  }
0x620: {  	v3 =	vld [tilespmem:s0+$0x18000];
	s3 =	sor.u32 s7, s6  }
0x621: {  	s8 =	sor.u32 $0x10030, s0;
	s6 =	sor.u32 $0x4030, s3;
	v8 =	vadd.f32 v2, v1;
	v1 =	vld [tilespmem:s3+$0x4000]  }
0x622: {  	s12 =	sor.u32 $0x10010, s0;
	s7 =	sor.u32 $0x10020, s0;
	s14 =	sor.u32 $0x18030, s3;
	v2 =	vld [tilespmem:s6+$0x0];
	v9 =	vadd.f32 v5, v4  }
0x623: {  	s13 =	sor.u32 $0x4010, s3;
	s11 =	sor.u32 $0x18010, s3;
	s9 =	sor.u32 $0x4020, s3;
	v5 =	vld [tilespmem:s14+$0x0];
	[tilespmem:s8+$0x0] =	vst v8  }
0x624: {  	s10 =	sor.u32 $0x18020, s3;
	s6 =	sor.u32 $0x10010, s3;
	v4 =	vld [tilespmem:s13+$0x0];
	v6 =	vadd.f32 v7, v6;
	s8 =	sor.u32 $0x10020, s3;
	[tilespmem:s12+$0x0] =	vst v9  }
.LBB2_127:
0x625: {  	s4 =	sadd.s32 $0x40, s4;
	v7 =	vld [tilespmem:s11+$0x0];
	v3 =	vadd.f32 v3, v0  }
0x626: {  	s5 =	sadd.s32 $0x200, s5;
	s11 =	sand.u32 $0x40, s4;
	p0 =	slt.u32 s4, $0x3C0;
	v8 =	vld [tilespmem:s9+$0x0];
	[tilespmem:s7+$0x0] =	vst v6;
	v0 =	vmov v1  }
0x627: {  	s7 =	sand.u32 $0x1C00, s5;
	s9 =	sor.u32 s11, s2;
	v6 =	vld [tilespmem:s10+$0x0];
	[tilespmem:s0+$0x10000] =	vst v3;
	s0 =	smov.u32 s3  }
.Ltmp62:
0x628: {  	s3 =	sor.u32 s7, s9;
	v3 =	vld [tilespmem:s0+$0x18000];
	v5 =	vadd.f32 v5, v2;
	s7 =	smov.u32 s8;
	(pc) =	sbr.rel @p0 .LBB2_127-.Ltmp62, $4  }
0x629: {  	s10 =	sor.u32 $0x10030, s0;
	v1 =	vld [tilespmem:s3+$0x4000];
	s12 =	sor.u32 $0x4010, s3;
	s8 =	sor.u32 $0x4030, s3  }
0x62a: {  	s11 =	sor.u32 $0x18010, s3;
	s9 =	sor.u32 $0x4020, s3;
	s13 =	sor.u32 $0x18030, s3;
	v2 =	vld [tilespmem:s8+$0x0];
	v7 =	vadd.f32 v7, v4;
	[tilespmem:s10+$0x0] =	vst v5  }
0x62b: {  	s14 =	sor.u32 $0x10010, s3;
	s10 =	sor.u32 $0x18020, s3;
	s8 =	sor.u32 $0x10020, s3;
	v5 =	vld [tilespmem:s13+$0x0]  }
0x62c: {  	v4 =	vld [tilespmem:s12+$0x0];
	[tilespmem:s6+$0x0] =	vst v7;
	v6 =	vadd.f32 v6, v8;
	s6 =	smov.u32 s14  }
0x62d: {  	v7 =	vld [tilespmem:s11+$0x0]  }
0x62e: {  	v8 =	vld [tilespmem:s9+$0x0]  }
0x62f: {  	v9 =	vld [tilespmem:s10+$0x0]  }
0x630: {  	v10 =	vld [tilespmem:s3+$0x18000]  }
0x631: {  	v0 =	vadd.f32 v3, v0;
	s31 =	sadd.s32 $0x1, s31  }
0x632: {  	[tilespmem:s7+$0x0] =	vst v6;
	p0 =	sne.s32 s31, $0x10;
	v2 =	vadd.f32 v5, v2  }
.Ltmp63:
0x633: {  	s14 =	sor.u32 $0x10030, s3;
	[tilespmem:s0+$0x10000] =	vst v0;
	v61 =	vadd.f32 v7, v4;
	(pc) =	sbr.rel @p0 .LBB2_126-.Ltmp63, $4  }
0x634: {  	[tilespmem:s14+$0x0] =	vst v2;
	v62 =	vadd.f32 v9, v8  }
0x635: {  	v63 =	vadd.f32 v10, v1;
	[tilespmem:s6+$0x0] =	vst v61  }
0x636: {  	[tilespmem:s8+$0x0] =	vst v62  }
0x637: {  	[tilespmem:s3+$0x10000] =	vst v63  }
0x638: {  	s0 =	sld [smem:$0x7FC];
	_ =	sdelay $0x2  }
0x639: {  	[hbm4b:s0+s1] =	stream.linear.scatter [tilespmem:s23], [sflag:$0x5], $0x4000, $0x38;
	[tilespmem:$0x1C000] =	vst v63  }
0x63a: {  	_ =	swait.ge [sflag:s25], $0x4000  }
0x63b: {  	[sflag:s25] =	ssyncset.done $0x0  }
0x63c: {  	[sflag:s25] =	ssyncadd.s32 $0xFFFFC000  }
0x63d: {  	_ =	swait.ge [sflag:s26], $0x4000  }
0x63e: {  	s31 =	sld [smem:$0x7FD];
	_ =	sdelay $0x1  }
0x63f: {  	s29 =	sadd.s32 $0x1, s29  }
0x640: {  	p0 =	sne.s32 s29, s31  }
.Ltmp64:
0x641: {  	_ = 	snop;
	(pc) =	sbr.rel @p0 .LBB2_1-.Ltmp64, $3  }
0x642: {  	_ =	sdelay $0x1  }
0x643: {  	[sflag:s26] =	ssyncset.done $0x0  }
0x644: {  	[sflag:s26] =	ssyncadd.s32 $0xFFFFC000  }
0x645: {  	_ =	sfence.sel $0x180000  }
0x646: {  	[bflag:$0x0] =	sbarrier.arrive $0xFFFF  }
0x647: {  	_ =	strace $0x90000047  }
0x648: {  	s0 =	stileid.u32;
	[bflag:$0x2] =	sbarrier.arrive $0xFFFF  }
0x649: {  	p0 =	sne.s32 s0, $0x0;
	s0 =	rddreg [dreg:$0x3]  }
0x64a: {  	s0 =	sadd.s32 @!p0 $0x100000, s0  }
0x64b: {  	[sflag:s0] =	ssyncadd.tile.s32 @!p0 $0x1;
	_ =	shalt  }
.Lfunc_end2:
_tile_overlayer_lowered:
.L_overlay_start_2:
0x64c: {  	(tag) =	ssettag $0x2  }
0x64d: {  	s0 =	rddreg [dreg:$0x0];
	s2 =	stileid.u32  }
0x64e: {  	s1 =	rddreg [dreg:$0x1];
	p0 =	sne.s32 s2, $0x0  }
0x64f: {  	s3 =	rddreg [dreg:$0x2];
	[bflag:$0x3] =	sbarrier.arrive $0xFFFF;
	s2 =	simm.s32 @!p0 $0x1C08  }
0x650: {  	[timem:s3], [sflag:s2] =	dma.local @!p0 [hbm:s0], s1  }
0x651: {  	s0 =	simm.s32 @!p0 $0x8  }
0x652: {  	_ =	swait.ge @!p0 [sflag:s0], s1  }
0x653: {  	s1 =	ssub.s32 @!p0 $0x0, s1;
	[sflag:s0] =	ssyncset.done @!p0 $0x0  }
0x654: {  	[sflag:s0] =	ssyncadd.s32 @!p0 s1  }
0x655: {  	[bflag:$0x3] =	sbarrier.arrive $0xFFFF  }
0x656: {  	_ =	shalt  }

</sc_bundles>
